<compile_context>
chip_gen: v7x
topology: tpu7x:2x2x1
jax: 0.10.2.dev20260603
libtpu: 0.0.44.dev20260713+nightly
codegen_flags: <defaults>
</compile_context>

<pallas_src>
import functools

import jax
import jax.numpy as jnp
from jax import lax
from jax.experimental import pallas as pl
from jax.experimental.pallas import tpu as pltpu
from jax.experimental.pallas import tpu_sc as plsc

_B, _N, _K, _F, _D, _C, _NC = 32, 512, 32, 256, 256, 100, 10
_CP = 128
_G = 8
_RC = 64
_NCORES, _NSUB, _L = 2, 16, 16


def _sc_build_body(adj_hbm, w_hbm, a_hbm, adj_v0, adj_v1, w_v0, w_v1,
                   chunk0, chunk1, sem0, sem1, isem0, isem1):
    b = lax.axis_index("s") * _NCORES + lax.axis_index("c")
    zero16 = jnp.zeros((_L,), jnp.float32)
    chunks = (chunk0, chunk1)
    sems = (sem0, sem1)
    adjs = (adj_v0, adj_v1)
    wvs = (w_v0, w_v1)
    isems = (isem0, isem1)

    def start_in(c):
        cpa = pltpu.make_async_copy(
            adj_hbm.at[b, pl.ds(c * _RC, _RC)], adjs[c % 2], isems[c % 2])
        cpw = pltpu.make_async_copy(
            w_hbm.at[b, pl.ds(c * _RC, _RC)], wvs[c % 2], isems[c % 2])
        cpa.start()
        cpw.start()
        return (cpa, cpw)

    copies = []
    infl = start_in(0)
    for c in range(_N // _RC):
        chunk = chunks[c % 2]
        adj_v = adjs[c % 2]
        w_v = wvs[c % 2]
        if c >= 2:
            copies[c - 2].wait()

        def zrow(i, carry):
            for j in range(_N // _L):
                chunk[i, pl.ds(j * _L, _L)] = zero16
            return carry
        lax.fori_loop(0, _RC, zrow, 0)

        infl[0].wait()
        infl[1].wait()
        if c + 1 < _N // _RC:
            infl = start_in(c + 1)

        def srow(r, carry):
            rvec = jnp.full((_L,), r, jnp.int32)
            for hh in range(_K // _L):
                cols = adj_v[r, pl.ds(hh * _L, _L)]
                vals = w_v[r, pl.ds(hh * _L, _L)]
                plsc.addupdate_scatter(chunk, [rvec, cols], vals)
            return carry
        lax.fori_loop(0, _RC, srow, 0)

        cp = pltpu.make_async_copy(
            chunk, a_hbm.at[b, pl.ds(c * _RC, _RC)], sems[c % 2])
        cp.start()
        copies.append(cp)
    copies[-2].wait()
    copies[-1].wait()


def _sc_build(adj_flat, w_flat):
    built = functools.partial(
        pl.kernel,
        out_type=jax.ShapeDtypeStruct((_B, _N, _N), jnp.float32),
        mesh=plsc.VectorSubcoreMesh(core_axis_name="c", subcore_axis_name="s",
                                    num_cores=_NCORES, num_subcores=_NSUB),
        compiler_params=pltpu.CompilerParams(needs_layout_passes=False,
                                             use_tc_tiling_on_sc=True),
        scratch_types=[
            pltpu.VMEM((_RC, _K), jnp.int32),
            pltpu.VMEM((_RC, _K), jnp.int32),
            pltpu.VMEM((_RC, _K), jnp.float32),
            pltpu.VMEM((_RC, _K), jnp.float32),
            pltpu.VMEM((_RC, _N), jnp.float32),
            pltpu.VMEM((_RC, _N), jnp.float32),
            pltpu.SemaphoreType.DMA,
            pltpu.SemaphoreType.DMA,
            pltpu.SemaphoreType.DMA,
            pltpu.SemaphoreType.DMA,
        ],
    )(_sc_build_body)
    return built(adj_flat, w_flat)


def _embed_body(mask_ref, node_ref, we_ref, h0_ref):
    step = pl.program_id(0)
    iota_col = lax.broadcasted_iota(jnp.int32, (_N, 1), 0)
    nms = [(iota_col < mask_ref[step * _G + g, 0]).astype(jnp.float32)
           for g in range(_G)]
    nm_all = jnp.concatenate(nms, axis=0)
    node = node_ref[...].reshape(_G * _N, _F).astype(jnp.bfloat16)
    h = jnp.dot(node, we_ref[...], preferred_element_type=jnp.float32)
    h0_ref[...] = (h * nm_all).astype(jnp.bfloat16).reshape(_G, _N, _D)


def _tc_body(mask_ref, h0_ref, a_ref, ws1_ref, wm1_ref,
             ws2_ref, wm2_ref, cent_ref, wout_ref, bout_ref, out_ref):
    step = pl.program_id(0)
    cent = cent_ref[...]
    centf = cent.astype(jnp.float32)
    c2 = jnp.sum(centf * centf, axis=0, keepdims=True)
    iota_col = lax.broadcasted_iota(jnp.int32, (_N, 1), 0)

    nms = [(iota_col < mask_ref[step * _G + g, 0]).astype(jnp.float32)
           for g in range(_G)]
    nm_all = jnp.concatenate(nms, axis=0)

    h16 = h0_ref[...].reshape(_G * _N, _D)
    first = True
    for ws, wm in ((ws1_ref, wm1_ref), (ws2_ref, wm2_ref)):
        if not first:
            h16 = h.astype(jnp.bfloat16)
        first = False
        aggs = [jnp.dot(a_ref[g].astype(jnp.bfloat16),
                        h16[g * _N:(g + 1) * _N],
                        preferred_element_type=jnp.float32)
                for g in range(_G)]
        agg16 = jnp.concatenate(aggs, axis=0).astype(jnp.bfloat16)
        h = jnp.maximum(
            jnp.dot(h16, ws[...], preferred_element_type=jnp.float32)
            + jnp.dot(agg16, wm[...], preferred_element_type=jnp.float32),
            0.0) * nm_all

    x2 = jnp.sum(h * h, axis=1, keepdims=True)
    d2 = x2 + c2 - 2.0 * jnp.dot(h.astype(jnp.bfloat16), cent,
                                 preferred_element_type=jnp.float32)
    dist = jnp.sqrt(jnp.maximum(d2, 1e-6)) * nm_all
    for g in range(_G):
        m = mask_ref[step * _G + g, 0].astype(jnp.float32)
        gr = jnp.sum(dist[g * _N:(g + 1) * _N], axis=0, keepdims=True) / m
        out_ref[g] = jnp.dot(gr, wout_ref[...],
                             preferred_element_type=jnp.float32) + bout_ref[...]


def kernel(node, adj, weight, mask, W_embed, W_self1, W_msg1, W_self2,
           W_msg2, centroids, W_out, b_out):
    adj_flat = adj.astype(jnp.int32)
    w_flat = weight
    mask32 = mask.astype(jnp.int32)
    bf = jnp.bfloat16
    weT = W_embed.T.astype(bf)
    ws1T, wm1T = W_self1.T.astype(bf), W_msg1.T.astype(bf)
    ws2T, wm2T = W_self2.T.astype(bf), W_msg2.T.astype(bf)
    centP = jnp.zeros((_D, _CP), bf).at[:, :_C].set(centroids.T.astype(bf))
    woutP = jnp.zeros((_CP, _CP), jnp.float32).at[:_C, :_NC].set(W_out.T)
    boutP = jnp.zeros((1, _CP), jnp.float32).at[0, :_NC].set(b_out)

    a_dense = _sc_build(adj_flat, w_flat)

    rep = lambda b: (0, 0)
    h0 = pl.pallas_call(
        _embed_body,
        grid=(_B // _G,),
        in_specs=[
            pl.BlockSpec(memory_space=pltpu.SMEM),
            pl.BlockSpec((_G, _N, _F), lambda b: (b, 0, 0)),
            pl.BlockSpec((_F, _D), rep),
        ],
        out_specs=pl.BlockSpec((_G, _N, _D), lambda b: (b, 0, 0)),
        out_shape=jax.ShapeDtypeStruct((_B, _N, _D), jnp.bfloat16),
    )(mask32, node, weT)

    out = pl.pallas_call(
        _tc_body,
        grid=(_B // _G,),
        in_specs=[
            pl.BlockSpec(memory_space=pltpu.SMEM),
            pl.BlockSpec((_G, _N, _D), lambda b: (b, 0, 0)),
            pl.BlockSpec((_G, _N, _N), lambda b: (b, 0, 0)),
            pl.BlockSpec((_D, _D), rep),
            pl.BlockSpec((_D, _D), rep),
            pl.BlockSpec((_D, _D), rep),
            pl.BlockSpec((_D, _D), rep),
            pl.BlockSpec((_D, _CP), rep),
            pl.BlockSpec((_CP, _CP), rep),
            pl.BlockSpec((1, _CP), rep),
        ],
        out_specs=pl.BlockSpec((_G, 1, _CP), lambda b: (b, 0, 0)),
        out_shape=jax.ShapeDtypeStruct((_B, 1, _CP), jnp.float32),
    )(mask32, h0, a_dense, ws1T, wm1T, ws2T, wm2T,
      centP, woutP, boutP)
    return out[:, 0, :_NC]

# --- scband reference (transcript-rebuilt; emitter-appended) ---
"""Pipeline reference for scband-graph-prediction-83580063580172 (READ-ONLY COPY).

The authoritative reference and input builder live on the scoring server;
editing this copy changes nothing except your own understanding.
"""

import jax, jax.numpy as jnp
import numpy as np

B, N, K, F, D, C, NC = 32, 512, 32, 256, 256, 100, 10


def setup_inputs(seed: int = 0) -> dict:
    key = jax.random.key(seed)
    ks = jax.random.split(key, 12)
    node = jax.random.normal(ks[0], (B, N, F), dtype=jnp.float32)
    adj = jax.random.randint(ks[1], (B, N, K), 0, N, dtype=jnp.int64)
    weight = jax.random.uniform(ks[2], (B, N, K), dtype=jnp.float32)
    mask = jax.random.randint(ks[3], (B, 1), 256, N + 1, dtype=jnp.int64)
    s = 1.0 / np.sqrt(F)
    W_embed = jax.random.uniform(ks[4], (D, F), minval=-s, maxval=s, dtype=jnp.float32)
    sd = 1.0 / np.sqrt(D)
    W_self1 = jax.random.uniform(ks[5], (D, D), minval=-sd, maxval=sd, dtype=jnp.float32)
    W_msg1 = jax.random.uniform(ks[6], (D, D), minval=-sd, maxval=sd, dtype=jnp.float32)
    W_self2 = jax.random.uniform(ks[7], (D, D), minval=-sd, maxval=sd, dtype=jnp.float32)
    W_msg2 = jax.random.uniform(ks[8], (D, D), minval=-sd, maxval=sd, dtype=jnp.float32)
    centroids = jax.random.normal(ks[9], (C, D), dtype=jnp.float32) * 0.1
    sc = 1.0 / np.sqrt(C)
    W_out = jax.random.uniform(ks[10], (NC, C), minval=-sc, maxval=sc, dtype=jnp.float32)
    b_out = jnp.zeros((NC,), dtype=jnp.float32)
    return {"node": node, "adj": adj, "weight": weight, "mask": mask,
            "W_embed": W_embed, "W_self1": W_self1, "W_msg1": W_msg1,
            "W_self2": W_self2, "W_msg2": W_msg2, "centroids": centroids,
            "W_out": W_out, "b_out": b_out}


def _gather_neighbors(h, adj):
    Bb, Nn, Kk = adj.shape
    idx = adj.reshape(Bb, Nn * Kk, 1)
    nbr = jnp.take_along_axis(h, idx, axis=1)
    return nbr.reshape(Bb, Nn, Kk, h.shape[-1])


def reference(node, adj, weight, mask, W_embed, W_self1, W_msg1, W_self2, W_msg2, centroids, W_out, b_out):
    Bb, Nn, _ = node.shape
    # node_mask: (B, N, 1) -- 1 for real nodes, 0 for padding
    node_mask = (jnp.arange(Nn)[None, :] < mask).astype(jnp.float32)[:, :, None]
    # euclidean embedding (Linear, no bias)
    h = node @ W_embed.T
    h = h * node_mask
    # rgnn: 2 rounds of weighted message passing over dense neighbor lists
    for Ws, Wm in ((W_self1, W_msg1), (W_self2, W_msg2)):
        nbr = _gather_neighbors(h, adj)                    # (B, N, K, D)
        agg = (nbr * weight[..., None]).sum(axis=2)        # (B, N, D)
        h = jax.nn.relu(h @ Ws.T + agg @ Wm.T) * node_mask
    # CentroidDistance: euclidean distance of each node repr to each centroid
    x2 = (h * h).sum(axis=-1, keepdims=True)               # (B, N, 1)
    c2 = (centroids * centroids).sum(axis=-1)[None, None, :]  # (1, 1, C)
    d2 = x2 + c2 - 2.0 * (h @ centroids.T)                 # (B, N, C)
    dist = jnp.sqrt(jnp.maximum(d2, 1e-6))
    # masked mean over real nodes -> graph representation (B, C)
    graph_repr = (dist * node_mask).sum(axis=1) / mask.astype(jnp.float32)
    return graph_repr @ W_out.T + b_out

if __name__ == "__main__":
    import jax
    _d = setup_inputs()
    print(jax.jit(kernel)(*tuple(_d.values())))

</pallas_src>

<mosaic_0001>
#map = affine_map<(d0, d1) -> (0, 0, 0)>
module attributes {stable_mosaic.version = 14 : i64} {
  func.func @_sc_build_body(%arg0: i32, %arg1: i32, %arg2: memref<32x512x32xi32, #tpu.memory_space<hbm>>, %arg3: memref<32x512x32xf32, #tpu.memory_space<hbm>>, %arg4: memref<32x512x512xf32, #tpu.memory_space<hbm>>, %arg5: memref<64x32xi32, #tpu.memory_space<vmem>>, %arg6: memref<64x32xi32, #tpu.memory_space<vmem>>, %arg7: memref<64x32xf32, #tpu.memory_space<vmem>>, %arg8: memref<64x32xf32, #tpu.memory_space<vmem>>, %arg9: memref<64x512xf32, #tpu.memory_space<vmem>>, %arg10: memref<64x512xf32, #tpu.memory_space<vmem>>, %arg11: memref<!tpu.dma_semaphore, #tpu.memory_space<semaphore_mem>>, %arg12: memref<!tpu.dma_semaphore, #tpu.memory_space<semaphore_mem>>, %arg13: memref<!tpu.dma_semaphore, #tpu.memory_space<semaphore_mem>>, %arg14: memref<!tpu.dma_semaphore, #tpu.memory_space<semaphore_mem>>) attributes {dimension_semantics = [#tpu.dimension_semantics<core_parallel>, #tpu.dimension_semantics<subcore_parallel>], iteration_bounds = array<i64: 2, 16>, scalar_prefetch = 0 : i64, scratch_operands = 10 : i64, tpu.core_type = #tpu.core_type<sc_vector_subcore>, window_params = [{transform_indices = #map}, {transform_indices = #map}, {transform_indices = #map}]} {
    %mul3A = arith.constant 2 : i32
    %mul3A_0 = arith.muli %arg1, %mul3A : i32
    %add3A = arith.addi %mul3A_0, %arg0 : i32
    %broadcast_in_dim3A = arith.constant 0.000000e+00 : f32
    %broadcast_in_dim3A_1 = vector.broadcast %broadcast_in_dim3A : f32 to vector<16xf32>
    %dma_start3A = arith.constant 0 : i32
    %dma_start3A_2 = arith.constant 0 : i32
    %dma_start3A_3 = tpu.memref_slice %arg2[%add3A, %dma_start3A, %dma_start3A_2] : memref<32x512x32xi32, #tpu.memory_space<hbm>> -> memref<1x64x32xi32, #tpu.memory_space<hbm>>
    %dma_start3A_4 = tpu.memref_squeeze %dma_start3A_3 : memref<1x64x32xi32, #tpu.memory_space<hbm>> -> memref<64x32xi32, #tpu.memory_space<hbm>>
    %dma_start3A_5 = arith.constant 0 : i32
    %dma_start3A_6 = arith.constant 0 : i32
    %dma_start3A_7 = tpu.memref_slice %arg2[%add3A, %dma_start3A_5, %dma_start3A_6] : memref<32x512x32xi32, #tpu.memory_space<hbm>> -> memref<1x64x32xi32, #tpu.memory_space<hbm>>
    %dma_start3A_8 = tpu.memref_squeeze %dma_start3A_7 : memref<1x64x32xi32, #tpu.memory_space<hbm>> -> memref<64x32xi32, #tpu.memory_space<hbm>>
    tpu.enqueue_dma source(%dma_start3A_8 : memref<64x32xi32, #tpu.memory_space<hbm>>) target(%arg5 : memref<64x32xi32, #tpu.memory_space<vmem>>) target_semaphore(%arg13 : memref<!tpu.dma_semaphore, #tpu.memory_space<semaphore_mem>>)
    %dma_start3A_9 = arith.constant 0 : i32
    %dma_start3A_10 = arith.constant 0 : i32
    %dma_start3A_11 = tpu.memref_slice %arg3[%add3A, %dma_start3A_9, %dma_start3A_10] : memref<32x512x32xf32, #tpu.memory_space<hbm>> -> memref<1x64x32xf32, #tpu.memory_space<hbm>>
    %dma_start3A_12 = tpu.memref_squeeze %dma_start3A_11 : memref<1x64x32xf32, #tpu.memory_space<hbm>> -> memref<64x32xf32, #tpu.memory_space<hbm>>
    %dma_start3A_13 = arith.constant 0 : i32
    %dma_start3A_14 = arith.constant 0 : i32
    %dma_start3A_15 = tpu.memref_slice %arg3[%add3A, %dma_start3A_13, %dma_start3A_14] : memref<32x512x32xf32, #tpu.memory_space<hbm>> -> memref<1x64x32xf32, #tpu.memory_space<hbm>>
    %dma_start3A_16 = tpu.memref_squeeze %dma_start3A_15 : memref<1x64x32xf32, #tpu.memory_space<hbm>> -> memref<64x32xf32, #tpu.memory_space<hbm>>
    tpu.enqueue_dma source(%dma_start3A_16 : memref<64x32xf32, #tpu.memory_space<hbm>>) target(%arg7 : memref<64x32xf32, #tpu.memory_space<vmem>>) target_semaphore(%arg13 : memref<!tpu.dma_semaphore, #tpu.memory_space<semaphore_mem>>)
    %scan3A = arith.constant 0 : i32
    %scan3A_17 = arith.constant 0 : i32
    %scan3A_18 = arith.constant 64 : i32
    %scan3A_19 = arith.addi %scan3A_17, %scan3A_18 : i32
    %scan3A_20 = arith.constant 1 : i32
    scf.for %scan3A_479 = %scan3A_17 to %scan3A_19 step %scan3A_20  : i32 {
      %swap3A = arith.index_cast %scan3A_479 : i32 to index
      %swap3A_480 = arith.constant 0 : index
      %swap3A_481 = tpu.vector_load %arg9[%swap3A, %swap3A_480] {strides = array<i32>} : memref<64x512xf32, #tpu.memory_space<vmem>>, vector<16xf32>,
      tpu.vector_store %arg9[%swap3A, %swap3A_480], %broadcast_in_dim3A_1 {strides = array<i32>} : memref<64x512xf32, #tpu.memory_space<vmem>>, vector<16xf32>,
      %swap3A_482 = arith.index_cast %scan3A_479 : i32 to index
      %swap3A_483 = arith.constant 16 : index
      %swap3A_484 = tpu.vector_load %arg9[%swap3A_482, %swap3A_483] {strides = array<i32>} : memref<64x512xf32, #tpu.memory_space<vmem>>, vector<16xf32>,
      tpu.vector_store %arg9[%swap3A_482, %swap3A_483], %broadcast_in_dim3A_1 {strides = array<i32>} : memref<64x512xf32, #tpu.memory_space<vmem>>, vector<16xf32>,
      %swap3A_485 = arith.index_cast %scan3A_479 : i32 to index
      %swap3A_486 = arith.constant 32 : index
      %swap3A_487 = tpu.vector_load %arg9[%swap3A_485, %swap3A_486] {strides = array<i32>} : memref<64x512xf32, #tpu.memory_space<vmem>>, vector<16xf32>,
      tpu.vector_store %arg9[%swap3A_485, %swap3A_486], %broadcast_in_dim3A_1 {strides = array<i32>} : memref<64x512xf32, #tpu.memory_space<vmem>>, vector<16xf32>,
      %swap3A_488 = arith.index_cast %scan3A_479 : i32 to index
      %swap3A_489 = arith.constant 48 : index
      %swap3A_490 = tpu.vector_load %arg9[%swap3A_488, %swap3A_489] {strides = array<i32>} : memref<64x512xf32, #tpu.memory_space<vmem>>, vector<16xf32>,
      tpu.vector_store %arg9[%swap3A_488, %swap3A_489], %broadcast_in_dim3A_1 {strides = array<i32>} : memref<64x512xf32, #tpu.memory_space<vmem>>, vector<16xf32>,
      %swap3A_491 = arith.index_cast %scan3A_479 : i32 to index
      %swap3A_492 = arith.constant 64 : index
      %swap3A_493 = tpu.vector_load %arg9[%swap3A_491, %swap3A_492] {strides = array<i32>} : memref<64x512xf32, #tpu.memory_space<vmem>>, vector<16xf32>,
      tpu.vector_store %arg9[%swap3A_491, %swap3A_492], %broadcast_in_dim3A_1 {strides = array<i32>} : memref<64x512xf32, #tpu.memory_space<vmem>>, vector<16xf32>,
      %swap3A_494 = arith.index_cast %scan3A_479 : i32 to index
      %swap3A_495 = arith.constant 80 : index
      %swap3A_496 = tpu.vector_load %arg9[%swap3A_494, %swap3A_495] {strides = array<i32>} : memref<64x512xf32, #tpu.memory_space<vmem>>, vector<16xf32>,
      tpu.vector_store %arg9[%swap3A_494, %swap3A_495], %broadcast_in_dim3A_1 {strides = array<i32>} : memref<64x512xf32, #tpu.memory_space<vmem>>, vector<16xf32>,
      %swap3A_497 = arith.index_cast %scan3A_479 : i32 to index
      %swap3A_498 = arith.constant 96 : index
      %swap3A_499 = tpu.vector_load %arg9[%swap3A_497, %swap3A_498] {strides = array<i32>} : memref<64x512xf32, #tpu.memory_space<vmem>>, vector<16xf32>,
      tpu.vector_store %arg9[%swap3A_497, %swap3A_498], %broadcast_in_dim3A_1 {strides = array<i32>} : memref<64x512xf32, #tpu.memory_space<vmem>>, vector<16xf32>,
      %swap3A_500 = arith.index_cast %scan3A_479 : i32 to index
      %swap3A_501 = arith.constant 112 : index
      %swap3A_502 = tpu.vector_load %arg9[%swap3A_500, %swap3A_501] {strides = array<i32>} : memref<64x512xf32, #tpu.memory_space<vmem>>, vector<16xf32>,
      tpu.vector_store %arg9[%swap3A_500, %swap3A_501], %broadcast_in_dim3A_1 {strides = array<i32>} : memref<64x512xf32, #tpu.memory_space<vmem>>, vector<16xf32>,
      %swap3A_503 = arith.index_cast %scan3A_479 : i32 to index
      %swap3A_504 = arith.constant 128 : index
      %swap3A_505 = tpu.vector_load %arg9[%swap3A_503, %swap3A_504] {strides = array<i32>} : memref<64x512xf32, #tpu.memory_space<vmem>>, vector<16xf32>,
      tpu.vector_store %arg9[%swap3A_503, %swap3A_504], %broadcast_in_dim3A_1 {strides = array<i32>} : memref<64x512xf32, #tpu.memory_space<vmem>>, vector<16xf32>,
      %swap3A_506 = arith.index_cast %scan3A_479 : i32 to index
      %swap3A_507 = arith.constant 144 : index
      %swap3A_508 = tpu.vector_load %arg9[%swap3A_506, %swap3A_507] {strides = array<i32>} : memref<64x512xf32, #tpu.memory_space<vmem>>, vector<16xf32>,
      tpu.vector_store %arg9[%swap3A_506, %swap3A_507], %broadcast_in_dim3A_1 {strides = array<i32>} : memref<64x512xf32, #tpu.memory_space<vmem>>, vector<16xf32>,
      %swap3A_509 = arith.index_cast %scan3A_479 : i32 to index
      %swap3A_510 = arith.constant 160 : index
      %swap3A_511 = tpu.vector_load %arg9[%swap3A_509, %swap3A_510] {strides = array<i32>} : memref<64x512xf32, #tpu.memory_space<vmem>>, vector<16xf32>,
      tpu.vector_store %arg9[%swap3A_509, %swap3A_510], %broadcast_in_dim3A_1 {strides = array<i32>} : memref<64x512xf32, #tpu.memory_space<vmem>>, vector<16xf32>,
      %swap3A_512 = arith.index_cast %scan3A_479 : i32 to index
      %swap3A_513 = arith.constant 176 : index
      %swap3A_514 = tpu.vector_load %arg9[%swap3A_512, %swap3A_513] {strides = array<i32>} : memref<64x512xf32, #tpu.memory_space<vmem>>, vector<16xf32>,
      tpu.vector_store %arg9[%swap3A_512, %swap3A_513], %broadcast_in_dim3A_1 {strides = array<i32>} : memref<64x512xf32, #tpu.memory_space<vmem>>, vector<16xf32>,
      %swap3A_515 = arith.index_cast %scan3A_479 : i32 to index
      %swap3A_516 = arith.constant 192 : index
      %swap3A_517 = tpu.vector_load %arg9[%swap3A_515, %swap3A_516] {strides = array<i32>} : memref<64x512xf32, #tpu.memory_space<vmem>>, vector<16xf32>,
      tpu.vector_store %arg9[%swap3A_515, %swap3A_516], %broadcast_in_dim3A_1 {strides = array<i32>} : memref<64x512xf32, #tpu.memory_space<vmem>>, vector<16xf32>,
      %swap3A_518 = arith.index_cast %scan3A_479 : i32 to index
      %swap3A_519 = arith.constant 208 : index
      %swap3A_520 = tpu.vector_load %arg9[%swap3A_518, %swap3A_519] {strides = array<i32>} : memref<64x512xf32, #tpu.memory_space<vmem>>, vector<16xf32>,
      tpu.vector_store %arg9[%swap3A_518, %swap3A_519], %broadcast_in_dim3A_1 {strides = array<i32>} : memref<64x512xf32, #tpu.memory_space<vmem>>, vector<16xf32>,
      %swap3A_521 = arith.index_cast %scan3A_479 : i32 to index
      %swap3A_522 = arith.constant 224 : index
      %swap3A_523 = tpu.vector_load %arg9[%swap3A_521, %swap3A_522] {strides = array<i32>} : memref<64x512xf32, #tpu.memory_space<vmem>>, vector<16xf32>,
      tpu.vector_store %arg9[%swap3A_521, %swap3A_522], %broadcast_in_dim3A_1 {strides = array<i32>} : memref<64x512xf32, #tpu.memory_space<vmem>>, vector<16xf32>,
      %swap3A_524 = arith.index_cast %scan3A_479 : i32 to index
      %swap3A_525 = arith.constant 240 : index
      %swap3A_526 = tpu.vector_load %arg9[%swap3A_524, %swap3A_525] {strides = array<i32>} : memref<64x512xf32, #tpu.memory_space<vmem>>, vector<16xf32>,
      tpu.vector_store %arg9[%swap3A_524, %swap3A_525], %broadcast_in_dim3A_1 {strides = array<i32>} : memref<64x512xf32, #tpu.memory_space<vmem>>, vector<16xf32>,
      %swap3A_527 = arith.index_cast %scan3A_479 : i32 to index
      %swap3A_528 = arith.constant 256 : index
      %swap3A_529 = tpu.vector_load %arg9[%swap3A_527, %swap3A_528] {strides = array<i32>} : memref<64x512xf32, #tpu.memory_space<vmem>>, vector<16xf32>,
      tpu.vector_store %arg9[%swap3A_527, %swap3A_528], %broadcast_in_dim3A_1 {strides = array<i32>} : memref<64x512xf32, #tpu.memory_space<vmem>>, vector<16xf32>,
      %swap3A_530 = arith.index_cast %scan3A_479 : i32 to index
      %swap3A_531 = arith.constant 272 : index
      %swap3A_532 = tpu.vector_load %arg9[%swap3A_530, %swap3A_531] {strides = array<i32>} : memref<64x512xf32, #tpu.memory_space<vmem>>, vector<16xf32>,
      tpu.vector_store %arg9[%swap3A_530, %swap3A_531], %broadcast_in_dim3A_1 {strides = array<i32>} : memref<64x512xf32, #tpu.memory_space<vmem>>, vector<16xf32>,
      %swap3A_533 = arith.index_cast %scan3A_479 : i32 to index
      %swap3A_534 = arith.constant 288 : index
      %swap3A_535 = tpu.vector_load %arg9[%swap3A_533, %swap3A_534] {strides = array<i32>} : memref<64x512xf32, #tpu.memory_space<vmem>>, vector<16xf32>,
      tpu.vector_store %arg9[%swap3A_533, %swap3A_534], %broadcast_in_dim3A_1 {strides = array<i32>} : memref<64x512xf32, #tpu.memory_space<vmem>>, vector<16xf32>,
      %swap3A_536 = arith.index_cast %scan3A_479 : i32 to index
      %swap3A_537 = arith.constant 304 : index
      %swap3A_538 = tpu.vector_load %arg9[%swap3A_536, %swap3A_537] {strides = array<i32>} : memref<64x512xf32, #tpu.memory_space<vmem>>, vector<16xf32>,
      tpu.vector_store %arg9[%swap3A_536, %swap3A_537], %broadcast_in_dim3A_1 {strides = array<i32>} : memref<64x512xf32, #tpu.memory_space<vmem>>, vector<16xf32>,
      %swap3A_539 = arith.index_cast %scan3A_479 : i32 to index
      %swap3A_540 = arith.constant 320 : index
      %swap3A_541 = tpu.vector_load %arg9[%swap3A_539, %swap3A_540] {strides = array<i32>} : memref<64x512xf32, #tpu.memory_space<vmem>>, vector<16xf32>,
      tpu.vector_store %arg9[%swap3A_539, %swap3A_540], %broadcast_in_dim3A_1 {strides = array<i32>} : memref<64x512xf32, #tpu.memory_space<vmem>>, vector<16xf32>,
      %swap3A_542 = arith.index_cast %scan3A_479 : i32 to index
      %swap3A_543 = arith.constant 336 : index
      %swap3A_544 = tpu.vector_load %arg9[%swap3A_542, %swap3A_543] {strides = array<i32>} : memref<64x512xf32, #tpu.memory_space<vmem>>, vector<16xf32>,
      tpu.vector_store %arg9[%swap3A_542, %swap3A_543], %broadcast_in_dim3A_1 {strides = array<i32>} : memref<64x512xf32, #tpu.memory_space<vmem>>, vector<16xf32>,
      %swap3A_545 = arith.index_cast %scan3A_479 : i32 to index
      %swap3A_546 = arith.constant 352 : index
      %swap3A_547 = tpu.vector_load %arg9[%swap3A_545, %swap3A_546] {strides = array<i32>} : memref<64x512xf32, #tpu.memory_space<vmem>>, vector<16xf32>,
      tpu.vector_store %arg9[%swap3A_545, %swap3A_546], %broadcast_in_dim3A_1 {strides = array<i32>} : memref<64x512xf32, #tpu.memory_space<vmem>>, vector<16xf32>,
      %swap3A_548 = arith.index_cast %scan3A_479 : i32 to index
      %swap3A_549 = arith.constant 368 : index
      %swap3A_550 = tpu.vector_load %arg9[%swap3A_548, %swap3A_549] {strides = array<i32>} : memref<64x512xf32, #tpu.memory_space<vmem>>, vector<16xf32>,
      tpu.vector_store %arg9[%swap3A_548, %swap3A_549], %broadcast_in_dim3A_1 {strides = array<i32>} : memref<64x512xf32, #tpu.memory_space<vmem>>, vector<16xf32>,
      %swap3A_551 = arith.index_cast %scan3A_479 : i32 to index
      %swap3A_552 = arith.constant 384 : index
      %swap3A_553 = tpu.vector_load %arg9[%swap3A_551, %swap3A_552] {strides = array<i32>} : memref<64x512xf32, #tpu.memory_space<vmem>>, vector<16xf32>,
      tpu.vector_store %arg9[%swap3A_551, %swap3A_552], %broadcast_in_dim3A_1 {strides = array<i32>} : memref<64x512xf32, #tpu.memory_space<vmem>>, vector<16xf32>,
      %swap3A_554 = arith.index_cast %scan3A_479 : i32 to index
      %swap3A_555 = arith.constant 400 : index
      %swap3A_556 = tpu.vector_load %arg9[%swap3A_554, %swap3A_555] {strides = array<i32>} : memref<64x512xf32, #tpu.memory_space<vmem>>, vector<16xf32>,
      tpu.vector_store %arg9[%swap3A_554, %swap3A_555], %broadcast_in_dim3A_1 {strides = array<i32>} : memref<64x512xf32, #tpu.memory_space<vmem>>, vector<16xf32>,
      %swap3A_557 = arith.index_cast %scan3A_479 : i32 to index
      %swap3A_558 = arith.constant 416 : index
      %swap3A_559 = tpu.vector_load %arg9[%swap3A_557, %swap3A_558] {strides = array<i32>} : memref<64x512xf32, #tpu.memory_space<vmem>>, vector<16xf32>,
      tpu.vector_store %arg9[%swap3A_557, %swap3A_558], %broadcast_in_dim3A_1 {strides = array<i32>} : memref<64x512xf32, #tpu.memory_space<vmem>>, vector<16xf32>,
      %swap3A_560 = arith.index_cast %scan3A_479 : i32 to index
      %swap3A_561 = arith.constant 432 : index
      %swap3A_562 = tpu.vector_load %arg9[%swap3A_560, %swap3A_561] {strides = array<i32>} : memref<64x512xf32, #tpu.memory_space<vmem>>, vector<16xf32>,
      tpu.vector_store %arg9[%swap3A_560, %swap3A_561], %broadcast_in_dim3A_1 {strides = array<i32>} : memref<64x512xf32, #tpu.memory_space<vmem>>, vector<16xf32>,
      %swap3A_563 = arith.index_cast %scan3A_479 : i32 to index
      %swap3A_564 = arith.constant 448 : index
      %swap3A_565 = tpu.vector_load %arg9[%swap3A_563, %swap3A_564] {strides = array<i32>} : memref<64x512xf32, #tpu.memory_space<vmem>>, vector<16xf32>,
      tpu.vector_store %arg9[%swap3A_563, %swap3A_564], %broadcast_in_dim3A_1 {strides = array<i32>} : memref<64x512xf32, #tpu.memory_space<vmem>>, vector<16xf32>,
      %swap3A_566 = arith.index_cast %scan3A_479 : i32 to index
      %swap3A_567 = arith.constant 464 : index
      %swap3A_568 = tpu.vector_load %arg9[%swap3A_566, %swap3A_567] {strides = array<i32>} : memref<64x512xf32, #tpu.memory_space<vmem>>, vector<16xf32>,
      tpu.vector_store %arg9[%swap3A_566, %swap3A_567], %broadcast_in_dim3A_1 {strides = array<i32>} : memref<64x512xf32, #tpu.memory_space<vmem>>, vector<16xf32>,
      %swap3A_569 = arith.index_cast %scan3A_479 : i32 to index
      %swap3A_570 = arith.constant 480 : index
      %swap3A_571 = tpu.vector_load %arg9[%swap3A_569, %swap3A_570] {strides = array<i32>} : memref<64x512xf32, #tpu.memory_space<vmem>>, vector<16xf32>,
      tpu.vector_store %arg9[%swap3A_569, %swap3A_570], %broadcast_in_dim3A_1 {strides = array<i32>} : memref<64x512xf32, #tpu.memory_space<vmem>>, vector<16xf32>,
      %swap3A_572 = arith.index_cast %scan3A_479 : i32 to index
      %swap3A_573 = arith.constant 496 : index
      %swap3A_574 = tpu.vector_load %arg9[%swap3A_572, %swap3A_573] {strides = array<i32>} : memref<64x512xf32, #tpu.memory_space<vmem>>, vector<16xf32>,
      tpu.vector_store %arg9[%swap3A_572, %swap3A_573], %broadcast_in_dim3A_1 {strides = array<i32>} : memref<64x512xf32, #tpu.memory_space<vmem>>, vector<16xf32>,
    }
    %scan3A_21 = arith.constant 64 : i32
    %dma_wait3A = arith.constant 0 : i32
    %dma_wait3A_22 = arith.constant 0 : i32
    %dma_wait3A_23 = tpu.memref_slice %arg2[%add3A, %dma_wait3A, %dma_wait3A_22] : memref<32x512x32xi32, #tpu.memory_space<hbm>> -> memref<1x64x32xi32, #tpu.memory_space<hbm>>
    %dma_wait3A_24 = tpu.memref_squeeze %dma_wait3A_23 : memref<1x64x32xi32, #tpu.memory_space<hbm>> -> memref<64x32xi32, #tpu.memory_space<hbm>>
    %dma_wait3A_25 = arith.constant 0 : i32
    %dma_wait3A_26 = arith.constant 0 : i32
    %dma_wait3A_27 = tpu.memref_slice %arg2[%add3A, %dma_wait3A_25, %dma_wait3A_26] : memref<32x512x32xi32, #tpu.memory_space<hbm>> -> memref<1x64x32xi32, #tpu.memory_space<hbm>>
    %dma_wait3A_28 = tpu.memref_squeeze %dma_wait3A_27 : memref<1x64x32xi32, #tpu.memory_space<hbm>> -> memref<64x32xi32, #tpu.memory_space<hbm>>
    tpu.wait_dma2 semaphore(%arg13 : memref<!tpu.dma_semaphore, #tpu.memory_space<semaphore_mem>>) src(%dma_wait3A_28 : memref<64x32xi32, #tpu.memory_space<hbm>>) dst(%arg5 : memref<64x32xi32, #tpu.memory_space<vmem>>)
    %dma_wait3A_29 = arith.constant 0 : i32
    %dma_wait3A_30 = arith.constant 0 : i32
    %dma_wait3A_31 = tpu.memref_slice %arg3[%add3A, %dma_wait3A_29, %dma_wait3A_30] : memref<32x512x32xf32, #tpu.memory_space<hbm>> -> memref<1x64x32xf32, #tpu.memory_space<hbm>>
    %dma_wait3A_32 = tpu.memref_squeeze %dma_wait3A_31 : memref<1x64x32xf32, #tpu.memory_space<hbm>> -> memref<64x32xf32, #tpu.memory_space<hbm>>
    %dma_wait3A_33 = arith.constant 0 : i32
    %dma_wait3A_34 = arith.constant 0 : i32
    %dma_wait3A_35 = tpu.memref_slice %arg3[%add3A, %dma_wait3A_33, %dma_wait3A_34] : memref<32x512x32xf32, #tpu.memory_space<hbm>> -> memref<1x64x32xf32, #tpu.memory_space<hbm>>
    %dma_wait3A_36 = tpu.memref_squeeze %dma_wait3A_35 : memref<1x64x32xf32, #tpu.memory_space<hbm>> -> memref<64x32xf32, #tpu.memory_space<hbm>>
    tpu.wait_dma2 semaphore(%arg13 : memref<!tpu.dma_semaphore, #tpu.memory_space<semaphore_mem>>) src(%dma_wait3A_36 : memref<64x32xf32, #tpu.memory_space<hbm>>) dst(%arg7 : memref<64x32xf32, #tpu.memory_space<vmem>>)
    %dma_start3A_37 = arith.constant 64 : i32
    %dma_start3A_38 = arith.constant 0 : i32
    %dma_start3A_39 = tpu.memref_slice %arg2[%add3A, %dma_start3A_37, %dma_start3A_38] : memref<32x512x32xi32, #tpu.memory_space<hbm>> -> memref<1x64x32xi32, #tpu.memory_space<hbm>>
    %dma_start3A_40 = tpu.memref_squeeze %dma_start3A_39 : memref<1x64x32xi32, #tpu.memory_space<hbm>> -> memref<64x32xi32, #tpu.memory_space<hbm>>
    %dma_start3A_41 = arith.constant 64 : i32
    %dma_start3A_42 = arith.constant 0 : i32
    %dma_start3A_43 = tpu.memref_slice %arg2[%add3A, %dma_start3A_41, %dma_start3A_42] : memref<32x512x32xi32, #tpu.memory_space<hbm>> -> memref<1x64x32xi32, #tpu.memory_space<hbm>>
    %dma_start3A_44 = tpu.memref_squeeze %dma_start3A_43 : memref<1x64x32xi32, #tpu.memory_space<hbm>> -> memref<64x32xi32, #tpu.memory_space<hbm>>
    tpu.enqueue_dma source(%dma_start3A_44 : memref<64x32xi32, #tpu.memory_space<hbm>>) target(%arg6 : memref<64x32xi32, #tpu.memory_space<vmem>>) target_semaphore(%arg14 : memref<!tpu.dma_semaphore, #tpu.memory_space<semaphore_mem>>)
    %dma_start3A_45 = arith.constant 64 : i32
    %dma_start3A_46 = arith.constant 0 : i32
    %dma_start3A_47 = tpu.memref_slice %arg3[%add3A, %dma_start3A_45, %dma_start3A_46] : memref<32x512x32xf32, #tpu.memory_space<hbm>> -> memref<1x64x32xf32, #tpu.memory_space<hbm>>
    %dma_start3A_48 = tpu.memref_squeeze %dma_start3A_47 : memref<1x64x32xf32, #tpu.memory_space<hbm>> -> memref<64x32xf32, #tpu.memory_space<hbm>>
    %dma_start3A_49 = arith.constant 64 : i32
    %dma_start3A_50 = arith.constant 0 : i32
    %dma_start3A_51 = tpu.memref_slice %arg3[%add3A, %dma_start3A_49, %dma_start3A_50] : memref<32x512x32xf32, #tpu.memory_space<hbm>> -> memref<1x64x32xf32, #tpu.memory_space<hbm>>
    %dma_start3A_52 = tpu.memref_squeeze %dma_start3A_51 : memref<1x64x32xf32, #tpu.memory_space<hbm>> -> memref<64x32xf32, #tpu.memory_space<hbm>>
    tpu.enqueue_dma source(%dma_start3A_52 : memref<64x32xf32, #tpu.memory_space<hbm>>) target(%arg8 : memref<64x32xf32, #tpu.memory_space<vmem>>) target_semaphore(%arg14 : memref<!tpu.dma_semaphore, #tpu.memory_space<semaphore_mem>>)
    %scan3A_53 = arith.constant 0 : i32
    %scan3A_54 = arith.constant 0 : i32
    %scan3A_55 = arith.constant 64 : i32
    %scan3A_56 = arith.addi %scan3A_54, %scan3A_55 : i32
    %scan3A_57 = arith.constant 1 : i32
    scf.for %scan3A_479 = %scan3A_54 to %scan3A_56 step %scan3A_57  : i32 {
      %broadcast_in_dim3A_480 = vector.broadcast %scan3A_479 : i32 to vector<16xi32>
      %get3A = arith.index_cast %scan3A_479 : i32 to index
      %get3A_481 = arith.constant 0 : index
      %get3A_482 = tpu.vector_load %arg5[%get3A, %get3A_481] {strides = array<i32>} : memref<64x32xi32, #tpu.memory_space<vmem>>, vector<16xi32>,
      %get3A_483 = arith.index_cast %scan3A_479 : i32 to index
      %get3A_484 = arith.constant 0 : index
      %get3A_485 = tpu.vector_load %arg7[%get3A_483, %get3A_484] {strides = array<i32>} : memref<64x32xf32, #tpu.memory_space<vmem>>, vector<16xf32>,
      tpu.vector_store_idx %arg9[%broadcast_in_dim3A_480, %get3A_482], %get3A_485 {add = true} : memref<64x512xf32, #tpu.memory_space<vmem>>[vector<16xi32>, vector<16xi32>], vector<16xf32>,
      %get3A_486 = arith.index_cast %scan3A_479 : i32 to index
      %get3A_487 = arith.constant 16 : index
      %get3A_488 = tpu.vector_load %arg5[%get3A_486, %get3A_487] {strides = array<i32>} : memref<64x32xi32, #tpu.memory_space<vmem>>, vector<16xi32>,
      %get3A_489 = arith.index_cast %scan3A_479 : i32 to index
      %get3A_490 = arith.constant 16 : index
      %get3A_491 = tpu.vector_load %arg7[%get3A_489, %get3A_490] {strides = array<i32>} : memref<64x32xf32, #tpu.memory_space<vmem>>, vector<16xf32>,
      tpu.vector_store_idx %arg9[%broadcast_in_dim3A_480, %get3A_488], %get3A_491 {add = true} : memref<64x512xf32, #tpu.memory_space<vmem>>[vector<16xi32>, vector<16xi32>], vector<16xf32>,
    }
    %scan3A_58 = arith.constant 64 : i32
    %dma_start3A_59 = arith.constant 0 : i32
    %dma_start3A_60 = arith.constant 0 : i32
    %dma_start3A_61 = tpu.memref_slice %arg4[%add3A, %dma_start3A_59, %dma_start3A_60] : memref<32x512x512xf32, #tpu.memory_space<hbm>> -> memref<1x64x512xf32, #tpu.memory_space<hbm>>
    %dma_start3A_62 = tpu.memref_squeeze %dma_start3A_61 : memref<1x64x512xf32, #tpu.memory_space<hbm>> -> memref<64x512xf32, #tpu.memory_space<hbm>>
    %dma_start3A_63 = arith.constant 0 : i32
    %dma_start3A_64 = arith.constant 0 : i32
    %dma_start3A_65 = tpu.memref_slice %arg4[%add3A, %dma_start3A_63, %dma_start3A_64] : memref<32x512x512xf32, #tpu.memory_space<hbm>> -> memref<1x64x512xf32, #tpu.memory_space<hbm>>
    %dma_start3A_66 = tpu.memref_squeeze %dma_start3A_65 : memref<1x64x512xf32, #tpu.memory_space<hbm>> -> memref<64x512xf32, #tpu.memory_space<hbm>>
    tpu.enqueue_dma source(%arg9 : memref<64x512xf32, #tpu.memory_space<vmem>>) target(%dma_start3A_66 : memref<64x512xf32, #tpu.memory_space<hbm>>) target_semaphore(%arg11 : memref<!tpu.dma_semaphore, #tpu.memory_space<semaphore_mem>>)
    %scan3A_67 = arith.constant 0 : i32
    %scan3A_68 = arith.constant 0 : i32
    %scan3A_69 = arith.constant 64 : i32
    %scan3A_70 = arith.addi %scan3A_68, %scan3A_69 : i32
    %scan3A_71 = arith.constant 1 : i32
    scf.for %scan3A_479 = %scan3A_68 to %scan3A_70 step %scan3A_71  : i32 {
      %swap3A = arith.index_cast %scan3A_479 : i32 to index
      %swap3A_480 = arith.constant 0 : index
      %swap3A_481 = tpu.vector_load %arg10[%swap3A, %swap3A_480] {strides = array<i32>} : memref<64x512xf32, #tpu.memory_space<vmem>>, vector<16xf32>,
      tpu.vector_store %arg10[%swap3A, %swap3A_480], %broadcast_in_dim3A_1 {strides = array<i32>} : memref<64x512xf32, #tpu.memory_space<vmem>>, vector<16xf32>,
      %swap3A_482 = arith.index_cast %scan3A_479 : i32 to index
      %swap3A_483 = arith.constant 16 : index
      %swap3A_484 = tpu.vector_load %arg10[%swap3A_482, %swap3A_483] {strides = array<i32>} : memref<64x512xf32, #tpu.memory_space<vmem>>, vector<16xf32>,
      tpu.vector_store %arg10[%swap3A_482, %swap3A_483], %broadcast_in_dim3A_1 {strides = array<i32>} : memref<64x512xf32, #tpu.memory_space<vmem>>, vector<16xf32>,
      %swap3A_485 = arith.index_cast %scan3A_479 : i32 to index
      %swap3A_486 = arith.constant 32 : index
      %swap3A_487 = tpu.vector_load %arg10[%swap3A_485, %swap3A_486] {strides = array<i32>} : memref<64x512xf32, #tpu.memory_space<vmem>>, vector<16xf32>,
      tpu.vector_store %arg10[%swap3A_485, %swap3A_486], %broadcast_in_dim3A_1 {strides = array<i32>} : memref<64x512xf32, #tpu.memory_space<vmem>>, vector<16xf32>,
      %swap3A_488 = arith.index_cast %scan3A_479 : i32 to index
      %swap3A_489 = arith.constant 48 : index
      %swap3A_490 = tpu.vector_load %arg10[%swap3A_488, %swap3A_489] {strides = array<i32>} : memref<64x512xf32, #tpu.memory_space<vmem>>, vector<16xf32>,
      tpu.vector_store %arg10[%swap3A_488, %swap3A_489], %broadcast_in_dim3A_1 {strides = array<i32>} : memref<64x512xf32, #tpu.memory_space<vmem>>, vector<16xf32>,
      %swap3A_491 = arith.index_cast %scan3A_479 : i32 to index
      %swap3A_492 = arith.constant 64 : index
      %swap3A_493 = tpu.vector_load %arg10[%swap3A_491, %swap3A_492] {strides = array<i32>} : memref<64x512xf32, #tpu.memory_space<vmem>>, vector<16xf32>,
      tpu.vector_store %arg10[%swap3A_491, %swap3A_492], %broadcast_in_dim3A_1 {strides = array<i32>} : memref<64x512xf32, #tpu.memory_space<vmem>>, vector<16xf32>,
      %swap3A_494 = arith.index_cast %scan3A_479 : i32 to index
      %swap3A_495 = arith.constant 80 : index
      %swap3A_496 = tpu.vector_load %arg10[%swap3A_494, %swap3A_495] {strides = array<i32>} : memref<64x512xf32, #tpu.memory_space<vmem>>, vector<16xf32>,
      tpu.vector_store %arg10[%swap3A_494, %swap3A_495], %broadcast_in_dim3A_1 {strides = array<i32>} : memref<64x512xf32, #tpu.memory_space<vmem>>, vector<16xf32>,
      %swap3A_497 = arith.index_cast %scan3A_479 : i32 to index
      %swap3A_498 = arith.constant 96 : index
      %swap3A_499 = tpu.vector_load %arg10[%swap3A_497, %swap3A_498] {strides = array<i32>} : memref<64x512xf32, #tpu.memory_space<vmem>>, vector<16xf32>,
      tpu.vector_store %arg10[%swap3A_497, %swap3A_498], %broadcast_in_dim3A_1 {strides = array<i32>} : memref<64x512xf32, #tpu.memory_space<vmem>>, vector<16xf32>,
      %swap3A_500 = arith.index_cast %scan3A_479 : i32 to index
      %swap3A_501 = arith.constant 112 : index
      %swap3A_502 = tpu.vector_load %arg10[%swap3A_500, %swap3A_501] {strides = array<i32>} : memref<64x512xf32, #tpu.memory_space<vmem>>, vector<16xf32>,
      tpu.vector_store %arg10[%swap3A_500, %swap3A_501], %broadcast_in_dim3A_1 {strides = array<i32>} : memref<64x512xf32, #tpu.memory_space<vmem>>, vector<16xf32>,
      %swap3A_503 = arith.index_cast %scan3A_479 : i32 to index
      %swap3A_504 = arith.constant 128 : index
      %swap3A_505 = tpu.vector_load %arg10[%swap3A_503, %swap3A_504] {strides = array<i32>} : memref<64x512xf32, #tpu.memory_space<vmem>>, vector<16xf32>,
      tpu.vector_store %arg10[%swap3A_503, %swap3A_504], %broadcast_in_dim3A_1 {strides = array<i32>} : memref<64x512xf32, #tpu.memory_space<vmem>>, vector<16xf32>,
      %swap3A_506 = arith.index_cast %scan3A_479 : i32 to index
      %swap3A_507 = arith.constant 144 : index
      %swap3A_508 = tpu.vector_load %arg10[%swap3A_506, %swap3A_507] {strides = array<i32>} : memref<64x512xf32, #tpu.memory_space<vmem>>, vector<16xf32>,
      tpu.vector_store %arg10[%swap3A_506, %swap3A_507], %broadcast_in_dim3A_1 {strides = array<i32>} : memref<64x512xf32, #tpu.memory_space<vmem>>, vector<16xf32>,
      %swap3A_509 = arith.index_cast %scan3A_479 : i32 to index
      %swap3A_510 = arith.constant 160 : index
      %swap3A_511 = tpu.vector_load %arg10[%swap3A_509, %swap3A_510] {strides = array<i32>} : memref<64x512xf32, #tpu.memory_space<vmem>>, vector<16xf32>,
      tpu.vector_store %arg10[%swap3A_509, %swap3A_510], %broadcast_in_dim3A_1 {strides = array<i32>} : memref<64x512xf32, #tpu.memory_space<vmem>>, vector<16xf32>,
      %swap3A_512 = arith.index_cast %scan3A_479 : i32 to index
      %swap3A_513 = arith.constant 176 : index
      %swap3A_514 = tpu.vector_load %arg10[%swap3A_512, %swap3A_513] {strides = array<i32>} : memref<64x512xf32, #tpu.memory_space<vmem>>, vector<16xf32>,
      tpu.vector_store %arg10[%swap3A_512, %swap3A_513], %broadcast_in_dim3A_1 {strides = array<i32>} : memref<64x512xf32, #tpu.memory_space<vmem>>, vector<16xf32>,
      %swap3A_515 = arith.index_cast %scan3A_479 : i32 to index
      %swap3A_516 = arith.constant 192 : index
      %swap3A_517 = tpu.vector_load %arg10[%swap3A_515, %swap3A_516] {strides = array<i32>} : memref<64x512xf32, #tpu.memory_space<vmem>>, vector<16xf32>,
      tpu.vector_store %arg10[%swap3A_515, %swap3A_516], %broadcast_in_dim3A_1 {strides = array<i32>} : memref<64x512xf32, #tpu.memory_space<vmem>>, vector<16xf32>,
      %swap3A_518 = arith.index_cast %scan3A_479 : i32 to index
      %swap3A_519 = arith.constant 208 : index
      %swap3A_520 = tpu.vector_load %arg10[%swap3A_518, %swap3A_519] {strides = array<i32>} : memref<64x512xf32, #tpu.memory_space<vmem>>, vector<16xf32>,
      tpu.vector_store %arg10[%swap3A_518, %swap3A_519], %broadcast_in_dim3A_1 {strides = array<i32>} : memref<64x512xf32, #tpu.memory_space<vmem>>, vector<16xf32>,
      %swap3A_521 = arith.index_cast %scan3A_479 : i32 to index
      %swap3A_522 = arith.constant 224 : index
      %swap3A_523 = tpu.vector_load %arg10[%swap3A_521, %swap3A_522] {strides = array<i32>} : memref<64x512xf32, #tpu.memory_space<vmem>>, vector<16xf32>,
      tpu.vector_store %arg10[%swap3A_521, %swap3A_522], %broadcast_in_dim3A_1 {strides = array<i32>} : memref<64x512xf32, #tpu.memory_space<vmem>>, vector<16xf32>,
      %swap3A_524 = arith.index_cast %scan3A_479 : i32 to index
      %swap3A_525 = arith.constant 240 : index
      %swap3A_526 = tpu.vector_load %arg10[%swap3A_524, %swap3A_525] {strides = array<i32>} : memref<64x512xf32, #tpu.memory_space<vmem>>, vector<16xf32>,
      tpu.vector_store %arg10[%swap3A_524, %swap3A_525], %broadcast_in_dim3A_1 {strides = array<i32>} : memref<64x512xf32, #tpu.memory_space<vmem>>, vector<16xf32>,
      %swap3A_527 = arith.index_cast %scan3A_479 : i32 to index
      %swap3A_528 = arith.constant 256 : index
      %swap3A_529 = tpu.vector_load %arg10[%swap3A_527, %swap3A_528] {strides = array<i32>} : memref<64x512xf32, #tpu.memory_space<vmem>>, vector<16xf32>,
      tpu.vector_store %arg10[%swap3A_527, %swap3A_528], %broadcast_in_dim3A_1 {strides = array<i32>} : memref<64x512xf32, #tpu.memory_space<vmem>>, vector<16xf32>,
      %swap3A_530 = arith.index_cast %scan3A_479 : i32 to index
      %swap3A_531 = arith.constant 272 : index
      %swap3A_532 = tpu.vector_load %arg10[%swap3A_530, %swap3A_531] {strides = array<i32>} : memref<64x512xf32, #tpu.memory_space<vmem>>, vector<16xf32>,
      tpu.vector_store %arg10[%swap3A_530, %swap3A_531], %broadcast_in_dim3A_1 {strides = array<i32>} : memref<64x512xf32, #tpu.memory_space<vmem>>, vector<16xf32>,
      %swap3A_533 = arith.index_cast %scan3A_479 : i32 to index
      %swap3A_534 = arith.constant 288 : index
      %swap3A_535 = tpu.vector_load %arg10[%swap3A_533, %swap3A_534] {strides = array<i32>} : memref<64x512xf32, #tpu.memory_space<vmem>>, vector<16xf32>,
      tpu.vector_store %arg10[%swap3A_533, %swap3A_534], %broadcast_in_dim3A_1 {strides = array<i32>} : memref<64x512xf32, #tpu.memory_space<vmem>>, vector<16xf32>,
      %swap3A_536 = arith.index_cast %scan3A_479 : i32 to index
      %swap3A_537 = arith.constant 304 : index
      %swap3A_538 = tpu.vector_load %arg10[%swap3A_536, %swap3A_537] {strides = array<i32>} : memref<64x512xf32, #tpu.memory_space<vmem>>, vector<16xf32>,
      tpu.vector_store %arg10[%swap3A_536, %swap3A_537], %broadcast_in_dim3A_1 {strides = array<i32>} : memref<64x512xf32, #tpu.memory_space<vmem>>, vector<16xf32>,
      %swap3A_539 = arith.index_cast %scan3A_479 : i32 to index
      %swap3A_540 = arith.constant 320 : index
      %swap3A_541 = tpu.vector_load %arg10[%swap3A_539, %swap3A_540] {strides = array<i32>} : memref<64x512xf32, #tpu.memory_space<vmem>>, vector<16xf32>,
      tpu.vector_store %arg10[%swap3A_539, %swap3A_540], %broadcast_in_dim3A_1 {strides = array<i32>} : memref<64x512xf32, #tpu.memory_space<vmem>>, vector<16xf32>,
      %swap3A_542 = arith.index_cast %scan3A_479 : i32 to index
      %swap3A_543 = arith.constant 336 : index
      %swap3A_544 = tpu.vector_load %arg10[%swap3A_542, %swap3A_543] {strides = array<i32>} : memref<64x512xf32, #tpu.memory_space<vmem>>, vector<16xf32>,
      tpu.vector_store %arg10[%swap3A_542, %swap3A_543], %broadcast_in_dim3A_1 {strides = array<i32>} : memref<64x512xf32, #tpu.memory_space<vmem>>, vector<16xf32>,
      %swap3A_545 = arith.index_cast %scan3A_479 : i32 to index
      %swap3A_546 = arith.constant 352 : index
      %swap3A_547 = tpu.vector_load %arg10[%swap3A_545, %swap3A_546] {strides = array<i32>} : memref<64x512xf32, #tpu.memory_space<vmem>>, vector<16xf32>,
      tpu.vector_store %arg10[%swap3A_545, %swap3A_546], %broadcast_in_dim3A_1 {strides = array<i32>} : memref<64x512xf32, #tpu.memory_space<vmem>>, vector<16xf32>,
      %swap3A_548 = arith.index_cast %scan3A_479 : i32 to index
      %swap3A_549 = arith.constant 368 : index
      %swap3A_550 = tpu.vector_load %arg10[%swap3A_548, %swap3A_549] {strides = array<i32>} : memref<64x512xf32, #tpu.memory_space<vmem>>, vector<16xf32>,
      tpu.vector_store %arg10[%swap3A_548, %swap3A_549], %broadcast_in_dim3A_1 {strides = array<i32>} : memref<64x512xf32, #tpu.memory_space<vmem>>, vector<16xf32>,
      %swap3A_551 = arith.index_cast %scan3A_479 : i32 to index
      %swap3A_552 = arith.constant 384 : index
      %swap3A_553 = tpu.vector_load %arg10[%swap3A_551, %swap3A_552] {strides = array<i32>} : memref<64x512xf32, #tpu.memory_space<vmem>>, vector<16xf32>,
      tpu.vector_store %arg10[%swap3A_551, %swap3A_552], %broadcast_in_dim3A_1 {strides = array<i32>} : memref<64x512xf32, #tpu.memory_space<vmem>>, vector<16xf32>,
      %swap3A_554 = arith.index_cast %scan3A_479 : i32 to index
      %swap3A_555 = arith.constant 400 : index
      %swap3A_556 = tpu.vector_load %arg10[%swap3A_554, %swap3A_555] {strides = array<i32>} : memref<64x512xf32, #tpu.memory_space<vmem>>, vector<16xf32>,
      tpu.vector_store %arg10[%swap3A_554, %swap3A_555], %broadcast_in_dim3A_1 {strides = array<i32>} : memref<64x512xf32, #tpu.memory_space<vmem>>, vector<16xf32>,
      %swap3A_557 = arith.index_cast %scan3A_479 : i32 to index
      %swap3A_558 = arith.constant 416 : index
      %swap3A_559 = tpu.vector_load %arg10[%swap3A_557, %swap3A_558] {strides = array<i32>} : memref<64x512xf32, #tpu.memory_space<vmem>>, vector<16xf32>,
      tpu.vector_store %arg10[%swap3A_557, %swap3A_558], %broadcast_in_dim3A_1 {strides = array<i32>} : memref<64x512xf32, #tpu.memory_space<vmem>>, vector<16xf32>,
      %swap3A_560 = arith.index_cast %scan3A_479 : i32 to index
      %swap3A_561 = arith.constant 432 : index
      %swap3A_562 = tpu.vector_load %arg10[%swap3A_560, %swap3A_561] {strides = array<i32>} : memref<64x512xf32, #tpu.memory_space<vmem>>, vector<16xf32>,
      tpu.vector_store %arg10[%swap3A_560, %swap3A_561], %broadcast_in_dim3A_1 {strides = array<i32>} : memref<64x512xf32, #tpu.memory_space<vmem>>, vector<16xf32>,
      %swap3A_563 = arith.index_cast %scan3A_479 : i32 to index
      %swap3A_564 = arith.constant 448 : index
      %swap3A_565 = tpu.vector_load %arg10[%swap3A_563, %swap3A_564] {strides = array<i32>} : memref<64x512xf32, #tpu.memory_space<vmem>>, vector<16xf32>,
      tpu.vector_store %arg10[%swap3A_563, %swap3A_564], %broadcast_in_dim3A_1 {strides = array<i32>} : memref<64x512xf32, #tpu.memory_space<vmem>>, vector<16xf32>,
      %swap3A_566 = arith.index_cast %scan3A_479 : i32 to index
      %swap3A_567 = arith.constant 464 : index
      %swap3A_568 = tpu.vector_load %arg10[%swap3A_566, %swap3A_567] {strides = array<i32>} : memref<64x512xf32, #tpu.memory_space<vmem>>, vector<16xf32>,
      tpu.vector_store %arg10[%swap3A_566, %swap3A_567], %broadcast_in_dim3A_1 {strides = array<i32>} : memref<64x512xf32, #tpu.memory_space<vmem>>, vector<16xf32>,
      %swap3A_569 = arith.index_cast %scan3A_479 : i32 to index
      %swap3A_570 = arith.constant 480 : index
      %swap3A_571 = tpu.vector_load %arg10[%swap3A_569, %swap3A_570] {strides = array<i32>} : memref<64x512xf32, #tpu.memory_space<vmem>>, vector<16xf32>,
      tpu.vector_store %arg10[%swap3A_569, %swap3A_570], %broadcast_in_dim3A_1 {strides = array<i32>} : memref<64x512xf32, #tpu.memory_space<vmem>>, vector<16xf32>,
      %swap3A_572 = arith.index_cast %scan3A_479 : i32 to index
      %swap3A_573 = arith.constant 496 : index
      %swap3A_574 = tpu.vector_load %arg10[%swap3A_572, %swap3A_573] {strides = array<i32>} : memref<64x512xf32, #tpu.memory_space<vmem>>, vector<16xf32>,
      tpu.vector_store %arg10[%swap3A_572, %swap3A_573], %broadcast_in_dim3A_1 {strides = array<i32>} : memref<64x512xf32, #tpu.memory_space<vmem>>, vector<16xf32>,
    }
    %scan3A_72 = arith.constant 64 : i32
    %dma_wait3A_73 = arith.constant 64 : i32
    %dma_wait3A_74 = arith.constant 0 : i32
    %dma_wait3A_75 = tpu.memref_slice %arg2[%add3A, %dma_wait3A_73, %dma_wait3A_74] : memref<32x512x32xi32, #tpu.memory_space<hbm>> -> memref<1x64x32xi32, #tpu.memory_space<hbm>>
    %dma_wait3A_76 = tpu.memref_squeeze %dma_wait3A_75 : memref<1x64x32xi32, #tpu.memory_space<hbm>> -> memref<64x32xi32, #tpu.memory_space<hbm>>
    %dma_wait3A_77 = arith.constant 64 : i32
    %dma_wait3A_78 = arith.constant 0 : i32
    %dma_wait3A_79 = tpu.memref_slice %arg2[%add3A, %dma_wait3A_77, %dma_wait3A_78] : memref<32x512x32xi32, #tpu.memory_space<hbm>> -> memref<1x64x32xi32, #tpu.memory_space<hbm>>
    %dma_wait3A_80 = tpu.memref_squeeze %dma_wait3A_79 : memref<1x64x32xi32, #tpu.memory_space<hbm>> -> memref<64x32xi32, #tpu.memory_space<hbm>>
    tpu.wait_dma2 semaphore(%arg14 : memref<!tpu.dma_semaphore, #tpu.memory_space<semaphore_mem>>) src(%dma_wait3A_80 : memref<64x32xi32, #tpu.memory_space<hbm>>) dst(%arg6 : memref<64x32xi32, #tpu.memory_space<vmem>>)
    %dma_wait3A_81 = arith.constant 64 : i32
    %dma_wait3A_82 = arith.constant 0 : i32
    %dma_wait3A_83 = tpu.memref_slice %arg3[%add3A, %dma_wait3A_81, %dma_wait3A_82] : memref<32x512x32xf32, #tpu.memory_space<hbm>> -> memref<1x64x32xf32, #tpu.memory_space<hbm>>
    %dma_wait3A_84 = tpu.memref_squeeze %dma_wait3A_83 : memref<1x64x32xf32, #tpu.memory_space<hbm>> -> memref<64x32xf32, #tpu.memory_space<hbm>>
    %dma_wait3A_85 = arith.constant 64 : i32
    %dma_wait3A_86 = arith.constant 0 : i32
    %dma_wait3A_87 = tpu.memref_slice %arg3[%add3A, %dma_wait3A_85, %dma_wait3A_86] : memref<32x512x32xf32, #tpu.memory_space<hbm>> -> memref<1x64x32xf32, #tpu.memory_space<hbm>>
    %dma_wait3A_88 = tpu.memref_squeeze %dma_wait3A_87 : memref<1x64x32xf32, #tpu.memory_space<hbm>> -> memref<64x32xf32, #tpu.memory_space<hbm>>
    tpu.wait_dma2 semaphore(%arg14 : memref<!tpu.dma_semaphore, #tpu.memory_space<semaphore_mem>>) src(%dma_wait3A_88 : memref<64x32xf32, #tpu.memory_space<hbm>>) dst(%arg8 : memref<64x32xf32, #tpu.memory_space<vmem>>)
    %dma_start3A_89 = arith.constant 128 : i32
    %dma_start3A_90 = arith.constant 0 : i32
    %dma_start3A_91 = tpu.memref_slice %arg2[%add3A, %dma_start3A_89, %dma_start3A_90] : memref<32x512x32xi32, #tpu.memory_space<hbm>> -> memref<1x64x32xi32, #tpu.memory_space<hbm>>
    %dma_start3A_92 = tpu.memref_squeeze %dma_start3A_91 : memref<1x64x32xi32, #tpu.memory_space<hbm>> -> memref<64x32xi32, #tpu.memory_space<hbm>>
    %dma_start3A_93 = arith.constant 128 : i32
    %dma_start3A_94 = arith.constant 0 : i32
    %dma_start3A_95 = tpu.memref_slice %arg2[%add3A, %dma_start3A_93, %dma_start3A_94] : memref<32x512x32xi32, #tpu.memory_space<hbm>> -> memref<1x64x32xi32, #tpu.memory_space<hbm>>
    %dma_start3A_96 = tpu.memref_squeeze %dma_start3A_95 : memref<1x64x32xi32, #tpu.memory_space<hbm>> -> memref<64x32xi32, #tpu.memory_space<hbm>>
    tpu.enqueue_dma source(%dma_start3A_96 : memref<64x32xi32, #tpu.memory_space<hbm>>) target(%arg5 : memref<64x32xi32, #tpu.memory_space<vmem>>) target_semaphore(%arg13 : memref<!tpu.dma_semaphore, #tpu.memory_space<semaphore_mem>>)
    %dma_start3A_97 = arith.constant 128 : i32
    %dma_start3A_98 = arith.constant 0 : i32
    %dma_start3A_99 = tpu.memref_slice %arg3[%add3A, %dma_start3A_97, %dma_start3A_98] : memref<32x512x32xf32, #tpu.memory_space<hbm>> -> memref<1x64x32xf32, #tpu.memory_space<hbm>>
    %dma_start3A_100 = tpu.memref_squeeze %dma_start3A_99 : memref<1x64x32xf32, #tpu.memory_space<hbm>> -> memref<64x32xf32, #tpu.memory_space<hbm>>
    %dma_start3A_101 = arith.constant 128 : i32
    %dma_start3A_102 = arith.constant 0 : i32
    %dma_start3A_103 = tpu.memref_slice %arg3[%add3A, %dma_start3A_101, %dma_start3A_102] : memref<32x512x32xf32, #tpu.memory_space<hbm>> -> memref<1x64x32xf32, #tpu.memory_space<hbm>>
    %dma_start3A_104 = tpu.memref_squeeze %dma_start3A_103 : memref<1x64x32xf32, #tpu.memory_space<hbm>> -> memref<64x32xf32, #tpu.memory_space<hbm>>
    tpu.enqueue_dma source(%dma_start3A_104 : memref<64x32xf32, #tpu.memory_space<hbm>>) target(%arg7 : memref<64x32xf32, #tpu.memory_space<vmem>>) target_semaphore(%arg13 : memref<!tpu.dma_semaphore, #tpu.memory_space<semaphore_mem>>)
    %scan3A_105 = arith.constant 0 : i32
    %scan3A_106 = arith.constant 0 : i32
    %scan3A_107 = arith.constant 64 : i32
    %scan3A_108 = arith.addi %scan3A_106, %scan3A_107 : i32
    %scan3A_109 = arith.constant 1 : i32
    scf.for %scan3A_479 = %scan3A_106 to %scan3A_108 step %scan3A_109  : i32 {
      %broadcast_in_dim3A_480 = vector.broadcast %scan3A_479 : i32 to vector<16xi32>
      %get3A = arith.index_cast %scan3A_479 : i32 to index
      %get3A_481 = arith.constant 0 : index
      %get3A_482 = tpu.vector_load %arg6[%get3A, %get3A_481] {strides = array<i32>} : memref<64x32xi32, #tpu.memory_space<vmem>>, vector<16xi32>,
      %get3A_483 = arith.index_cast %scan3A_479 : i32 to index
      %get3A_484 = arith.constant 0 : index
      %get3A_485 = tpu.vector_load %arg8[%get3A_483, %get3A_484] {strides = array<i32>} : memref<64x32xf32, #tpu.memory_space<vmem>>, vector<16xf32>,
      tpu.vector_store_idx %arg10[%broadcast_in_dim3A_480, %get3A_482], %get3A_485 {add = true} : memref<64x512xf32, #tpu.memory_space<vmem>>[vector<16xi32>, vector<16xi32>], vector<16xf32>,
      %get3A_486 = arith.index_cast %scan3A_479 : i32 to index
      %get3A_487 = arith.constant 16 : index
      %get3A_488 = tpu.vector_load %arg6[%get3A_486, %get3A_487] {strides = array<i32>} : memref<64x32xi32, #tpu.memory_space<vmem>>, vector<16xi32>,
      %get3A_489 = arith.index_cast %scan3A_479 : i32 to index
      %get3A_490 = arith.constant 16 : index
      %get3A_491 = tpu.vector_load %arg8[%get3A_489, %get3A_490] {strides = array<i32>} : memref<64x32xf32, #tpu.memory_space<vmem>>, vector<16xf32>,
      tpu.vector_store_idx %arg10[%broadcast_in_dim3A_480, %get3A_488], %get3A_491 {add = true} : memref<64x512xf32, #tpu.memory_space<vmem>>[vector<16xi32>, vector<16xi32>], vector<16xf32>,
    }
    %scan3A_110 = arith.constant 64 : i32
    %dma_start3A_111 = arith.constant 64 : i32
    %dma_start3A_112 = arith.constant 0 : i32
    %dma_start3A_113 = tpu.memref_slice %arg4[%add3A, %dma_start3A_111, %dma_start3A_112] : memref<32x512x512xf32, #tpu.memory_space<hbm>> -> memref<1x64x512xf32, #tpu.memory_space<hbm>>
    %dma_start3A_114 = tpu.memref_squeeze %dma_start3A_113 : memref<1x64x512xf32, #tpu.memory_space<hbm>> -> memref<64x512xf32, #tpu.memory_space<hbm>>
    %dma_start3A_115 = arith.constant 64 : i32
    %dma_start3A_116 = arith.constant 0 : i32
    %dma_start3A_117 = tpu.memref_slice %arg4[%add3A, %dma_start3A_115, %dma_start3A_116] : memref<32x512x512xf32, #tpu.memory_space<hbm>> -> memref<1x64x512xf32, #tpu.memory_space<hbm>>
    %dma_start3A_118 = tpu.memref_squeeze %dma_start3A_117 : memref<1x64x512xf32, #tpu.memory_space<hbm>> -> memref<64x512xf32, #tpu.memory_space<hbm>>
    tpu.enqueue_dma source(%arg10 : memref<64x512xf32, #tpu.memory_space<vmem>>) target(%dma_start3A_118 : memref<64x512xf32, #tpu.memory_space<hbm>>) target_semaphore(%arg12 : memref<!tpu.dma_semaphore, #tpu.memory_space<semaphore_mem>>)
    %dma_wait3A_119 = arith.constant 0 : i32
    %dma_wait3A_120 = arith.constant 0 : i32
    %dma_wait3A_121 = tpu.memref_slice %arg4[%add3A, %dma_wait3A_119, %dma_wait3A_120] : memref<32x512x512xf32, #tpu.memory_space<hbm>> -> memref<1x64x512xf32, #tpu.memory_space<hbm>>
    %dma_wait3A_122 = tpu.memref_squeeze %dma_wait3A_121 : memref<1x64x512xf32, #tpu.memory_space<hbm>> -> memref<64x512xf32, #tpu.memory_space<hbm>>
    %dma_wait3A_123 = arith.constant 0 : i32
    %dma_wait3A_124 = arith.constant 0 : i32
    %dma_wait3A_125 = tpu.memref_slice %arg4[%add3A, %dma_wait3A_123, %dma_wait3A_124] : memref<32x512x512xf32, #tpu.memory_space<hbm>> -> memref<1x64x512xf32, #tpu.memory_space<hbm>>
    %dma_wait3A_126 = tpu.memref_squeeze %dma_wait3A_125 : memref<1x64x512xf32, #tpu.memory_space<hbm>> -> memref<64x512xf32, #tpu.memory_space<hbm>>
    tpu.wait_dma2 semaphore(%arg11 : memref<!tpu.dma_semaphore, #tpu.memory_space<semaphore_mem>>) src(%arg9 : memref<64x512xf32, #tpu.memory_space<vmem>>) dst(%dma_wait3A_126 : memref<64x512xf32, #tpu.memory_space<hbm>>)
    %scan3A_127 = arith.constant 0 : i32
    %scan3A_128 = arith.constant 0 : i32
    %scan3A_129 = arith.constant 64 : i32
    %scan3A_130 = arith.addi %scan3A_128, %scan3A_129 : i32
    %scan3A_131 = arith.constant 1 : i32
    scf.for %scan3A_479 = %scan3A_128 to %scan3A_130 step %scan3A_131  : i32 {
      %swap3A = arith.index_cast %scan3A_479 : i32 to index
      %swap3A_480 = arith.constant 0 : index
      %swap3A_481 = tpu.vector_load %arg9[%swap3A, %swap3A_480] {strides = array<i32>} : memref<64x512xf32, #tpu.memory_space<vmem>>, vector<16xf32>,
      tpu.vector_store %arg9[%swap3A, %swap3A_480], %broadcast_in_dim3A_1 {strides = array<i32>} : memref<64x512xf32, #tpu.memory_space<vmem>>, vector<16xf32>,
      %swap3A_482 = arith.index_cast %scan3A_479 : i32 to index
      %swap3A_483 = arith.constant 16 : index
      %swap3A_484 = tpu.vector_load %arg9[%swap3A_482, %swap3A_483] {strides = array<i32>} : memref<64x512xf32, #tpu.memory_space<vmem>>, vector<16xf32>,
      tpu.vector_store %arg9[%swap3A_482, %swap3A_483], %broadcast_in_dim3A_1 {strides = array<i32>} : memref<64x512xf32, #tpu.memory_space<vmem>>, vector<16xf32>,
      %swap3A_485 = arith.index_cast %scan3A_479 : i32 to index
      %swap3A_486 = arith.constant 32 : index
      %swap3A_487 = tpu.vector_load %arg9[%swap3A_485, %swap3A_486] {strides = array<i32>} : memref<64x512xf32, #tpu.memory_space<vmem>>, vector<16xf32>,
      tpu.vector_store %arg9[%swap3A_485, %swap3A_486], %broadcast_in_dim3A_1 {strides = array<i32>} : memref<64x512xf32, #tpu.memory_space<vmem>>, vector<16xf32>,
      %swap3A_488 = arith.index_cast %scan3A_479 : i32 to index
      %swap3A_489 = arith.constant 48 : index
      %swap3A_490 = tpu.vector_load %arg9[%swap3A_488, %swap3A_489] {strides = array<i32>} : memref<64x512xf32, #tpu.memory_space<vmem>>, vector<16xf32>,
      tpu.vector_store %arg9[%swap3A_488, %swap3A_489], %broadcast_in_dim3A_1 {strides = array<i32>} : memref<64x512xf32, #tpu.memory_space<vmem>>, vector<16xf32>,
      %swap3A_491 = arith.index_cast %scan3A_479 : i32 to index
      %swap3A_492 = arith.constant 64 : index
      %swap3A_493 = tpu.vector_load %arg9[%swap3A_491, %swap3A_492] {strides = array<i32>} : memref<64x512xf32, #tpu.memory_space<vmem>>, vector<16xf32>,
      tpu.vector_store %arg9[%swap3A_491, %swap3A_492], %broadcast_in_dim3A_1 {strides = array<i32>} : memref<64x512xf32, #tpu.memory_space<vmem>>, vector<16xf32>,
      %swap3A_494 = arith.index_cast %scan3A_479 : i32 to index
      %swap3A_495 = arith.constant 80 : index
      %swap3A_496 = tpu.vector_load %arg9[%swap3A_494, %swap3A_495] {strides = array<i32>} : memref<64x512xf32, #tpu.memory_space<vmem>>, vector<16xf32>,
      tpu.vector_store %arg9[%swap3A_494, %swap3A_495], %broadcast_in_dim3A_1 {strides = array<i32>} : memref<64x512xf32, #tpu.memory_space<vmem>>, vector<16xf32>,
      %swap3A_497 = arith.index_cast %scan3A_479 : i32 to index
      %swap3A_498 = arith.constant 96 : index
      %swap3A_499 = tpu.vector_load %arg9[%swap3A_497, %swap3A_498] {strides = array<i32>} : memref<64x512xf32, #tpu.memory_space<vmem>>, vector<16xf32>,
      tpu.vector_store %arg9[%swap3A_497, %swap3A_498], %broadcast_in_dim3A_1 {strides = array<i32>} : memref<64x512xf32, #tpu.memory_space<vmem>>, vector<16xf32>,
      %swap3A_500 = arith.index_cast %scan3A_479 : i32 to index
      %swap3A_501 = arith.constant 112 : index
      %swap3A_502 = tpu.vector_load %arg9[%swap3A_500, %swap3A_501] {strides = array<i32>} : memref<64x512xf32, #tpu.memory_space<vmem>>, vector<16xf32>,
      tpu.vector_store %arg9[%swap3A_500, %swap3A_501], %broadcast_in_dim3A_1 {strides = array<i32>} : memref<64x512xf32, #tpu.memory_space<vmem>>, vector<16xf32>,
      %swap3A_503 = arith.index_cast %scan3A_479 : i32 to index
      %swap3A_504 = arith.constant 128 : index
      %swap3A_505 = tpu.vector_load %arg9[%swap3A_503, %swap3A_504] {strides = array<i32>} : memref<64x512xf32, #tpu.memory_space<vmem>>, vector<16xf32>,
      tpu.vector_store %arg9[%swap3A_503, %swap3A_504], %broadcast_in_dim3A_1 {strides = array<i32>} : memref<64x512xf32, #tpu.memory_space<vmem>>, vector<16xf32>,
      %swap3A_506 = arith.index_cast %scan3A_479 : i32 to index
      %swap3A_507 = arith.constant 144 : index
      %swap3A_508 = tpu.vector_load %arg9[%swap3A_506, %swap3A_507] {strides = array<i32>} : memref<64x512xf32, #tpu.memory_space<vmem>>, vector<16xf32>,
      tpu.vector_store %arg9[%swap3A_506, %swap3A_507], %broadcast_in_dim3A_1 {strides = array<i32>} : memref<64x512xf32, #tpu.memory_space<vmem>>, vector<16xf32>,
      %swap3A_509 = arith.index_cast %scan3A_479 : i32 to index
      %swap3A_510 = arith.constant 160 : index
      %swap3A_511 = tpu.vector_load %arg9[%swap3A_509, %swap3A_510] {strides = array<i32>} : memref<64x512xf32, #tpu.memory_space<vmem>>, vector<16xf32>,
      tpu.vector_store %arg9[%swap3A_509, %swap3A_510], %broadcast_in_dim3A_1 {strides = array<i32>} : memref<64x512xf32, #tpu.memory_space<vmem>>, vector<16xf32>,
      %swap3A_512 = arith.index_cast %scan3A_479 : i32 to index
      %swap3A_513 = arith.constant 176 : index
      %swap3A_514 = tpu.vector_load %arg9[%swap3A_512, %swap3A_513] {strides = array<i32>} : memref<64x512xf32, #tpu.memory_space<vmem>>, vector<16xf32>,
      tpu.vector_store %arg9[%swap3A_512, %swap3A_513], %broadcast_in_dim3A_1 {strides = array<i32>} : memref<64x512xf32, #tpu.memory_space<vmem>>, vector<16xf32>,
      %swap3A_515 = arith.index_cast %scan3A_479 : i32 to index
      %swap3A_516 = arith.constant 192 : index
      %swap3A_517 = tpu.vector_load %arg9[%swap3A_515, %swap3A_516] {strides = array<i32>} : memref<64x512xf32, #tpu.memory_space<vmem>>, vector<16xf32>,
      tpu.vector_store %arg9[%swap3A_515, %swap3A_516], %broadcast_in_dim3A_1 {strides = array<i32>} : memref<64x512xf32, #tpu.memory_space<vmem>>, vector<16xf32>,
      %swap3A_518 = arith.index_cast %scan3A_479 : i32 to index
      %swap3A_519 = arith.constant 208 : index
      %swap3A_520 = tpu.vector_load %arg9[%swap3A_518, %swap3A_519] {strides = array<i32>} : memref<64x512xf32, #tpu.memory_space<vmem>>, vector<16xf32>,
      tpu.vector_store %arg9[%swap3A_518, %swap3A_519], %broadcast_in_dim3A_1 {strides = array<i32>} : memref<64x512xf32, #tpu.memory_space<vmem>>, vector<16xf32>,
      %swap3A_521 = arith.index_cast %scan3A_479 : i32 to index
      %swap3A_522 = arith.constant 224 : index
      %swap3A_523 = tpu.vector_load %arg9[%swap3A_521, %swap3A_522] {strides = array<i32>} : memref<64x512xf32, #tpu.memory_space<vmem>>, vector<16xf32>,
      tpu.vector_store %arg9[%swap3A_521, %swap3A_522], %broadcast_in_dim3A_1 {strides = array<i32>} : memref<64x512xf32, #tpu.memory_space<vmem>>, vector<16xf32>,
      %swap3A_524 = arith.index_cast %scan3A_479 : i32 to index
      %swap3A_525 = arith.constant 240 : index
      %swap3A_526 = tpu.vector_load %arg9[%swap3A_524, %swap3A_525] {strides = array<i32>} : memref<64x512xf32, #tpu.memory_space<vmem>>, vector<16xf32>,
      tpu.vector_store %arg9[%swap3A_524, %swap3A_525], %broadcast_in_dim3A_1 {strides = array<i32>} : memref<64x512xf32, #tpu.memory_space<vmem>>, vector<16xf32>,
      %swap3A_527 = arith.index_cast %scan3A_479 : i32 to index
      %swap3A_528 = arith.constant 256 : index
      %swap3A_529 = tpu.vector_load %arg9[%swap3A_527, %swap3A_528] {strides = array<i32>} : memref<64x512xf32, #tpu.memory_space<vmem>>, vector<16xf32>,
      tpu.vector_store %arg9[%swap3A_527, %swap3A_528], %broadcast_in_dim3A_1 {strides = array<i32>} : memref<64x512xf32, #tpu.memory_space<vmem>>, vector<16xf32>,
      %swap3A_530 = arith.index_cast %scan3A_479 : i32 to index
      %swap3A_531 = arith.constant 272 : index
      %swap3A_532 = tpu.vector_load %arg9[%swap3A_530, %swap3A_531] {strides = array<i32>} : memref<64x512xf32, #tpu.memory_space<vmem>>, vector<16xf32>,
      tpu.vector_store %arg9[%swap3A_530, %swap3A_531], %broadcast_in_dim3A_1 {strides = array<i32>} : memref<64x512xf32, #tpu.memory_space<vmem>>, vector<16xf32>,
      %swap3A_533 = arith.index_cast %scan3A_479 : i32 to index
      %swap3A_534 = arith.constant 288 : index
      %swap3A_535 = tpu.vector_load %arg9[%swap3A_533, %swap3A_534] {strides = array<i32>} : memref<64x512xf32, #tpu.memory_space<vmem>>, vector<16xf32>,
      tpu.vector_store %arg9[%swap3A_533, %swap3A_534], %broadcast_in_dim3A_1 {strides = array<i32>} : memref<64x512xf32, #tpu.memory_space<vmem>>, vector<16xf32>,
      %swap3A_536 = arith.index_cast %scan3A_479 : i32 to index
      %swap3A_537 = arith.constant 304 : index
      %swap3A_538 = tpu.vector_load %arg9[%swap3A_536, %swap3A_537] {strides = array<i32>} : memref<64x512xf32, #tpu.memory_space<vmem>>, vector<16xf32>,
      tpu.vector_store %arg9[%swap3A_536, %swap3A_537], %broadcast_in_dim3A_1 {strides = array<i32>} : memref<64x512xf32, #tpu.memory_space<vmem>>, vector<16xf32>,
      %swap3A_539 = arith.index_cast %scan3A_479 : i32 to index
      %swap3A_540 = arith.constant 320 : index
      %swap3A_541 = tpu.vector_load %arg9[%swap3A_539, %swap3A_540] {strides = array<i32>} : memref<64x512xf32, #tpu.memory_space<vmem>>, vector<16xf32>,
      tpu.vector_store %arg9[%swap3A_539, %swap3A_540], %broadcast_in_dim3A_1 {strides = array<i32>} : memref<64x512xf32, #tpu.memory_space<vmem>>, vector<16xf32>,
      %swap3A_542 = arith.index_cast %scan3A_479 : i32 to index
      %swap3A_543 = arith.constant 336 : index
      %swap3A_544 = tpu.vector_load %arg9[%swap3A_542, %swap3A_543] {strides = array<i32>} : memref<64x512xf32, #tpu.memory_space<vmem>>, vector<16xf32>,
      tpu.vector_store %arg9[%swap3A_542, %swap3A_543], %broadcast_in_dim3A_1 {strides = array<i32>} : memref<64x512xf32, #tpu.memory_space<vmem>>, vector<16xf32>,
      %swap3A_545 = arith.index_cast %scan3A_479 : i32 to index
      %swap3A_546 = arith.constant 352 : index
      %swap3A_547 = tpu.vector_load %arg9[%swap3A_545, %swap3A_546] {strides = array<i32>} : memref<64x512xf32, #tpu.memory_space<vmem>>, vector<16xf32>,
      tpu.vector_store %arg9[%swap3A_545, %swap3A_546], %broadcast_in_dim3A_1 {strides = array<i32>} : memref<64x512xf32, #tpu.memory_space<vmem>>, vector<16xf32>,
      %swap3A_548 = arith.index_cast %scan3A_479 : i32 to index
      %swap3A_549 = arith.constant 368 : index
      %swap3A_550 = tpu.vector_load %arg9[%swap3A_548, %swap3A_549] {strides = array<i32>} : memref<64x512xf32, #tpu.memory_space<vmem>>, vector<16xf32>,
      tpu.vector_store %arg9[%swap3A_548, %swap3A_549], %broadcast_in_dim3A_1 {strides = array<i32>} : memref<64x512xf32, #tpu.memory_space<vmem>>, vector<16xf32>,
      %swap3A_551 = arith.index_cast %scan3A_479 : i32 to index
      %swap3A_552 = arith.constant 384 : index
      %swap3A_553 = tpu.vector_load %arg9[%swap3A_551, %swap3A_552] {strides = array<i32>} : memref<64x512xf32, #tpu.memory_space<vmem>>, vector<16xf32>,
      tpu.vector_store %arg9[%swap3A_551, %swap3A_552], %broadcast_in_dim3A_1 {strides = array<i32>} : memref<64x512xf32, #tpu.memory_space<vmem>>, vector<16xf32>,
      %swap3A_554 = arith.index_cast %scan3A_479 : i32 to index
      %swap3A_555 = arith.constant 400 : index
      %swap3A_556 = tpu.vector_load %arg9[%swap3A_554, %swap3A_555] {strides = array<i32>} : memref<64x512xf32, #tpu.memory_space<vmem>>, vector<16xf32>,
      tpu.vector_store %arg9[%swap3A_554, %swap3A_555], %broadcast_in_dim3A_1 {strides = array<i32>} : memref<64x512xf32, #tpu.memory_space<vmem>>, vector<16xf32>,
      %swap3A_557 = arith.index_cast %scan3A_479 : i32 to index
      %swap3A_558 = arith.constant 416 : index
      %swap3A_559 = tpu.vector_load %arg9[%swap3A_557, %swap3A_558] {strides = array<i32>} : memref<64x512xf32, #tpu.memory_space<vmem>>, vector<16xf32>,
      tpu.vector_store %arg9[%swap3A_557, %swap3A_558], %broadcast_in_dim3A_1 {strides = array<i32>} : memref<64x512xf32, #tpu.memory_space<vmem>>, vector<16xf32>,
      %swap3A_560 = arith.index_cast %scan3A_479 : i32 to index
      %swap3A_561 = arith.constant 432 : index
      %swap3A_562 = tpu.vector_load %arg9[%swap3A_560, %swap3A_561] {strides = array<i32>} : memref<64x512xf32, #tpu.memory_space<vmem>>, vector<16xf32>,
      tpu.vector_store %arg9[%swap3A_560, %swap3A_561], %broadcast_in_dim3A_1 {strides = array<i32>} : memref<64x512xf32, #tpu.memory_space<vmem>>, vector<16xf32>,
      %swap3A_563 = arith.index_cast %scan3A_479 : i32 to index
      %swap3A_564 = arith.constant 448 : index
      %swap3A_565 = tpu.vector_load %arg9[%swap3A_563, %swap3A_564] {strides = array<i32>} : memref<64x512xf32, #tpu.memory_space<vmem>>, vector<16xf32>,
      tpu.vector_store %arg9[%swap3A_563, %swap3A_564], %broadcast_in_dim3A_1 {strides = array<i32>} : memref<64x512xf32, #tpu.memory_space<vmem>>, vector<16xf32>,
      %swap3A_566 = arith.index_cast %scan3A_479 : i32 to index
      %swap3A_567 = arith.constant 464 : index
      %swap3A_568 = tpu.vector_load %arg9[%swap3A_566, %swap3A_567] {strides = array<i32>} : memref<64x512xf32, #tpu.memory_space<vmem>>, vector<16xf32>,
      tpu.vector_store %arg9[%swap3A_566, %swap3A_567], %broadcast_in_dim3A_1 {strides = array<i32>} : memref<64x512xf32, #tpu.memory_space<vmem>>, vector<16xf32>,
      %swap3A_569 = arith.index_cast %scan3A_479 : i32 to index
      %swap3A_570 = arith.constant 480 : index
      %swap3A_571 = tpu.vector_load %arg9[%swap3A_569, %swap3A_570] {strides = array<i32>} : memref<64x512xf32, #tpu.memory_space<vmem>>, vector<16xf32>,
      tpu.vector_store %arg9[%swap3A_569, %swap3A_570], %broadcast_in_dim3A_1 {strides = array<i32>} : memref<64x512xf32, #tpu.memory_space<vmem>>, vector<16xf32>,
      %swap3A_572 = arith.index_cast %scan3A_479 : i32 to index
      %swap3A_573 = arith.constant 496 : index
      %swap3A_574 = tpu.vector_load %arg9[%swap3A_572, %swap3A_573] {strides = array<i32>} : memref<64x512xf32, #tpu.memory_space<vmem>>, vector<16xf32>,
      tpu.vector_store %arg9[%swap3A_572, %swap3A_573], %broadcast_in_dim3A_1 {strides = array<i32>} : memref<64x512xf32, #tpu.memory_space<vmem>>, vector<16xf32>,
    }
    %scan3A_132 = arith.constant 64 : i32
    %dma_wait3A_133 = arith.constant 128 : i32
    %dma_wait3A_134 = arith.constant 0 : i32
    %dma_wait3A_135 = tpu.memref_slice %arg2[%add3A, %dma_wait3A_133, %dma_wait3A_134] : memref<32x512x32xi32, #tpu.memory_space<hbm>> -> memref<1x64x32xi32, #tpu.memory_space<hbm>>
    %dma_wait3A_136 = tpu.memref_squeeze %dma_wait3A_135 : memref<1x64x32xi32, #tpu.memory_space<hbm>> -> memref<64x32xi32, #tpu.memory_space<hbm>>
    %dma_wait3A_137 = arith.constant 128 : i32
    %dma_wait3A_138 = arith.constant 0 : i32
    %dma_wait3A_139 = tpu.memref_slice %arg2[%add3A, %dma_wait3A_137, %dma_wait3A_138] : memref<32x512x32xi32, #tpu.memory_space<hbm>> -> memref<1x64x32xi32, #tpu.memory_space<hbm>>
    %dma_wait3A_140 = tpu.memref_squeeze %dma_wait3A_139 : memref<1x64x32xi32, #tpu.memory_space<hbm>> -> memref<64x32xi32, #tpu.memory_space<hbm>>
    tpu.wait_dma2 semaphore(%arg13 : memref<!tpu.dma_semaphore, #tpu.memory_space<semaphore_mem>>) src(%dma_wait3A_140 : memref<64x32xi32, #tpu.memory_space<hbm>>) dst(%arg5 : memref<64x32xi32, #tpu.memory_space<vmem>>)
    %dma_wait3A_141 = arith.constant 128 : i32
    %dma_wait3A_142 = arith.constant 0 : i32
    %dma_wait3A_143 = tpu.memref_slice %arg3[%add3A, %dma_wait3A_141, %dma_wait3A_142] : memref<32x512x32xf32, #tpu.memory_space<hbm>> -> memref<1x64x32xf32, #tpu.memory_space<hbm>>
    %dma_wait3A_144 = tpu.memref_squeeze %dma_wait3A_143 : memref<1x64x32xf32, #tpu.memory_space<hbm>> -> memref<64x32xf32, #tpu.memory_space<hbm>>
    %dma_wait3A_145 = arith.constant 128 : i32
    %dma_wait3A_146 = arith.constant 0 : i32
    %dma_wait3A_147 = tpu.memref_slice %arg3[%add3A, %dma_wait3A_145, %dma_wait3A_146] : memref<32x512x32xf32, #tpu.memory_space<hbm>> -> memref<1x64x32xf32, #tpu.memory_space<hbm>>
    %dma_wait3A_148 = tpu.memref_squeeze %dma_wait3A_147 : memref<1x64x32xf32, #tpu.memory_space<hbm>> -> memref<64x32xf32, #tpu.memory_space<hbm>>
    tpu.wait_dma2 semaphore(%arg13 : memref<!tpu.dma_semaphore, #tpu.memory_space<semaphore_mem>>) src(%dma_wait3A_148 : memref<64x32xf32, #tpu.memory_space<hbm>>) dst(%arg7 : memref<64x32xf32, #tpu.memory_space<vmem>>)
    %dma_start3A_149 = arith.constant 192 : i32
    %dma_start3A_150 = arith.constant 0 : i32
    %dma_start3A_151 = tpu.memref_slice %arg2[%add3A, %dma_start3A_149, %dma_start3A_150] : memref<32x512x32xi32, #tpu.memory_space<hbm>> -> memref<1x64x32xi32, #tpu.memory_space<hbm>>
    %dma_start3A_152 = tpu.memref_squeeze %dma_start3A_151 : memref<1x64x32xi32, #tpu.memory_space<hbm>> -> memref<64x32xi32, #tpu.memory_space<hbm>>
    %dma_start3A_153 = arith.constant 192 : i32
    %dma_start3A_154 = arith.constant 0 : i32
    %dma_start3A_155 = tpu.memref_slice %arg2[%add3A, %dma_start3A_153, %dma_start3A_154] : memref<32x512x32xi32, #tpu.memory_space<hbm>> -> memref<1x64x32xi32, #tpu.memory_space<hbm>>
    %dma_start3A_156 = tpu.memref_squeeze %dma_start3A_155 : memref<1x64x32xi32, #tpu.memory_space<hbm>> -> memref<64x32xi32, #tpu.memory_space<hbm>>
    tpu.enqueue_dma source(%dma_start3A_156 : memref<64x32xi32, #tpu.memory_space<hbm>>) target(%arg6 : memref<64x32xi32, #tpu.memory_space<vmem>>) target_semaphore(%arg14 : memref<!tpu.dma_semaphore, #tpu.memory_space<semaphore_mem>>)
    %dma_start3A_157 = arith.constant 192 : i32
    %dma_start3A_158 = arith.constant 0 : i32
    %dma_start3A_159 = tpu.memref_slice %arg3[%add3A, %dma_start3A_157, %dma_start3A_158] : memref<32x512x32xf32, #tpu.memory_space<hbm>> -> memref<1x64x32xf32, #tpu.memory_space<hbm>>
    %dma_start3A_160 = tpu.memref_squeeze %dma_start3A_159 : memref<1x64x32xf32, #tpu.memory_space<hbm>> -> memref<64x32xf32, #tpu.memory_space<hbm>>
    %dma_start3A_161 = arith.constant 192 : i32
    %dma_start3A_162 = arith.constant 0 : i32
    %dma_start3A_163 = tpu.memref_slice %arg3[%add3A, %dma_start3A_161, %dma_start3A_162] : memref<32x512x32xf32, #tpu.memory_space<hbm>> -> memref<1x64x32xf32, #tpu.memory_space<hbm>>
    %dma_start3A_164 = tpu.memref_squeeze %dma_start3A_163 : memref<1x64x32xf32, #tpu.memory_space<hbm>> -> memref<64x32xf32, #tpu.memory_space<hbm>>
    tpu.enqueue_dma source(%dma_start3A_164 : memref<64x32xf32, #tpu.memory_space<hbm>>) target(%arg8 : memref<64x32xf32, #tpu.memory_space<vmem>>) target_semaphore(%arg14 : memref<!tpu.dma_semaphore, #tpu.memory_space<semaphore_mem>>)
    %scan3A_165 = arith.constant 0 : i32
    %scan3A_166 = arith.constant 0 : i32
    %scan3A_167 = arith.constant 64 : i32
    %scan3A_168 = arith.addi %scan3A_166, %scan3A_167 : i32
    %scan3A_169 = arith.constant 1 : i32
    scf.for %scan3A_479 = %scan3A_166 to %scan3A_168 step %scan3A_169  : i32 {
      %broadcast_in_dim3A_480 = vector.broadcast %scan3A_479 : i32 to vector<16xi32>
      %get3A = arith.index_cast %scan3A_479 : i32 to index
      %get3A_481 = arith.constant 0 : index
      %get3A_482 = tpu.vector_load %arg5[%get3A, %get3A_481] {strides = array<i32>} : memref<64x32xi32, #tpu.memory_space<vmem>>, vector<16xi32>,
      %get3A_483 = arith.index_cast %scan3A_479 : i32 to index
      %get3A_484 = arith.constant 0 : index
      %get3A_485 = tpu.vector_load %arg7[%get3A_483, %get3A_484] {strides = array<i32>} : memref<64x32xf32, #tpu.memory_space<vmem>>, vector<16xf32>,
      tpu.vector_store_idx %arg9[%broadcast_in_dim3A_480, %get3A_482], %get3A_485 {add = true} : memref<64x512xf32, #tpu.memory_space<vmem>>[vector<16xi32>, vector<16xi32>], vector<16xf32>,
      %get3A_486 = arith.index_cast %scan3A_479 : i32 to index
      %get3A_487 = arith.constant 16 : index
      %get3A_488 = tpu.vector_load %arg5[%get3A_486, %get3A_487] {strides = array<i32>} : memref<64x32xi32, #tpu.memory_space<vmem>>, vector<16xi32>,
      %get3A_489 = arith.index_cast %scan3A_479 : i32 to index
      %get3A_490 = arith.constant 16 : index
      %get3A_491 = tpu.vector_load %arg7[%get3A_489, %get3A_490] {strides = array<i32>} : memref<64x32xf32, #tpu.memory_space<vmem>>, vector<16xf32>,
      tpu.vector_store_idx %arg9[%broadcast_in_dim3A_480, %get3A_488], %get3A_491 {add = true} : memref<64x512xf32, #tpu.memory_space<vmem>>[vector<16xi32>, vector<16xi32>], vector<16xf32>,
    }
    %scan3A_170 = arith.constant 64 : i32
    %dma_start3A_171 = arith.constant 128 : i32
    %dma_start3A_172 = arith.constant 0 : i32
    %dma_start3A_173 = tpu.memref_slice %arg4[%add3A, %dma_start3A_171, %dma_start3A_172] : memref<32x512x512xf32, #tpu.memory_space<hbm>> -> memref<1x64x512xf32, #tpu.memory_space<hbm>>
    %dma_start3A_174 = tpu.memref_squeeze %dma_start3A_173 : memref<1x64x512xf32, #tpu.memory_space<hbm>> -> memref<64x512xf32, #tpu.memory_space<hbm>>
    %dma_start3A_175 = arith.constant 128 : i32
    %dma_start3A_176 = arith.constant 0 : i32
    %dma_start3A_177 = tpu.memref_slice %arg4[%add3A, %dma_start3A_175, %dma_start3A_176] : memref<32x512x512xf32, #tpu.memory_space<hbm>> -> memref<1x64x512xf32, #tpu.memory_space<hbm>>
    %dma_start3A_178 = tpu.memref_squeeze %dma_start3A_177 : memref<1x64x512xf32, #tpu.memory_space<hbm>> -> memref<64x512xf32, #tpu.memory_space<hbm>>
    tpu.enqueue_dma source(%arg9 : memref<64x512xf32, #tpu.memory_space<vmem>>) target(%dma_start3A_178 : memref<64x512xf32, #tpu.memory_space<hbm>>) target_semaphore(%arg11 : memref<!tpu.dma_semaphore, #tpu.memory_space<semaphore_mem>>)
    %dma_wait3A_179 = arith.constant 64 : i32
    %dma_wait3A_180 = arith.constant 0 : i32
    %dma_wait3A_181 = tpu.memref_slice %arg4[%add3A, %dma_wait3A_179, %dma_wait3A_180] : memref<32x512x512xf32, #tpu.memory_space<hbm>> -> memref<1x64x512xf32, #tpu.memory_space<hbm>>
    %dma_wait3A_182 = tpu.memref_squeeze %dma_wait3A_181 : memref<1x64x512xf32, #tpu.memory_space<hbm>> -> memref<64x512xf32, #tpu.memory_space<hbm>>
    %dma_wait3A_183 = arith.constant 64 : i32
    %dma_wait3A_184 = arith.constant 0 : i32
    %dma_wait3A_185 = tpu.memref_slice %arg4[%add3A, %dma_wait3A_183, %dma_wait3A_184] : memref<32x512x512xf32, #tpu.memory_space<hbm>> -> memref<1x64x512xf32, #tpu.memory_space<hbm>>
    %dma_wait3A_186 = tpu.memref_squeeze %dma_wait3A_185 : memref<1x64x512xf32, #tpu.memory_space<hbm>> -> memref<64x512xf32, #tpu.memory_space<hbm>>
    tpu.wait_dma2 semaphore(%arg12 : memref<!tpu.dma_semaphore, #tpu.memory_space<semaphore_mem>>) src(%arg10 : memref<64x512xf32, #tpu.memory_space<vmem>>) dst(%dma_wait3A_186 : memref<64x512xf32, #tpu.memory_space<hbm>>)
    %scan3A_187 = arith.constant 0 : i32
    %scan3A_188 = arith.constant 0 : i32
    %scan3A_189 = arith.constant 64 : i32
    %scan3A_190 = arith.addi %scan3A_188, %scan3A_189 : i32
    %scan3A_191 = arith.constant 1 : i32
    scf.for %scan3A_479 = %scan3A_188 to %scan3A_190 step %scan3A_191  : i32 {
      %swap3A = arith.index_cast %scan3A_479 : i32 to index
      %swap3A_480 = arith.constant 0 : index
      %swap3A_481 = tpu.vector_load %arg10[%swap3A, %swap3A_480] {strides = array<i32>} : memref<64x512xf32, #tpu.memory_space<vmem>>, vector<16xf32>,
      tpu.vector_store %arg10[%swap3A, %swap3A_480], %broadcast_in_dim3A_1 {strides = array<i32>} : memref<64x512xf32, #tpu.memory_space<vmem>>, vector<16xf32>,
      %swap3A_482 = arith.index_cast %scan3A_479 : i32 to index
      %swap3A_483 = arith.constant 16 : index
      %swap3A_484 = tpu.vector_load %arg10[%swap3A_482, %swap3A_483] {strides = array<i32>} : memref<64x512xf32, #tpu.memory_space<vmem>>, vector<16xf32>,
      tpu.vector_store %arg10[%swap3A_482, %swap3A_483], %broadcast_in_dim3A_1 {strides = array<i32>} : memref<64x512xf32, #tpu.memory_space<vmem>>, vector<16xf32>,
      %swap3A_485 = arith.index_cast %scan3A_479 : i32 to index
      %swap3A_486 = arith.constant 32 : index
      %swap3A_487 = tpu.vector_load %arg10[%swap3A_485, %swap3A_486] {strides = array<i32>} : memref<64x512xf32, #tpu.memory_space<vmem>>, vector<16xf32>,
      tpu.vector_store %arg10[%swap3A_485, %swap3A_486], %broadcast_in_dim3A_1 {strides = array<i32>} : memref<64x512xf32, #tpu.memory_space<vmem>>, vector<16xf32>,
      %swap3A_488 = arith.index_cast %scan3A_479 : i32 to index
      %swap3A_489 = arith.constant 48 : index
      %swap3A_490 = tpu.vector_load %arg10[%swap3A_488, %swap3A_489] {strides = array<i32>} : memref<64x512xf32, #tpu.memory_space<vmem>>, vector<16xf32>,
      tpu.vector_store %arg10[%swap3A_488, %swap3A_489], %broadcast_in_dim3A_1 {strides = array<i32>} : memref<64x512xf32, #tpu.memory_space<vmem>>, vector<16xf32>,
      %swap3A_491 = arith.index_cast %scan3A_479 : i32 to index
      %swap3A_492 = arith.constant 64 : index
      %swap3A_493 = tpu.vector_load %arg10[%swap3A_491, %swap3A_492] {strides = array<i32>} : memref<64x512xf32, #tpu.memory_space<vmem>>, vector<16xf32>,
      tpu.vector_store %arg10[%swap3A_491, %swap3A_492], %broadcast_in_dim3A_1 {strides = array<i32>} : memref<64x512xf32, #tpu.memory_space<vmem>>, vector<16xf32>,
      %swap3A_494 = arith.index_cast %scan3A_479 : i32 to index
      %swap3A_495 = arith.constant 80 : index
      %swap3A_496 = tpu.vector_load %arg10[%swap3A_494, %swap3A_495] {strides = array<i32>} : memref<64x512xf32, #tpu.memory_space<vmem>>, vector<16xf32>,
      tpu.vector_store %arg10[%swap3A_494, %swap3A_495], %broadcast_in_dim3A_1 {strides = array<i32>} : memref<64x512xf32, #tpu.memory_space<vmem>>, vector<16xf32>,
      %swap3A_497 = arith.index_cast %scan3A_479 : i32 to index
      %swap3A_498 = arith.constant 96 : index
      %swap3A_499 = tpu.vector_load %arg10[%swap3A_497, %swap3A_498] {strides = array<i32>} : memref<64x512xf32, #tpu.memory_space<vmem>>, vector<16xf32>,
      tpu.vector_store %arg10[%swap3A_497, %swap3A_498], %broadcast_in_dim3A_1 {strides = array<i32>} : memref<64x512xf32, #tpu.memory_space<vmem>>, vector<16xf32>,
      %swap3A_500 = arith.index_cast %scan3A_479 : i32 to index
      %swap3A_501 = arith.constant 112 : index
      %swap3A_502 = tpu.vector_load %arg10[%swap3A_500, %swap3A_501] {strides = array<i32>} : memref<64x512xf32, #tpu.memory_space<vmem>>, vector<16xf32>,
      tpu.vector_store %arg10[%swap3A_500, %swap3A_501], %broadcast_in_dim3A_1 {strides = array<i32>} : memref<64x512xf32, #tpu.memory_space<vmem>>, vector<16xf32>,
      %swap3A_503 = arith.index_cast %scan3A_479 : i32 to index
      %swap3A_504 = arith.constant 128 : index
      %swap3A_505 = tpu.vector_load %arg10[%swap3A_503, %swap3A_504] {strides = array<i32>} : memref<64x512xf32, #tpu.memory_space<vmem>>, vector<16xf32>,
      tpu.vector_store %arg10[%swap3A_503, %swap3A_504], %broadcast_in_dim3A_1 {strides = array<i32>} : memref<64x512xf32, #tpu.memory_space<vmem>>, vector<16xf32>,
      %swap3A_506 = arith.index_cast %scan3A_479 : i32 to index
      %swap3A_507 = arith.constant 144 : index
      %swap3A_508 = tpu.vector_load %arg10[%swap3A_506, %swap3A_507] {strides = array<i32>} : memref<64x512xf32, #tpu.memory_space<vmem>>, vector<16xf32>,
      tpu.vector_store %arg10[%swap3A_506, %swap3A_507], %broadcast_in_dim3A_1 {strides = array<i32>} : memref<64x512xf32, #tpu.memory_space<vmem>>, vector<16xf32>,
      %swap3A_509 = arith.index_cast %scan3A_479 : i32 to index
      %swap3A_510 = arith.constant 160 : index
      %swap3A_511 = tpu.vector_load %arg10[%swap3A_509, %swap3A_510] {strides = array<i32>} : memref<64x512xf32, #tpu.memory_space<vmem>>, vector<16xf32>,
      tpu.vector_store %arg10[%swap3A_509, %swap3A_510], %broadcast_in_dim3A_1 {strides = array<i32>} : memref<64x512xf32, #tpu.memory_space<vmem>>, vector<16xf32>,
      %swap3A_512 = arith.index_cast %scan3A_479 : i32 to index
      %swap3A_513 = arith.constant 176 : index
      %swap3A_514 = tpu.vector_load %arg10[%swap3A_512, %swap3A_513] {strides = array<i32>} : memref<64x512xf32, #tpu.memory_space<vmem>>, vector<16xf32>,
      tpu.vector_store %arg10[%swap3A_512, %swap3A_513], %broadcast_in_dim3A_1 {strides = array<i32>} : memref<64x512xf32, #tpu.memory_space<vmem>>, vector<16xf32>,
      %swap3A_515 = arith.index_cast %scan3A_479 : i32 to index
      %swap3A_516 = arith.constant 192 : index
      %swap3A_517 = tpu.vector_load %arg10[%swap3A_515, %swap3A_516] {strides = array<i32>} : memref<64x512xf32, #tpu.memory_space<vmem>>, vector<16xf32>,
      tpu.vector_store %arg10[%swap3A_515, %swap3A_516], %broadcast_in_dim3A_1 {strides = array<i32>} : memref<64x512xf32, #tpu.memory_space<vmem>>, vector<16xf32>,
      %swap3A_518 = arith.index_cast %scan3A_479 : i32 to index
      %swap3A_519 = arith.constant 208 : index
      %swap3A_520 = tpu.vector_load %arg10[%swap3A_518, %swap3A_519] {strides = array<i32>} : memref<64x512xf32, #tpu.memory_space<vmem>>, vector<16xf32>,
      tpu.vector_store %arg10[%swap3A_518, %swap3A_519], %broadcast_in_dim3A_1 {strides = array<i32>} : memref<64x512xf32, #tpu.memory_space<vmem>>, vector<16xf32>,
      %swap3A_521 = arith.index_cast %scan3A_479 : i32 to index
      %swap3A_522 = arith.constant 224 : index
      %swap3A_523 = tpu.vector_load %arg10[%swap3A_521, %swap3A_522] {strides = array<i32>} : memref<64x512xf32, #tpu.memory_space<vmem>>, vector<16xf32>,
      tpu.vector_store %arg10[%swap3A_521, %swap3A_522], %broadcast_in_dim3A_1 {strides = array<i32>} : memref<64x512xf32, #tpu.memory_space<vmem>>, vector<16xf32>,
      %swap3A_524 = arith.index_cast %scan3A_479 : i32 to index
      %swap3A_525 = arith.constant 240 : index
      %swap3A_526 = tpu.vector_load %arg10[%swap3A_524, %swap3A_525] {strides = array<i32>} : memref<64x512xf32, #tpu.memory_space<vmem>>, vector<16xf32>,
      tpu.vector_store %arg10[%swap3A_524, %swap3A_525], %broadcast_in_dim3A_1 {strides = array<i32>} : memref<64x512xf32, #tpu.memory_space<vmem>>, vector<16xf32>,
      %swap3A_527 = arith.index_cast %scan3A_479 : i32 to index
      %swap3A_528 = arith.constant 256 : index
      %swap3A_529 = tpu.vector_load %arg10[%swap3A_527, %swap3A_528] {strides = array<i32>} : memref<64x512xf32, #tpu.memory_space<vmem>>, vector<16xf32>,
      tpu.vector_store %arg10[%swap3A_527, %swap3A_528], %broadcast_in_dim3A_1 {strides = array<i32>} : memref<64x512xf32, #tpu.memory_space<vmem>>, vector<16xf32>,
      %swap3A_530 = arith.index_cast %scan3A_479 : i32 to index
      %swap3A_531 = arith.constant 272 : index
      %swap3A_532 = tpu.vector_load %arg10[%swap3A_530, %swap3A_531] {strides = array<i32>} : memref<64x512xf32, #tpu.memory_space<vmem>>, vector<16xf32>,
      tpu.vector_store %arg10[%swap3A_530, %swap3A_531], %broadcast_in_dim3A_1 {strides = array<i32>} : memref<64x512xf32, #tpu.memory_space<vmem>>, vector<16xf32>,
      %swap3A_533 = arith.index_cast %scan3A_479 : i32 to index
      %swap3A_534 = arith.constant 288 : index
      %swap3A_535 = tpu.vector_load %arg10[%swap3A_533, %swap3A_534] {strides = array<i32>} : memref<64x512xf32, #tpu.memory_space<vmem>>, vector<16xf32>,
      tpu.vector_store %arg10[%swap3A_533, %swap3A_534], %broadcast_in_dim3A_1 {strides = array<i32>} : memref<64x512xf32, #tpu.memory_space<vmem>>, vector<16xf32>,
      %swap3A_536 = arith.index_cast %scan3A_479 : i32 to index
      %swap3A_537 = arith.constant 304 : index
      %swap3A_538 = tpu.vector_load %arg10[%swap3A_536, %swap3A_537] {strides = array<i32>} : memref<64x512xf32, #tpu.memory_space<vmem>>, vector<16xf32>,
      tpu.vector_store %arg10[%swap3A_536, %swap3A_537], %broadcast_in_dim3A_1 {strides = array<i32>} : memref<64x512xf32, #tpu.memory_space<vmem>>, vector<16xf32>,
      %swap3A_539 = arith.index_cast %scan3A_479 : i32 to index
      %swap3A_540 = arith.constant 320 : index
      %swap3A_541 = tpu.vector_load %arg10[%swap3A_539, %swap3A_540] {strides = array<i32>} : memref<64x512xf32, #tpu.memory_space<vmem>>, vector<16xf32>,
      tpu.vector_store %arg10[%swap3A_539, %swap3A_540], %broadcast_in_dim3A_1 {strides = array<i32>} : memref<64x512xf32, #tpu.memory_space<vmem>>, vector<16xf32>,
      %swap3A_542 = arith.index_cast %scan3A_479 : i32 to index
      %swap3A_543 = arith.constant 336 : index
      %swap3A_544 = tpu.vector_load %arg10[%swap3A_542, %swap3A_543] {strides = array<i32>} : memref<64x512xf32, #tpu.memory_space<vmem>>, vector<16xf32>,
      tpu.vector_store %arg10[%swap3A_542, %swap3A_543], %broadcast_in_dim3A_1 {strides = array<i32>} : memref<64x512xf32, #tpu.memory_space<vmem>>, vector<16xf32>,
      %swap3A_545 = arith.index_cast %scan3A_479 : i32 to index
      %swap3A_546 = arith.constant 352 : index
      %swap3A_547 = tpu.vector_load %arg10[%swap3A_545, %swap3A_546] {strides = array<i32>} : memref<64x512xf32, #tpu.memory_space<vmem>>, vector<16xf32>,
      tpu.vector_store %arg10[%swap3A_545, %swap3A_546], %broadcast_in_dim3A_1 {strides = array<i32>} : memref<64x512xf32, #tpu.memory_space<vmem>>, vector<16xf32>,
      %swap3A_548 = arith.index_cast %scan3A_479 : i32 to index
      %swap3A_549 = arith.constant 368 : index
      %swap3A_550 = tpu.vector_load %arg10[%swap3A_548, %swap3A_549] {strides = array<i32>} : memref<64x512xf32, #tpu.memory_space<vmem>>, vector<16xf32>,
      tpu.vector_store %arg10[%swap3A_548, %swap3A_549], %broadcast_in_dim3A_1 {strides = array<i32>} : memref<64x512xf32, #tpu.memory_space<vmem>>, vector<16xf32>,
      %swap3A_551 = arith.index_cast %scan3A_479 : i32 to index
      %swap3A_552 = arith.constant 384 : index
      %swap3A_553 = tpu.vector_load %arg10[%swap3A_551, %swap3A_552] {strides = array<i32>} : memref<64x512xf32, #tpu.memory_space<vmem>>, vector<16xf32>,
      tpu.vector_store %arg10[%swap3A_551, %swap3A_552], %broadcast_in_dim3A_1 {strides = array<i32>} : memref<64x512xf32, #tpu.memory_space<vmem>>, vector<16xf32>,
      %swap3A_554 = arith.index_cast %scan3A_479 : i32 to index
      %swap3A_555 = arith.constant 400 : index
      %swap3A_556 = tpu.vector_load %arg10[%swap3A_554, %swap3A_555] {strides = array<i32>} : memref<64x512xf32, #tpu.memory_space<vmem>>, vector<16xf32>,
      tpu.vector_store %arg10[%swap3A_554, %swap3A_555], %broadcast_in_dim3A_1 {strides = array<i32>} : memref<64x512xf32, #tpu.memory_space<vmem>>, vector<16xf32>,
      %swap3A_557 = arith.index_cast %scan3A_479 : i32 to index
      %swap3A_558 = arith.constant 416 : index
      %swap3A_559 = tpu.vector_load %arg10[%swap3A_557, %swap3A_558] {strides = array<i32>} : memref<64x512xf32, #tpu.memory_space<vmem>>, vector<16xf32>,
      tpu.vector_store %arg10[%swap3A_557, %swap3A_558], %broadcast_in_dim3A_1 {strides = array<i32>} : memref<64x512xf32, #tpu.memory_space<vmem>>, vector<16xf32>,
      %swap3A_560 = arith.index_cast %scan3A_479 : i32 to index
      %swap3A_561 = arith.constant 432 : index
      %swap3A_562 = tpu.vector_load %arg10[%swap3A_560, %swap3A_561] {strides = array<i32>} : memref<64x512xf32, #tpu.memory_space<vmem>>, vector<16xf32>,
      tpu.vector_store %arg10[%swap3A_560, %swap3A_561], %broadcast_in_dim3A_1 {strides = array<i32>} : memref<64x512xf32, #tpu.memory_space<vmem>>, vector<16xf32>,
      %swap3A_563 = arith.index_cast %scan3A_479 : i32 to index
      %swap3A_564 = arith.constant 448 : index
      %swap3A_565 = tpu.vector_load %arg10[%swap3A_563, %swap3A_564] {strides = array<i32>} : memref<64x512xf32, #tpu.memory_space<vmem>>, vector<16xf32>,
      tpu.vector_store %arg10[%swap3A_563, %swap3A_564], %broadcast_in_dim3A_1 {strides = array<i32>} : memref<64x512xf32, #tpu.memory_space<vmem>>, vector<16xf32>,
      %swap3A_566 = arith.index_cast %scan3A_479 : i32 to index
      %swap3A_567 = arith.constant 464 : index
      %swap3A_568 = tpu.vector_load %arg10[%swap3A_566, %swap3A_567] {strides = array<i32>} : memref<64x512xf32, #tpu.memory_space<vmem>>, vector<16xf32>,
      tpu.vector_store %arg10[%swap3A_566, %swap3A_567], %broadcast_in_dim3A_1 {strides = array<i32>} : memref<64x512xf32, #tpu.memory_space<vmem>>, vector<16xf32>,
      %swap3A_569 = arith.index_cast %scan3A_479 : i32 to index
      %swap3A_570 = arith.constant 480 : index
      %swap3A_571 = tpu.vector_load %arg10[%swap3A_569, %swap3A_570] {strides = array<i32>} : memref<64x512xf32, #tpu.memory_space<vmem>>, vector<16xf32>,
      tpu.vector_store %arg10[%swap3A_569, %swap3A_570], %broadcast_in_dim3A_1 {strides = array<i32>} : memref<64x512xf32, #tpu.memory_space<vmem>>, vector<16xf32>,
      %swap3A_572 = arith.index_cast %scan3A_479 : i32 to index
      %swap3A_573 = arith.constant 496 : index
      %swap3A_574 = tpu.vector_load %arg10[%swap3A_572, %swap3A_573] {strides = array<i32>} : memref<64x512xf32, #tpu.memory_space<vmem>>, vector<16xf32>,
      tpu.vector_store %arg10[%swap3A_572, %swap3A_573], %broadcast_in_dim3A_1 {strides = array<i32>} : memref<64x512xf32, #tpu.memory_space<vmem>>, vector<16xf32>,
    }
    %scan3A_192 = arith.constant 64 : i32
    %dma_wait3A_193 = arith.constant 192 : i32
    %dma_wait3A_194 = arith.constant 0 : i32
    %dma_wait3A_195 = tpu.memref_slice %arg2[%add3A, %dma_wait3A_193, %dma_wait3A_194] : memref<32x512x32xi32, #tpu.memory_space<hbm>> -> memref<1x64x32xi32, #tpu.memory_space<hbm>>
    %dma_wait3A_196 = tpu.memref_squeeze %dma_wait3A_195 : memref<1x64x32xi32, #tpu.memory_space<hbm>> -> memref<64x32xi32, #tpu.memory_space<hbm>>
    %dma_wait3A_197 = arith.constant 192 : i32
    %dma_wait3A_198 = arith.constant 0 : i32
    %dma_wait3A_199 = tpu.memref_slice %arg2[%add3A, %dma_wait3A_197, %dma_wait3A_198] : memref<32x512x32xi32, #tpu.memory_space<hbm>> -> memref<1x64x32xi32, #tpu.memory_space<hbm>>
    %dma_wait3A_200 = tpu.memref_squeeze %dma_wait3A_199 : memref<1x64x32xi32, #tpu.memory_space<hbm>> -> memref<64x32xi32, #tpu.memory_space<hbm>>
    tpu.wait_dma2 semaphore(%arg14 : memref<!tpu.dma_semaphore, #tpu.memory_space<semaphore_mem>>) src(%dma_wait3A_200 : memref<64x32xi32, #tpu.memory_space<hbm>>) dst(%arg6 : memref<64x32xi32, #tpu.memory_space<vmem>>)
    %dma_wait3A_201 = arith.constant 192 : i32
    %dma_wait3A_202 = arith.constant 0 : i32
    %dma_wait3A_203 = tpu.memref_slice %arg3[%add3A, %dma_wait3A_201, %dma_wait3A_202] : memref<32x512x32xf32, #tpu.memory_space<hbm>> -> memref<1x64x32xf32, #tpu.memory_space<hbm>>
    %dma_wait3A_204 = tpu.memref_squeeze %dma_wait3A_203 : memref<1x64x32xf32, #tpu.memory_space<hbm>> -> memref<64x32xf32, #tpu.memory_space<hbm>>
    %dma_wait3A_205 = arith.constant 192 : i32
    %dma_wait3A_206 = arith.constant 0 : i32
    %dma_wait3A_207 = tpu.memref_slice %arg3[%add3A, %dma_wait3A_205, %dma_wait3A_206] : memref<32x512x32xf32, #tpu.memory_space<hbm>> -> memref<1x64x32xf32, #tpu.memory_space<hbm>>
    %dma_wait3A_208 = tpu.memref_squeeze %dma_wait3A_207 : memref<1x64x32xf32, #tpu.memory_space<hbm>> -> memref<64x32xf32, #tpu.memory_space<hbm>>
    tpu.wait_dma2 semaphore(%arg14 : memref<!tpu.dma_semaphore, #tpu.memory_space<semaphore_mem>>) src(%dma_wait3A_208 : memref<64x32xf32, #tpu.memory_space<hbm>>) dst(%arg8 : memref<64x32xf32, #tpu.memory_space<vmem>>)
    %dma_start3A_209 = arith.constant 256 : i32
    %dma_start3A_210 = arith.constant 0 : i32
    %dma_start3A_211 = tpu.memref_slice %arg2[%add3A, %dma_start3A_209, %dma_start3A_210] : memref<32x512x32xi32, #tpu.memory_space<hbm>> -> memref<1x64x32xi32, #tpu.memory_space<hbm>>
    %dma_start3A_212 = tpu.memref_squeeze %dma_start3A_211 : memref<1x64x32xi32, #tpu.memory_space<hbm>> -> memref<64x32xi32, #tpu.memory_space<hbm>>
    %dma_start3A_213 = arith.constant 256 : i32
    %dma_start3A_214 = arith.constant 0 : i32
    %dma_start3A_215 = tpu.memref_slice %arg2[%add3A, %dma_start3A_213, %dma_start3A_214] : memref<32x512x32xi32, #tpu.memory_space<hbm>> -> memref<1x64x32xi32, #tpu.memory_space<hbm>>
    %dma_start3A_216 = tpu.memref_squeeze %dma_start3A_215 : memref<1x64x32xi32, #tpu.memory_space<hbm>> -> memref<64x32xi32, #tpu.memory_space<hbm>>
    tpu.enqueue_dma source(%dma_start3A_216 : memref<64x32xi32, #tpu.memory_space<hbm>>) target(%arg5 : memref<64x32xi32, #tpu.memory_space<vmem>>) target_semaphore(%arg13 : memref<!tpu.dma_semaphore, #tpu.memory_space<semaphore_mem>>)
    %dma_start3A_217 = arith.constant 256 : i32
    %dma_start3A_218 = arith.constant 0 : i32
    %dma_start3A_219 = tpu.memref_slice %arg3[%add3A, %dma_start3A_217, %dma_start3A_218] : memref<32x512x32xf32, #tpu.memory_space<hbm>> -> memref<1x64x32xf32, #tpu.memory_space<hbm>>
    %dma_start3A_220 = tpu.memref_squeeze %dma_start3A_219 : memref<1x64x32xf32, #tpu.memory_space<hbm>> -> memref<64x32xf32, #tpu.memory_space<hbm>>
    %dma_start3A_221 = arith.constant 256 : i32
    %dma_start3A_222 = arith.constant 0 : i32
    %dma_start3A_223 = tpu.memref_slice %arg3[%add3A, %dma_start3A_221, %dma_start3A_222] : memref<32x512x32xf32, #tpu.memory_space<hbm>> -> memref<1x64x32xf32, #tpu.memory_space<hbm>>
    %dma_start3A_224 = tpu.memref_squeeze %dma_start3A_223 : memref<1x64x32xf32, #tpu.memory_space<hbm>> -> memref<64x32xf32, #tpu.memory_space<hbm>>
    tpu.enqueue_dma source(%dma_start3A_224 : memref<64x32xf32, #tpu.memory_space<hbm>>) target(%arg7 : memref<64x32xf32, #tpu.memory_space<vmem>>) target_semaphore(%arg13 : memref<!tpu.dma_semaphore, #tpu.memory_space<semaphore_mem>>)
    %scan3A_225 = arith.constant 0 : i32
    %scan3A_226 = arith.constant 0 : i32
    %scan3A_227 = arith.constant 64 : i32
    %scan3A_228 = arith.addi %scan3A_226, %scan3A_227 : i32
    %scan3A_229 = arith.constant 1 : i32
    scf.for %scan3A_479 = %scan3A_226 to %scan3A_228 step %scan3A_229  : i32 {
      %broadcast_in_dim3A_480 = vector.broadcast %scan3A_479 : i32 to vector<16xi32>
      %get3A = arith.index_cast %scan3A_479 : i32 to index
      %get3A_481 = arith.constant 0 : index
      %get3A_482 = tpu.vector_load %arg6[%get3A, %get3A_481] {strides = array<i32>} : memref<64x32xi32, #tpu.memory_space<vmem>>, vector<16xi32>,
      %get3A_483 = arith.index_cast %scan3A_479 : i32 to index
      %get3A_484 = arith.constant 0 : index
      %get3A_485 = tpu.vector_load %arg8[%get3A_483, %get3A_484] {strides = array<i32>} : memref<64x32xf32, #tpu.memory_space<vmem>>, vector<16xf32>,
      tpu.vector_store_idx %arg10[%broadcast_in_dim3A_480, %get3A_482], %get3A_485 {add = true} : memref<64x512xf32, #tpu.memory_space<vmem>>[vector<16xi32>, vector<16xi32>], vector<16xf32>,
      %get3A_486 = arith.index_cast %scan3A_479 : i32 to index
      %get3A_487 = arith.constant 16 : index
      %get3A_488 = tpu.vector_load %arg6[%get3A_486, %get3A_487] {strides = array<i32>} : memref<64x32xi32, #tpu.memory_space<vmem>>, vector<16xi32>,
      %get3A_489 = arith.index_cast %scan3A_479 : i32 to index
      %get3A_490 = arith.constant 16 : index
      %get3A_491 = tpu.vector_load %arg8[%get3A_489, %get3A_490] {strides = array<i32>} : memref<64x32xf32, #tpu.memory_space<vmem>>, vector<16xf32>,
      tpu.vector_store_idx %arg10[%broadcast_in_dim3A_480, %get3A_488], %get3A_491 {add = true} : memref<64x512xf32, #tpu.memory_space<vmem>>[vector<16xi32>, vector<16xi32>], vector<16xf32>,
    }
    %scan3A_230 = arith.constant 64 : i32
    %dma_start3A_231 = arith.constant 192 : i32
    %dma_start3A_232 = arith.constant 0 : i32
    %dma_start3A_233 = tpu.memref_slice %arg4[%add3A, %dma_start3A_231, %dma_start3A_232] : memref<32x512x512xf32, #tpu.memory_space<hbm>> -> memref<1x64x512xf32, #tpu.memory_space<hbm>>
    %dma_start3A_234 = tpu.memref_squeeze %dma_start3A_233 : memref<1x64x512xf32, #tpu.memory_space<hbm>> -> memref<64x512xf32, #tpu.memory_space<hbm>>
    %dma_start3A_235 = arith.constant 192 : i32
    %dma_start3A_236 = arith.constant 0 : i32
    %dma_start3A_237 = tpu.memref_slice %arg4[%add3A, %dma_start3A_235, %dma_start3A_236] : memref<32x512x512xf32, #tpu.memory_space<hbm>> -> memref<1x64x512xf32, #tpu.memory_space<hbm>>
    %dma_start3A_238 = tpu.memref_squeeze %dma_start3A_237 : memref<1x64x512xf32, #tpu.memory_space<hbm>> -> memref<64x512xf32, #tpu.memory_space<hbm>>
    tpu.enqueue_dma source(%arg10 : memref<64x512xf32, #tpu.memory_space<vmem>>) target(%dma_start3A_238 : memref<64x512xf32, #tpu.memory_space<hbm>>) target_semaphore(%arg12 : memref<!tpu.dma_semaphore, #tpu.memory_space<semaphore_mem>>)
    %dma_wait3A_239 = arith.constant 128 : i32
    %dma_wait3A_240 = arith.constant 0 : i32
    %dma_wait3A_241 = tpu.memref_slice %arg4[%add3A, %dma_wait3A_239, %dma_wait3A_240] : memref<32x512x512xf32, #tpu.memory_space<hbm>> -> memref<1x64x512xf32, #tpu.memory_space<hbm>>
    %dma_wait3A_242 = tpu.memref_squeeze %dma_wait3A_241 : memref<1x64x512xf32, #tpu.memory_space<hbm>> -> memref<64x512xf32, #tpu.memory_space<hbm>>
    %dma_wait3A_243 = arith.constant 128 : i32
    %dma_wait3A_244 = arith.constant 0 : i32
    %dma_wait3A_245 = tpu.memref_slice %arg4[%add3A, %dma_wait3A_243, %dma_wait3A_244] : memref<32x512x512xf32, #tpu.memory_space<hbm>> -> memref<1x64x512xf32, #tpu.memory_space<hbm>>
    %dma_wait3A_246 = tpu.memref_squeeze %dma_wait3A_245 : memref<1x64x512xf32, #tpu.memory_space<hbm>> -> memref<64x512xf32, #tpu.memory_space<hbm>>
    tpu.wait_dma2 semaphore(%arg11 : memref<!tpu.dma_semaphore, #tpu.memory_space<semaphore_mem>>) src(%arg9 : memref<64x512xf32, #tpu.memory_space<vmem>>) dst(%dma_wait3A_246 : memref<64x512xf32, #tpu.memory_space<hbm>>)
    %scan3A_247 = arith.constant 0 : i32
    %scan3A_248 = arith.constant 0 : i32
    %scan3A_249 = arith.constant 64 : i32
    %scan3A_250 = arith.addi %scan3A_248, %scan3A_249 : i32
    %scan3A_251 = arith.constant 1 : i32
    scf.for %scan3A_479 = %scan3A_248 to %scan3A_250 step %scan3A_251  : i32 {
      %swap3A = arith.index_cast %scan3A_479 : i32 to index
      %swap3A_480 = arith.constant 0 : index
      %swap3A_481 = tpu.vector_load %arg9[%swap3A, %swap3A_480] {strides = array<i32>} : memref<64x512xf32, #tpu.memory_space<vmem>>, vector<16xf32>,
      tpu.vector_store %arg9[%swap3A, %swap3A_480], %broadcast_in_dim3A_1 {strides = array<i32>} : memref<64x512xf32, #tpu.memory_space<vmem>>, vector<16xf32>,
      %swap3A_482 = arith.index_cast %scan3A_479 : i32 to index
      %swap3A_483 = arith.constant 16 : index
      %swap3A_484 = tpu.vector_load %arg9[%swap3A_482, %swap3A_483] {strides = array<i32>} : memref<64x512xf32, #tpu.memory_space<vmem>>, vector<16xf32>,
      tpu.vector_store %arg9[%swap3A_482, %swap3A_483], %broadcast_in_dim3A_1 {strides = array<i32>} : memref<64x512xf32, #tpu.memory_space<vmem>>, vector<16xf32>,
      %swap3A_485 = arith.index_cast %scan3A_479 : i32 to index
      %swap3A_486 = arith.constant 32 : index
      %swap3A_487 = tpu.vector_load %arg9[%swap3A_485, %swap3A_486] {strides = array<i32>} : memref<64x512xf32, #tpu.memory_space<vmem>>, vector<16xf32>,
      tpu.vector_store %arg9[%swap3A_485, %swap3A_486], %broadcast_in_dim3A_1 {strides = array<i32>} : memref<64x512xf32, #tpu.memory_space<vmem>>, vector<16xf32>,
      %swap3A_488 = arith.index_cast %scan3A_479 : i32 to index
      %swap3A_489 = arith.constant 48 : index
      %swap3A_490 = tpu.vector_load %arg9[%swap3A_488, %swap3A_489] {strides = array<i32>} : memref<64x512xf32, #tpu.memory_space<vmem>>, vector<16xf32>,
      tpu.vector_store %arg9[%swap3A_488, %swap3A_489], %broadcast_in_dim3A_1 {strides = array<i32>} : memref<64x512xf32, #tpu.memory_space<vmem>>, vector<16xf32>,
      %swap3A_491 = arith.index_cast %scan3A_479 : i32 to index
      %swap3A_492 = arith.constant 64 : index
      %swap3A_493 = tpu.vector_load %arg9[%swap3A_491, %swap3A_492] {strides = array<i32>} : memref<64x512xf32, #tpu.memory_space<vmem>>, vector<16xf32>,
      tpu.vector_store %arg9[%swap3A_491, %swap3A_492], %broadcast_in_dim3A_1 {strides = array<i32>} : memref<64x512xf32, #tpu.memory_space<vmem>>, vector<16xf32>,
      %swap3A_494 = arith.index_cast %scan3A_479 : i32 to index
      %swap3A_495 = arith.constant 80 : index
      %swap3A_496 = tpu.vector_load %arg9[%swap3A_494, %swap3A_495] {strides = array<i32>} : memref<64x512xf32, #tpu.memory_space<vmem>>, vector<16xf32>,
      tpu.vector_store %arg9[%swap3A_494, %swap3A_495], %broadcast_in_dim3A_1 {strides = array<i32>} : memref<64x512xf32, #tpu.memory_space<vmem>>, vector<16xf32>,
      %swap3A_497 = arith.index_cast %scan3A_479 : i32 to index
      %swap3A_498 = arith.constant 96 : index
      %swap3A_499 = tpu.vector_load %arg9[%swap3A_497, %swap3A_498] {strides = array<i32>} : memref<64x512xf32, #tpu.memory_space<vmem>>, vector<16xf32>,
      tpu.vector_store %arg9[%swap3A_497, %swap3A_498], %broadcast_in_dim3A_1 {strides = array<i32>} : memref<64x512xf32, #tpu.memory_space<vmem>>, vector<16xf32>,
      %swap3A_500 = arith.index_cast %scan3A_479 : i32 to index
      %swap3A_501 = arith.constant 112 : index
      %swap3A_502 = tpu.vector_load %arg9[%swap3A_500, %swap3A_501] {strides = array<i32>} : memref<64x512xf32, #tpu.memory_space<vmem>>, vector<16xf32>,
      tpu.vector_store %arg9[%swap3A_500, %swap3A_501], %broadcast_in_dim3A_1 {strides = array<i32>} : memref<64x512xf32, #tpu.memory_space<vmem>>, vector<16xf32>,
      %swap3A_503 = arith.index_cast %scan3A_479 : i32 to index
      %swap3A_504 = arith.constant 128 : index
      %swap3A_505 = tpu.vector_load %arg9[%swap3A_503, %swap3A_504] {strides = array<i32>} : memref<64x512xf32, #tpu.memory_space<vmem>>, vector<16xf32>,
      tpu.vector_store %arg9[%swap3A_503, %swap3A_504], %broadcast_in_dim3A_1 {strides = array<i32>} : memref<64x512xf32, #tpu.memory_space<vmem>>, vector<16xf32>,
      %swap3A_506 = arith.index_cast %scan3A_479 : i32 to index
      %swap3A_507 = arith.constant 144 : index
      %swap3A_508 = tpu.vector_load %arg9[%swap3A_506, %swap3A_507] {strides = array<i32>} : memref<64x512xf32, #tpu.memory_space<vmem>>, vector<16xf32>,
      tpu.vector_store %arg9[%swap3A_506, %swap3A_507], %broadcast_in_dim3A_1 {strides = array<i32>} : memref<64x512xf32, #tpu.memory_space<vmem>>, vector<16xf32>,
      %swap3A_509 = arith.index_cast %scan3A_479 : i32 to index
      %swap3A_510 = arith.constant 160 : index
      %swap3A_511 = tpu.vector_load %arg9[%swap3A_509, %swap3A_510] {strides = array<i32>} : memref<64x512xf32, #tpu.memory_space<vmem>>, vector<16xf32>,
      tpu.vector_store %arg9[%swap3A_509, %swap3A_510], %broadcast_in_dim3A_1 {strides = array<i32>} : memref<64x512xf32, #tpu.memory_space<vmem>>, vector<16xf32>,
      %swap3A_512 = arith.index_cast %scan3A_479 : i32 to index
      %swap3A_513 = arith.constant 176 : index
      %swap3A_514 = tpu.vector_load %arg9[%swap3A_512, %swap3A_513] {strides = array<i32>} : memref<64x512xf32, #tpu.memory_space<vmem>>, vector<16xf32>,
      tpu.vector_store %arg9[%swap3A_512, %swap3A_513], %broadcast_in_dim3A_1 {strides = array<i32>} : memref<64x512xf32, #tpu.memory_space<vmem>>, vector<16xf32>,
      %swap3A_515 = arith.index_cast %scan3A_479 : i32 to index
      %swap3A_516 = arith.constant 192 : index
      %swap3A_517 = tpu.vector_load %arg9[%swap3A_515, %swap3A_516] {strides = array<i32>} : memref<64x512xf32, #tpu.memory_space<vmem>>, vector<16xf32>,
      tpu.vector_store %arg9[%swap3A_515, %swap3A_516], %broadcast_in_dim3A_1 {strides = array<i32>} : memref<64x512xf32, #tpu.memory_space<vmem>>, vector<16xf32>,
      %swap3A_518 = arith.index_cast %scan3A_479 : i32 to index
      %swap3A_519 = arith.constant 208 : index
      %swap3A_520 = tpu.vector_load %arg9[%swap3A_518, %swap3A_519] {strides = array<i32>} : memref<64x512xf32, #tpu.memory_space<vmem>>, vector<16xf32>,
      tpu.vector_store %arg9[%swap3A_518, %swap3A_519], %broadcast_in_dim3A_1 {strides = array<i32>} : memref<64x512xf32, #tpu.memory_space<vmem>>, vector<16xf32>,
      %swap3A_521 = arith.index_cast %scan3A_479 : i32 to index
      %swap3A_522 = arith.constant 224 : index
      %swap3A_523 = tpu.vector_load %arg9[%swap3A_521, %swap3A_522] {strides = array<i32>} : memref<64x512xf32, #tpu.memory_space<vmem>>, vector<16xf32>,
      tpu.vector_store %arg9[%swap3A_521, %swap3A_522], %broadcast_in_dim3A_1 {strides = array<i32>} : memref<64x512xf32, #tpu.memory_space<vmem>>, vector<16xf32>,
      %swap3A_524 = arith.index_cast %scan3A_479 : i32 to index
      %swap3A_525 = arith.constant 240 : index
      %swap3A_526 = tpu.vector_load %arg9[%swap3A_524, %swap3A_525] {strides = array<i32>} : memref<64x512xf32, #tpu.memory_space<vmem>>, vector<16xf32>,
      tpu.vector_store %arg9[%swap3A_524, %swap3A_525], %broadcast_in_dim3A_1 {strides = array<i32>} : memref<64x512xf32, #tpu.memory_space<vmem>>, vector<16xf32>,
      %swap3A_527 = arith.index_cast %scan3A_479 : i32 to index
      %swap3A_528 = arith.constant 256 : index
      %swap3A_529 = tpu.vector_load %arg9[%swap3A_527, %swap3A_528] {strides = array<i32>} : memref<64x512xf32, #tpu.memory_space<vmem>>, vector<16xf32>,
      tpu.vector_store %arg9[%swap3A_527, %swap3A_528], %broadcast_in_dim3A_1 {strides = array<i32>} : memref<64x512xf32, #tpu.memory_space<vmem>>, vector<16xf32>,
      %swap3A_530 = arith.index_cast %scan3A_479 : i32 to index
      %swap3A_531 = arith.constant 272 : index
      %swap3A_532 = tpu.vector_load %arg9[%swap3A_530, %swap3A_531] {strides = array<i32>} : memref<64x512xf32, #tpu.memory_space<vmem>>, vector<16xf32>,
      tpu.vector_store %arg9[%swap3A_530, %swap3A_531], %broadcast_in_dim3A_1 {strides = array<i32>} : memref<64x512xf32, #tpu.memory_space<vmem>>, vector<16xf32>,
      %swap3A_533 = arith.index_cast %scan3A_479 : i32 to index
      %swap3A_534 = arith.constant 288 : index
      %swap3A_535 = tpu.vector_load %arg9[%swap3A_533, %swap3A_534] {strides = array<i32>} : memref<64x512xf32, #tpu.memory_space<vmem>>, vector<16xf32>,
      tpu.vector_store %arg9[%swap3A_533, %swap3A_534], %broadcast_in_dim3A_1 {strides = array<i32>} : memref<64x512xf32, #tpu.memory_space<vmem>>, vector<16xf32>,
      %swap3A_536 = arith.index_cast %scan3A_479 : i32 to index
      %swap3A_537 = arith.constant 304 : index
      %swap3A_538 = tpu.vector_load %arg9[%swap3A_536, %swap3A_537] {strides = array<i32>} : memref<64x512xf32, #tpu.memory_space<vmem>>, vector<16xf32>,
      tpu.vector_store %arg9[%swap3A_536, %swap3A_537], %broadcast_in_dim3A_1 {strides = array<i32>} : memref<64x512xf32, #tpu.memory_space<vmem>>, vector<16xf32>,
      %swap3A_539 = arith.index_cast %scan3A_479 : i32 to index
      %swap3A_540 = arith.constant 320 : index
      %swap3A_541 = tpu.vector_load %arg9[%swap3A_539, %swap3A_540] {strides = array<i32>} : memref<64x512xf32, #tpu.memory_space<vmem>>, vector<16xf32>,
      tpu.vector_store %arg9[%swap3A_539, %swap3A_540], %broadcast_in_dim3A_1 {strides = array<i32>} : memref<64x512xf32, #tpu.memory_space<vmem>>, vector<16xf32>,
      %swap3A_542 = arith.index_cast %scan3A_479 : i32 to index
      %swap3A_543 = arith.constant 336 : index
      %swap3A_544 = tpu.vector_load %arg9[%swap3A_542, %swap3A_543] {strides = array<i32>} : memref<64x512xf32, #tpu.memory_space<vmem>>, vector<16xf32>,
      tpu.vector_store %arg9[%swap3A_542, %swap3A_543], %broadcast_in_dim3A_1 {strides = array<i32>} : memref<64x512xf32, #tpu.memory_space<vmem>>, vector<16xf32>,
      %swap3A_545 = arith.index_cast %scan3A_479 : i32 to index
      %swap3A_546 = arith.constant 352 : index
      %swap3A_547 = tpu.vector_load %arg9[%swap3A_545, %swap3A_546] {strides = array<i32>} : memref<64x512xf32, #tpu.memory_space<vmem>>, vector<16xf32>,
      tpu.vector_store %arg9[%swap3A_545, %swap3A_546], %broadcast_in_dim3A_1 {strides = array<i32>} : memref<64x512xf32, #tpu.memory_space<vmem>>, vector<16xf32>,
      %swap3A_548 = arith.index_cast %scan3A_479 : i32 to index
      %swap3A_549 = arith.constant 368 : index
      %swap3A_550 = tpu.vector_load %arg9[%swap3A_548, %swap3A_549] {strides = array<i32>} : memref<64x512xf32, #tpu.memory_space<vmem>>, vector<16xf32>,
      tpu.vector_store %arg9[%swap3A_548, %swap3A_549], %broadcast_in_dim3A_1 {strides = array<i32>} : memref<64x512xf32, #tpu.memory_space<vmem>>, vector<16xf32>,
      %swap3A_551 = arith.index_cast %scan3A_479 : i32 to index
      %swap3A_552 = arith.constant 384 : index
      %swap3A_553 = tpu.vector_load %arg9[%swap3A_551, %swap3A_552] {strides = array<i32>} : memref<64x512xf32, #tpu.memory_space<vmem>>, vector<16xf32>,
      tpu.vector_store %arg9[%swap3A_551, %swap3A_552], %broadcast_in_dim3A_1 {strides = array<i32>} : memref<64x512xf32, #tpu.memory_space<vmem>>, vector<16xf32>,
      %swap3A_554 = arith.index_cast %scan3A_479 : i32 to index
      %swap3A_555 = arith.constant 400 : index
      %swap3A_556 = tpu.vector_load %arg9[%swap3A_554, %swap3A_555] {strides = array<i32>} : memref<64x512xf32, #tpu.memory_space<vmem>>, vector<16xf32>,
      tpu.vector_store %arg9[%swap3A_554, %swap3A_555], %broadcast_in_dim3A_1 {strides = array<i32>} : memref<64x512xf32, #tpu.memory_space<vmem>>, vector<16xf32>,
      %swap3A_557 = arith.index_cast %scan3A_479 : i32 to index
      %swap3A_558 = arith.constant 416 : index
      %swap3A_559 = tpu.vector_load %arg9[%swap3A_557, %swap3A_558] {strides = array<i32>} : memref<64x512xf32, #tpu.memory_space<vmem>>, vector<16xf32>,
      tpu.vector_store %arg9[%swap3A_557, %swap3A_558], %broadcast_in_dim3A_1 {strides = array<i32>} : memref<64x512xf32, #tpu.memory_space<vmem>>, vector<16xf32>,
      %swap3A_560 = arith.index_cast %scan3A_479 : i32 to index
      %swap3A_561 = arith.constant 432 : index
      %swap3A_562 = tpu.vector_load %arg9[%swap3A_560, %swap3A_561] {strides = array<i32>} : memref<64x512xf32, #tpu.memory_space<vmem>>, vector<16xf32>,
      tpu.vector_store %arg9[%swap3A_560, %swap3A_561], %broadcast_in_dim3A_1 {strides = array<i32>} : memref<64x512xf32, #tpu.memory_space<vmem>>, vector<16xf32>,
      %swap3A_563 = arith.index_cast %scan3A_479 : i32 to index
      %swap3A_564 = arith.constant 448 : index
      %swap3A_565 = tpu.vector_load %arg9[%swap3A_563, %swap3A_564] {strides = array<i32>} : memref<64x512xf32, #tpu.memory_space<vmem>>, vector<16xf32>,
      tpu.vector_store %arg9[%swap3A_563, %swap3A_564], %broadcast_in_dim3A_1 {strides = array<i32>} : memref<64x512xf32, #tpu.memory_space<vmem>>, vector<16xf32>,
      %swap3A_566 = arith.index_cast %scan3A_479 : i32 to index
      %swap3A_567 = arith.constant 464 : index
      %swap3A_568 = tpu.vector_load %arg9[%swap3A_566, %swap3A_567] {strides = array<i32>} : memref<64x512xf32, #tpu.memory_space<vmem>>, vector<16xf32>,
      tpu.vector_store %arg9[%swap3A_566, %swap3A_567], %broadcast_in_dim3A_1 {strides = array<i32>} : memref<64x512xf32, #tpu.memory_space<vmem>>, vector<16xf32>,
      %swap3A_569 = arith.index_cast %scan3A_479 : i32 to index
      %swap3A_570 = arith.constant 480 : index
      %swap3A_571 = tpu.vector_load %arg9[%swap3A_569, %swap3A_570] {strides = array<i32>} : memref<64x512xf32, #tpu.memory_space<vmem>>, vector<16xf32>,
      tpu.vector_store %arg9[%swap3A_569, %swap3A_570], %broadcast_in_dim3A_1 {strides = array<i32>} : memref<64x512xf32, #tpu.memory_space<vmem>>, vector<16xf32>,
      %swap3A_572 = arith.index_cast %scan3A_479 : i32 to index
      %swap3A_573 = arith.constant 496 : index
      %swap3A_574 = tpu.vector_load %arg9[%swap3A_572, %swap3A_573] {strides = array<i32>} : memref<64x512xf32, #tpu.memory_space<vmem>>, vector<16xf32>,
      tpu.vector_store %arg9[%swap3A_572, %swap3A_573], %broadcast_in_dim3A_1 {strides = array<i32>} : memref<64x512xf32, #tpu.memory_space<vmem>>, vector<16xf32>,
    }
    %scan3A_252 = arith.constant 64 : i32
    %dma_wait3A_253 = arith.constant 256 : i32
    %dma_wait3A_254 = arith.constant 0 : i32
    %dma_wait3A_255 = tpu.memref_slice %arg2[%add3A, %dma_wait3A_253, %dma_wait3A_254] : memref<32x512x32xi32, #tpu.memory_space<hbm>> -> memref<1x64x32xi32, #tpu.memory_space<hbm>>
    %dma_wait3A_256 = tpu.memref_squeeze %dma_wait3A_255 : memref<1x64x32xi32, #tpu.memory_space<hbm>> -> memref<64x32xi32, #tpu.memory_space<hbm>>
    %dma_wait3A_257 = arith.constant 256 : i32
    %dma_wait3A_258 = arith.constant 0 : i32
    %dma_wait3A_259 = tpu.memref_slice %arg2[%add3A, %dma_wait3A_257, %dma_wait3A_258] : memref<32x512x32xi32, #tpu.memory_space<hbm>> -> memref<1x64x32xi32, #tpu.memory_space<hbm>>
    %dma_wait3A_260 = tpu.memref_squeeze %dma_wait3A_259 : memref<1x64x32xi32, #tpu.memory_space<hbm>> -> memref<64x32xi32, #tpu.memory_space<hbm>>
    tpu.wait_dma2 semaphore(%arg13 : memref<!tpu.dma_semaphore, #tpu.memory_space<semaphore_mem>>) src(%dma_wait3A_260 : memref<64x32xi32, #tpu.memory_space<hbm>>) dst(%arg5 : memref<64x32xi32, #tpu.memory_space<vmem>>)
    %dma_wait3A_261 = arith.constant 256 : i32
    %dma_wait3A_262 = arith.constant 0 : i32
    %dma_wait3A_263 = tpu.memref_slice %arg3[%add3A, %dma_wait3A_261, %dma_wait3A_262] : memref<32x512x32xf32, #tpu.memory_space<hbm>> -> memref<1x64x32xf32, #tpu.memory_space<hbm>>
    %dma_wait3A_264 = tpu.memref_squeeze %dma_wait3A_263 : memref<1x64x32xf32, #tpu.memory_space<hbm>> -> memref<64x32xf32, #tpu.memory_space<hbm>>
    %dma_wait3A_265 = arith.constant 256 : i32
    %dma_wait3A_266 = arith.constant 0 : i32
    %dma_wait3A_267 = tpu.memref_slice %arg3[%add3A, %dma_wait3A_265, %dma_wait3A_266] : memref<32x512x32xf32, #tpu.memory_space<hbm>> -> memref<1x64x32xf32, #tpu.memory_space<hbm>>
    %dma_wait3A_268 = tpu.memref_squeeze %dma_wait3A_267 : memref<1x64x32xf32, #tpu.memory_space<hbm>> -> memref<64x32xf32, #tpu.memory_space<hbm>>
    tpu.wait_dma2 semaphore(%arg13 : memref<!tpu.dma_semaphore, #tpu.memory_space<semaphore_mem>>) src(%dma_wait3A_268 : memref<64x32xf32, #tpu.memory_space<hbm>>) dst(%arg7 : memref<64x32xf32, #tpu.memory_space<vmem>>)
    %dma_start3A_269 = arith.constant 320 : i32
    %dma_start3A_270 = arith.constant 0 : i32
    %dma_start3A_271 = tpu.memref_slice %arg2[%add3A, %dma_start3A_269, %dma_start3A_270] : memref<32x512x32xi32, #tpu.memory_space<hbm>> -> memref<1x64x32xi32, #tpu.memory_space<hbm>>
    %dma_start3A_272 = tpu.memref_squeeze %dma_start3A_271 : memref<1x64x32xi32, #tpu.memory_space<hbm>> -> memref<64x32xi32, #tpu.memory_space<hbm>>
    %dma_start3A_273 = arith.constant 320 : i32
    %dma_start3A_274 = arith.constant 0 : i32
    %dma_start3A_275 = tpu.memref_slice %arg2[%add3A, %dma_start3A_273, %dma_start3A_274] : memref<32x512x32xi32, #tpu.memory_space<hbm>> -> memref<1x64x32xi32, #tpu.memory_space<hbm>>
    %dma_start3A_276 = tpu.memref_squeeze %dma_start3A_275 : memref<1x64x32xi32, #tpu.memory_space<hbm>> -> memref<64x32xi32, #tpu.memory_space<hbm>>
    tpu.enqueue_dma source(%dma_start3A_276 : memref<64x32xi32, #tpu.memory_space<hbm>>) target(%arg6 : memref<64x32xi32, #tpu.memory_space<vmem>>) target_semaphore(%arg14 : memref<!tpu.dma_semaphore, #tpu.memory_space<semaphore_mem>>)
    %dma_start3A_277 = arith.constant 320 : i32
    %dma_start3A_278 = arith.constant 0 : i32
    %dma_start3A_279 = tpu.memref_slice %arg3[%add3A, %dma_start3A_277, %dma_start3A_278] : memref<32x512x32xf32, #tpu.memory_space<hbm>> -> memref<1x64x32xf32, #tpu.memory_space<hbm>>
    %dma_start3A_280 = tpu.memref_squeeze %dma_start3A_279 : memref<1x64x32xf32, #tpu.memory_space<hbm>> -> memref<64x32xf32, #tpu.memory_space<hbm>>
    %dma_start3A_281 = arith.constant 320 : i32
    %dma_start3A_282 = arith.constant 0 : i32
    %dma_start3A_283 = tpu.memref_slice %arg3[%add3A, %dma_start3A_281, %dma_start3A_282] : memref<32x512x32xf32, #tpu.memory_space<hbm>> -> memref<1x64x32xf32, #tpu.memory_space<hbm>>
    %dma_start3A_284 = tpu.memref_squeeze %dma_start3A_283 : memref<1x64x32xf32, #tpu.memory_space<hbm>> -> memref<64x32xf32, #tpu.memory_space<hbm>>
    tpu.enqueue_dma source(%dma_start3A_284 : memref<64x32xf32, #tpu.memory_space<hbm>>) target(%arg8 : memref<64x32xf32, #tpu.memory_space<vmem>>) target_semaphore(%arg14 : memref<!tpu.dma_semaphore, #tpu.memory_space<semaphore_mem>>)
    %scan3A_285 = arith.constant 0 : i32
    %scan3A_286 = arith.constant 0 : i32
    %scan3A_287 = arith.constant 64 : i32
    %scan3A_288 = arith.addi %scan3A_286, %scan3A_287 : i32
    %scan3A_289 = arith.constant 1 : i32
    scf.for %scan3A_479 = %scan3A_286 to %scan3A_288 step %scan3A_289  : i32 {
      %broadcast_in_dim3A_480 = vector.broadcast %scan3A_479 : i32 to vector<16xi32>
      %get3A = arith.index_cast %scan3A_479 : i32 to index
      %get3A_481 = arith.constant 0 : index
      %get3A_482 = tpu.vector_load %arg5[%get3A, %get3A_481] {strides = array<i32>} : memref<64x32xi32, #tpu.memory_space<vmem>>, vector<16xi32>,
      %get3A_483 = arith.index_cast %scan3A_479 : i32 to index
      %get3A_484 = arith.constant 0 : index
      %get3A_485 = tpu.vector_load %arg7[%get3A_483, %get3A_484] {strides = array<i32>} : memref<64x32xf32, #tpu.memory_space<vmem>>, vector<16xf32>,
      tpu.vector_store_idx %arg9[%broadcast_in_dim3A_480, %get3A_482], %get3A_485 {add = true} : memref<64x512xf32, #tpu.memory_space<vmem>>[vector<16xi32>, vector<16xi32>], vector<16xf32>,
      %get3A_486 = arith.index_cast %scan3A_479 : i32 to index
      %get3A_487 = arith.constant 16 : index
      %get3A_488 = tpu.vector_load %arg5[%get3A_486, %get3A_487] {strides = array<i32>} : memref<64x32xi32, #tpu.memory_space<vmem>>, vector<16xi32>,
      %get3A_489 = arith.index_cast %scan3A_479 : i32 to index
      %get3A_490 = arith.constant 16 : index
      %get3A_491 = tpu.vector_load %arg7[%get3A_489, %get3A_490] {strides = array<i32>} : memref<64x32xf32, #tpu.memory_space<vmem>>, vector<16xf32>,
      tpu.vector_store_idx %arg9[%broadcast_in_dim3A_480, %get3A_488], %get3A_491 {add = true} : memref<64x512xf32, #tpu.memory_space<vmem>>[vector<16xi32>, vector<16xi32>], vector<16xf32>,
    }
    %scan3A_290 = arith.constant 64 : i32
    %dma_start3A_291 = arith.constant 256 : i32
    %dma_start3A_292 = arith.constant 0 : i32
    %dma_start3A_293 = tpu.memref_slice %arg4[%add3A, %dma_start3A_291, %dma_start3A_292] : memref<32x512x512xf32, #tpu.memory_space<hbm>> -> memref<1x64x512xf32, #tpu.memory_space<hbm>>
    %dma_start3A_294 = tpu.memref_squeeze %dma_start3A_293 : memref<1x64x512xf32, #tpu.memory_space<hbm>> -> memref<64x512xf32, #tpu.memory_space<hbm>>
    %dma_start3A_295 = arith.constant 256 : i32
    %dma_start3A_296 = arith.constant 0 : i32
    %dma_start3A_297 = tpu.memref_slice %arg4[%add3A, %dma_start3A_295, %dma_start3A_296] : memref<32x512x512xf32, #tpu.memory_space<hbm>> -> memref<1x64x512xf32, #tpu.memory_space<hbm>>
    %dma_start3A_298 = tpu.memref_squeeze %dma_start3A_297 : memref<1x64x512xf32, #tpu.memory_space<hbm>> -> memref<64x512xf32, #tpu.memory_space<hbm>>
    tpu.enqueue_dma source(%arg9 : memref<64x512xf32, #tpu.memory_space<vmem>>) target(%dma_start3A_298 : memref<64x512xf32, #tpu.memory_space<hbm>>) target_semaphore(%arg11 : memref<!tpu.dma_semaphore, #tpu.memory_space<semaphore_mem>>)
    %dma_wait3A_299 = arith.constant 192 : i32
    %dma_wait3A_300 = arith.constant 0 : i32
    %dma_wait3A_301 = tpu.memref_slice %arg4[%add3A, %dma_wait3A_299, %dma_wait3A_300] : memref<32x512x512xf32, #tpu.memory_space<hbm>> -> memref<1x64x512xf32, #tpu.memory_space<hbm>>
    %dma_wait3A_302 = tpu.memref_squeeze %dma_wait3A_301 : memref<1x64x512xf32, #tpu.memory_space<hbm>> -> memref<64x512xf32, #tpu.memory_space<hbm>>
    %dma_wait3A_303 = arith.constant 192 : i32
    %dma_wait3A_304 = arith.constant 0 : i32
    %dma_wait3A_305 = tpu.memref_slice %arg4[%add3A, %dma_wait3A_303, %dma_wait3A_304] : memref<32x512x512xf32, #tpu.memory_space<hbm>> -> memref<1x64x512xf32, #tpu.memory_space<hbm>>
    %dma_wait3A_306 = tpu.memref_squeeze %dma_wait3A_305 : memref<1x64x512xf32, #tpu.memory_space<hbm>> -> memref<64x512xf32, #tpu.memory_space<hbm>>
    tpu.wait_dma2 semaphore(%arg12 : memref<!tpu.dma_semaphore, #tpu.memory_space<semaphore_mem>>) src(%arg10 : memref<64x512xf32, #tpu.memory_space<vmem>>) dst(%dma_wait3A_306 : memref<64x512xf32, #tpu.memory_space<hbm>>)
    %scan3A_307 = arith.constant 0 : i32
    %scan3A_308 = arith.constant 0 : i32
    %scan3A_309 = arith.constant 64 : i32
    %scan3A_310 = arith.addi %scan3A_308, %scan3A_309 : i32
    %scan3A_311 = arith.constant 1 : i32
    scf.for %scan3A_479 = %scan3A_308 to %scan3A_310 step %scan3A_311  : i32 {
      %swap3A = arith.index_cast %scan3A_479 : i32 to index
      %swap3A_480 = arith.constant 0 : index
      %swap3A_481 = tpu.vector_load %arg10[%swap3A, %swap3A_480] {strides = array<i32>} : memref<64x512xf32, #tpu.memory_space<vmem>>, vector<16xf32>,
      tpu.vector_store %arg10[%swap3A, %swap3A_480], %broadcast_in_dim3A_1 {strides = array<i32>} : memref<64x512xf32, #tpu.memory_space<vmem>>, vector<16xf32>,
      %swap3A_482 = arith.index_cast %scan3A_479 : i32 to index
      %swap3A_483 = arith.constant 16 : index
      %swap3A_484 = tpu.vector_load %arg10[%swap3A_482, %swap3A_483] {strides = array<i32>} : memref<64x512xf32, #tpu.memory_space<vmem>>, vector<16xf32>,
      tpu.vector_store %arg10[%swap3A_482, %swap3A_483], %broadcast_in_dim3A_1 {strides = array<i32>} : memref<64x512xf32, #tpu.memory_space<vmem>>, vector<16xf32>,
      %swap3A_485 = arith.index_cast %scan3A_479 : i32 to index
      %swap3A_486 = arith.constant 32 : index
      %swap3A_487 = tpu.vector_load %arg10[%swap3A_485, %swap3A_486] {strides = array<i32>} : memref<64x512xf32, #tpu.memory_space<vmem>>, vector<16xf32>,
      tpu.vector_store %arg10[%swap3A_485, %swap3A_486], %broadcast_in_dim3A_1 {strides = array<i32>} : memref<64x512xf32, #tpu.memory_space<vmem>>, vector<16xf32>,
      %swap3A_488 = arith.index_cast %scan3A_479 : i32 to index
      %swap3A_489 = arith.constant 48 : index
      %swap3A_490 = tpu.vector_load %arg10[%swap3A_488, %swap3A_489] {strides = array<i32>} : memref<64x512xf32, #tpu.memory_space<vmem>>, vector<16xf32>,
      tpu.vector_store %arg10[%swap3A_488, %swap3A_489], %broadcast_in_dim3A_1 {strides = array<i32>} : memref<64x512xf32, #tpu.memory_space<vmem>>, vector<16xf32>,
      %swap3A_491 = arith.index_cast %scan3A_479 : i32 to index
      %swap3A_492 = arith.constant 64 : index
      %swap3A_493 = tpu.vector_load %arg10[%swap3A_491, %swap3A_492] {strides = array<i32>} : memref<64x512xf32, #tpu.memory_space<vmem>>, vector<16xf32>,
      tpu.vector_store %arg10[%swap3A_491, %swap3A_492], %broadcast_in_dim3A_1 {strides = array<i32>} : memref<64x512xf32, #tpu.memory_space<vmem>>, vector<16xf32>,
      %swap3A_494 = arith.index_cast %scan3A_479 : i32 to index
      %swap3A_495 = arith.constant 80 : index
      %swap3A_496 = tpu.vector_load %arg10[%swap3A_494, %swap3A_495] {strides = array<i32>} : memref<64x512xf32, #tpu.memory_space<vmem>>, vector<16xf32>,
      tpu.vector_store %arg10[%swap3A_494, %swap3A_495], %broadcast_in_dim3A_1 {strides = array<i32>} : memref<64x512xf32, #tpu.memory_space<vmem>>, vector<16xf32>,
      %swap3A_497 = arith.index_cast %scan3A_479 : i32 to index
      %swap3A_498 = arith.constant 96 : index
      %swap3A_499 = tpu.vector_load %arg10[%swap3A_497, %swap3A_498] {strides = array<i32>} : memref<64x512xf32, #tpu.memory_space<vmem>>, vector<16xf32>,
      tpu.vector_store %arg10[%swap3A_497, %swap3A_498], %broadcast_in_dim3A_1 {strides = array<i32>} : memref<64x512xf32, #tpu.memory_space<vmem>>, vector<16xf32>,
      %swap3A_500 = arith.index_cast %scan3A_479 : i32 to index
      %swap3A_501 = arith.constant 112 : index
      %swap3A_502 = tpu.vector_load %arg10[%swap3A_500, %swap3A_501] {strides = array<i32>} : memref<64x512xf32, #tpu.memory_space<vmem>>, vector<16xf32>,
      tpu.vector_store %arg10[%swap3A_500, %swap3A_501], %broadcast_in_dim3A_1 {strides = array<i32>} : memref<64x512xf32, #tpu.memory_space<vmem>>, vector<16xf32>,
      %swap3A_503 = arith.index_cast %scan3A_479 : i32 to index
      %swap3A_504 = arith.constant 128 : index
      %swap3A_505 = tpu.vector_load %arg10[%swap3A_503, %swap3A_504] {strides = array<i32>} : memref<64x512xf32, #tpu.memory_space<vmem>>, vector<16xf32>,
      tpu.vector_store %arg10[%swap3A_503, %swap3A_504], %broadcast_in_dim3A_1 {strides = array<i32>} : memref<64x512xf32, #tpu.memory_space<vmem>>, vector<16xf32>,
      %swap3A_506 = arith.index_cast %scan3A_479 : i32 to index
      %swap3A_507 = arith.constant 144 : index
      %swap3A_508 = tpu.vector_load %arg10[%swap3A_506, %swap3A_507] {strides = array<i32>} : memref<64x512xf32, #tpu.memory_space<vmem>>, vector<16xf32>,
      tpu.vector_store %arg10[%swap3A_506, %swap3A_507], %broadcast_in_dim3A_1 {strides = array<i32>} : memref<64x512xf32, #tpu.memory_space<vmem>>, vector<16xf32>,
      %swap3A_509 = arith.index_cast %scan3A_479 : i32 to index
      %swap3A_510 = arith.constant 160 : index
      %swap3A_511 = tpu.vector_load %arg10[%swap3A_509, %swap3A_510] {strides = array<i32>} : memref<64x512xf32, #tpu.memory_space<vmem>>, vector<16xf32>,
      tpu.vector_store %arg10[%swap3A_509, %swap3A_510], %broadcast_in_dim3A_1 {strides = array<i32>} : memref<64x512xf32, #tpu.memory_space<vmem>>, vector<16xf32>,
      %swap3A_512 = arith.index_cast %scan3A_479 : i32 to index
      %swap3A_513 = arith.constant 176 : index
      %swap3A_514 = tpu.vector_load %arg10[%swap3A_512, %swap3A_513] {strides = array<i32>} : memref<64x512xf32, #tpu.memory_space<vmem>>, vector<16xf32>,
      tpu.vector_store %arg10[%swap3A_512, %swap3A_513], %broadcast_in_dim3A_1 {strides = array<i32>} : memref<64x512xf32, #tpu.memory_space<vmem>>, vector<16xf32>,
      %swap3A_515 = arith.index_cast %scan3A_479 : i32 to index
      %swap3A_516 = arith.constant 192 : index
      %swap3A_517 = tpu.vector_load %arg10[%swap3A_515, %swap3A_516] {strides = array<i32>} : memref<64x512xf32, #tpu.memory_space<vmem>>, vector<16xf32>,
      tpu.vector_store %arg10[%swap3A_515, %swap3A_516], %broadcast_in_dim3A_1 {strides = array<i32>} : memref<64x512xf32, #tpu.memory_space<vmem>>, vector<16xf32>,
      %swap3A_518 = arith.index_cast %scan3A_479 : i32 to index
      %swap3A_519 = arith.constant 208 : index
      %swap3A_520 = tpu.vector_load %arg10[%swap3A_518, %swap3A_519] {strides = array<i32>} : memref<64x512xf32, #tpu.memory_space<vmem>>, vector<16xf32>,
      tpu.vector_store %arg10[%swap3A_518, %swap3A_519], %broadcast_in_dim3A_1 {strides = array<i32>} : memref<64x512xf32, #tpu.memory_space<vmem>>, vector<16xf32>,
      %swap3A_521 = arith.index_cast %scan3A_479 : i32 to index
      %swap3A_522 = arith.constant 224 : index
      %swap3A_523 = tpu.vector_load %arg10[%swap3A_521, %swap3A_522] {strides = array<i32>} : memref<64x512xf32, #tpu.memory_space<vmem>>, vector<16xf32>,
      tpu.vector_store %arg10[%swap3A_521, %swap3A_522], %broadcast_in_dim3A_1 {strides = array<i32>} : memref<64x512xf32, #tpu.memory_space<vmem>>, vector<16xf32>,
      %swap3A_524 = arith.index_cast %scan3A_479 : i32 to index
      %swap3A_525 = arith.constant 240 : index
      %swap3A_526 = tpu.vector_load %arg10[%swap3A_524, %swap3A_525] {strides = array<i32>} : memref<64x512xf32, #tpu.memory_space<vmem>>, vector<16xf32>,
      tpu.vector_store %arg10[%swap3A_524, %swap3A_525], %broadcast_in_dim3A_1 {strides = array<i32>} : memref<64x512xf32, #tpu.memory_space<vmem>>, vector<16xf32>,
      %swap3A_527 = arith.index_cast %scan3A_479 : i32 to index
      %swap3A_528 = arith.constant 256 : index
      %swap3A_529 = tpu.vector_load %arg10[%swap3A_527, %swap3A_528] {strides = array<i32>} : memref<64x512xf32, #tpu.memory_space<vmem>>, vector<16xf32>,
      tpu.vector_store %arg10[%swap3A_527, %swap3A_528], %broadcast_in_dim3A_1 {strides = array<i32>} : memref<64x512xf32, #tpu.memory_space<vmem>>, vector<16xf32>,
      %swap3A_530 = arith.index_cast %scan3A_479 : i32 to index
      %swap3A_531 = arith.constant 272 : index
      %swap3A_532 = tpu.vector_load %arg10[%swap3A_530, %swap3A_531] {strides = array<i32>} : memref<64x512xf32, #tpu.memory_space<vmem>>, vector<16xf32>,
      tpu.vector_store %arg10[%swap3A_530, %swap3A_531], %broadcast_in_dim3A_1 {strides = array<i32>} : memref<64x512xf32, #tpu.memory_space<vmem>>, vector<16xf32>,
      %swap3A_533 = arith.index_cast %scan3A_479 : i32 to index
      %swap3A_534 = arith.constant 288 : index
      %swap3A_535 = tpu.vector_load %arg10[%swap3A_533, %swap3A_534] {strides = array<i32>} : memref<64x512xf32, #tpu.memory_space<vmem>>, vector<16xf32>,
      tpu.vector_store %arg10[%swap3A_533, %swap3A_534], %broadcast_in_dim3A_1 {strides = array<i32>} : memref<64x512xf32, #tpu.memory_space<vmem>>, vector<16xf32>,
      %swap3A_536 = arith.index_cast %scan3A_479 : i32 to index
      %swap3A_537 = arith.constant 304 : index
      %swap3A_538 = tpu.vector_load %arg10[%swap3A_536, %swap3A_537] {strides = array<i32>} : memref<64x512xf32, #tpu.memory_space<vmem>>, vector<16xf32>,
      tpu.vector_store %arg10[%swap3A_536, %swap3A_537], %broadcast_in_dim3A_1 {strides = array<i32>} : memref<64x512xf32, #tpu.memory_space<vmem>>, vector<16xf32>,
      %swap3A_539 = arith.index_cast %scan3A_479 : i32 to index
      %swap3A_540 = arith.constant 320 : index
      %swap3A_541 = tpu.vector_load %arg10[%swap3A_539, %swap3A_540] {strides = array<i32>} : memref<64x512xf32, #tpu.memory_space<vmem>>, vector<16xf32>,
      tpu.vector_store %arg10[%swap3A_539, %swap3A_540], %broadcast_in_dim3A_1 {strides = array<i32>} : memref<64x512xf32, #tpu.memory_space<vmem>>, vector<16xf32>,
      %swap3A_542 = arith.index_cast %scan3A_479 : i32 to index
      %swap3A_543 = arith.constant 336 : index
      %swap3A_544 = tpu.vector_load %arg10[%swap3A_542, %swap3A_543] {strides = array<i32>} : memref<64x512xf32, #tpu.memory_space<vmem>>, vector<16xf32>,
      tpu.vector_store %arg10[%swap3A_542, %swap3A_543], %broadcast_in_dim3A_1 {strides = array<i32>} : memref<64x512xf32, #tpu.memory_space<vmem>>, vector<16xf32>,
      %swap3A_545 = arith.index_cast %scan3A_479 : i32 to index
      %swap3A_546 = arith.constant 352 : index
      %swap3A_547 = tpu.vector_load %arg10[%swap3A_545, %swap3A_546] {strides = array<i32>} : memref<64x512xf32, #tpu.memory_space<vmem>>, vector<16xf32>,
      tpu.vector_store %arg10[%swap3A_545, %swap3A_546], %broadcast_in_dim3A_1 {strides = array<i32>} : memref<64x512xf32, #tpu.memory_space<vmem>>, vector<16xf32>,
      %swap3A_548 = arith.index_cast %scan3A_479 : i32 to index
      %swap3A_549 = arith.constant 368 : index
      %swap3A_550 = tpu.vector_load %arg10[%swap3A_548, %swap3A_549] {strides = array<i32>} : memref<64x512xf32, #tpu.memory_space<vmem>>, vector<16xf32>,
      tpu.vector_store %arg10[%swap3A_548, %swap3A_549], %broadcast_in_dim3A_1 {strides = array<i32>} : memref<64x512xf32, #tpu.memory_space<vmem>>, vector<16xf32>,
      %swap3A_551 = arith.index_cast %scan3A_479 : i32 to index
      %swap3A_552 = arith.constant 384 : index
      %swap3A_553 = tpu.vector_load %arg10[%swap3A_551, %swap3A_552] {strides = array<i32>} : memref<64x512xf32, #tpu.memory_space<vmem>>, vector<16xf32>,
      tpu.vector_store %arg10[%swap3A_551, %swap3A_552], %broadcast_in_dim3A_1 {strides = array<i32>} : memref<64x512xf32, #tpu.memory_space<vmem>>, vector<16xf32>,
      %swap3A_554 = arith.index_cast %scan3A_479 : i32 to index
      %swap3A_555 = arith.constant 400 : index
      %swap3A_556 = tpu.vector_load %arg10[%swap3A_554, %swap3A_555] {strides = array<i32>} : memref<64x512xf32, #tpu.memory_space<vmem>>, vector<16xf32>,
      tpu.vector_store %arg10[%swap3A_554, %swap3A_555], %broadcast_in_dim3A_1 {strides = array<i32>} : memref<64x512xf32, #tpu.memory_space<vmem>>, vector<16xf32>,
      %swap3A_557 = arith.index_cast %scan3A_479 : i32 to index
      %swap3A_558 = arith.constant 416 : index
      %swap3A_559 = tpu.vector_load %arg10[%swap3A_557, %swap3A_558] {strides = array<i32>} : memref<64x512xf32, #tpu.memory_space<vmem>>, vector<16xf32>,
      tpu.vector_store %arg10[%swap3A_557, %swap3A_558], %broadcast_in_dim3A_1 {strides = array<i32>} : memref<64x512xf32, #tpu.memory_space<vmem>>, vector<16xf32>,
      %swap3A_560 = arith.index_cast %scan3A_479 : i32 to index
      %swap3A_561 = arith.constant 432 : index
      %swap3A_562 = tpu.vector_load %arg10[%swap3A_560, %swap3A_561] {strides = array<i32>} : memref<64x512xf32, #tpu.memory_space<vmem>>, vector<16xf32>,
      tpu.vector_store %arg10[%swap3A_560, %swap3A_561], %broadcast_in_dim3A_1 {strides = array<i32>} : memref<64x512xf32, #tpu.memory_space<vmem>>, vector<16xf32>,
      %swap3A_563 = arith.index_cast %scan3A_479 : i32 to index
      %swap3A_564 = arith.constant 448 : index
      %swap3A_565 = tpu.vector_load %arg10[%swap3A_563, %swap3A_564] {strides = array<i32>} : memref<64x512xf32, #tpu.memory_space<vmem>>, vector<16xf32>,
      tpu.vector_store %arg10[%swap3A_563, %swap3A_564], %broadcast_in_dim3A_1 {strides = array<i32>} : memref<64x512xf32, #tpu.memory_space<vmem>>, vector<16xf32>,
      %swap3A_566 = arith.index_cast %scan3A_479 : i32 to index
      %swap3A_567 = arith.constant 464 : index
      %swap3A_568 = tpu.vector_load %arg10[%swap3A_566, %swap3A_567] {strides = array<i32>} : memref<64x512xf32, #tpu.memory_space<vmem>>, vector<16xf32>,
      tpu.vector_store %arg10[%swap3A_566, %swap3A_567], %broadcast_in_dim3A_1 {strides = array<i32>} : memref<64x512xf32, #tpu.memory_space<vmem>>, vector<16xf32>,
      %swap3A_569 = arith.index_cast %scan3A_479 : i32 to index
      %swap3A_570 = arith.constant 480 : index
      %swap3A_571 = tpu.vector_load %arg10[%swap3A_569, %swap3A_570] {strides = array<i32>} : memref<64x512xf32, #tpu.memory_space<vmem>>, vector<16xf32>,
      tpu.vector_store %arg10[%swap3A_569, %swap3A_570], %broadcast_in_dim3A_1 {strides = array<i32>} : memref<64x512xf32, #tpu.memory_space<vmem>>, vector<16xf32>,
      %swap3A_572 = arith.index_cast %scan3A_479 : i32 to index
      %swap3A_573 = arith.constant 496 : index
      %swap3A_574 = tpu.vector_load %arg10[%swap3A_572, %swap3A_573] {strides = array<i32>} : memref<64x512xf32, #tpu.memory_space<vmem>>, vector<16xf32>,
      tpu.vector_store %arg10[%swap3A_572, %swap3A_573], %broadcast_in_dim3A_1 {strides = array<i32>} : memref<64x512xf32, #tpu.memory_space<vmem>>, vector<16xf32>,
    }
    %scan3A_312 = arith.constant 64 : i32
    %dma_wait3A_313 = arith.constant 320 : i32
    %dma_wait3A_314 = arith.constant 0 : i32
    %dma_wait3A_315 = tpu.memref_slice %arg2[%add3A, %dma_wait3A_313, %dma_wait3A_314] : memref<32x512x32xi32, #tpu.memory_space<hbm>> -> memref<1x64x32xi32, #tpu.memory_space<hbm>>
    %dma_wait3A_316 = tpu.memref_squeeze %dma_wait3A_315 : memref<1x64x32xi32, #tpu.memory_space<hbm>> -> memref<64x32xi32, #tpu.memory_space<hbm>>
    %dma_wait3A_317 = arith.constant 320 : i32
    %dma_wait3A_318 = arith.constant 0 : i32
    %dma_wait3A_319 = tpu.memref_slice %arg2[%add3A, %dma_wait3A_317, %dma_wait3A_318] : memref<32x512x32xi32, #tpu.memory_space<hbm>> -> memref<1x64x32xi32, #tpu.memory_space<hbm>>
    %dma_wait3A_320 = tpu.memref_squeeze %dma_wait3A_319 : memref<1x64x32xi32, #tpu.memory_space<hbm>> -> memref<64x32xi32, #tpu.memory_space<hbm>>
    tpu.wait_dma2 semaphore(%arg14 : memref<!tpu.dma_semaphore, #tpu.memory_space<semaphore_mem>>) src(%dma_wait3A_320 : memref<64x32xi32, #tpu.memory_space<hbm>>) dst(%arg6 : memref<64x32xi32, #tpu.memory_space<vmem>>)
    %dma_wait3A_321 = arith.constant 320 : i32
    %dma_wait3A_322 = arith.constant 0 : i32
    %dma_wait3A_323 = tpu.memref_slice %arg3[%add3A, %dma_wait3A_321, %dma_wait3A_322] : memref<32x512x32xf32, #tpu.memory_space<hbm>> -> memref<1x64x32xf32, #tpu.memory_space<hbm>>
    %dma_wait3A_324 = tpu.memref_squeeze %dma_wait3A_323 : memref<1x64x32xf32, #tpu.memory_space<hbm>> -> memref<64x32xf32, #tpu.memory_space<hbm>>
    %dma_wait3A_325 = arith.constant 320 : i32
    %dma_wait3A_326 = arith.constant 0 : i32
    %dma_wait3A_327 = tpu.memref_slice %arg3[%add3A, %dma_wait3A_325, %dma_wait3A_326] : memref<32x512x32xf32, #tpu.memory_space<hbm>> -> memref<1x64x32xf32, #tpu.memory_space<hbm>>
    %dma_wait3A_328 = tpu.memref_squeeze %dma_wait3A_327 : memref<1x64x32xf32, #tpu.memory_space<hbm>> -> memref<64x32xf32, #tpu.memory_space<hbm>>
    tpu.wait_dma2 semaphore(%arg14 : memref<!tpu.dma_semaphore, #tpu.memory_space<semaphore_mem>>) src(%dma_wait3A_328 : memref<64x32xf32, #tpu.memory_space<hbm>>) dst(%arg8 : memref<64x32xf32, #tpu.memory_space<vmem>>)
    %dma_start3A_329 = arith.constant 384 : i32
    %dma_start3A_330 = arith.constant 0 : i32
    %dma_start3A_331 = tpu.memref_slice %arg2[%add3A, %dma_start3A_329, %dma_start3A_330] : memref<32x512x32xi32, #tpu.memory_space<hbm>> -> memref<1x64x32xi32, #tpu.memory_space<hbm>>
    %dma_start3A_332 = tpu.memref_squeeze %dma_start3A_331 : memref<1x64x32xi32, #tpu.memory_space<hbm>> -> memref<64x32xi32, #tpu.memory_space<hbm>>
    %dma_start3A_333 = arith.constant 384 : i32
    %dma_start3A_334 = arith.constant 0 : i32
    %dma_start3A_335 = tpu.memref_slice %arg2[%add3A, %dma_start3A_333, %dma_start3A_334] : memref<32x512x32xi32, #tpu.memory_space<hbm>> -> memref<1x64x32xi32, #tpu.memory_space<hbm>>
    %dma_start3A_336 = tpu.memref_squeeze %dma_start3A_335 : memref<1x64x32xi32, #tpu.memory_space<hbm>> -> memref<64x32xi32, #tpu.memory_space<hbm>>
    tpu.enqueue_dma source(%dma_start3A_336 : memref<64x32xi32, #tpu.memory_space<hbm>>) target(%arg5 : memref<64x32xi32, #tpu.memory_space<vmem>>) target_semaphore(%arg13 : memref<!tpu.dma_semaphore, #tpu.memory_space<semaphore_mem>>)
    %dma_start3A_337 = arith.constant 384 : i32
    %dma_start3A_338 = arith.constant 0 : i32
    %dma_start3A_339 = tpu.memref_slice %arg3[%add3A, %dma_start3A_337, %dma_start3A_338] : memref<32x512x32xf32, #tpu.memory_space<hbm>> -> memref<1x64x32xf32, #tpu.memory_space<hbm>>
    %dma_start3A_340 = tpu.memref_squeeze %dma_start3A_339 : memref<1x64x32xf32, #tpu.memory_space<hbm>> -> memref<64x32xf32, #tpu.memory_space<hbm>>
    %dma_start3A_341 = arith.constant 384 : i32
    %dma_start3A_342 = arith.constant 0 : i32
    %dma_start3A_343 = tpu.memref_slice %arg3[%add3A, %dma_start3A_341, %dma_start3A_342] : memref<32x512x32xf32, #tpu.memory_space<hbm>> -> memref<1x64x32xf32, #tpu.memory_space<hbm>>
    %dma_start3A_344 = tpu.memref_squeeze %dma_start3A_343 : memref<1x64x32xf32, #tpu.memory_space<hbm>> -> memref<64x32xf32, #tpu.memory_space<hbm>>
    tpu.enqueue_dma source(%dma_start3A_344 : memref<64x32xf32, #tpu.memory_space<hbm>>) target(%arg7 : memref<64x32xf32, #tpu.memory_space<vmem>>) target_semaphore(%arg13 : memref<!tpu.dma_semaphore, #tpu.memory_space<semaphore_mem>>)
    %scan3A_345 = arith.constant 0 : i32
    %scan3A_346 = arith.constant 0 : i32
    %scan3A_347 = arith.constant 64 : i32
    %scan3A_348 = arith.addi %scan3A_346, %scan3A_347 : i32
    %scan3A_349 = arith.constant 1 : i32
    scf.for %scan3A_479 = %scan3A_346 to %scan3A_348 step %scan3A_349  : i32 {
      %broadcast_in_dim3A_480 = vector.broadcast %scan3A_479 : i32 to vector<16xi32>
      %get3A = arith.index_cast %scan3A_479 : i32 to index
      %get3A_481 = arith.constant 0 : index
      %get3A_482 = tpu.vector_load %arg6[%get3A, %get3A_481] {strides = array<i32>} : memref<64x32xi32, #tpu.memory_space<vmem>>, vector<16xi32>,
      %get3A_483 = arith.index_cast %scan3A_479 : i32 to index
      %get3A_484 = arith.constant 0 : index
      %get3A_485 = tpu.vector_load %arg8[%get3A_483, %get3A_484] {strides = array<i32>} : memref<64x32xf32, #tpu.memory_space<vmem>>, vector<16xf32>,
      tpu.vector_store_idx %arg10[%broadcast_in_dim3A_480, %get3A_482], %get3A_485 {add = true} : memref<64x512xf32, #tpu.memory_space<vmem>>[vector<16xi32>, vector<16xi32>], vector<16xf32>,
      %get3A_486 = arith.index_cast %scan3A_479 : i32 to index
      %get3A_487 = arith.constant 16 : index
      %get3A_488 = tpu.vector_load %arg6[%get3A_486, %get3A_487] {strides = array<i32>} : memref<64x32xi32, #tpu.memory_space<vmem>>, vector<16xi32>,
      %get3A_489 = arith.index_cast %scan3A_479 : i32 to index
      %get3A_490 = arith.constant 16 : index
      %get3A_491 = tpu.vector_load %arg8[%get3A_489, %get3A_490] {strides = array<i32>} : memref<64x32xf32, #tpu.memory_space<vmem>>, vector<16xf32>,
      tpu.vector_store_idx %arg10[%broadcast_in_dim3A_480, %get3A_488], %get3A_491 {add = true} : memref<64x512xf32, #tpu.memory_space<vmem>>[vector<16xi32>, vector<16xi32>], vector<16xf32>,
    }
    %scan3A_350 = arith.constant 64 : i32
    %dma_start3A_351 = arith.constant 320 : i32
    %dma_start3A_352 = arith.constant 0 : i32
    %dma_start3A_353 = tpu.memref_slice %arg4[%add3A, %dma_start3A_351, %dma_start3A_352] : memref<32x512x512xf32, #tpu.memory_space<hbm>> -> memref<1x64x512xf32, #tpu.memory_space<hbm>>
    %dma_start3A_354 = tpu.memref_squeeze %dma_start3A_353 : memref<1x64x512xf32, #tpu.memory_space<hbm>> -> memref<64x512xf32, #tpu.memory_space<hbm>>
    %dma_start3A_355 = arith.constant 320 : i32
    %dma_start3A_356 = arith.constant 0 : i32
    %dma_start3A_357 = tpu.memref_slice %arg4[%add3A, %dma_start3A_355, %dma_start3A_356] : memref<32x512x512xf32, #tpu.memory_space<hbm>> -> memref<1x64x512xf32, #tpu.memory_space<hbm>>
    %dma_start3A_358 = tpu.memref_squeeze %dma_start3A_357 : memref<1x64x512xf32, #tpu.memory_space<hbm>> -> memref<64x512xf32, #tpu.memory_space<hbm>>
    tpu.enqueue_dma source(%arg10 : memref<64x512xf32, #tpu.memory_space<vmem>>) target(%dma_start3A_358 : memref<64x512xf32, #tpu.memory_space<hbm>>) target_semaphore(%arg12 : memref<!tpu.dma_semaphore, #tpu.memory_space<semaphore_mem>>)
    %dma_wait3A_359 = arith.constant 256 : i32
    %dma_wait3A_360 = arith.constant 0 : i32
    %dma_wait3A_361 = tpu.memref_slice %arg4[%add3A, %dma_wait3A_359, %dma_wait3A_360] : memref<32x512x512xf32, #tpu.memory_space<hbm>> -> memref<1x64x512xf32, #tpu.memory_space<hbm>>
    %dma_wait3A_362 = tpu.memref_squeeze %dma_wait3A_361 : memref<1x64x512xf32, #tpu.memory_space<hbm>> -> memref<64x512xf32, #tpu.memory_space<hbm>>
    %dma_wait3A_363 = arith.constant 256 : i32
    %dma_wait3A_364 = arith.constant 0 : i32
    %dma_wait3A_365 = tpu.memref_slice %arg4[%add3A, %dma_wait3A_363, %dma_wait3A_364] : memref<32x512x512xf32, #tpu.memory_space<hbm>> -> memref<1x64x512xf32, #tpu.memory_space<hbm>>
    %dma_wait3A_366 = tpu.memref_squeeze %dma_wait3A_365 : memref<1x64x512xf32, #tpu.memory_space<hbm>> -> memref<64x512xf32, #tpu.memory_space<hbm>>
    tpu.wait_dma2 semaphore(%arg11 : memref<!tpu.dma_semaphore, #tpu.memory_space<semaphore_mem>>) src(%arg9 : memref<64x512xf32, #tpu.memory_space<vmem>>) dst(%dma_wait3A_366 : memref<64x512xf32, #tpu.memory_space<hbm>>)
    %scan3A_367 = arith.constant 0 : i32
    %scan3A_368 = arith.constant 0 : i32
    %scan3A_369 = arith.constant 64 : i32
    %scan3A_370 = arith.addi %scan3A_368, %scan3A_369 : i32
    %scan3A_371 = arith.constant 1 : i32
    scf.for %scan3A_479 = %scan3A_368 to %scan3A_370 step %scan3A_371  : i32 {
      %swap3A = arith.index_cast %scan3A_479 : i32 to index
      %swap3A_480 = arith.constant 0 : index
      %swap3A_481 = tpu.vector_load %arg9[%swap3A, %swap3A_480] {strides = array<i32>} : memref<64x512xf32, #tpu.memory_space<vmem>>, vector<16xf32>,
      tpu.vector_store %arg9[%swap3A, %swap3A_480], %broadcast_in_dim3A_1 {strides = array<i32>} : memref<64x512xf32, #tpu.memory_space<vmem>>, vector<16xf32>,
      %swap3A_482 = arith.index_cast %scan3A_479 : i32 to index
      %swap3A_483 = arith.constant 16 : index
      %swap3A_484 = tpu.vector_load %arg9[%swap3A_482, %swap3A_483] {strides = array<i32>} : memref<64x512xf32, #tpu.memory_space<vmem>>, vector<16xf32>,
      tpu.vector_store %arg9[%swap3A_482, %swap3A_483], %broadcast_in_dim3A_1 {strides = array<i32>} : memref<64x512xf32, #tpu.memory_space<vmem>>, vector<16xf32>,
      %swap3A_485 = arith.index_cast %scan3A_479 : i32 to index
      %swap3A_486 = arith.constant 32 : index
      %swap3A_487 = tpu.vector_load %arg9[%swap3A_485, %swap3A_486] {strides = array<i32>} : memref<64x512xf32, #tpu.memory_space<vmem>>, vector<16xf32>,
      tpu.vector_store %arg9[%swap3A_485, %swap3A_486], %broadcast_in_dim3A_1 {strides = array<i32>} : memref<64x512xf32, #tpu.memory_space<vmem>>, vector<16xf32>,
      %swap3A_488 = arith.index_cast %scan3A_479 : i32 to index
      %swap3A_489 = arith.constant 48 : index
      %swap3A_490 = tpu.vector_load %arg9[%swap3A_488, %swap3A_489] {strides = array<i32>} : memref<64x512xf32, #tpu.memory_space<vmem>>, vector<16xf32>,
      tpu.vector_store %arg9[%swap3A_488, %swap3A_489], %broadcast_in_dim3A_1 {strides = array<i32>} : memref<64x512xf32, #tpu.memory_space<vmem>>, vector<16xf32>,
      %swap3A_491 = arith.index_cast %scan3A_479 : i32 to index
      %swap3A_492 = arith.constant 64 : index
      %swap3A_493 = tpu.vector_load %arg9[%swap3A_491, %swap3A_492] {strides = array<i32>} : memref<64x512xf32, #tpu.memory_space<vmem>>, vector<16xf32>,
      tpu.vector_store %arg9[%swap3A_491, %swap3A_492], %broadcast_in_dim3A_1 {strides = array<i32>} : memref<64x512xf32, #tpu.memory_space<vmem>>, vector<16xf32>,
      %swap3A_494 = arith.index_cast %scan3A_479 : i32 to index
      %swap3A_495 = arith.constant 80 : index
      %swap3A_496 = tpu.vector_load %arg9[%swap3A_494, %swap3A_495] {strides = array<i32>} : memref<64x512xf32, #tpu.memory_space<vmem>>, vector<16xf32>,
      tpu.vector_store %arg9[%swap3A_494, %swap3A_495], %broadcast_in_dim3A_1 {strides = array<i32>} : memref<64x512xf32, #tpu.memory_space<vmem>>, vector<16xf32>,
      %swap3A_497 = arith.index_cast %scan3A_479 : i32 to index
      %swap3A_498 = arith.constant 96 : index
      %swap3A_499 = tpu.vector_load %arg9[%swap3A_497, %swap3A_498] {strides = array<i32>} : memref<64x512xf32, #tpu.memory_space<vmem>>, vector<16xf32>,
      tpu.vector_store %arg9[%swap3A_497, %swap3A_498], %broadcast_in_dim3A_1 {strides = array<i32>} : memref<64x512xf32, #tpu.memory_space<vmem>>, vector<16xf32>,
      %swap3A_500 = arith.index_cast %scan3A_479 : i32 to index
      %swap3A_501 = arith.constant 112 : index
      %swap3A_502 = tpu.vector_load %arg9[%swap3A_500, %swap3A_501] {strides = array<i32>} : memref<64x512xf32, #tpu.memory_space<vmem>>, vector<16xf32>,
      tpu.vector_store %arg9[%swap3A_500, %swap3A_501], %broadcast_in_dim3A_1 {strides = array<i32>} : memref<64x512xf32, #tpu.memory_space<vmem>>, vector<16xf32>,
      %swap3A_503 = arith.index_cast %scan3A_479 : i32 to index
      %swap3A_504 = arith.constant 128 : index
      %swap3A_505 = tpu.vector_load %arg9[%swap3A_503, %swap3A_504] {strides = array<i32>} : memref<64x512xf32, #tpu.memory_space<vmem>>, vector<16xf32>,
      tpu.vector_store %arg9[%swap3A_503, %swap3A_504], %broadcast_in_dim3A_1 {strides = array<i32>} : memref<64x512xf32, #tpu.memory_space<vmem>>, vector<16xf32>,
      %swap3A_506 = arith.index_cast %scan3A_479 : i32 to index
      %swap3A_507 = arith.constant 144 : index
      %swap3A_508 = tpu.vector_load %arg9[%swap3A_506, %swap3A_507] {strides = array<i32>} : memref<64x512xf32, #tpu.memory_space<vmem>>, vector<16xf32>,
      tpu.vector_store %arg9[%swap3A_506, %swap3A_507], %broadcast_in_dim3A_1 {strides = array<i32>} : memref<64x512xf32, #tpu.memory_space<vmem>>, vector<16xf32>,
      %swap3A_509 = arith.index_cast %scan3A_479 : i32 to index
      %swap3A_510 = arith.constant 160 : index
      %swap3A_511 = tpu.vector_load %arg9[%swap3A_509, %swap3A_510] {strides = array<i32>} : memref<64x512xf32, #tpu.memory_space<vmem>>, vector<16xf32>,
      tpu.vector_store %arg9[%swap3A_509, %swap3A_510], %broadcast_in_dim3A_1 {strides = array<i32>} : memref<64x512xf32, #tpu.memory_space<vmem>>, vector<16xf32>,
      %swap3A_512 = arith.index_cast %scan3A_479 : i32 to index
      %swap3A_513 = arith.constant 176 : index
      %swap3A_514 = tpu.vector_load %arg9[%swap3A_512, %swap3A_513] {strides = array<i32>} : memref<64x512xf32, #tpu.memory_space<vmem>>, vector<16xf32>,
      tpu.vector_store %arg9[%swap3A_512, %swap3A_513], %broadcast_in_dim3A_1 {strides = array<i32>} : memref<64x512xf32, #tpu.memory_space<vmem>>, vector<16xf32>,
      %swap3A_515 = arith.index_cast %scan3A_479 : i32 to index
      %swap3A_516 = arith.constant 192 : index
      %swap3A_517 = tpu.vector_load %arg9[%swap3A_515, %swap3A_516] {strides = array<i32>} : memref<64x512xf32, #tpu.memory_space<vmem>>, vector<16xf32>,
      tpu.vector_store %arg9[%swap3A_515, %swap3A_516], %broadcast_in_dim3A_1 {strides = array<i32>} : memref<64x512xf32, #tpu.memory_space<vmem>>, vector<16xf32>,
      %swap3A_518 = arith.index_cast %scan3A_479 : i32 to index
      %swap3A_519 = arith.constant 208 : index
      %swap3A_520 = tpu.vector_load %arg9[%swap3A_518, %swap3A_519] {strides = array<i32>} : memref<64x512xf32, #tpu.memory_space<vmem>>, vector<16xf32>,
      tpu.vector_store %arg9[%swap3A_518, %swap3A_519], %broadcast_in_dim3A_1 {strides = array<i32>} : memref<64x512xf32, #tpu.memory_space<vmem>>, vector<16xf32>,
      %swap3A_521 = arith.index_cast %scan3A_479 : i32 to index
      %swap3A_522 = arith.constant 224 : index
      %swap3A_523 = tpu.vector_load %arg9[%swap3A_521, %swap3A_522] {strides = array<i32>} : memref<64x512xf32, #tpu.memory_space<vmem>>, vector<16xf32>,
      tpu.vector_store %arg9[%swap3A_521, %swap3A_522], %broadcast_in_dim3A_1 {strides = array<i32>} : memref<64x512xf32, #tpu.memory_space<vmem>>, vector<16xf32>,
      %swap3A_524 = arith.index_cast %scan3A_479 : i32 to index
      %swap3A_525 = arith.constant 240 : index
      %swap3A_526 = tpu.vector_load %arg9[%swap3A_524, %swap3A_525] {strides = array<i32>} : memref<64x512xf32, #tpu.memory_space<vmem>>, vector<16xf32>,
      tpu.vector_store %arg9[%swap3A_524, %swap3A_525], %broadcast_in_dim3A_1 {strides = array<i32>} : memref<64x512xf32, #tpu.memory_space<vmem>>, vector<16xf32>,
      %swap3A_527 = arith.index_cast %scan3A_479 : i32 to index
      %swap3A_528 = arith.constant 256 : index
      %swap3A_529 = tpu.vector_load %arg9[%swap3A_527, %swap3A_528] {strides = array<i32>} : memref<64x512xf32, #tpu.memory_space<vmem>>, vector<16xf32>,
      tpu.vector_store %arg9[%swap3A_527, %swap3A_528], %broadcast_in_dim3A_1 {strides = array<i32>} : memref<64x512xf32, #tpu.memory_space<vmem>>, vector<16xf32>,
      %swap3A_530 = arith.index_cast %scan3A_479 : i32 to index
      %swap3A_531 = arith.constant 272 : index
      %swap3A_532 = tpu.vector_load %arg9[%swap3A_530, %swap3A_531] {strides = array<i32>} : memref<64x512xf32, #tpu.memory_space<vmem>>, vector<16xf32>,
      tpu.vector_store %arg9[%swap3A_530, %swap3A_531], %broadcast_in_dim3A_1 {strides = array<i32>} : memref<64x512xf32, #tpu.memory_space<vmem>>, vector<16xf32>,
      %swap3A_533 = arith.index_cast %scan3A_479 : i32 to index
      %swap3A_534 = arith.constant 288 : index
      %swap3A_535 = tpu.vector_load %arg9[%swap3A_533, %swap3A_534] {strides = array<i32>} : memref<64x512xf32, #tpu.memory_space<vmem>>, vector<16xf32>,
      tpu.vector_store %arg9[%swap3A_533, %swap3A_534], %broadcast_in_dim3A_1 {strides = array<i32>} : memref<64x512xf32, #tpu.memory_space<vmem>>, vector<16xf32>,
      %swap3A_536 = arith.index_cast %scan3A_479 : i32 to index
      %swap3A_537 = arith.constant 304 : index
      %swap3A_538 = tpu.vector_load %arg9[%swap3A_536, %swap3A_537] {strides = array<i32>} : memref<64x512xf32, #tpu.memory_space<vmem>>, vector<16xf32>,
      tpu.vector_store %arg9[%swap3A_536, %swap3A_537], %broadcast_in_dim3A_1 {strides = array<i32>} : memref<64x512xf32, #tpu.memory_space<vmem>>, vector<16xf32>,
      %swap3A_539 = arith.index_cast %scan3A_479 : i32 to index
      %swap3A_540 = arith.constant 320 : index
      %swap3A_541 = tpu.vector_load %arg9[%swap3A_539, %swap3A_540] {strides = array<i32>} : memref<64x512xf32, #tpu.memory_space<vmem>>, vector<16xf32>,
      tpu.vector_store %arg9[%swap3A_539, %swap3A_540], %broadcast_in_dim3A_1 {strides = array<i32>} : memref<64x512xf32, #tpu.memory_space<vmem>>, vector<16xf32>,
      %swap3A_542 = arith.index_cast %scan3A_479 : i32 to index
      %swap3A_543 = arith.constant 336 : index
      %swap3A_544 = tpu.vector_load %arg9[%swap3A_542, %swap3A_543] {strides = array<i32>} : memref<64x512xf32, #tpu.memory_space<vmem>>, vector<16xf32>,
      tpu.vector_store %arg9[%swap3A_542, %swap3A_543], %broadcast_in_dim3A_1 {strides = array<i32>} : memref<64x512xf32, #tpu.memory_space<vmem>>, vector<16xf32>,
      %swap3A_545 = arith.index_cast %scan3A_479 : i32 to index
      %swap3A_546 = arith.constant 352 : index
      %swap3A_547 = tpu.vector_load %arg9[%swap3A_545, %swap3A_546] {strides = array<i32>} : memref<64x512xf32, #tpu.memory_space<vmem>>, vector<16xf32>,
      tpu.vector_store %arg9[%swap3A_545, %swap3A_546], %broadcast_in_dim3A_1 {strides = array<i32>} : memref<64x512xf32, #tpu.memory_space<vmem>>, vector<16xf32>,
      %swap3A_548 = arith.index_cast %scan3A_479 : i32 to index
      %swap3A_549 = arith.constant 368 : index
      %swap3A_550 = tpu.vector_load %arg9[%swap3A_548, %swap3A_549] {strides = array<i32>} : memref<64x512xf32, #tpu.memory_space<vmem>>, vector<16xf32>,
      tpu.vector_store %arg9[%swap3A_548, %swap3A_549], %broadcast_in_dim3A_1 {strides = array<i32>} : memref<64x512xf32, #tpu.memory_space<vmem>>, vector<16xf32>,
      %swap3A_551 = arith.index_cast %scan3A_479 : i32 to index
      %swap3A_552 = arith.constant 384 : index
      %swap3A_553 = tpu.vector_load %arg9[%swap3A_551, %swap3A_552] {strides = array<i32>} : memref<64x512xf32, #tpu.memory_space<vmem>>, vector<16xf32>,
      tpu.vector_store %arg9[%swap3A_551, %swap3A_552], %broadcast_in_dim3A_1 {strides = array<i32>} : memref<64x512xf32, #tpu.memory_space<vmem>>, vector<16xf32>,
      %swap3A_554 = arith.index_cast %scan3A_479 : i32 to index
      %swap3A_555 = arith.constant 400 : index
      %swap3A_556 = tpu.vector_load %arg9[%swap3A_554, %swap3A_555] {strides = array<i32>} : memref<64x512xf32, #tpu.memory_space<vmem>>, vector<16xf32>,
      tpu.vector_store %arg9[%swap3A_554, %swap3A_555], %broadcast_in_dim3A_1 {strides = array<i32>} : memref<64x512xf32, #tpu.memory_space<vmem>>, vector<16xf32>,
      %swap3A_557 = arith.index_cast %scan3A_479 : i32 to index
      %swap3A_558 = arith.constant 416 : index
      %swap3A_559 = tpu.vector_load %arg9[%swap3A_557, %swap3A_558] {strides = array<i32>} : memref<64x512xf32, #tpu.memory_space<vmem>>, vector<16xf32>,
      tpu.vector_store %arg9[%swap3A_557, %swap3A_558], %broadcast_in_dim3A_1 {strides = array<i32>} : memref<64x512xf32, #tpu.memory_space<vmem>>, vector<16xf32>,
      %swap3A_560 = arith.index_cast %scan3A_479 : i32 to index
      %swap3A_561 = arith.constant 432 : index
      %swap3A_562 = tpu.vector_load %arg9[%swap3A_560, %swap3A_561] {strides = array<i32>} : memref<64x512xf32, #tpu.memory_space<vmem>>, vector<16xf32>,
      tpu.vector_store %arg9[%swap3A_560, %swap3A_561], %broadcast_in_dim3A_1 {strides = array<i32>} : memref<64x512xf32, #tpu.memory_space<vmem>>, vector<16xf32>,
      %swap3A_563 = arith.index_cast %scan3A_479 : i32 to index
      %swap3A_564 = arith.constant 448 : index
      %swap3A_565 = tpu.vector_load %arg9[%swap3A_563, %swap3A_564] {strides = array<i32>} : memref<64x512xf32, #tpu.memory_space<vmem>>, vector<16xf32>,
      tpu.vector_store %arg9[%swap3A_563, %swap3A_564], %broadcast_in_dim3A_1 {strides = array<i32>} : memref<64x512xf32, #tpu.memory_space<vmem>>, vector<16xf32>,
      %swap3A_566 = arith.index_cast %scan3A_479 : i32 to index
      %swap3A_567 = arith.constant 464 : index
      %swap3A_568 = tpu.vector_load %arg9[%swap3A_566, %swap3A_567] {strides = array<i32>} : memref<64x512xf32, #tpu.memory_space<vmem>>, vector<16xf32>,
      tpu.vector_store %arg9[%swap3A_566, %swap3A_567], %broadcast_in_dim3A_1 {strides = array<i32>} : memref<64x512xf32, #tpu.memory_space<vmem>>, vector<16xf32>,
      %swap3A_569 = arith.index_cast %scan3A_479 : i32 to index
      %swap3A_570 = arith.constant 480 : index
      %swap3A_571 = tpu.vector_load %arg9[%swap3A_569, %swap3A_570] {strides = array<i32>} : memref<64x512xf32, #tpu.memory_space<vmem>>, vector<16xf32>,
      tpu.vector_store %arg9[%swap3A_569, %swap3A_570], %broadcast_in_dim3A_1 {strides = array<i32>} : memref<64x512xf32, #tpu.memory_space<vmem>>, vector<16xf32>,
      %swap3A_572 = arith.index_cast %scan3A_479 : i32 to index
      %swap3A_573 = arith.constant 496 : index
      %swap3A_574 = tpu.vector_load %arg9[%swap3A_572, %swap3A_573] {strides = array<i32>} : memref<64x512xf32, #tpu.memory_space<vmem>>, vector<16xf32>,
      tpu.vector_store %arg9[%swap3A_572, %swap3A_573], %broadcast_in_dim3A_1 {strides = array<i32>} : memref<64x512xf32, #tpu.memory_space<vmem>>, vector<16xf32>,
    }
    %scan3A_372 = arith.constant 64 : i32
    %dma_wait3A_373 = arith.constant 384 : i32
    %dma_wait3A_374 = arith.constant 0 : i32
    %dma_wait3A_375 = tpu.memref_slice %arg2[%add3A, %dma_wait3A_373, %dma_wait3A_374] : memref<32x512x32xi32, #tpu.memory_space<hbm>> -> memref<1x64x32xi32, #tpu.memory_space<hbm>>
    %dma_wait3A_376 = tpu.memref_squeeze %dma_wait3A_375 : memref<1x64x32xi32, #tpu.memory_space<hbm>> -> memref<64x32xi32, #tpu.memory_space<hbm>>
    %dma_wait3A_377 = arith.constant 384 : i32
    %dma_wait3A_378 = arith.constant 0 : i32
    %dma_wait3A_379 = tpu.memref_slice %arg2[%add3A, %dma_wait3A_377, %dma_wait3A_378] : memref<32x512x32xi32, #tpu.memory_space<hbm>> -> memref<1x64x32xi32, #tpu.memory_space<hbm>>
    %dma_wait3A_380 = tpu.memref_squeeze %dma_wait3A_379 : memref<1x64x32xi32, #tpu.memory_space<hbm>> -> memref<64x32xi32, #tpu.memory_space<hbm>>
    tpu.wait_dma2 semaphore(%arg13 : memref<!tpu.dma_semaphore, #tpu.memory_space<semaphore_mem>>) src(%dma_wait3A_380 : memref<64x32xi32, #tpu.memory_space<hbm>>) dst(%arg5 : memref<64x32xi32, #tpu.memory_space<vmem>>)
    %dma_wait3A_381 = arith.constant 384 : i32
    %dma_wait3A_382 = arith.constant 0 : i32
    %dma_wait3A_383 = tpu.memref_slice %arg3[%add3A, %dma_wait3A_381, %dma_wait3A_382] : memref<32x512x32xf32, #tpu.memory_space<hbm>> -> memref<1x64x32xf32, #tpu.memory_space<hbm>>
    %dma_wait3A_384 = tpu.memref_squeeze %dma_wait3A_383 : memref<1x64x32xf32, #tpu.memory_space<hbm>> -> memref<64x32xf32, #tpu.memory_space<hbm>>
    %dma_wait3A_385 = arith.constant 384 : i32
    %dma_wait3A_386 = arith.constant 0 : i32
    %dma_wait3A_387 = tpu.memref_slice %arg3[%add3A, %dma_wait3A_385, %dma_wait3A_386] : memref<32x512x32xf32, #tpu.memory_space<hbm>> -> memref<1x64x32xf32, #tpu.memory_space<hbm>>
    %dma_wait3A_388 = tpu.memref_squeeze %dma_wait3A_387 : memref<1x64x32xf32, #tpu.memory_space<hbm>> -> memref<64x32xf32, #tpu.memory_space<hbm>>
    tpu.wait_dma2 semaphore(%arg13 : memref<!tpu.dma_semaphore, #tpu.memory_space<semaphore_mem>>) src(%dma_wait3A_388 : memref<64x32xf32, #tpu.memory_space<hbm>>) dst(%arg7 : memref<64x32xf32, #tpu.memory_space<vmem>>)
    %dma_start3A_389 = arith.constant 448 : i32
    %dma_start3A_390 = arith.constant 0 : i32
    %dma_start3A_391 = tpu.memref_slice %arg2[%add3A, %dma_start3A_389, %dma_start3A_390] : memref<32x512x32xi32, #tpu.memory_space<hbm>> -> memref<1x64x32xi32, #tpu.memory_space<hbm>>
    %dma_start3A_392 = tpu.memref_squeeze %dma_start3A_391 : memref<1x64x32xi32, #tpu.memory_space<hbm>> -> memref<64x32xi32, #tpu.memory_space<hbm>>
    %dma_start3A_393 = arith.constant 448 : i32
    %dma_start3A_394 = arith.constant 0 : i32
    %dma_start3A_395 = tpu.memref_slice %arg2[%add3A, %dma_start3A_393, %dma_start3A_394] : memref<32x512x32xi32, #tpu.memory_space<hbm>> -> memref<1x64x32xi32, #tpu.memory_space<hbm>>
    %dma_start3A_396 = tpu.memref_squeeze %dma_start3A_395 : memref<1x64x32xi32, #tpu.memory_space<hbm>> -> memref<64x32xi32, #tpu.memory_space<hbm>>
    tpu.enqueue_dma source(%dma_start3A_396 : memref<64x32xi32, #tpu.memory_space<hbm>>) target(%arg6 : memref<64x32xi32, #tpu.memory_space<vmem>>) target_semaphore(%arg14 : memref<!tpu.dma_semaphore, #tpu.memory_space<semaphore_mem>>)
    %dma_start3A_397 = arith.constant 448 : i32
    %dma_start3A_398 = arith.constant 0 : i32
    %dma_start3A_399 = tpu.memref_slice %arg3[%add3A, %dma_start3A_397, %dma_start3A_398] : memref<32x512x32xf32, #tpu.memory_space<hbm>> -> memref<1x64x32xf32, #tpu.memory_space<hbm>>
    %dma_start3A_400 = tpu.memref_squeeze %dma_start3A_399 : memref<1x64x32xf32, #tpu.memory_space<hbm>> -> memref<64x32xf32, #tpu.memory_space<hbm>>
    %dma_start3A_401 = arith.constant 448 : i32
    %dma_start3A_402 = arith.constant 0 : i32
    %dma_start3A_403 = tpu.memref_slice %arg3[%add3A, %dma_start3A_401, %dma_start3A_402] : memref<32x512x32xf32, #tpu.memory_space<hbm>> -> memref<1x64x32xf32, #tpu.memory_space<hbm>>
    %dma_start3A_404 = tpu.memref_squeeze %dma_start3A_403 : memref<1x64x32xf32, #tpu.memory_space<hbm>> -> memref<64x32xf32, #tpu.memory_space<hbm>>
    tpu.enqueue_dma source(%dma_start3A_404 : memref<64x32xf32, #tpu.memory_space<hbm>>) target(%arg8 : memref<64x32xf32, #tpu.memory_space<vmem>>) target_semaphore(%arg14 : memref<!tpu.dma_semaphore, #tpu.memory_space<semaphore_mem>>)
    %scan3A_405 = arith.constant 0 : i32
    %scan3A_406 = arith.constant 0 : i32
    %scan3A_407 = arith.constant 64 : i32
    %scan3A_408 = arith.addi %scan3A_406, %scan3A_407 : i32
    %scan3A_409 = arith.constant 1 : i32
    scf.for %scan3A_479 = %scan3A_406 to %scan3A_408 step %scan3A_409  : i32 {
      %broadcast_in_dim3A_480 = vector.broadcast %scan3A_479 : i32 to vector<16xi32>
      %get3A = arith.index_cast %scan3A_479 : i32 to index
      %get3A_481 = arith.constant 0 : index
      %get3A_482 = tpu.vector_load %arg5[%get3A, %get3A_481] {strides = array<i32>} : memref<64x32xi32, #tpu.memory_space<vmem>>, vector<16xi32>,
      %get3A_483 = arith.index_cast %scan3A_479 : i32 to index
      %get3A_484 = arith.constant 0 : index
      %get3A_485 = tpu.vector_load %arg7[%get3A_483, %get3A_484] {strides = array<i32>} : memref<64x32xf32, #tpu.memory_space<vmem>>, vector<16xf32>,
      tpu.vector_store_idx %arg9[%broadcast_in_dim3A_480, %get3A_482], %get3A_485 {add = true} : memref<64x512xf32, #tpu.memory_space<vmem>>[vector<16xi32>, vector<16xi32>], vector<16xf32>,
      %get3A_486 = arith.index_cast %scan3A_479 : i32 to index
      %get3A_487 = arith.constant 16 : index
      %get3A_488 = tpu.vector_load %arg5[%get3A_486, %get3A_487] {strides = array<i32>} : memref<64x32xi32, #tpu.memory_space<vmem>>, vector<16xi32>,
      %get3A_489 = arith.index_cast %scan3A_479 : i32 to index
      %get3A_490 = arith.constant 16 : index
      %get3A_491 = tpu.vector_load %arg7[%get3A_489, %get3A_490] {strides = array<i32>} : memref<64x32xf32, #tpu.memory_space<vmem>>, vector<16xf32>,
      tpu.vector_store_idx %arg9[%broadcast_in_dim3A_480, %get3A_488], %get3A_491 {add = true} : memref<64x512xf32, #tpu.memory_space<vmem>>[vector<16xi32>, vector<16xi32>], vector<16xf32>,
    }
    %scan3A_410 = arith.constant 64 : i32
    %dma_start3A_411 = arith.constant 384 : i32
    %dma_start3A_412 = arith.constant 0 : i32
    %dma_start3A_413 = tpu.memref_slice %arg4[%add3A, %dma_start3A_411, %dma_start3A_412] : memref<32x512x512xf32, #tpu.memory_space<hbm>> -> memref<1x64x512xf32, #tpu.memory_space<hbm>>
    %dma_start3A_414 = tpu.memref_squeeze %dma_start3A_413 : memref<1x64x512xf32, #tpu.memory_space<hbm>> -> memref<64x512xf32, #tpu.memory_space<hbm>>
    %dma_start3A_415 = arith.constant 384 : i32
    %dma_start3A_416 = arith.constant 0 : i32
    %dma_start3A_417 = tpu.memref_slice %arg4[%add3A, %dma_start3A_415, %dma_start3A_416] : memref<32x512x512xf32, #tpu.memory_space<hbm>> -> memref<1x64x512xf32, #tpu.memory_space<hbm>>
    %dma_start3A_418 = tpu.memref_squeeze %dma_start3A_417 : memref<1x64x512xf32, #tpu.memory_space<hbm>> -> memref<64x512xf32, #tpu.memory_space<hbm>>
    tpu.enqueue_dma source(%arg9 : memref<64x512xf32, #tpu.memory_space<vmem>>) target(%dma_start3A_418 : memref<64x512xf32, #tpu.memory_space<hbm>>) target_semaphore(%arg11 : memref<!tpu.dma_semaphore, #tpu.memory_space<semaphore_mem>>)
    %dma_wait3A_419 = arith.constant 320 : i32
    %dma_wait3A_420 = arith.constant 0 : i32
    %dma_wait3A_421 = tpu.memref_slice %arg4[%add3A, %dma_wait3A_419, %dma_wait3A_420] : memref<32x512x512xf32, #tpu.memory_space<hbm>> -> memref<1x64x512xf32, #tpu.memory_space<hbm>>
    %dma_wait3A_422 = tpu.memref_squeeze %dma_wait3A_421 : memref<1x64x512xf32, #tpu.memory_space<hbm>> -> memref<64x512xf32, #tpu.memory_space<hbm>>
    %dma_wait3A_423 = arith.constant 320 : i32
    %dma_wait3A_424 = arith.constant 0 : i32
    %dma_wait3A_425 = tpu.memref_slice %arg4[%add3A, %dma_wait3A_423, %dma_wait3A_424] : memref<32x512x512xf32, #tpu.memory_space<hbm>> -> memref<1x64x512xf32, #tpu.memory_space<hbm>>
    %dma_wait3A_426 = tpu.memref_squeeze %dma_wait3A_425 : memref<1x64x512xf32, #tpu.memory_space<hbm>> -> memref<64x512xf32, #tpu.memory_space<hbm>>
    tpu.wait_dma2 semaphore(%arg12 : memref<!tpu.dma_semaphore, #tpu.memory_space<semaphore_mem>>) src(%arg10 : memref<64x512xf32, #tpu.memory_space<vmem>>) dst(%dma_wait3A_426 : memref<64x512xf32, #tpu.memory_space<hbm>>)
    %scan3A_427 = arith.constant 0 : i32
    %scan3A_428 = arith.constant 0 : i32
    %scan3A_429 = arith.constant 64 : i32
    %scan3A_430 = arith.addi %scan3A_428, %scan3A_429 : i32
    %scan3A_431 = arith.constant 1 : i32
    scf.for %scan3A_479 = %scan3A_428 to %scan3A_430 step %scan3A_431  : i32 {
      %swap3A = arith.index_cast %scan3A_479 : i32 to index
      %swap3A_480 = arith.constant 0 : index
      %swap3A_481 = tpu.vector_load %arg10[%swap3A, %swap3A_480] {strides = array<i32>} : memref<64x512xf32, #tpu.memory_space<vmem>>, vector<16xf32>,
      tpu.vector_store %arg10[%swap3A, %swap3A_480], %broadcast_in_dim3A_1 {strides = array<i32>} : memref<64x512xf32, #tpu.memory_space<vmem>>, vector<16xf32>,
      %swap3A_482 = arith.index_cast %scan3A_479 : i32 to index
      %swap3A_483 = arith.constant 16 : index
      %swap3A_484 = tpu.vector_load %arg10[%swap3A_482, %swap3A_483] {strides = array<i32>} : memref<64x512xf32, #tpu.memory_space<vmem>>, vector<16xf32>,
      tpu.vector_store %arg10[%swap3A_482, %swap3A_483], %broadcast_in_dim3A_1 {strides = array<i32>} : memref<64x512xf32, #tpu.memory_space<vmem>>, vector<16xf32>,
      %swap3A_485 = arith.index_cast %scan3A_479 : i32 to index
      %swap3A_486 = arith.constant 32 : index
      %swap3A_487 = tpu.vector_load %arg10[%swap3A_485, %swap3A_486] {strides = array<i32>} : memref<64x512xf32, #tpu.memory_space<vmem>>, vector<16xf32>,
      tpu.vector_store %arg10[%swap3A_485, %swap3A_486], %broadcast_in_dim3A_1 {strides = array<i32>} : memref<64x512xf32, #tpu.memory_space<vmem>>, vector<16xf32>,
      %swap3A_488 = arith.index_cast %scan3A_479 : i32 to index
      %swap3A_489 = arith.constant 48 : index
      %swap3A_490 = tpu.vector_load %arg10[%swap3A_488, %swap3A_489] {strides = array<i32>} : memref<64x512xf32, #tpu.memory_space<vmem>>, vector<16xf32>,
      tpu.vector_store %arg10[%swap3A_488, %swap3A_489], %broadcast_in_dim3A_1 {strides = array<i32>} : memref<64x512xf32, #tpu.memory_space<vmem>>, vector<16xf32>,
      %swap3A_491 = arith.index_cast %scan3A_479 : i32 to index
      %swap3A_492 = arith.constant 64 : index
      %swap3A_493 = tpu.vector_load %arg10[%swap3A_491, %swap3A_492] {strides = array<i32>} : memref<64x512xf32, #tpu.memory_space<vmem>>, vector<16xf32>,
      tpu.vector_store %arg10[%swap3A_491, %swap3A_492], %broadcast_in_dim3A_1 {strides = array<i32>} : memref<64x512xf32, #tpu.memory_space<vmem>>, vector<16xf32>,
      %swap3A_494 = arith.index_cast %scan3A_479 : i32 to index
      %swap3A_495 = arith.constant 80 : index
      %swap3A_496 = tpu.vector_load %arg10[%swap3A_494, %swap3A_495] {strides = array<i32>} : memref<64x512xf32, #tpu.memory_space<vmem>>, vector<16xf32>,
      tpu.vector_store %arg10[%swap3A_494, %swap3A_495], %broadcast_in_dim3A_1 {strides = array<i32>} : memref<64x512xf32, #tpu.memory_space<vmem>>, vector<16xf32>,
      %swap3A_497 = arith.index_cast %scan3A_479 : i32 to index
      %swap3A_498 = arith.constant 96 : index
      %swap3A_499 = tpu.vector_load %arg10[%swap3A_497, %swap3A_498] {strides = array<i32>} : memref<64x512xf32, #tpu.memory_space<vmem>>, vector<16xf32>,
      tpu.vector_store %arg10[%swap3A_497, %swap3A_498], %broadcast_in_dim3A_1 {strides = array<i32>} : memref<64x512xf32, #tpu.memory_space<vmem>>, vector<16xf32>,
      %swap3A_500 = arith.index_cast %scan3A_479 : i32 to index
      %swap3A_501 = arith.constant 112 : index
      %swap3A_502 = tpu.vector_load %arg10[%swap3A_500, %swap3A_501] {strides = array<i32>} : memref<64x512xf32, #tpu.memory_space<vmem>>, vector<16xf32>,
      tpu.vector_store %arg10[%swap3A_500, %swap3A_501], %broadcast_in_dim3A_1 {strides = array<i32>} : memref<64x512xf32, #tpu.memory_space<vmem>>, vector<16xf32>,
      %swap3A_503 = arith.index_cast %scan3A_479 : i32 to index
      %swap3A_504 = arith.constant 128 : index
      %swap3A_505 = tpu.vector_load %arg10[%swap3A_503, %swap3A_504] {strides = array<i32>} : memref<64x512xf32, #tpu.memory_space<vmem>>, vector<16xf32>,
      tpu.vector_store %arg10[%swap3A_503, %swap3A_504], %broadcast_in_dim3A_1 {strides = array<i32>} : memref<64x512xf32, #tpu.memory_space<vmem>>, vector<16xf32>,
      %swap3A_506 = arith.index_cast %scan3A_479 : i32 to index
      %swap3A_507 = arith.constant 144 : index
      %swap3A_508 = tpu.vector_load %arg10[%swap3A_506, %swap3A_507] {strides = array<i32>} : memref<64x512xf32, #tpu.memory_space<vmem>>, vector<16xf32>,
      tpu.vector_store %arg10[%swap3A_506, %swap3A_507], %broadcast_in_dim3A_1 {strides = array<i32>} : memref<64x512xf32, #tpu.memory_space<vmem>>, vector<16xf32>,
      %swap3A_509 = arith.index_cast %scan3A_479 : i32 to index
      %swap3A_510 = arith.constant 160 : index
      %swap3A_511 = tpu.vector_load %arg10[%swap3A_509, %swap3A_510] {strides = array<i32>} : memref<64x512xf32, #tpu.memory_space<vmem>>, vector<16xf32>,
      tpu.vector_store %arg10[%swap3A_509, %swap3A_510], %broadcast_in_dim3A_1 {strides = array<i32>} : memref<64x512xf32, #tpu.memory_space<vmem>>, vector<16xf32>,
      %swap3A_512 = arith.index_cast %scan3A_479 : i32 to index
      %swap3A_513 = arith.constant 176 : index
      %swap3A_514 = tpu.vector_load %arg10[%swap3A_512, %swap3A_513] {strides = array<i32>} : memref<64x512xf32, #tpu.memory_space<vmem>>, vector<16xf32>,
      tpu.vector_store %arg10[%swap3A_512, %swap3A_513], %broadcast_in_dim3A_1 {strides = array<i32>} : memref<64x512xf32, #tpu.memory_space<vmem>>, vector<16xf32>,
      %swap3A_515 = arith.index_cast %scan3A_479 : i32 to index
      %swap3A_516 = arith.constant 192 : index
      %swap3A_517 = tpu.vector_load %arg10[%swap3A_515, %swap3A_516] {strides = array<i32>} : memref<64x512xf32, #tpu.memory_space<vmem>>, vector<16xf32>,
      tpu.vector_store %arg10[%swap3A_515, %swap3A_516], %broadcast_in_dim3A_1 {strides = array<i32>} : memref<64x512xf32, #tpu.memory_space<vmem>>, vector<16xf32>,
      %swap3A_518 = arith.index_cast %scan3A_479 : i32 to index
      %swap3A_519 = arith.constant 208 : index
      %swap3A_520 = tpu.vector_load %arg10[%swap3A_518, %swap3A_519] {strides = array<i32>} : memref<64x512xf32, #tpu.memory_space<vmem>>, vector<16xf32>,
      tpu.vector_store %arg10[%swap3A_518, %swap3A_519], %broadcast_in_dim3A_1 {strides = array<i32>} : memref<64x512xf32, #tpu.memory_space<vmem>>, vector<16xf32>,
      %swap3A_521 = arith.index_cast %scan3A_479 : i32 to index
      %swap3A_522 = arith.constant 224 : index
      %swap3A_523 = tpu.vector_load %arg10[%swap3A_521, %swap3A_522] {strides = array<i32>} : memref<64x512xf32, #tpu.memory_space<vmem>>, vector<16xf32>,
      tpu.vector_store %arg10[%swap3A_521, %swap3A_522], %broadcast_in_dim3A_1 {strides = array<i32>} : memref<64x512xf32, #tpu.memory_space<vmem>>, vector<16xf32>,
      %swap3A_524 = arith.index_cast %scan3A_479 : i32 to index
      %swap3A_525 = arith.constant 240 : index
      %swap3A_526 = tpu.vector_load %arg10[%swap3A_524, %swap3A_525] {strides = array<i32>} : memref<64x512xf32, #tpu.memory_space<vmem>>, vector<16xf32>,
      tpu.vector_store %arg10[%swap3A_524, %swap3A_525], %broadcast_in_dim3A_1 {strides = array<i32>} : memref<64x512xf32, #tpu.memory_space<vmem>>, vector<16xf32>,
      %swap3A_527 = arith.index_cast %scan3A_479 : i32 to index
      %swap3A_528 = arith.constant 256 : index
      %swap3A_529 = tpu.vector_load %arg10[%swap3A_527, %swap3A_528] {strides = array<i32>} : memref<64x512xf32, #tpu.memory_space<vmem>>, vector<16xf32>,
      tpu.vector_store %arg10[%swap3A_527, %swap3A_528], %broadcast_in_dim3A_1 {strides = array<i32>} : memref<64x512xf32, #tpu.memory_space<vmem>>, vector<16xf32>,
      %swap3A_530 = arith.index_cast %scan3A_479 : i32 to index
      %swap3A_531 = arith.constant 272 : index
      %swap3A_532 = tpu.vector_load %arg10[%swap3A_530, %swap3A_531] {strides = array<i32>} : memref<64x512xf32, #tpu.memory_space<vmem>>, vector<16xf32>,
      tpu.vector_store %arg10[%swap3A_530, %swap3A_531], %broadcast_in_dim3A_1 {strides = array<i32>} : memref<64x512xf32, #tpu.memory_space<vmem>>, vector<16xf32>,
      %swap3A_533 = arith.index_cast %scan3A_479 : i32 to index
      %swap3A_534 = arith.constant 288 : index
      %swap3A_535 = tpu.vector_load %arg10[%swap3A_533, %swap3A_534] {strides = array<i32>} : memref<64x512xf32, #tpu.memory_space<vmem>>, vector<16xf32>,
      tpu.vector_store %arg10[%swap3A_533, %swap3A_534], %broadcast_in_dim3A_1 {strides = array<i32>} : memref<64x512xf32, #tpu.memory_space<vmem>>, vector<16xf32>,
      %swap3A_536 = arith.index_cast %scan3A_479 : i32 to index
      %swap3A_537 = arith.constant 304 : index
      %swap3A_538 = tpu.vector_load %arg10[%swap3A_536, %swap3A_537] {strides = array<i32>} : memref<64x512xf32, #tpu.memory_space<vmem>>, vector<16xf32>,
      tpu.vector_store %arg10[%swap3A_536, %swap3A_537], %broadcast_in_dim3A_1 {strides = array<i32>} : memref<64x512xf32, #tpu.memory_space<vmem>>, vector<16xf32>,
      %swap3A_539 = arith.index_cast %scan3A_479 : i32 to index
      %swap3A_540 = arith.constant 320 : index
      %swap3A_541 = tpu.vector_load %arg10[%swap3A_539, %swap3A_540] {strides = array<i32>} : memref<64x512xf32, #tpu.memory_space<vmem>>, vector<16xf32>,
      tpu.vector_store %arg10[%swap3A_539, %swap3A_540], %broadcast_in_dim3A_1 {strides = array<i32>} : memref<64x512xf32, #tpu.memory_space<vmem>>, vector<16xf32>,
      %swap3A_542 = arith.index_cast %scan3A_479 : i32 to index
      %swap3A_543 = arith.constant 336 : index
      %swap3A_544 = tpu.vector_load %arg10[%swap3A_542, %swap3A_543] {strides = array<i32>} : memref<64x512xf32, #tpu.memory_space<vmem>>, vector<16xf32>,
      tpu.vector_store %arg10[%swap3A_542, %swap3A_543], %broadcast_in_dim3A_1 {strides = array<i32>} : memref<64x512xf32, #tpu.memory_space<vmem>>, vector<16xf32>,
      %swap3A_545 = arith.index_cast %scan3A_479 : i32 to index
      %swap3A_546 = arith.constant 352 : index
      %swap3A_547 = tpu.vector_load %arg10[%swap3A_545, %swap3A_546] {strides = array<i32>} : memref<64x512xf32, #tpu.memory_space<vmem>>, vector<16xf32>,
      tpu.vector_store %arg10[%swap3A_545, %swap3A_546], %broadcast_in_dim3A_1 {strides = array<i32>} : memref<64x512xf32, #tpu.memory_space<vmem>>, vector<16xf32>,
      %swap3A_548 = arith.index_cast %scan3A_479 : i32 to index
      %swap3A_549 = arith.constant 368 : index
      %swap3A_550 = tpu.vector_load %arg10[%swap3A_548, %swap3A_549] {strides = array<i32>} : memref<64x512xf32, #tpu.memory_space<vmem>>, vector<16xf32>,
      tpu.vector_store %arg10[%swap3A_548, %swap3A_549], %broadcast_in_dim3A_1 {strides = array<i32>} : memref<64x512xf32, #tpu.memory_space<vmem>>, vector<16xf32>,
      %swap3A_551 = arith.index_cast %scan3A_479 : i32 to index
      %swap3A_552 = arith.constant 384 : index
      %swap3A_553 = tpu.vector_load %arg10[%swap3A_551, %swap3A_552] {strides = array<i32>} : memref<64x512xf32, #tpu.memory_space<vmem>>, vector<16xf32>,
      tpu.vector_store %arg10[%swap3A_551, %swap3A_552], %broadcast_in_dim3A_1 {strides = array<i32>} : memref<64x512xf32, #tpu.memory_space<vmem>>, vector<16xf32>,
      %swap3A_554 = arith.index_cast %scan3A_479 : i32 to index
      %swap3A_555 = arith.constant 400 : index
      %swap3A_556 = tpu.vector_load %arg10[%swap3A_554, %swap3A_555] {strides = array<i32>} : memref<64x512xf32, #tpu.memory_space<vmem>>, vector<16xf32>,
      tpu.vector_store %arg10[%swap3A_554, %swap3A_555], %broadcast_in_dim3A_1 {strides = array<i32>} : memref<64x512xf32, #tpu.memory_space<vmem>>, vector<16xf32>,
      %swap3A_557 = arith.index_cast %scan3A_479 : i32 to index
      %swap3A_558 = arith.constant 416 : index
      %swap3A_559 = tpu.vector_load %arg10[%swap3A_557, %swap3A_558] {strides = array<i32>} : memref<64x512xf32, #tpu.memory_space<vmem>>, vector<16xf32>,
      tpu.vector_store %arg10[%swap3A_557, %swap3A_558], %broadcast_in_dim3A_1 {strides = array<i32>} : memref<64x512xf32, #tpu.memory_space<vmem>>, vector<16xf32>,
      %swap3A_560 = arith.index_cast %scan3A_479 : i32 to index
      %swap3A_561 = arith.constant 432 : index
      %swap3A_562 = tpu.vector_load %arg10[%swap3A_560, %swap3A_561] {strides = array<i32>} : memref<64x512xf32, #tpu.memory_space<vmem>>, vector<16xf32>,
      tpu.vector_store %arg10[%swap3A_560, %swap3A_561], %broadcast_in_dim3A_1 {strides = array<i32>} : memref<64x512xf32, #tpu.memory_space<vmem>>, vector<16xf32>,
      %swap3A_563 = arith.index_cast %scan3A_479 : i32 to index
      %swap3A_564 = arith.constant 448 : index
      %swap3A_565 = tpu.vector_load %arg10[%swap3A_563, %swap3A_564] {strides = array<i32>} : memref<64x512xf32, #tpu.memory_space<vmem>>, vector<16xf32>,
      tpu.vector_store %arg10[%swap3A_563, %swap3A_564], %broadcast_in_dim3A_1 {strides = array<i32>} : memref<64x512xf32, #tpu.memory_space<vmem>>, vector<16xf32>,
      %swap3A_566 = arith.index_cast %scan3A_479 : i32 to index
      %swap3A_567 = arith.constant 464 : index
      %swap3A_568 = tpu.vector_load %arg10[%swap3A_566, %swap3A_567] {strides = array<i32>} : memref<64x512xf32, #tpu.memory_space<vmem>>, vector<16xf32>,
      tpu.vector_store %arg10[%swap3A_566, %swap3A_567], %broadcast_in_dim3A_1 {strides = array<i32>} : memref<64x512xf32, #tpu.memory_space<vmem>>, vector<16xf32>,
      %swap3A_569 = arith.index_cast %scan3A_479 : i32 to index
      %swap3A_570 = arith.constant 480 : index
      %swap3A_571 = tpu.vector_load %arg10[%swap3A_569, %swap3A_570] {strides = array<i32>} : memref<64x512xf32, #tpu.memory_space<vmem>>, vector<16xf32>,
      tpu.vector_store %arg10[%swap3A_569, %swap3A_570], %broadcast_in_dim3A_1 {strides = array<i32>} : memref<64x512xf32, #tpu.memory_space<vmem>>, vector<16xf32>,
      %swap3A_572 = arith.index_cast %scan3A_479 : i32 to index
      %swap3A_573 = arith.constant 496 : index
      %swap3A_574 = tpu.vector_load %arg10[%swap3A_572, %swap3A_573] {strides = array<i32>} : memref<64x512xf32, #tpu.memory_space<vmem>>, vector<16xf32>,
      tpu.vector_store %arg10[%swap3A_572, %swap3A_573], %broadcast_in_dim3A_1 {strides = array<i32>} : memref<64x512xf32, #tpu.memory_space<vmem>>, vector<16xf32>,
    }
    %scan3A_432 = arith.constant 64 : i32
    %dma_wait3A_433 = arith.constant 448 : i32
    %dma_wait3A_434 = arith.constant 0 : i32
    %dma_wait3A_435 = tpu.memref_slice %arg2[%add3A, %dma_wait3A_433, %dma_wait3A_434] : memref<32x512x32xi32, #tpu.memory_space<hbm>> -> memref<1x64x32xi32, #tpu.memory_space<hbm>>
    %dma_wait3A_436 = tpu.memref_squeeze %dma_wait3A_435 : memref<1x64x32xi32, #tpu.memory_space<hbm>> -> memref<64x32xi32, #tpu.memory_space<hbm>>
    %dma_wait3A_437 = arith.constant 448 : i32
    %dma_wait3A_438 = arith.constant 0 : i32
    %dma_wait3A_439 = tpu.memref_slice %arg2[%add3A, %dma_wait3A_437, %dma_wait3A_438] : memref<32x512x32xi32, #tpu.memory_space<hbm>> -> memref<1x64x32xi32, #tpu.memory_space<hbm>>
    %dma_wait3A_440 = tpu.memref_squeeze %dma_wait3A_439 : memref<1x64x32xi32, #tpu.memory_space<hbm>> -> memref<64x32xi32, #tpu.memory_space<hbm>>
    tpu.wait_dma2 semaphore(%arg14 : memref<!tpu.dma_semaphore, #tpu.memory_space<semaphore_mem>>) src(%dma_wait3A_440 : memref<64x32xi32, #tpu.memory_space<hbm>>) dst(%arg6 : memref<64x32xi32, #tpu.memory_space<vmem>>)
    %dma_wait3A_441 = arith.constant 448 : i32
    %dma_wait3A_442 = arith.constant 0 : i32
    %dma_wait3A_443 = tpu.memref_slice %arg3[%add3A, %dma_wait3A_441, %dma_wait3A_442] : memref<32x512x32xf32, #tpu.memory_space<hbm>> -> memref<1x64x32xf32, #tpu.memory_space<hbm>>
    %dma_wait3A_444 = tpu.memref_squeeze %dma_wait3A_443 : memref<1x64x32xf32, #tpu.memory_space<hbm>> -> memref<64x32xf32, #tpu.memory_space<hbm>>
    %dma_wait3A_445 = arith.constant 448 : i32
    %dma_wait3A_446 = arith.constant 0 : i32
    %dma_wait3A_447 = tpu.memref_slice %arg3[%add3A, %dma_wait3A_445, %dma_wait3A_446] : memref<32x512x32xf32, #tpu.memory_space<hbm>> -> memref<1x64x32xf32, #tpu.memory_space<hbm>>
    %dma_wait3A_448 = tpu.memref_squeeze %dma_wait3A_447 : memref<1x64x32xf32, #tpu.memory_space<hbm>> -> memref<64x32xf32, #tpu.memory_space<hbm>>
    tpu.wait_dma2 semaphore(%arg14 : memref<!tpu.dma_semaphore, #tpu.memory_space<semaphore_mem>>) src(%dma_wait3A_448 : memref<64x32xf32, #tpu.memory_space<hbm>>) dst(%arg8 : memref<64x32xf32, #tpu.memory_space<vmem>>)
    %scan3A_449 = arith.constant 0 : i32
    %scan3A_450 = arith.constant 0 : i32
    %scan3A_451 = arith.constant 64 : i32
    %scan3A_452 = arith.addi %scan3A_450, %scan3A_451 : i32
    %scan3A_453 = arith.constant 1 : i32
    scf.for %scan3A_479 = %scan3A_450 to %scan3A_452 step %scan3A_453  : i32 {
      %broadcast_in_dim3A_480 = vector.broadcast %scan3A_479 : i32 to vector<16xi32>
      %get3A = arith.index_cast %scan3A_479 : i32 to index
      %get3A_481 = arith.constant 0 : index
      %get3A_482 = tpu.vector_load %arg6[%get3A, %get3A_481] {strides = array<i32>} : memref<64x32xi32, #tpu.memory_space<vmem>>, vector<16xi32>,
      %get3A_483 = arith.index_cast %scan3A_479 : i32 to index
      %get3A_484 = arith.constant 0 : index
      %get3A_485 = tpu.vector_load %arg8[%get3A_483, %get3A_484] {strides = array<i32>} : memref<64x32xf32, #tpu.memory_space<vmem>>, vector<16xf32>,
      tpu.vector_store_idx %arg10[%broadcast_in_dim3A_480, %get3A_482], %get3A_485 {add = true} : memref<64x512xf32, #tpu.memory_space<vmem>>[vector<16xi32>, vector<16xi32>], vector<16xf32>,
      %get3A_486 = arith.index_cast %scan3A_479 : i32 to index
      %get3A_487 = arith.constant 16 : index
      %get3A_488 = tpu.vector_load %arg6[%get3A_486, %get3A_487] {strides = array<i32>} : memref<64x32xi32, #tpu.memory_space<vmem>>, vector<16xi32>,
      %get3A_489 = arith.index_cast %scan3A_479 : i32 to index
      %get3A_490 = arith.constant 16 : index
      %get3A_491 = tpu.vector_load %arg8[%get3A_489, %get3A_490] {strides = array<i32>} : memref<64x32xf32, #tpu.memory_space<vmem>>, vector<16xf32>,
      tpu.vector_store_idx %arg10[%broadcast_in_dim3A_480, %get3A_488], %get3A_491 {add = true} : memref<64x512xf32, #tpu.memory_space<vmem>>[vector<16xi32>, vector<16xi32>], vector<16xf32>,
    }
    %scan3A_454 = arith.constant 64 : i32
    %dma_start3A_455 = arith.constant 448 : i32
    %dma_start3A_456 = arith.constant 0 : i32
    %dma_start3A_457 = tpu.memref_slice %arg4[%add3A, %dma_start3A_455, %dma_start3A_456] : memref<32x512x512xf32, #tpu.memory_space<hbm>> -> memref<1x64x512xf32, #tpu.memory_space<hbm>>
    %dma_start3A_458 = tpu.memref_squeeze %dma_start3A_457 : memref<1x64x512xf32, #tpu.memory_space<hbm>> -> memref<64x512xf32, #tpu.memory_space<hbm>>
    %dma_start3A_459 = arith.constant 448 : i32
    %dma_start3A_460 = arith.constant 0 : i32
    %dma_start3A_461 = tpu.memref_slice %arg4[%add3A, %dma_start3A_459, %dma_start3A_460] : memref<32x512x512xf32, #tpu.memory_space<hbm>> -> memref<1x64x512xf32, #tpu.memory_space<hbm>>
    %dma_start3A_462 = tpu.memref_squeeze %dma_start3A_461 : memref<1x64x512xf32, #tpu.memory_space<hbm>> -> memref<64x512xf32, #tpu.memory_space<hbm>>
    tpu.enqueue_dma source(%arg10 : memref<64x512xf32, #tpu.memory_space<vmem>>) target(%dma_start3A_462 : memref<64x512xf32, #tpu.memory_space<hbm>>) target_semaphore(%arg12 : memref<!tpu.dma_semaphore, #tpu.memory_space<semaphore_mem>>)
    %dma_wait3A_463 = arith.constant 384 : i32
    %dma_wait3A_464 = arith.constant 0 : i32
    %dma_wait3A_465 = tpu.memref_slice %arg4[%add3A, %dma_wait3A_463, %dma_wait3A_464] : memref<32x512x512xf32, #tpu.memory_space<hbm>> -> memref<1x64x512xf32, #tpu.memory_space<hbm>>
    %dma_wait3A_466 = tpu.memref_squeeze %dma_wait3A_465 : memref<1x64x512xf32, #tpu.memory_space<hbm>> -> memref<64x512xf32, #tpu.memory_space<hbm>>
    %dma_wait3A_467 = arith.constant 384 : i32
    %dma_wait3A_468 = arith.constant 0 : i32
    %dma_wait3A_469 = tpu.memref_slice %arg4[%add3A, %dma_wait3A_467, %dma_wait3A_468] : memref<32x512x512xf32, #tpu.memory_space<hbm>> -> memref<1x64x512xf32, #tpu.memory_space<hbm>>
    %dma_wait3A_470 = tpu.memref_squeeze %dma_wait3A_469 : memref<1x64x512xf32, #tpu.memory_space<hbm>> -> memref<64x512xf32, #tpu.memory_space<hbm>>
    tpu.wait_dma2 semaphore(%arg11 : memref<!tpu.dma_semaphore, #tpu.memory_space<semaphore_mem>>) src(%arg9 : memref<64x512xf32, #tpu.memory_space<vmem>>) dst(%dma_wait3A_470 : memref<64x512xf32, #tpu.memory_space<hbm>>)
    %dma_wait3A_471 = arith.constant 448 : i32
    %dma_wait3A_472 = arith.constant 0 : i32
    %dma_wait3A_473 = tpu.memref_slice %arg4[%add3A, %dma_wait3A_471, %dma_wait3A_472] : memref<32x512x512xf32, #tpu.memory_space<hbm>> -> memref<1x64x512xf32, #tpu.memory_space<hbm>>
    %dma_wait3A_474 = tpu.memref_squeeze %dma_wait3A_473 : memref<1x64x512xf32, #tpu.memory_space<hbm>> -> memref<64x512xf32, #tpu.memory_space<hbm>>
    %dma_wait3A_475 = arith.constant 448 : i32
    %dma_wait3A_476 = arith.constant 0 : i32
    %dma_wait3A_477 = tpu.memref_slice %arg4[%add3A, %dma_wait3A_475, %dma_wait3A_476] : memref<32x512x512xf32, #tpu.memory_space<hbm>> -> memref<1x64x512xf32, #tpu.memory_space<hbm>>
    %dma_wait3A_478 = tpu.memref_squeeze %dma_wait3A_477 : memref<1x64x512xf32, #tpu.memory_space<hbm>> -> memref<64x512xf32, #tpu.memory_space<hbm>>
    tpu.wait_dma2 semaphore(%arg12 : memref<!tpu.dma_semaphore, #tpu.memory_space<semaphore_mem>>) src(%arg10 : memref<64x512xf32, #tpu.memory_space<vmem>>) dst(%dma_wait3A_478 : memref<64x512xf32, #tpu.memory_space<hbm>>)
    return
  }
}

module attributes {stable_mosaic.version = 14 : i64} {
  func.func @_embed_body(%arg0: i32, %arg1: memref<32x1xi32, #tpu.memory_space<smem>>, %arg2: memref<8x512x256xf32, #tpu.memory_space<vmem>>, %arg3: memref<256x256xbf16, #tpu.memory_space<vmem>>, %arg4: memref<8x512x256xbf16, #tpu.memory_space<vmem>>) attributes {dimension_semantics = [#tpu.dimension_semantics<arbitrary>], iteration_bounds = array<i64: 4>, scalar_prefetch = 0 : i64, scratch_operands = 0 : i64, tpu.core_type = #tpu.core_type<tc>, window_params = [{transform_indices = @transform_0, window_bounds = array<i64: 32, 1>}, {transform_indices = @transform_1, window_bounds = array<i64: 8, 512, 256>}, {pipeline_mode = #tpu.pipeline_mode<synchronous>, transform_indices = @transform_2, window_bounds = array<i64: 256, 256>}, {transform_indices = @transform_3, window_bounds = array<i64: 8, 512, 256>}]} {
    %iota3A = tpu.iota {dimensions = array<i32: 0>} : vector<512x1xi32>
    %mul3A = arith.constant 8 : i32
    %mul3A_0 = arith.muli %arg0, %mul3A : i32
    %add3A = arith.constant 0 : i32
    %add3A_1 = arith.addi %mul3A_0, %add3A : i32
    %get3A = arith.index_cast %add3A_1 : i32 to index
    %get3A_2 = arith.constant 0 : index
    %get3A_3 = memref.load %arg1[%get3A, %get3A_2] : memref<32x1xi32, #tpu.memory_space<smem>>
    %lt3A = vector.broadcast %get3A_3 : i32 to vector<512x1xi32>
    %lt3A_4 = arith.cmpi slt, %iota3A, %lt3A : vector<512x1xi32>
    %convert_element_type3A = arith.extui %lt3A_4 : vector<512x1xi1> to vector<512x1xi32>
    %convert_element_type3A_5 = arith.sitofp %convert_element_type3A : vector<512x1xi32> to vector<512x1xf32>
    %mul3A_6 = arith.constant 8 : i32
    %mul3A_7 = arith.muli %arg0, %mul3A_6 : i32
    %add3A_8 = arith.constant 1 : i32
    %add3A_9 = arith.addi %mul3A_7, %add3A_8 : i32
    %get3A_10 = arith.index_cast %add3A_9 : i32 to index
    %get3A_11 = arith.constant 0 : index
    %get3A_12 = memref.load %arg1[%get3A_10, %get3A_11] : memref<32x1xi32, #tpu.memory_space<smem>>
    %lt3A_13 = vector.broadcast %get3A_12 : i32 to vector<512x1xi32>
    %lt3A_14 = arith.cmpi slt, %iota3A, %lt3A_13 : vector<512x1xi32>
    %convert_element_type3A_15 = arith.extui %lt3A_14 : vector<512x1xi1> to vector<512x1xi32>
    %convert_element_type3A_16 = arith.sitofp %convert_element_type3A_15 : vector<512x1xi32> to vector<512x1xf32>
    %mul3A_17 = arith.constant 8 : i32
    %mul3A_18 = arith.muli %arg0, %mul3A_17 : i32
    %add3A_19 = arith.constant 2 : i32
    %add3A_20 = arith.addi %mul3A_18, %add3A_19 : i32
    %get3A_21 = arith.index_cast %add3A_20 : i32 to index
    %get3A_22 = arith.constant 0 : index
    %get3A_23 = memref.load %arg1[%get3A_21, %get3A_22] : memref<32x1xi32, #tpu.memory_space<smem>>
    %lt3A_24 = vector.broadcast %get3A_23 : i32 to vector<512x1xi32>
    %lt3A_25 = arith.cmpi slt, %iota3A, %lt3A_24 : vector<512x1xi32>
    %convert_element_type3A_26 = arith.extui %lt3A_25 : vector<512x1xi1> to vector<512x1xi32>
    %convert_element_type3A_27 = arith.sitofp %convert_element_type3A_26 : vector<512x1xi32> to vector<512x1xf32>
    %mul3A_28 = arith.constant 8 : i32
    %mul3A_29 = arith.muli %arg0, %mul3A_28 : i32
    %add3A_30 = arith.constant 3 : i32
    %add3A_31 = arith.addi %mul3A_29, %add3A_30 : i32
    %get3A_32 = arith.index_cast %add3A_31 : i32 to index
    %get3A_33 = arith.constant 0 : index
    %get3A_34 = memref.load %arg1[%get3A_32, %get3A_33] : memref<32x1xi32, #tpu.memory_space<smem>>
    %lt3A_35 = vector.broadcast %get3A_34 : i32 to vector<512x1xi32>
    %lt3A_36 = arith.cmpi slt, %iota3A, %lt3A_35 : vector<512x1xi32>
    %convert_element_type3A_37 = arith.extui %lt3A_36 : vector<512x1xi1> to vector<512x1xi32>
    %convert_element_type3A_38 = arith.sitofp %convert_element_type3A_37 : vector<512x1xi32> to vector<512x1xf32>
    %mul3A_39 = arith.constant 8 : i32
    %mul3A_40 = arith.muli %arg0, %mul3A_39 : i32
    %add3A_41 = arith.constant 4 : i32
    %add3A_42 = arith.addi %mul3A_40, %add3A_41 : i32
    %get3A_43 = arith.index_cast %add3A_42 : i32 to index
    %get3A_44 = arith.constant 0 : index
    %get3A_45 = memref.load %arg1[%get3A_43, %get3A_44] : memref<32x1xi32, #tpu.memory_space<smem>>
    %lt3A_46 = vector.broadcast %get3A_45 : i32 to vector<512x1xi32>
    %lt3A_47 = arith.cmpi slt, %iota3A, %lt3A_46 : vector<512x1xi32>
    %convert_element_type3A_48 = arith.extui %lt3A_47 : vector<512x1xi1> to vector<512x1xi32>
    %convert_element_type3A_49 = arith.sitofp %convert_element_type3A_48 : vector<512x1xi32> to vector<512x1xf32>
    %mul3A_50 = arith.constant 8 : i32
    %mul3A_51 = arith.muli %arg0, %mul3A_50 : i32
    %add3A_52 = arith.constant 5 : i32
    %add3A_53 = arith.addi %mul3A_51, %add3A_52 : i32
    %get3A_54 = arith.index_cast %add3A_53 : i32 to index
    %get3A_55 = arith.constant 0 : index
    %get3A_56 = memref.load %arg1[%get3A_54, %get3A_55] : memref<32x1xi32, #tpu.memory_space<smem>>
    %lt3A_57 = vector.broadcast %get3A_56 : i32 to vector<512x1xi32>
    %lt3A_58 = arith.cmpi slt, %iota3A, %lt3A_57 : vector<512x1xi32>
    %convert_element_type3A_59 = arith.extui %lt3A_58 : vector<512x1xi1> to vector<512x1xi32>
    %convert_element_type3A_60 = arith.sitofp %convert_element_type3A_59 : vector<512x1xi32> to vector<512x1xf32>
    %mul3A_61 = arith.constant 8 : i32
    %mul3A_62 = arith.muli %arg0, %mul3A_61 : i32
    %add3A_63 = arith.constant 6 : i32
    %add3A_64 = arith.addi %mul3A_62, %add3A_63 : i32
    %get3A_65 = arith.index_cast %add3A_64 : i32 to index
    %get3A_66 = arith.constant 0 : index
    %get3A_67 = memref.load %arg1[%get3A_65, %get3A_66] : memref<32x1xi32, #tpu.memory_space<smem>>
    %lt3A_68 = vector.broadcast %get3A_67 : i32 to vector<512x1xi32>
    %lt3A_69 = arith.cmpi slt, %iota3A, %lt3A_68 : vector<512x1xi32>
    %convert_element_type3A_70 = arith.extui %lt3A_69 : vector<512x1xi1> to vector<512x1xi32>
    %convert_element_type3A_71 = arith.sitofp %convert_element_type3A_70 : vector<512x1xi32> to vector<512x1xf32>
    %mul3A_72 = arith.constant 8 : i32
    %mul3A_73 = arith.muli %arg0, %mul3A_72 : i32
    %add3A_74 = arith.constant 7 : i32
    %add3A_75 = arith.addi %mul3A_73, %add3A_74 : i32
    %get3A_76 = arith.index_cast %add3A_75 : i32 to index
    %get3A_77 = arith.constant 0 : index
    %get3A_78 = memref.load %arg1[%get3A_76, %get3A_77] : memref<32x1xi32, #tpu.memory_space<smem>>
    %lt3A_79 = vector.broadcast %get3A_78 : i32 to vector<512x1xi32>
    %lt3A_80 = arith.cmpi slt, %iota3A, %lt3A_79 : vector<512x1xi32>
    %convert_element_type3A_81 = arith.extui %lt3A_80 : vector<512x1xi1> to vector<512x1xi32>
    %convert_element_type3A_82 = arith.sitofp %convert_element_type3A_81 : vector<512x1xi32> to vector<512x1xf32>
    %concatenate3A = tpu.concatenate %convert_element_type3A_5, %convert_element_type3A_16, %convert_element_type3A_27, %convert_element_type3A_38, %convert_element_type3A_49, %convert_element_type3A_60, %convert_element_type3A_71, %convert_element_type3A_82 in 0 : vector<512x1xf32>, vector<512x1xf32>, vector<512x1xf32>, vector<512x1xf32>, vector<512x1xf32>, vector<512x1xf32>, vector<512x1xf32>, vector<512x1xf32> -> vector<4096x1xf32>
    %get3A_83 = arith.constant 0 : index
    %get3A_84 = arith.constant 0 : index
    %get3A_85 = arith.constant 0 : index
    %get3A_86 = vector.load %arg2[%get3A_83, %get3A_84, %get3A_85] : memref<8x512x256xf32, #tpu.memory_space<vmem>>, vector<8x512x256xf32>
    %reshape3A = vector.shape_cast %get3A_86 : vector<8x512x256xf32> to vector<4096x256xf32>
    %convert_element_type3A_87 = arith.truncf %reshape3A : vector<4096x256xf32> to vector<4096x256xbf16>
    %get3A_88 = arith.constant 0 : index
    %get3A_89 = arith.constant 0 : index
    %get3A_90 = vector.load %arg3[%get3A_88, %get3A_89] : memref<256x256xbf16, #tpu.memory_space<vmem>>, vector<256x256xbf16>
    %dot_general3A = arith.constant dense<0.000000e+00> : vector<4096x256xf32>
    %dot_general3A_91 = tpu.matmul %convert_element_type3A_87, %get3A_90, %dot_general3A {dimension_numbers = #tpu.dot_dimension_numbers<[1], [0], [0], [1], [0, 0, 1, 1], [], []>, transpose_lhs_hint = false} : vector<4096x256xbf16>, vector<256x256xbf16>, vector<4096x256xf32> -> vector<4096x256xf32>
    %mul3A_92 = vector.broadcast %concatenate3A : vector<4096x1xf32> to vector<4096x256xf32>
    %mul3A_93 = arith.mulf %dot_general3A_91, %mul3A_92 : vector<4096x256xf32>
    %convert_element_type3A_94 = arith.truncf %mul3A_93 : vector<4096x256xf32> to vector<4096x256xbf16>
    %reshape3A_95 = vector.shape_cast %convert_element_type3A_94 : vector<4096x256xbf16> to vector<8x512x256xbf16>
    %swap3A = arith.constant 0 : index
    %swap3A_96 = arith.constant 0 : index
    %swap3A_97 = arith.constant 0 : index
    %swap3A_98 = vector.load %arg4[%swap3A, %swap3A_96, %swap3A_97] : memref<8x512x256xbf16, #tpu.memory_space<vmem>>, vector<8x512x256xbf16>
    tpu.vector_store %arg4[%swap3A, %swap3A_96, %swap3A_97], %reshape3A_95 {strides = array<i32>} : memref<8x512x256xbf16, #tpu.memory_space<vmem>>, vector<8x512x256xbf16>,
    return
  }
  func.func @transform_0(%arg0: i32) -> (i32, i32) {
    %c0_i32 = arith.constant 0 : i32
    %c0_i32_0 = arith.constant 0 : i32
    %c0_i32_1 = arith.constant 0 : i32
    return %c0_i32, %c0_i32_0 : i32, i32
  }
  func.func @transform_1(%arg0: i32) -> (i32, i32, i32) {
    %c0_i32 = arith.constant 0 : i32
    %c0_i32_0 = arith.constant 0 : i32
    %c0_i32_1 = arith.constant 0 : i32
    return %arg0, %c0_i32, %c0_i32_0 : i32, i32, i32
  }
  func.func @transform_2(%arg0: i32) -> (i32, i32) {
    %c0_i32 = arith.constant 0 : i32
    %c0_i32_0 = arith.constant 0 : i32
    %c0_i32_1 = arith.constant 0 : i32
    return %c0_i32, %c0_i32_0 : i32, i32
  }
  func.func @transform_3(%arg0: i32) -> (i32, i32, i32) {
    %c0_i32 = arith.constant 0 : i32
    %c0_i32_0 = arith.constant 0 : i32
    %c0_i32_1 = arith.constant 0 : i32
    return %arg0, %c0_i32, %c0_i32_0 : i32, i32, i32
  }
}

module attributes {stable_mosaic.version = 14 : i64} {
  func.func @_tc_body(%arg0: i32, %arg1: memref<32x1xi32, #tpu.memory_space<smem>>, %arg2: memref<8x512x256xbf16, #tpu.memory_space<vmem>>, %arg3: memref<8x512x512xf32, #tpu.memory_space<vmem>>, %arg4: memref<256x256xbf16, #tpu.memory_space<vmem>>, %arg5: memref<256x256xbf16, #tpu.memory_space<vmem>>, %arg6: memref<256x256xbf16, #tpu.memory_space<vmem>>, %arg7: memref<256x256xbf16, #tpu.memory_space<vmem>>, %arg8: memref<256x128xbf16, #tpu.memory_space<vmem>>, %arg9: memref<128x128xf32, #tpu.memory_space<vmem>>, %arg10: memref<1x128xf32, #tpu.memory_space<vmem>>, %arg11: memref<8x1x128xf32, #tpu.memory_space<vmem>>) attributes {dimension_semantics = [#tpu.dimension_semantics<arbitrary>], iteration_bounds = array<i64: 4>, scalar_prefetch = 0 : i64, scratch_operands = 0 : i64, tpu.core_type = #tpu.core_type<tc>, window_params = [{transform_indices = @transform_0, window_bounds = array<i64: 32, 1>}, {transform_indices = @transform_1, window_bounds = array<i64: 8, 512, 256>}, {transform_indices = @transform_2, window_bounds = array<i64: 8, 512, 512>}, {pipeline_mode = #tpu.pipeline_mode<synchronous>, transform_indices = @transform_3, window_bounds = array<i64: 256, 256>}, {pipeline_mode = #tpu.pipeline_mode<synchronous>, transform_indices = @transform_4, window_bounds = array<i64: 256, 256>}, {pipeline_mode = #tpu.pipeline_mode<synchronous>, transform_indices = @transform_5, window_bounds = array<i64: 256, 256>}, {pipeline_mode = #tpu.pipeline_mode<synchronous>, transform_indices = @transform_6, window_bounds = array<i64: 256, 256>}, {pipeline_mode = #tpu.pipeline_mode<synchronous>, transform_indices = @transform_7, window_bounds = array<i64: 256, 128>}, {pipeline_mode = #tpu.pipeline_mode<synchronous>, transform_indices = @transform_8, window_bounds = array<i64: 128, 128>}, {pipeline_mode = #tpu.pipeline_mode<synchronous>, transform_indices = @transform_9, window_bounds = array<i64: 1, 128>}, {transform_indices = @transform_10, window_bounds = array<i64: 8, 1, 128>}]} {
    %get3A = arith.constant 0 : index
    %get3A_0 = arith.constant 0 : index
    %get3A_1 = vector.load %arg8[%get3A, %get3A_0] : memref<256x128xbf16, #tpu.memory_space<vmem>>, vector<256x128xbf16>
    %convert_element_type3A = arith.extf %get3A_1 : vector<256x128xbf16> to vector<256x128xf32>
    %mul3A = arith.mulf %convert_element_type3A, %convert_element_type3A : vector<256x128xf32>
    %reduce_sum3A = arith.constant dense<0.000000e+00> : vector<128xf32>
    %reduce_sum3A_2 = vector.multi_reduction <add>, %mul3A, %reduce_sum3A [0] : vector<256x128xf32> to vector<128xf32>
    %broadcast_in_dim3A = vector.shape_cast %reduce_sum3A_2 : vector<128xf32> to vector<1x128xf32>
    %iota3A = tpu.iota {dimensions = array<i32: 0>} : vector<512x1xi32>
    %mul3A_3 = arith.constant 8 : i32
    %mul3A_4 = arith.muli %arg0, %mul3A_3 : i32
    %add3A = arith.constant 0 : i32
    %add3A_5 = arith.addi %mul3A_4, %add3A : i32
    %get3A_6 = arith.index_cast %add3A_5 : i32 to index
    %get3A_7 = arith.constant 0 : index
    %get3A_8 = memref.load %arg1[%get3A_6, %get3A_7] : memref<32x1xi32, #tpu.memory_space<smem>>
    %lt3A = vector.broadcast %get3A_8 : i32 to vector<512x1xi32>
    %lt3A_9 = arith.cmpi slt, %iota3A, %lt3A : vector<512x1xi32>
    %convert_element_type3A_10 = arith.extui %lt3A_9 : vector<512x1xi1> to vector<512x1xi32>
    %convert_element_type3A_11 = arith.sitofp %convert_element_type3A_10 : vector<512x1xi32> to vector<512x1xf32>
    %mul3A_12 = arith.constant 8 : i32
    %mul3A_13 = arith.muli %arg0, %mul3A_12 : i32
    %add3A_14 = arith.constant 1 : i32
    %add3A_15 = arith.addi %mul3A_13, %add3A_14 : i32
    %get3A_16 = arith.index_cast %add3A_15 : i32 to index
    %get3A_17 = arith.constant 0 : index
    %get3A_18 = memref.load %arg1[%get3A_16, %get3A_17] : memref<32x1xi32, #tpu.memory_space<smem>>
    %lt3A_19 = vector.broadcast %get3A_18 : i32 to vector<512x1xi32>
    %lt3A_20 = arith.cmpi slt, %iota3A, %lt3A_19 : vector<512x1xi32>
    %convert_element_type3A_21 = arith.extui %lt3A_20 : vector<512x1xi1> to vector<512x1xi32>
    %convert_element_type3A_22 = arith.sitofp %convert_element_type3A_21 : vector<512x1xi32> to vector<512x1xf32>
    %mul3A_23 = arith.constant 8 : i32
    %mul3A_24 = arith.muli %arg0, %mul3A_23 : i32
    %add3A_25 = arith.constant 2 : i32
    %add3A_26 = arith.addi %mul3A_24, %add3A_25 : i32
    %get3A_27 = arith.index_cast %add3A_26 : i32 to index
    %get3A_28 = arith.constant 0 : index
    %get3A_29 = memref.load %arg1[%get3A_27, %get3A_28] : memref<32x1xi32, #tpu.memory_space<smem>>
    %lt3A_30 = vector.broadcast %get3A_29 : i32 to vector<512x1xi32>
    %lt3A_31 = arith.cmpi slt, %iota3A, %lt3A_30 : vector<512x1xi32>
    %convert_element_type3A_32 = arith.extui %lt3A_31 : vector<512x1xi1> to vector<512x1xi32>
    %convert_element_type3A_33 = arith.sitofp %convert_element_type3A_32 : vector<512x1xi32> to vector<512x1xf32>
    %mul3A_34 = arith.constant 8 : i32
    %mul3A_35 = arith.muli %arg0, %mul3A_34 : i32
    %add3A_36 = arith.constant 3 : i32
    %add3A_37 = arith.addi %mul3A_35, %add3A_36 : i32
    %get3A_38 = arith.index_cast %add3A_37 : i32 to index
    %get3A_39 = arith.constant 0 : index
    %get3A_40 = memref.load %arg1[%get3A_38, %get3A_39] : memref<32x1xi32, #tpu.memory_space<smem>>
    %lt3A_41 = vector.broadcast %get3A_40 : i32 to vector<512x1xi32>
    %lt3A_42 = arith.cmpi slt, %iota3A, %lt3A_41 : vector<512x1xi32>
    %convert_element_type3A_43 = arith.extui %lt3A_42 : vector<512x1xi1> to vector<512x1xi32>
    %convert_element_type3A_44 = arith.sitofp %convert_element_type3A_43 : vector<512x1xi32> to vector<512x1xf32>
    %mul3A_45 = arith.constant 8 : i32
    %mul3A_46 = arith.muli %arg0, %mul3A_45 : i32
    %add3A_47 = arith.constant 4 : i32
    %add3A_48 = arith.addi %mul3A_46, %add3A_47 : i32
    %get3A_49 = arith.index_cast %add3A_48 : i32 to index
    %get3A_50 = arith.constant 0 : index
    %get3A_51 = memref.load %arg1[%get3A_49, %get3A_50] : memref<32x1xi32, #tpu.memory_space<smem>>
    %lt3A_52 = vector.broadcast %get3A_51 : i32 to vector<512x1xi32>
    %lt3A_53 = arith.cmpi slt, %iota3A, %lt3A_52 : vector<512x1xi32>
    %convert_element_type3A_54 = arith.extui %lt3A_53 : vector<512x1xi1> to vector<512x1xi32>
    %convert_element_type3A_55 = arith.sitofp %convert_element_type3A_54 : vector<512x1xi32> to vector<512x1xf32>
    %mul3A_56 = arith.constant 8 : i32
    %mul3A_57 = arith.muli %arg0, %mul3A_56 : i32
    %add3A_58 = arith.constant 5 : i32
    %add3A_59 = arith.addi %mul3A_57, %add3A_58 : i32
    %get3A_60 = arith.index_cast %add3A_59 : i32 to index
    %get3A_61 = arith.constant 0 : index
    %get3A_62 = memref.load %arg1[%get3A_60, %get3A_61] : memref<32x1xi32, #tpu.memory_space<smem>>
    %lt3A_63 = vector.broadcast %get3A_62 : i32 to vector<512x1xi32>
    %lt3A_64 = arith.cmpi slt, %iota3A, %lt3A_63 : vector<512x1xi32>
    %convert_element_type3A_65 = arith.extui %lt3A_64 : vector<512x1xi1> to vector<512x1xi32>
    %convert_element_type3A_66 = arith.sitofp %convert_element_type3A_65 : vector<512x1xi32> to vector<512x1xf32>
    %mul3A_67 = arith.constant 8 : i32
    %mul3A_68 = arith.muli %arg0, %mul3A_67 : i32
    %add3A_69 = arith.constant 6 : i32
    %add3A_70 = arith.addi %mul3A_68, %add3A_69 : i32
    %get3A_71 = arith.index_cast %add3A_70 : i32 to index
    %get3A_72 = arith.constant 0 : index
    %get3A_73 = memref.load %arg1[%get3A_71, %get3A_72] : memref<32x1xi32, #tpu.memory_space<smem>>
    %lt3A_74 = vector.broadcast %get3A_73 : i32 to vector<512x1xi32>
    %lt3A_75 = arith.cmpi slt, %iota3A, %lt3A_74 : vector<512x1xi32>
    %convert_element_type3A_76 = arith.extui %lt3A_75 : vector<512x1xi1> to vector<512x1xi32>
    %convert_element_type3A_77 = arith.sitofp %convert_element_type3A_76 : vector<512x1xi32> to vector<512x1xf32>
    %mul3A_78 = arith.constant 8 : i32
    %mul3A_79 = arith.muli %arg0, %mul3A_78 : i32
    %add3A_80 = arith.constant 7 : i32
    %add3A_81 = arith.addi %mul3A_79, %add3A_80 : i32
    %get3A_82 = arith.index_cast %add3A_81 : i32 to index
    %get3A_83 = arith.constant 0 : index
    %get3A_84 = memref.load %arg1[%get3A_82, %get3A_83] : memref<32x1xi32, #tpu.memory_space<smem>>
    %lt3A_85 = vector.broadcast %get3A_84 : i32 to vector<512x1xi32>
    %lt3A_86 = arith.cmpi slt, %iota3A, %lt3A_85 : vector<512x1xi32>
    %convert_element_type3A_87 = arith.extui %lt3A_86 : vector<512x1xi1> to vector<512x1xi32>
    %convert_element_type3A_88 = arith.sitofp %convert_element_type3A_87 : vector<512x1xi32> to vector<512x1xf32>
    %concatenate3A = tpu.concatenate %convert_element_type3A_11, %convert_element_type3A_22, %convert_element_type3A_33, %convert_element_type3A_44, %convert_element_type3A_55, %convert_element_type3A_66, %convert_element_type3A_77, %convert_element_type3A_88 in 0 : vector<512x1xf32>, vector<512x1xf32>, vector<512x1xf32>, vector<512x1xf32>, vector<512x1xf32>, vector<512x1xf32>, vector<512x1xf32>, vector<512x1xf32> -> vector<4096x1xf32>
    %get3A_89 = arith.constant 0 : index
    %get3A_90 = arith.constant 0 : index
    %get3A_91 = arith.constant 0 : index
    %get3A_92 = vector.load %arg2[%get3A_89, %get3A_90, %get3A_91] : memref<8x512x256xbf16, #tpu.memory_space<vmem>>, vector<8x512x256xbf16>
    %reshape3A = vector.shape_cast %get3A_92 : vector<8x512x256xbf16> to vector<4096x256xbf16>
    %get3A_93 = arith.constant 0 : index
    %get3A_94 = arith.constant 0 : index
    %get3A_95 = arith.constant 0 : index
    %get3A_96 = vector.load %arg3[%get3A_93, %get3A_94, %get3A_95] : memref<8x512x512xf32, #tpu.memory_space<vmem>>, vector<1x512x512xf32>
    %get3A_97 = vector.shape_cast %get3A_96 : vector<1x512x512xf32> to vector<512x512xf32>
    %convert_element_type3A_98 = arith.truncf %get3A_97 : vector<512x512xf32> to vector<512x512xbf16>
    %slice3A = vector.extract_strided_slice %reshape3A {offsets = [0, 0], sizes = [512, 256], strides = [1, 1]} : vector<4096x256xbf16> to vector<512x256xbf16>
    %dot_general3A = arith.constant dense<0.000000e+00> : vector<512x256xf32>
    %dot_general3A_99 = tpu.matmul %convert_element_type3A_98, %slice3A, %dot_general3A {dimension_numbers = #tpu.dot_dimension_numbers<[1], [0], [0], [1], [0, 0, 1, 1], [], []>, transpose_lhs_hint = false} : vector<512x512xbf16>, vector<512x256xbf16>, vector<512x256xf32> -> vector<512x256xf32>
    %get3A_100 = arith.constant 1 : index
    %get3A_101 = arith.constant 0 : index
    %get3A_102 = arith.constant 0 : index
    %get3A_103 = vector.load %arg3[%get3A_100, %get3A_101, %get3A_102] : memref<8x512x512xf32, #tpu.memory_space<vmem>>, vector<1x512x512xf32>
    %get3A_104 = vector.shape_cast %get3A_103 : vector<1x512x512xf32> to vector<512x512xf32>
    %convert_element_type3A_105 = arith.truncf %get3A_104 : vector<512x512xf32> to vector<512x512xbf16>
    %slice3A_106 = vector.extract_strided_slice %reshape3A {offsets = [512, 0], sizes = [512, 256], strides = [1, 1]} : vector<4096x256xbf16> to vector<512x256xbf16>
    %dot_general3A_107 = arith.constant dense<0.000000e+00> : vector<512x256xf32>
    %dot_general3A_108 = tpu.matmul %convert_element_type3A_105, %slice3A_106, %dot_general3A_107 {dimension_numbers = #tpu.dot_dimension_numbers<[1], [0], [0], [1], [0, 0, 1, 1], [], []>, transpose_lhs_hint = false} : vector<512x512xbf16>, vector<512x256xbf16>, vector<512x256xf32> -> vector<512x256xf32>
    %get3A_109 = arith.constant 2 : index
    %get3A_110 = arith.constant 0 : index
    %get3A_111 = arith.constant 0 : index
    %get3A_112 = vector.load %arg3[%get3A_109, %get3A_110, %get3A_111] : memref<8x512x512xf32, #tpu.memory_space<vmem>>, vector<1x512x512xf32>
    %get3A_113 = vector.shape_cast %get3A_112 : vector<1x512x512xf32> to vector<512x512xf32>
    %convert_element_type3A_114 = arith.truncf %get3A_113 : vector<512x512xf32> to vector<512x512xbf16>
    %slice3A_115 = vector.extract_strided_slice %reshape3A {offsets = [1024, 0], sizes = [512, 256], strides = [1, 1]} : vector<4096x256xbf16> to vector<512x256xbf16>
    %dot_general3A_116 = arith.constant dense<0.000000e+00> : vector<512x256xf32>
    %dot_general3A_117 = tpu.matmul %convert_element_type3A_114, %slice3A_115, %dot_general3A_116 {dimension_numbers = #tpu.dot_dimension_numbers<[1], [0], [0], [1], [0, 0, 1, 1], [], []>, transpose_lhs_hint = false} : vector<512x512xbf16>, vector<512x256xbf16>, vector<512x256xf32> -> vector<512x256xf32>
    %get3A_118 = arith.constant 3 : index
    %get3A_119 = arith.constant 0 : index
    %get3A_120 = arith.constant 0 : index
    %get3A_121 = vector.load %arg3[%get3A_118, %get3A_119, %get3A_120] : memref<8x512x512xf32, #tpu.memory_space<vmem>>, vector<1x512x512xf32>
    %get3A_122 = vector.shape_cast %get3A_121 : vector<1x512x512xf32> to vector<512x512xf32>
    %convert_element_type3A_123 = arith.truncf %get3A_122 : vector<512x512xf32> to vector<512x512xbf16>
    %slice3A_124 = vector.extract_strided_slice %reshape3A {offsets = [1536, 0], sizes = [512, 256], strides = [1, 1]} : vector<4096x256xbf16> to vector<512x256xbf16>
    %dot_general3A_125 = arith.constant dense<0.000000e+00> : vector<512x256xf32>
    %dot_general3A_126 = tpu.matmul %convert_element_type3A_123, %slice3A_124, %dot_general3A_125 {dimension_numbers = #tpu.dot_dimension_numbers<[1], [0], [0], [1], [0, 0, 1, 1], [], []>, transpose_lhs_hint = false} : vector<512x512xbf16>, vector<512x256xbf16>, vector<512x256xf32> -> vector<512x256xf32>
    %get3A_127 = arith.constant 4 : index
    %get3A_128 = arith.constant 0 : index
    %get3A_129 = arith.constant 0 : index
    %get3A_130 = vector.load %arg3[%get3A_127, %get3A_128, %get3A_129] : memref<8x512x512xf32, #tpu.memory_space<vmem>>, vector<1x512x512xf32>
    %get3A_131 = vector.shape_cast %get3A_130 : vector<1x512x512xf32> to vector<512x512xf32>
    %convert_element_type3A_132 = arith.truncf %get3A_131 : vector<512x512xf32> to vector<512x512xbf16>
    %slice3A_133 = vector.extract_strided_slice %reshape3A {offsets = [2048, 0], sizes = [512, 256], strides = [1, 1]} : vector<4096x256xbf16> to vector<512x256xbf16>
    %dot_general3A_134 = arith.constant dense<0.000000e+00> : vector<512x256xf32>
    %dot_general3A_135 = tpu.matmul %convert_element_type3A_132, %slice3A_133, %dot_general3A_134 {dimension_numbers = #tpu.dot_dimension_numbers<[1], [0], [0], [1], [0, 0, 1, 1], [], []>, transpose_lhs_hint = false} : vector<512x512xbf16>, vector<512x256xbf16>, vector<512x256xf32> -> vector<512x256xf32>
    %get3A_136 = arith.constant 5 : index
    %get3A_137 = arith.constant 0 : index
    %get3A_138 = arith.constant 0 : index
    %get3A_139 = vector.load %arg3[%get3A_136, %get3A_137, %get3A_138] : memref<8x512x512xf32, #tpu.memory_space<vmem>>, vector<1x512x512xf32>
    %get3A_140 = vector.shape_cast %get3A_139 : vector<1x512x512xf32> to vector<512x512xf32>
    %convert_element_type3A_141 = arith.truncf %get3A_140 : vector<512x512xf32> to vector<512x512xbf16>
    %slice3A_142 = vector.extract_strided_slice %reshape3A {offsets = [2560, 0], sizes = [512, 256], strides = [1, 1]} : vector<4096x256xbf16> to vector<512x256xbf16>
    %dot_general3A_143 = arith.constant dense<0.000000e+00> : vector<512x256xf32>
    %dot_general3A_144 = tpu.matmul %convert_element_type3A_141, %slice3A_142, %dot_general3A_143 {dimension_numbers = #tpu.dot_dimension_numbers<[1], [0], [0], [1], [0, 0, 1, 1], [], []>, transpose_lhs_hint = false} : vector<512x512xbf16>, vector<512x256xbf16>, vector<512x256xf32> -> vector<512x256xf32>
    %get3A_145 = arith.constant 6 : index
    %get3A_146 = arith.constant 0 : index
    %get3A_147 = arith.constant 0 : index
    %get3A_148 = vector.load %arg3[%get3A_145, %get3A_146, %get3A_147] : memref<8x512x512xf32, #tpu.memory_space<vmem>>, vector<1x512x512xf32>
    %get3A_149 = vector.shape_cast %get3A_148 : vector<1x512x512xf32> to vector<512x512xf32>
    %convert_element_type3A_150 = arith.truncf %get3A_149 : vector<512x512xf32> to vector<512x512xbf16>
    %slice3A_151 = vector.extract_strided_slice %reshape3A {offsets = [3072, 0], sizes = [512, 256], strides = [1, 1]} : vector<4096x256xbf16> to vector<512x256xbf16>
    %dot_general3A_152 = arith.constant dense<0.000000e+00> : vector<512x256xf32>
    %dot_general3A_153 = tpu.matmul %convert_element_type3A_150, %slice3A_151, %dot_general3A_152 {dimension_numbers = #tpu.dot_dimension_numbers<[1], [0], [0], [1], [0, 0, 1, 1], [], []>, transpose_lhs_hint = false} : vector<512x512xbf16>, vector<512x256xbf16>, vector<512x256xf32> -> vector<512x256xf32>
    %get3A_154 = arith.constant 7 : index
    %get3A_155 = arith.constant 0 : index
    %get3A_156 = arith.constant 0 : index
    %get3A_157 = vector.load %arg3[%get3A_154, %get3A_155, %get3A_156] : memref<8x512x512xf32, #tpu.memory_space<vmem>>, vector<1x512x512xf32>
    %get3A_158 = vector.shape_cast %get3A_157 : vector<1x512x512xf32> to vector<512x512xf32>
    %convert_element_type3A_159 = arith.truncf %get3A_158 : vector<512x512xf32> to vector<512x512xbf16>
    %slice3A_160 = vector.extract_strided_slice %reshape3A {offsets = [3584, 0], sizes = [512, 256], strides = [1, 1]} : vector<4096x256xbf16> to vector<512x256xbf16>
    %dot_general3A_161 = arith.constant dense<0.000000e+00> : vector<512x256xf32>
    %dot_general3A_162 = tpu.matmul %convert_element_type3A_159, %slice3A_160, %dot_general3A_161 {dimension_numbers = #tpu.dot_dimension_numbers<[1], [0], [0], [1], [0, 0, 1, 1], [], []>, transpose_lhs_hint = false} : vector<512x512xbf16>, vector<512x256xbf16>, vector<512x256xf32> -> vector<512x256xf32>
    %concatenate3A_163 = tpu.concatenate %dot_general3A_99, %dot_general3A_108, %dot_general3A_117, %dot_general3A_126, %dot_general3A_135, %dot_general3A_144, %dot_general3A_153, %dot_general3A_162 in 0 : vector<512x256xf32>, vector<512x256xf32>, vector<512x256xf32>, vector<512x256xf32>, vector<512x256xf32>, vector<512x256xf32>, vector<512x256xf32>, vector<512x256xf32> -> vector<4096x256xf32>
    %convert_element_type3A_164 = arith.truncf %concatenate3A_163 : vector<4096x256xf32> to vector<4096x256xbf16>
    %get3A_165 = arith.constant 0 : index
    %get3A_166 = arith.constant 0 : index
    %get3A_167 = vector.load %arg4[%get3A_165, %get3A_166] : memref<256x256xbf16, #tpu.memory_space<vmem>>, vector<256x256xbf16>
    %dot_general3A_168 = arith.constant dense<0.000000e+00> : vector<4096x256xf32>
    %dot_general3A_169 = tpu.matmul %reshape3A, %get3A_167, %dot_general3A_168 {dimension_numbers = #tpu.dot_dimension_numbers<[1], [0], [0], [1], [0, 0, 1, 1], [], []>, transpose_lhs_hint = false} : vector<4096x256xbf16>, vector<256x256xbf16>, vector<4096x256xf32> -> vector<4096x256xf32>
    %get3A_170 = arith.constant 0 : index
    %get3A_171 = arith.constant 0 : index
    %get3A_172 = vector.load %arg5[%get3A_170, %get3A_171] : memref<256x256xbf16, #tpu.memory_space<vmem>>, vector<256x256xbf16>
    %dot_general3A_173 = arith.constant dense<0.000000e+00> : vector<4096x256xf32>
    %dot_general3A_174 = tpu.matmul %convert_element_type3A_164, %get3A_172, %dot_general3A_173 {dimension_numbers = #tpu.dot_dimension_numbers<[1], [0], [0], [1], [0, 0, 1, 1], [], []>, transpose_lhs_hint = false} : vector<4096x256xbf16>, vector<256x256xbf16>, vector<4096x256xf32> -> vector<4096x256xf32>
    %add3A_175 = arith.addf %dot_general3A_169, %dot_general3A_174 : vector<4096x256xf32>
    %max3A = arith.constant 0.000000e+00 : f32
    %max3A_176 = vector.broadcast %max3A : f32 to vector<4096x256xf32>
    %max3A_177 = arith.maximumf %add3A_175, %max3A_176 : vector<4096x256xf32>
    %mul3A_178 = vector.broadcast %concatenate3A : vector<4096x1xf32> to vector<4096x256xf32>
    %mul3A_179 = arith.mulf %max3A_177, %mul3A_178 : vector<4096x256xf32>
    %convert_element_type3A_180 = arith.truncf %mul3A_179 : vector<4096x256xf32> to vector<4096x256xbf16>
    %get3A_181 = arith.constant 0 : index
    %get3A_182 = arith.constant 0 : index
    %get3A_183 = arith.constant 0 : index
    %get3A_184 = vector.load %arg3[%get3A_181, %get3A_182, %get3A_183] : memref<8x512x512xf32, #tpu.memory_space<vmem>>, vector<1x512x512xf32>
    %get3A_185 = vector.shape_cast %get3A_184 : vector<1x512x512xf32> to vector<512x512xf32>
    %convert_element_type3A_186 = arith.truncf %get3A_185 : vector<512x512xf32> to vector<512x512xbf16>
    %slice3A_187 = vector.extract_strided_slice %convert_element_type3A_180 {offsets = [0, 0], sizes = [512, 256], strides = [1, 1]} : vector<4096x256xbf16> to vector<512x256xbf16>
    %dot_general3A_188 = arith.constant dense<0.000000e+00> : vector<512x256xf32>
    %dot_general3A_189 = tpu.matmul %convert_element_type3A_186, %slice3A_187, %dot_general3A_188 {dimension_numbers = #tpu.dot_dimension_numbers<[1], [0], [0], [1], [0, 0, 1, 1], [], []>, transpose_lhs_hint = false} : vector<512x512xbf16>, vector<512x256xbf16>, vector<512x256xf32> -> vector<512x256xf32>
    %get3A_190 = arith.constant 1 : index
    %get3A_191 = arith.constant 0 : index
    %get3A_192 = arith.constant 0 : index
    %get3A_193 = vector.load %arg3[%get3A_190, %get3A_191, %get3A_192] : memref<8x512x512xf32, #tpu.memory_space<vmem>>, vector<1x512x512xf32>
    %get3A_194 = vector.shape_cast %get3A_193 : vector<1x512x512xf32> to vector<512x512xf32>
    %convert_element_type3A_195 = arith.truncf %get3A_194 : vector<512x512xf32> to vector<512x512xbf16>
    %slice3A_196 = vector.extract_strided_slice %convert_element_type3A_180 {offsets = [512, 0], sizes = [512, 256], strides = [1, 1]} : vector<4096x256xbf16> to vector<512x256xbf16>
    %dot_general3A_197 = arith.constant dense<0.000000e+00> : vector<512x256xf32>
    %dot_general3A_198 = tpu.matmul %convert_element_type3A_195, %slice3A_196, %dot_general3A_197 {dimension_numbers = #tpu.dot_dimension_numbers<[1], [0], [0], [1], [0, 0, 1, 1], [], []>, transpose_lhs_hint = false} : vector<512x512xbf16>, vector<512x256xbf16>, vector<512x256xf32> -> vector<512x256xf32>
    %get3A_199 = arith.constant 2 : index
    %get3A_200 = arith.constant 0 : index
    %get3A_201 = arith.constant 0 : index
    %get3A_202 = vector.load %arg3[%get3A_199, %get3A_200, %get3A_201] : memref<8x512x512xf32, #tpu.memory_space<vmem>>, vector<1x512x512xf32>
    %get3A_203 = vector.shape_cast %get3A_202 : vector<1x512x512xf32> to vector<512x512xf32>
    %convert_element_type3A_204 = arith.truncf %get3A_203 : vector<512x512xf32> to vector<512x512xbf16>
    %slice3A_205 = vector.extract_strided_slice %convert_element_type3A_180 {offsets = [1024, 0], sizes = [512, 256], strides = [1, 1]} : vector<4096x256xbf16> to vector<512x256xbf16>
    %dot_general3A_206 = arith.constant dense<0.000000e+00> : vector<512x256xf32>
    %dot_general3A_207 = tpu.matmul %convert_element_type3A_204, %slice3A_205, %dot_general3A_206 {dimension_numbers = #tpu.dot_dimension_numbers<[1], [0], [0], [1], [0, 0, 1, 1], [], []>, transpose_lhs_hint = false} : vector<512x512xbf16>, vector<512x256xbf16>, vector<512x256xf32> -> vector<512x256xf32>
    %get3A_208 = arith.constant 3 : index
    %get3A_209 = arith.constant 0 : index
    %get3A_210 = arith.constant 0 : index
    %get3A_211 = vector.load %arg3[%get3A_208, %get3A_209, %get3A_210] : memref<8x512x512xf32, #tpu.memory_space<vmem>>, vector<1x512x512xf32>
    %get3A_212 = vector.shape_cast %get3A_211 : vector<1x512x512xf32> to vector<512x512xf32>
    %convert_element_type3A_213 = arith.truncf %get3A_212 : vector<512x512xf32> to vector<512x512xbf16>
    %slice3A_214 = vector.extract_strided_slice %convert_element_type3A_180 {offsets = [1536, 0], sizes = [512, 256], strides = [1, 1]} : vector<4096x256xbf16> to vector<512x256xbf16>
    %dot_general3A_215 = arith.constant dense<0.000000e+00> : vector<512x256xf32>
    %dot_general3A_216 = tpu.matmul %convert_element_type3A_213, %slice3A_214, %dot_general3A_215 {dimension_numbers = #tpu.dot_dimension_numbers<[1], [0], [0], [1], [0, 0, 1, 1], [], []>, transpose_lhs_hint = false} : vector<512x512xbf16>, vector<512x256xbf16>, vector<512x256xf32> -> vector<512x256xf32>
    %get3A_217 = arith.constant 4 : index
    %get3A_218 = arith.constant 0 : index
    %get3A_219 = arith.constant 0 : index
    %get3A_220 = vector.load %arg3[%get3A_217, %get3A_218, %get3A_219] : memref<8x512x512xf32, #tpu.memory_space<vmem>>, vector<1x512x512xf32>
    %get3A_221 = vector.shape_cast %get3A_220 : vector<1x512x512xf32> to vector<512x512xf32>
    %convert_element_type3A_222 = arith.truncf %get3A_221 : vector<512x512xf32> to vector<512x512xbf16>
    %slice3A_223 = vector.extract_strided_slice %convert_element_type3A_180 {offsets = [2048, 0], sizes = [512, 256], strides = [1, 1]} : vector<4096x256xbf16> to vector<512x256xbf16>
    %dot_general3A_224 = arith.constant dense<0.000000e+00> : vector<512x256xf32>
    %dot_general3A_225 = tpu.matmul %convert_element_type3A_222, %slice3A_223, %dot_general3A_224 {dimension_numbers = #tpu.dot_dimension_numbers<[1], [0], [0], [1], [0, 0, 1, 1], [], []>, transpose_lhs_hint = false} : vector<512x512xbf16>, vector<512x256xbf16>, vector<512x256xf32> -> vector<512x256xf32>
    %get3A_226 = arith.constant 5 : index
    %get3A_227 = arith.constant 0 : index
    %get3A_228 = arith.constant 0 : index
    %get3A_229 = vector.load %arg3[%get3A_226, %get3A_227, %get3A_228] : memref<8x512x512xf32, #tpu.memory_space<vmem>>, vector<1x512x512xf32>
    %get3A_230 = vector.shape_cast %get3A_229 : vector<1x512x512xf32> to vector<512x512xf32>
    %convert_element_type3A_231 = arith.truncf %get3A_230 : vector<512x512xf32> to vector<512x512xbf16>
    %slice3A_232 = vector.extract_strided_slice %convert_element_type3A_180 {offsets = [2560, 0], sizes = [512, 256], strides = [1, 1]} : vector<4096x256xbf16> to vector<512x256xbf16>
    %dot_general3A_233 = arith.constant dense<0.000000e+00> : vector<512x256xf32>
    %dot_general3A_234 = tpu.matmul %convert_element_type3A_231, %slice3A_232, %dot_general3A_233 {dimension_numbers = #tpu.dot_dimension_numbers<[1], [0], [0], [1], [0, 0, 1, 1], [], []>, transpose_lhs_hint = false} : vector<512x512xbf16>, vector<512x256xbf16>, vector<512x256xf32> -> vector<512x256xf32>
    %get3A_235 = arith.constant 6 : index
    %get3A_236 = arith.constant 0 : index
    %get3A_237 = arith.constant 0 : index
    %get3A_238 = vector.load %arg3[%get3A_235, %get3A_236, %get3A_237] : memref<8x512x512xf32, #tpu.memory_space<vmem>>, vector<1x512x512xf32>
    %get3A_239 = vector.shape_cast %get3A_238 : vector<1x512x512xf32> to vector<512x512xf32>
    %convert_element_type3A_240 = arith.truncf %get3A_239 : vector<512x512xf32> to vector<512x512xbf16>
    %slice3A_241 = vector.extract_strided_slice %convert_element_type3A_180 {offsets = [3072, 0], sizes = [512, 256], strides = [1, 1]} : vector<4096x256xbf16> to vector<512x256xbf16>
    %dot_general3A_242 = arith.constant dense<0.000000e+00> : vector<512x256xf32>
    %dot_general3A_243 = tpu.matmul %convert_element_type3A_240, %slice3A_241, %dot_general3A_242 {dimension_numbers = #tpu.dot_dimension_numbers<[1], [0], [0], [1], [0, 0, 1, 1], [], []>, transpose_lhs_hint = false} : vector<512x512xbf16>, vector<512x256xbf16>, vector<512x256xf32> -> vector<512x256xf32>
    %get3A_244 = arith.constant 7 : index
    %get3A_245 = arith.constant 0 : index
    %get3A_246 = arith.constant 0 : index
    %get3A_247 = vector.load %arg3[%get3A_244, %get3A_245, %get3A_246] : memref<8x512x512xf32, #tpu.memory_space<vmem>>, vector<1x512x512xf32>
    %get3A_248 = vector.shape_cast %get3A_247 : vector<1x512x512xf32> to vector<512x512xf32>
    %convert_element_type3A_249 = arith.truncf %get3A_248 : vector<512x512xf32> to vector<512x512xbf16>
    %slice3A_250 = vector.extract_strided_slice %convert_element_type3A_180 {offsets = [3584, 0], sizes = [512, 256], strides = [1, 1]} : vector<4096x256xbf16> to vector<512x256xbf16>
    %dot_general3A_251 = arith.constant dense<0.000000e+00> : vector<512x256xf32>
    %dot_general3A_252 = tpu.matmul %convert_element_type3A_249, %slice3A_250, %dot_general3A_251 {dimension_numbers = #tpu.dot_dimension_numbers<[1], [0], [0], [1], [0, 0, 1, 1], [], []>, transpose_lhs_hint = false} : vector<512x512xbf16>, vector<512x256xbf16>, vector<512x256xf32> -> vector<512x256xf32>
    %concatenate3A_253 = tpu.concatenate %dot_general3A_189, %dot_general3A_198, %dot_general3A_207, %dot_general3A_216, %dot_general3A_225, %dot_general3A_234, %dot_general3A_243, %dot_general3A_252 in 0 : vector<512x256xf32>, vector<512x256xf32>, vector<512x256xf32>, vector<512x256xf32>, vector<512x256xf32>, vector<512x256xf32>, vector<512x256xf32>, vector<512x256xf32> -> vector<4096x256xf32>
    %convert_element_type3A_254 = arith.truncf %concatenate3A_253 : vector<4096x256xf32> to vector<4096x256xbf16>
    %get3A_255 = arith.constant 0 : index
    %get3A_256 = arith.constant 0 : index
    %get3A_257 = vector.load %arg6[%get3A_255, %get3A_256] : memref<256x256xbf16, #tpu.memory_space<vmem>>, vector<256x256xbf16>
    %dot_general3A_258 = arith.constant dense<0.000000e+00> : vector<4096x256xf32>
    %dot_general3A_259 = tpu.matmul %convert_element_type3A_180, %get3A_257, %dot_general3A_258 {dimension_numbers = #tpu.dot_dimension_numbers<[1], [0], [0], [1], [0, 0, 1, 1], [], []>, transpose_lhs_hint = false} : vector<4096x256xbf16>, vector<256x256xbf16>, vector<4096x256xf32> -> vector<4096x256xf32>
    %get3A_260 = arith.constant 0 : index
    %get3A_261 = arith.constant 0 : index
    %get3A_262 = vector.load %arg7[%get3A_260, %get3A_261] : memref<256x256xbf16, #tpu.memory_space<vmem>>, vector<256x256xbf16>
    %dot_general3A_263 = arith.constant dense<0.000000e+00> : vector<4096x256xf32>
    %dot_general3A_264 = tpu.matmul %convert_element_type3A_254, %get3A_262, %dot_general3A_263 {dimension_numbers = #tpu.dot_dimension_numbers<[1], [0], [0], [1], [0, 0, 1, 1], [], []>, transpose_lhs_hint = false} : vector<4096x256xbf16>, vector<256x256xbf16>, vector<4096x256xf32> -> vector<4096x256xf32>
    %add3A_265 = arith.addf %dot_general3A_259, %dot_general3A_264 : vector<4096x256xf32>
    %max3A_266 = arith.constant 0.000000e+00 : f32
    %max3A_267 = vector.broadcast %max3A_266 : f32 to vector<4096x256xf32>
    %max3A_268 = arith.maximumf %add3A_265, %max3A_267 : vector<4096x256xf32>
    %mul3A_269 = vector.broadcast %concatenate3A : vector<4096x1xf32> to vector<4096x256xf32>
    %mul3A_270 = arith.mulf %max3A_268, %mul3A_269 : vector<4096x256xf32>
    %mul3A_271 = arith.mulf %mul3A_270, %mul3A_270 : vector<4096x256xf32>
    %reduce_sum3A_272 = arith.constant dense<0.000000e+00> : vector<4096xf32>
    %reduce_sum3A_273 = vector.multi_reduction <add>, %mul3A_271, %reduce_sum3A_272 [1] : vector<4096x256xf32> to vector<4096xf32>
    %broadcast_in_dim3A_274 = vector.shape_cast %reduce_sum3A_273 : vector<4096xf32> to vector<4096x1xf32>
    %add3A_275 = vector.broadcast %broadcast_in_dim3A_274 : vector<4096x1xf32> to vector<4096x128xf32>
    %add3A_276 = vector.broadcast %broadcast_in_dim3A : vector<1x128xf32> to vector<4096x128xf32>
    %add3A_277 = arith.addf %add3A_275, %add3A_276 : vector<4096x128xf32>
    %convert_element_type3A_278 = arith.truncf %mul3A_270 : vector<4096x256xf32> to vector<4096x256xbf16>
    %dot_general3A_279 = arith.constant dense<0.000000e+00> : vector<4096x128xf32>
    %dot_general3A_280 = tpu.matmul %convert_element_type3A_278, %get3A_1, %dot_general3A_279 {dimension_numbers = #tpu.dot_dimension_numbers<[1], [0], [0], [1], [0, 0, 1, 1], [], []>, transpose_lhs_hint = false} : vector<4096x256xbf16>, vector<256x128xbf16>, vector<4096x128xf32> -> vector<4096x128xf32>
    %mul3A_281 = arith.constant 2.000000e+00 : f32
    %mul3A_282 = vector.broadcast %mul3A_281 : f32 to vector<4096x128xf32>
    %mul3A_283 = arith.mulf %mul3A_282, %dot_general3A_280 : vector<4096x128xf32>
    %sub3A = arith.subf %add3A_277, %mul3A_283 : vector<4096x128xf32>
    %max3A_284 = arith.constant 9.99999997E-7 : f32
    %max3A_285 = vector.broadcast %max3A_284 : f32 to vector<4096x128xf32>
    %max3A_286 = arith.maximumf %sub3A, %max3A_285 : vector<4096x128xf32>
    %sqrt3A = math.sqrt %max3A_286 : vector<4096x128xf32>
    %mul3A_287 = vector.broadcast %concatenate3A : vector<4096x1xf32> to vector<4096x128xf32>
    %mul3A_288 = arith.mulf %sqrt3A, %mul3A_287 : vector<4096x128xf32>
    %mul3A_289 = arith.constant 8 : i32
    %mul3A_290 = arith.muli %arg0, %mul3A_289 : i32
    %add3A_291 = arith.constant 0 : i32
    %add3A_292 = arith.addi %mul3A_290, %add3A_291 : i32
    %get3A_293 = arith.index_cast %add3A_292 : i32 to index
    %get3A_294 = arith.constant 0 : index
    %get3A_295 = memref.load %arg1[%get3A_293, %get3A_294] : memref<32x1xi32, #tpu.memory_space<smem>>
    %convert_element_type3A_296 = arith.sitofp %get3A_295 : i32 to f32
    %slice3A_297 = vector.extract_strided_slice %mul3A_288 {offsets = [0, 0], sizes = [512, 128], strides = [1, 1]} : vector<4096x128xf32> to vector<512x128xf32>
    %reduce_sum3A_298 = arith.constant dense<0.000000e+00> : vector<128xf32>
    %reduce_sum3A_299 = vector.multi_reduction <add>, %slice3A_297, %reduce_sum3A_298 [0] : vector<512x128xf32> to vector<128xf32>
    %broadcast_in_dim3A_300 = vector.shape_cast %reduce_sum3A_299 : vector<128xf32> to vector<1x128xf32>
    %div3A = vector.broadcast %convert_element_type3A_296 : f32 to vector<1x128xf32>
    %div3A_301 = arith.divf %broadcast_in_dim3A_300, %div3A : vector<1x128xf32>
    %get3A_302 = arith.constant 0 : index
    %get3A_303 = arith.constant 0 : index
    %get3A_304 = vector.load %arg9[%get3A_302, %get3A_303] : memref<128x128xf32, #tpu.memory_space<vmem>>, vector<128x128xf32>
    %dot_general3A_305 = arith.constant dense<0.000000e+00> : vector<1x128xf32>
    %dot_general3A_306 = tpu.matmul %div3A_301, %get3A_304, %dot_general3A_305 {dimension_numbers = #tpu.dot_dimension_numbers<[1], [0], [0], [1], [0, 0, 1, 1], [], []>, transpose_lhs_hint = false} : vector<1x128xf32>, vector<128x128xf32>, vector<1x128xf32> -> vector<1x128xf32>
    %get3A_307 = arith.constant 0 : index
    %get3A_308 = arith.constant 0 : index
    %get3A_309 = vector.load %arg10[%get3A_307, %get3A_308] : memref<1x128xf32, #tpu.memory_space<vmem>>, vector<1x128xf32>
    %add3A_310 = arith.addf %dot_general3A_306, %get3A_309 : vector<1x128xf32>
    %swap3A = arith.constant 0 : index
    %swap3A_311 = arith.constant 0 : index
    %swap3A_312 = arith.constant 0 : index
    %swap3A_313 = vector.load %arg11[%swap3A, %swap3A_311, %swap3A_312] : memref<8x1x128xf32, #tpu.memory_space<vmem>>, vector<1x1x128xf32>
    %swap3A_314 = vector.shape_cast %swap3A_313 : vector<1x1x128xf32> to vector<1x128xf32>
    %swap3A_315 = vector.shape_cast %add3A_310 : vector<1x128xf32> to vector<1x1x128xf32>
    tpu.vector_store %arg11[%swap3A, %swap3A_311, %swap3A_312], %swap3A_315 {strides = array<i32>} : memref<8x1x128xf32, #tpu.memory_space<vmem>>, vector<1x1x128xf32>,
    %mul3A_316 = arith.constant 8 : i32
    %mul3A_317 = arith.muli %arg0, %mul3A_316 : i32
    %add3A_318 = arith.constant 1 : i32
    %add3A_319 = arith.addi %mul3A_317, %add3A_318 : i32
    %get3A_320 = arith.index_cast %add3A_319 : i32 to index
    %get3A_321 = arith.constant 0 : index
    %get3A_322 = memref.load %arg1[%get3A_320, %get3A_321] : memref<32x1xi32, #tpu.memory_space<smem>>
    %convert_element_type3A_323 = arith.sitofp %get3A_322 : i32 to f32
    %slice3A_324 = vector.extract_strided_slice %mul3A_288 {offsets = [512, 0], sizes = [512, 128], strides = [1, 1]} : vector<4096x128xf32> to vector<512x128xf32>
    %reduce_sum3A_325 = arith.constant dense<0.000000e+00> : vector<128xf32>
    %reduce_sum3A_326 = vector.multi_reduction <add>, %slice3A_324, %reduce_sum3A_325 [0] : vector<512x128xf32> to vector<128xf32>
    %broadcast_in_dim3A_327 = vector.shape_cast %reduce_sum3A_326 : vector<128xf32> to vector<1x128xf32>
    %div3A_328 = vector.broadcast %convert_element_type3A_323 : f32 to vector<1x128xf32>
    %div3A_329 = arith.divf %broadcast_in_dim3A_327, %div3A_328 : vector<1x128xf32>
    %get3A_330 = arith.constant 0 : index
    %get3A_331 = arith.constant 0 : index
    %get3A_332 = vector.load %arg9[%get3A_330, %get3A_331] : memref<128x128xf32, #tpu.memory_space<vmem>>, vector<128x128xf32>
    %dot_general3A_333 = arith.constant dense<0.000000e+00> : vector<1x128xf32>
    %dot_general3A_334 = tpu.matmul %div3A_329, %get3A_332, %dot_general3A_333 {dimension_numbers = #tpu.dot_dimension_numbers<[1], [0], [0], [1], [0, 0, 1, 1], [], []>, transpose_lhs_hint = false} : vector<1x128xf32>, vector<128x128xf32>, vector<1x128xf32> -> vector<1x128xf32>
    %get3A_335 = arith.constant 0 : index
    %get3A_336 = arith.constant 0 : index
    %get3A_337 = vector.load %arg10[%get3A_335, %get3A_336] : memref<1x128xf32, #tpu.memory_space<vmem>>, vector<1x128xf32>
    %add3A_338 = arith.addf %dot_general3A_334, %get3A_337 : vector<1x128xf32>
    %swap3A_339 = arith.constant 1 : index
    %swap3A_340 = arith.constant 0 : index
    %swap3A_341 = arith.constant 0 : index
    %swap3A_342 = vector.load %arg11[%swap3A_339, %swap3A_340, %swap3A_341] : memref<8x1x128xf32, #tpu.memory_space<vmem>>, vector<1x1x128xf32>
    %swap3A_343 = vector.shape_cast %swap3A_342 : vector<1x1x128xf32> to vector<1x128xf32>
    %swap3A_344 = vector.shape_cast %add3A_338 : vector<1x128xf32> to vector<1x1x128xf32>
    tpu.vector_store %arg11[%swap3A_339, %swap3A_340, %swap3A_341], %swap3A_344 {strides = array<i32>} : memref<8x1x128xf32, #tpu.memory_space<vmem>>, vector<1x1x128xf32>,
    %mul3A_345 = arith.constant 8 : i32
    %mul3A_346 = arith.muli %arg0, %mul3A_345 : i32
    %add3A_347 = arith.constant 2 : i32
    %add3A_348 = arith.addi %mul3A_346, %add3A_347 : i32
    %get3A_349 = arith.index_cast %add3A_348 : i32 to index
    %get3A_350 = arith.constant 0 : index
    %get3A_351 = memref.load %arg1[%get3A_349, %get3A_350] : memref<32x1xi32, #tpu.memory_space<smem>>
    %convert_element_type3A_352 = arith.sitofp %get3A_351 : i32 to f32
    %slice3A_353 = vector.extract_strided_slice %mul3A_288 {offsets = [1024, 0], sizes = [512, 128], strides = [1, 1]} : vector<4096x128xf32> to vector<512x128xf32>
    %reduce_sum3A_354 = arith.constant dense<0.000000e+00> : vector<128xf32>
    %reduce_sum3A_355 = vector.multi_reduction <add>, %slice3A_353, %reduce_sum3A_354 [0] : vector<512x128xf32> to vector<128xf32>
    %broadcast_in_dim3A_356 = vector.shape_cast %reduce_sum3A_355 : vector<128xf32> to vector<1x128xf32>
    %div3A_357 = vector.broadcast %convert_element_type3A_352 : f32 to vector<1x128xf32>
    %div3A_358 = arith.divf %broadcast_in_dim3A_356, %div3A_357 : vector<1x128xf32>
    %get3A_359 = arith.constant 0 : index
    %get3A_360 = arith.constant 0 : index
    %get3A_361 = vector.load %arg9[%get3A_359, %get3A_360] : memref<128x128xf32, #tpu.memory_space<vmem>>, vector<128x128xf32>
    %dot_general3A_362 = arith.constant dense<0.000000e+00> : vector<1x128xf32>
    %dot_general3A_363 = tpu.matmul %div3A_358, %get3A_361, %dot_general3A_362 {dimension_numbers = #tpu.dot_dimension_numbers<[1], [0], [0], [1], [0, 0, 1, 1], [], []>, transpose_lhs_hint = false} : vector<1x128xf32>, vector<128x128xf32>, vector<1x128xf32> -> vector<1x128xf32>
    %get3A_364 = arith.constant 0 : index
    %get3A_365 = arith.constant 0 : index
    %get3A_366 = vector.load %arg10[%get3A_364, %get3A_365] : memref<1x128xf32, #tpu.memory_space<vmem>>, vector<1x128xf32>
    %add3A_367 = arith.addf %dot_general3A_363, %get3A_366 : vector<1x128xf32>
    %swap3A_368 = arith.constant 2 : index
    %swap3A_369 = arith.constant 0 : index
    %swap3A_370 = arith.constant 0 : index
    %swap3A_371 = vector.load %arg11[%swap3A_368, %swap3A_369, %swap3A_370] : memref<8x1x128xf32, #tpu.memory_space<vmem>>, vector<1x1x128xf32>
    %swap3A_372 = vector.shape_cast %swap3A_371 : vector<1x1x128xf32> to vector<1x128xf32>
    %swap3A_373 = vector.shape_cast %add3A_367 : vector<1x128xf32> to vector<1x1x128xf32>
    tpu.vector_store %arg11[%swap3A_368, %swap3A_369, %swap3A_370], %swap3A_373 {strides = array<i32>} : memref<8x1x128xf32, #tpu.memory_space<vmem>>, vector<1x1x128xf32>,
    %mul3A_374 = arith.constant 8 : i32
    %mul3A_375 = arith.muli %arg0, %mul3A_374 : i32
    %add3A_376 = arith.constant 3 : i32
    %add3A_377 = arith.addi %mul3A_375, %add3A_376 : i32
    %get3A_378 = arith.index_cast %add3A_377 : i32 to index
    %get3A_379 = arith.constant 0 : index
    %get3A_380 = memref.load %arg1[%get3A_378, %get3A_379] : memref<32x1xi32, #tpu.memory_space<smem>>
    %convert_element_type3A_381 = arith.sitofp %get3A_380 : i32 to f32
    %slice3A_382 = vector.extract_strided_slice %mul3A_288 {offsets = [1536, 0], sizes = [512, 128], strides = [1, 1]} : vector<4096x128xf32> to vector<512x128xf32>
    %reduce_sum3A_383 = arith.constant dense<0.000000e+00> : vector<128xf32>
    %reduce_sum3A_384 = vector.multi_reduction <add>, %slice3A_382, %reduce_sum3A_383 [0] : vector<512x128xf32> to vector<128xf32>
    %broadcast_in_dim3A_385 = vector.shape_cast %reduce_sum3A_384 : vector<128xf32> to vector<1x128xf32>
    %div3A_386 = vector.broadcast %convert_element_type3A_381 : f32 to vector<1x128xf32>
    %div3A_387 = arith.divf %broadcast_in_dim3A_385, %div3A_386 : vector<1x128xf32>
    %get3A_388 = arith.constant 0 : index
    %get3A_389 = arith.constant 0 : index
    %get3A_390 = vector.load %arg9[%get3A_388, %get3A_389] : memref<128x128xf32, #tpu.memory_space<vmem>>, vector<128x128xf32>
    %dot_general3A_391 = arith.constant dense<0.000000e+00> : vector<1x128xf32>
    %dot_general3A_392 = tpu.matmul %div3A_387, %get3A_390, %dot_general3A_391 {dimension_numbers = #tpu.dot_dimension_numbers<[1], [0], [0], [1], [0, 0, 1, 1], [], []>, transpose_lhs_hint = false} : vector<1x128xf32>, vector<128x128xf32>, vector<1x128xf32> -> vector<1x128xf32>
    %get3A_393 = arith.constant 0 : index
    %get3A_394 = arith.constant 0 : index
    %get3A_395 = vector.load %arg10[%get3A_393, %get3A_394] : memref<1x128xf32, #tpu.memory_space<vmem>>, vector<1x128xf32>
    %add3A_396 = arith.addf %dot_general3A_392, %get3A_395 : vector<1x128xf32>
    %swap3A_397 = arith.constant 3 : index
    %swap3A_398 = arith.constant 0 : index
    %swap3A_399 = arith.constant 0 : index
    %swap3A_400 = vector.load %arg11[%swap3A_397, %swap3A_398, %swap3A_399] : memref<8x1x128xf32, #tpu.memory_space<vmem>>, vector<1x1x128xf32>
    %swap3A_401 = vector.shape_cast %swap3A_400 : vector<1x1x128xf32> to vector<1x128xf32>
    %swap3A_402 = vector.shape_cast %add3A_396 : vector<1x128xf32> to vector<1x1x128xf32>
    tpu.vector_store %arg11[%swap3A_397, %swap3A_398, %swap3A_399], %swap3A_402 {strides = array<i32>} : memref<8x1x128xf32, #tpu.memory_space<vmem>>, vector<1x1x128xf32>,
    %mul3A_403 = arith.constant 8 : i32
    %mul3A_404 = arith.muli %arg0, %mul3A_403 : i32
    %add3A_405 = arith.constant 4 : i32
    %add3A_406 = arith.addi %mul3A_404, %add3A_405 : i32
    %get3A_407 = arith.index_cast %add3A_406 : i32 to index
    %get3A_408 = arith.constant 0 : index
    %get3A_409 = memref.load %arg1[%get3A_407, %get3A_408] : memref<32x1xi32, #tpu.memory_space<smem>>
    %convert_element_type3A_410 = arith.sitofp %get3A_409 : i32 to f32
    %slice3A_411 = vector.extract_strided_slice %mul3A_288 {offsets = [2048, 0], sizes = [512, 128], strides = [1, 1]} : vector<4096x128xf32> to vector<512x128xf32>
    %reduce_sum3A_412 = arith.constant dense<0.000000e+00> : vector<128xf32>
    %reduce_sum3A_413 = vector.multi_reduction <add>, %slice3A_411, %reduce_sum3A_412 [0] : vector<512x128xf32> to vector<128xf32>
    %broadcast_in_dim3A_414 = vector.shape_cast %reduce_sum3A_413 : vector<128xf32> to vector<1x128xf32>
    %div3A_415 = vector.broadcast %convert_element_type3A_410 : f32 to vector<1x128xf32>
    %div3A_416 = arith.divf %broadcast_in_dim3A_414, %div3A_415 : vector<1x128xf32>
    %get3A_417 = arith.constant 0 : index
    %get3A_418 = arith.constant 0 : index
    %get3A_419 = vector.load %arg9[%get3A_417, %get3A_418] : memref<128x128xf32, #tpu.memory_space<vmem>>, vector<128x128xf32>
    %dot_general3A_420 = arith.constant dense<0.000000e+00> : vector<1x128xf32>
    %dot_general3A_421 = tpu.matmul %div3A_416, %get3A_419, %dot_general3A_420 {dimension_numbers = #tpu.dot_dimension_numbers<[1], [0], [0], [1], [0, 0, 1, 1], [], []>, transpose_lhs_hint = false} : vector<1x128xf32>, vector<128x128xf32>, vector<1x128xf32> -> vector<1x128xf32>
    %get3A_422 = arith.constant 0 : index
    %get3A_423 = arith.constant 0 : index
    %get3A_424 = vector.load %arg10[%get3A_422, %get3A_423] : memref<1x128xf32, #tpu.memory_space<vmem>>, vector<1x128xf32>
    %add3A_425 = arith.addf %dot_general3A_421, %get3A_424 : vector<1x128xf32>
    %swap3A_426 = arith.constant 4 : index
    %swap3A_427 = arith.constant 0 : index
    %swap3A_428 = arith.constant 0 : index
    %swap3A_429 = vector.load %arg11[%swap3A_426, %swap3A_427, %swap3A_428] : memref<8x1x128xf32, #tpu.memory_space<vmem>>, vector<1x1x128xf32>
    %swap3A_430 = vector.shape_cast %swap3A_429 : vector<1x1x128xf32> to vector<1x128xf32>
    %swap3A_431 = vector.shape_cast %add3A_425 : vector<1x128xf32> to vector<1x1x128xf32>
    tpu.vector_store %arg11[%swap3A_426, %swap3A_427, %swap3A_428], %swap3A_431 {strides = array<i32>} : memref<8x1x128xf32, #tpu.memory_space<vmem>>, vector<1x1x128xf32>,
    %mul3A_432 = arith.constant 8 : i32
    %mul3A_433 = arith.muli %arg0, %mul3A_432 : i32
    %add3A_434 = arith.constant 5 : i32
    %add3A_435 = arith.addi %mul3A_433, %add3A_434 : i32
    %get3A_436 = arith.index_cast %add3A_435 : i32 to index
    %get3A_437 = arith.constant 0 : index
    %get3A_438 = memref.load %arg1[%get3A_436, %get3A_437] : memref<32x1xi32, #tpu.memory_space<smem>>
    %convert_element_type3A_439 = arith.sitofp %get3A_438 : i32 to f32
    %slice3A_440 = vector.extract_strided_slice %mul3A_288 {offsets = [2560, 0], sizes = [512, 128], strides = [1, 1]} : vector<4096x128xf32> to vector<512x128xf32>
    %reduce_sum3A_441 = arith.constant dense<0.000000e+00> : vector<128xf32>
    %reduce_sum3A_442 = vector.multi_reduction <add>, %slice3A_440, %reduce_sum3A_441 [0] : vector<512x128xf32> to vector<128xf32>
    %broadcast_in_dim3A_443 = vector.shape_cast %reduce_sum3A_442 : vector<128xf32> to vector<1x128xf32>
    %div3A_444 = vector.broadcast %convert_element_type3A_439 : f32 to vector<1x128xf32>
    %div3A_445 = arith.divf %broadcast_in_dim3A_443, %div3A_444 : vector<1x128xf32>
    %get3A_446 = arith.constant 0 : index
    %get3A_447 = arith.constant 0 : index
    %get3A_448 = vector.load %arg9[%get3A_446, %get3A_447] : memref<128x128xf32, #tpu.memory_space<vmem>>, vector<128x128xf32>
    %dot_general3A_449 = arith.constant dense<0.000000e+00> : vector<1x128xf32>
    %dot_general3A_450 = tpu.matmul %div3A_445, %get3A_448, %dot_general3A_449 {dimension_numbers = #tpu.dot_dimension_numbers<[1], [0], [0], [1], [0, 0, 1, 1], [], []>, transpose_lhs_hint = false} : vector<1x128xf32>, vector<128x128xf32>, vector<1x128xf32> -> vector<1x128xf32>
    %get3A_451 = arith.constant 0 : index
    %get3A_452 = arith.constant 0 : index
    %get3A_453 = vector.load %arg10[%get3A_451, %get3A_452] : memref<1x128xf32, #tpu.memory_space<vmem>>, vector<1x128xf32>
    %add3A_454 = arith.addf %dot_general3A_450, %get3A_453 : vector<1x128xf32>
    %swap3A_455 = arith.constant 5 : index
    %swap3A_456 = arith.constant 0 : index
    %swap3A_457 = arith.constant 0 : index
    %swap3A_458 = vector.load %arg11[%swap3A_455, %swap3A_456, %swap3A_457] : memref<8x1x128xf32, #tpu.memory_space<vmem>>, vector<1x1x128xf32>
    %swap3A_459 = vector.shape_cast %swap3A_458 : vector<1x1x128xf32> to vector<1x128xf32>
    %swap3A_460 = vector.shape_cast %add3A_454 : vector<1x128xf32> to vector<1x1x128xf32>
    tpu.vector_store %arg11[%swap3A_455, %swap3A_456, %swap3A_457], %swap3A_460 {strides = array<i32>} : memref<8x1x128xf32, #tpu.memory_space<vmem>>, vector<1x1x128xf32>,
    %mul3A_461 = arith.constant 8 : i32
    %mul3A_462 = arith.muli %arg0, %mul3A_461 : i32
    %add3A_463 = arith.constant 6 : i32
    %add3A_464 = arith.addi %mul3A_462, %add3A_463 : i32
    %get3A_465 = arith.index_cast %add3A_464 : i32 to index
    %get3A_466 = arith.constant 0 : index
    %get3A_467 = memref.load %arg1[%get3A_465, %get3A_466] : memref<32x1xi32, #tpu.memory_space<smem>>
    %convert_element_type3A_468 = arith.sitofp %get3A_467 : i32 to f32
    %slice3A_469 = vector.extract_strided_slice %mul3A_288 {offsets = [3072, 0], sizes = [512, 128], strides = [1, 1]} : vector<4096x128xf32> to vector<512x128xf32>
    %reduce_sum3A_470 = arith.constant dense<0.000000e+00> : vector<128xf32>
    %reduce_sum3A_471 = vector.multi_reduction <add>, %slice3A_469, %reduce_sum3A_470 [0] : vector<512x128xf32> to vector<128xf32>
    %broadcast_in_dim3A_472 = vector.shape_cast %reduce_sum3A_471 : vector<128xf32> to vector<1x128xf32>
    %div3A_473 = vector.broadcast %convert_element_type3A_468 : f32 to vector<1x128xf32>
    %div3A_474 = arith.divf %broadcast_in_dim3A_472, %div3A_473 : vector<1x128xf32>
    %get3A_475 = arith.constant 0 : index
    %get3A_476 = arith.constant 0 : index
    %get3A_477 = vector.load %arg9[%get3A_475, %get3A_476] : memref<128x128xf32, #tpu.memory_space<vmem>>, vector<128x128xf32>
    %dot_general3A_478 = arith.constant dense<0.000000e+00> : vector<1x128xf32>
    %dot_general3A_479 = tpu.matmul %div3A_474, %get3A_477, %dot_general3A_478 {dimension_numbers = #tpu.dot_dimension_numbers<[1], [0], [0], [1], [0, 0, 1, 1], [], []>, transpose_lhs_hint = false} : vector<1x128xf32>, vector<128x128xf32>, vector<1x128xf32> -> vector<1x128xf32>
    %get3A_480 = arith.constant 0 : index
    %get3A_481 = arith.constant 0 : index
    %get3A_482 = vector.load %arg10[%get3A_480, %get3A_481] : memref<1x128xf32, #tpu.memory_space<vmem>>, vector<1x128xf32>
    %add3A_483 = arith.addf %dot_general3A_479, %get3A_482 : vector<1x128xf32>
    %swap3A_484 = arith.constant 6 : index
    %swap3A_485 = arith.constant 0 : index
    %swap3A_486 = arith.constant 0 : index
    %swap3A_487 = vector.load %arg11[%swap3A_484, %swap3A_485, %swap3A_486] : memref<8x1x128xf32, #tpu.memory_space<vmem>>, vector<1x1x128xf32>
    %swap3A_488 = vector.shape_cast %swap3A_487 : vector<1x1x128xf32> to vector<1x128xf32>
    %swap3A_489 = vector.shape_cast %add3A_483 : vector<1x128xf32> to vector<1x1x128xf32>
    tpu.vector_store %arg11[%swap3A_484, %swap3A_485, %swap3A_486], %swap3A_489 {strides = array<i32>} : memref<8x1x128xf32, #tpu.memory_space<vmem>>, vector<1x1x128xf32>,
    %mul3A_490 = arith.constant 8 : i32
    %mul3A_491 = arith.muli %arg0, %mul3A_490 : i32
    %add3A_492 = arith.constant 7 : i32
    %add3A_493 = arith.addi %mul3A_491, %add3A_492 : i32
    %get3A_494 = arith.index_cast %add3A_493 : i32 to index
    %get3A_495 = arith.constant 0 : index
    %get3A_496 = memref.load %arg1[%get3A_494, %get3A_495] : memref<32x1xi32, #tpu.memory_space<smem>>
    %convert_element_type3A_497 = arith.sitofp %get3A_496 : i32 to f32
    %slice3A_498 = vector.extract_strided_slice %mul3A_288 {offsets = [3584, 0], sizes = [512, 128], strides = [1, 1]} : vector<4096x128xf32> to vector<512x128xf32>
    %reduce_sum3A_499 = arith.constant dense<0.000000e+00> : vector<128xf32>
    %reduce_sum3A_500 = vector.multi_reduction <add>, %slice3A_498, %reduce_sum3A_499 [0] : vector<512x128xf32> to vector<128xf32>
    %broadcast_in_dim3A_501 = vector.shape_cast %reduce_sum3A_500 : vector<128xf32> to vector<1x128xf32>
    %div3A_502 = vector.broadcast %convert_element_type3A_497 : f32 to vector<1x128xf32>
    %div3A_503 = arith.divf %broadcast_in_dim3A_501, %div3A_502 : vector<1x128xf32>
    %get3A_504 = arith.constant 0 : index
    %get3A_505 = arith.constant 0 : index
    %get3A_506 = vector.load %arg9[%get3A_504, %get3A_505] : memref<128x128xf32, #tpu.memory_space<vmem>>, vector<128x128xf32>
    %dot_general3A_507 = arith.constant dense<0.000000e+00> : vector<1x128xf32>
    %dot_general3A_508 = tpu.matmul %div3A_503, %get3A_506, %dot_general3A_507 {dimension_numbers = #tpu.dot_dimension_numbers<[1], [0], [0], [1], [0, 0, 1, 1], [], []>, transpose_lhs_hint = false} : vector<1x128xf32>, vector<128x128xf32>, vector<1x128xf32> -> vector<1x128xf32>
    %get3A_509 = arith.constant 0 : index
    %get3A_510 = arith.constant 0 : index
    %get3A_511 = vector.load %arg10[%get3A_509, %get3A_510] : memref<1x128xf32, #tpu.memory_space<vmem>>, vector<1x128xf32>
    %add3A_512 = arith.addf %dot_general3A_508, %get3A_511 : vector<1x128xf32>
    %swap3A_513 = arith.constant 7 : index
    %swap3A_514 = arith.constant 0 : index
    %swap3A_515 = arith.constant 0 : index
    %swap3A_516 = vector.load %arg11[%swap3A_513, %swap3A_514, %swap3A_515] : memref<8x1x128xf32, #tpu.memory_space<vmem>>, vector<1x1x128xf32>
    %swap3A_517 = vector.shape_cast %swap3A_516 : vector<1x1x128xf32> to vector<1x128xf32>
    %swap3A_518 = vector.shape_cast %add3A_512 : vector<1x128xf32> to vector<1x1x128xf32>
    tpu.vector_store %arg11[%swap3A_513, %swap3A_514, %swap3A_515], %swap3A_518 {strides = array<i32>} : memref<8x1x128xf32, #tpu.memory_space<vmem>>, vector<1x1x128xf32>,
    return
  }
  func.func @transform_0(%arg0: i32) -> (i32, i32) {
    %c0_i32 = arith.constant 0 : i32
    %c0_i32_0 = arith.constant 0 : i32
    %c0_i32_1 = arith.constant 0 : i32
    return %c0_i32, %c0_i32_0 : i32, i32
  }
  func.func @transform_1(%arg0: i32) -> (i32, i32, i32) {
    %c0_i32 = arith.constant 0 : i32
    %c0_i32_0 = arith.constant 0 : i32
    %c0_i32_1 = arith.constant 0 : i32
    return %arg0, %c0_i32, %c0_i32_0 : i32, i32, i32
  }
  func.func @transform_2(%arg0: i32) -> (i32, i32, i32) {
    %c0_i32 = arith.constant 0 : i32
    %c0_i32_0 = arith.constant 0 : i32
    %c0_i32_1 = arith.constant 0 : i32
    return %arg0, %c0_i32, %c0_i32_0 : i32, i32, i32
  }
  func.func @transform_3(%arg0: i32) -> (i32, i32) {
    %c0_i32 = arith.constant 0 : i32
    %c0_i32_0 = arith.constant 0 : i32
    %c0_i32_1 = arith.constant 0 : i32
    return %c0_i32, %c0_i32_0 : i32, i32
  }
  func.func @transform_4(%arg0: i32) -> (i32, i32) {
    %c0_i32 = arith.constant 0 : i32
    %c0_i32_0 = arith.constant 0 : i32
    %c0_i32_1 = arith.constant 0 : i32
    return %c0_i32, %c0_i32_0 : i32, i32
  }
  func.func @transform_5(%arg0: i32) -> (i32, i32) {
    %c0_i32 = arith.constant 0 : i32
    %c0_i32_0 = arith.constant 0 : i32
    %c0_i32_1 = arith.constant 0 : i32
    return %c0_i32, %c0_i32_0 : i32, i32
  }
  func.func @transform_6(%arg0: i32) -> (i32, i32) {
    %c0_i32 = arith.constant 0 : i32
    %c0_i32_0 = arith.constant 0 : i32
    %c0_i32_1 = arith.constant 0 : i32
    return %c0_i32, %c0_i32_0 : i32, i32
  }
  func.func @transform_7(%arg0: i32) -> (i32, i32) {
    %c0_i32 = arith.constant 0 : i32
    %c0_i32_0 = arith.constant 0 : i32
    %c0_i32_1 = arith.constant 0 : i32
    return %c0_i32, %c0_i32_0 : i32, i32
  }
  func.func @transform_8(%arg0: i32) -> (i32, i32) {
    %c0_i32 = arith.constant 0 : i32
    %c0_i32_0 = arith.constant 0 : i32
    %c0_i32_1 = arith.constant 0 : i32
    return %c0_i32, %c0_i32_0 : i32, i32
  }
  func.func @transform_9(%arg0: i32) -> (i32, i32) {
    %c0_i32 = arith.constant 0 : i32
    %c0_i32_0 = arith.constant 0 : i32
    %c0_i32_1 = arith.constant 0 : i32
    return %c0_i32, %c0_i32_0 : i32, i32
  }
  func.func @transform_10(%arg0: i32) -> (i32, i32, i32) {
    %c0_i32 = arith.constant 0 : i32
    %c0_i32_0 = arith.constant 0 : i32
    %c0_i32_1 = arith.constant 0 : i32
    return %arg0, %c0_i32, %c0_i32_0 : i32, i32, i32
  }
}

</mosaic_0001>

<sc_bundles>
// kernel: kernel.5.cloned.1.call-start
scs
__scs_entry_jumppad:
0x0: {  	(pc) =	sbr.rel $0x88, $3  }
0x1: {  	(tag) =	ssettag $0x0;
	lr =	simm.s32 $0x1  }
0x2: {  	[smem:$0x3F95] =	sst lr;
	_ =	strace $0xD0000000  }
0x3: {  	_ = 	snop  }
0x4: {  	_ = 	snop  }
0x5: {  	_ = 	snop  }
0x6: {  	_ = 	snop  }
0x7: {  	_ = 	snop  }
__scs_overlays_trampoline_lowered:
0x8: {  	[smem:$0x3FA4] =	sst s0  }
0x9: {  	[smem:$0x3FA5] =	sst s1  }
0xa: {  	[smem:$0x3FA6] =	sst s2  }
0xb: {  	[smem:$0x3FA7] =	sst s3  }
0xc: {  	[smem:$0x3FA8] =	sst s4  }
0xd: {  	[smem:$0x3FA9] =	sst s5  }
0xe: {  	[smem:$0x3FAA] =	sst s6  }
0xf: {  	[smem:$0x3FAB] =	sst s7  }
0x10: {  	[smem:$0x3FAC] =	sst s8  }
0x11: {  	[smem:$0x3FAD] =	sst s9;
	s0 =	simm.s32 @!p0 $0x0  }
0x12: {  	s1 =	sld [smem:$0x3F93];
	s0 =	simm.s32 @p0 $0x1  }
0x13: {  	[smem:$0x3FAE] =	sst s0;
	s0 =	simm.s32 @!p1 $0x0  }
0x14: {  	s2 =	sld [smem:$0x3F92];
	s0 =	simm.s32 @p1 $0x1  }
0x15: {  	[smem:$0x3FAF] =	sst s0;
	s0 =	simm.s32 @!p2 $0x0  }
0x16: {  	s3 =	sld [smem:$0x3FDB];
	s0 =	simm.s32 @p2 $0x1  }
0x17: {  	s4 =	simm.s32 $0x1BF5;
	[smem:$0x3FB1] =	sst s0  }
0x18: {  	s0 =	sld [smem:$0x3F94];
	_ =	swait.ge [sflag:s4], $0x0  }
0x19: {  	s7 =	sld [smem:$0x3F95]  }
0x1a: {  	s8 =	sadd.s32 $0xFFFFE003, lr  }
0x1b: {  	s9 =	sadd.s32 $0xFFFFFEF7, lr;
	s5 =	simm.s32 $0xFFFFFFFF;
	p2 =	slt.u32 s8, $0xFFFFF086  }
0x1c: {  	p1 =	slt.u32 s9, $0xF7A;
	s5 =	simm.s32 @!p2 $0x0  }
0x1d: {  	s5 =	simm.s32 @p1 $0x1;
	p0 =	seq.s32 s7, s2  }
0x1e: {  	s7 =	smul.u32 @!p0 $0xF7A, s2;
	p2 =	seq.s32 @!p0 s5, $0x0  }
0x1f: {  	s9 =	smul.u32 $0xF7A, s1;
	s8 =	simm.s32 @!p0 $0x1BF5;
	p2 =	por !p2, p0  }
0x20: {  	[sflag:s8] =	ssyncset.s32 @!p0 $0xFFFFF086;
	s6 =	sadd.s32 @!p0 s3, s7;
	s7 =	simm.s32 @!p0 $0x108  }
0x21: {  	s3 =	sadd.s32 s3, s9;
	s6 =	sadd.s32 @!p0 $0x88, s6;
	s7 =	simm.s32 @p2 $0x1082  }
0x22: {  	[simem:s7], [sflag:s8] =	dma.local @!p0 [hbm:s6], $0xF7A  }
0x23: {  	s9 =	sor.u32 $0xD0000000, s2;
	s6 =	simm.s32 $0x108;
	_ =	swait.ge @!p0 [sflag:s8], $0x0  }
0x24: {  	s3 =	sadd.s32 $0x88, s3;
	s6 =	simm.s32 @!p1 $0x1082;
	[sflag:s4] =	ssyncset.s32 $0xFFFFF086  }
0x25: {  	[simem:s6], [sflag:s4] =	dma.local [hbm:s3], $0xF7A  }
0x26: {  	[smem:$0x3F95] =	sst s1;
	(tag) =	ssettag s2;
	_ =	strace s9  }
0x27: {  	s1 =	sld [smem:$0x3FA5]  }
0x28: {  	s2 =	sld [smem:$0x3FA6]  }
0x29: {  	s4 =	sld [smem:$0x3FA8]  }
0x2a: {  	p0 =	seq.s32 s5, $0x0;
	s5 =	sld [smem:$0x3FA9]  }
0x2b: {  	s6 =	sld [smem:$0x3FAA]  }
0x2c: {  	s7 =	sld [smem:$0x3FAB]  }
0x2d: {  	s3 =	simm.s32 $0x108;
	s8 =	sld [smem:$0x3FAC]  }
0x2e: {  	s3 =	simm.s32 @!p0 $0x1082;
	s9 =	sld [smem:$0x3FAD]  }
0x2f: {  	lr =	sadd.s32 s0, s3;
	s0 =	sld [smem:$0x3FA4]  }
0x30: {  	s3 =	sld [smem:$0x3FA7]  }
0x31: {  	[smem:$0x3FB0] =	sst s10  }
0x32: {  	s10 =	sld [smem:$0x3FAE];
	_ =	sdelay $0x3  }
0x33: {  	p0 =	seq.s32 s10, $0x1;
	s10 =	sld [smem:$0x3FB0];
	_ =	sdelay $0x3  }
0x34: {  	[smem:$0x3FB0] =	sst s10  }
0x35: {  	s10 =	sld [smem:$0x3FAF];
	_ =	sdelay $0x3  }
0x36: {  	p1 =	seq.s32 s10, $0x1;
	s10 =	sld [smem:$0x3FB0];
	_ =	sdelay $0x3  }
0x37: {  	[smem:$0x3FB0] =	sst s10  }
0x38: {  	s10 =	sld [smem:$0x3FB1]  }
0x39: {  	_ = 	snop;
	(pc) =	sbr.ind lr, $3  }
0x3a: {  	_ = 	snop  }
0x3b: {  	_ = 	snop  }
0x3c: {  	p2 =	seq.s32 s10, $0x1;
	s10 =	sld [smem:$0x3FB0]  }
0x3d: {  	_ =	shalt  }
0x3e: {  	_ =	shalt  }
0x3f: {  	_ =	shalt  }
0x40: {  	_ =	shalt  }
0x41: {  	_ =	shalt  }
0x42: {  	_ =	shalt  }
0x43: {  	_ =	shalt  }
0x44: {  	_ =	shalt  }
0x45: {  	_ =	shalt  }
0x46: {  	_ =	shalt  }
0x47: {  	_ =	shalt  }
0x48: {  	_ =	shalt  }
0x49: {  	_ =	shalt  }
0x4a: {  	_ =	shalt  }
0x4b: {  	_ =	shalt  }
0x4c: {  	_ =	shalt  }
0x4d: {  	_ =	shalt  }
0x4e: {  	_ =	shalt  }
0x4f: {  	_ =	shalt  }
0x50: {  	_ =	shalt  }
0x51: {  	_ =	shalt  }
0x52: {  	_ =	shalt  }
0x53: {  	_ =	shalt  }
0x54: {  	_ =	shalt  }
0x55: {  	_ =	shalt  }
0x56: {  	_ =	shalt  }
0x57: {  	_ =	shalt  }
0x58: {  	_ =	shalt  }
0x59: {  	_ =	shalt  }
0x5a: {  	_ =	shalt  }
0x5b: {  	_ =	shalt  }
0x5c: {  	_ =	shalt  }
0x5d: {  	_ =	shalt  }
0x5e: {  	_ =	shalt  }
0x5f: {  	_ =	shalt  }
0x60: {  	_ =	shalt  }
0x61: {  	_ =	shalt  }
0x62: {  	_ =	shalt  }
0x63: {  	_ =	shalt  }
0x64: {  	_ =	shalt  }
0x65: {  	_ =	shalt  }
0x66: {  	_ =	shalt  }
0x67: {  	_ =	shalt  }
0x68: {  	_ =	shalt  }
0x69: {  	_ =	shalt  }
0x6a: {  	_ =	shalt  }
0x6b: {  	_ =	shalt  }
0x6c: {  	_ =	shalt  }
0x6d: {  	_ =	shalt  }
0x6e: {  	_ =	shalt  }
0x6f: {  	_ =	shalt  }
0x70: {  	_ =	shalt  }
0x71: {  	_ =	shalt  }
0x72: {  	_ =	shalt  }
0x73: {  	_ =	shalt  }
0x74: {  	_ =	shalt  }
0x75: {  	_ =	shalt  }
0x76: {  	_ =	shalt  }
0x77: {  	_ =	shalt  }
0x78: {  	_ =	shalt  }
0x79: {  	_ =	shalt  }
0x7a: {  	_ =	shalt  }
0x7b: {  	_ =	shalt  }
0x7c: {  	_ =	shalt  }
0x7d: {  	_ =	shalt  }
0x7e: {  	_ =	shalt  }
0x7f: {  	_ =	shalt  }
0x80: {  	_ =	shalt  }
0x81: {  	_ =	shalt  }
0x82: {  	_ =	shalt  }
0x83: {  	_ =	shalt  }
0x84: {  	_ =	shalt  }
0x85: {  	_ =	shalt  }
0x86: {  	_ =	shalt  }
0x87: {  	_ =	shalt  }
.Lfunc_end0:
.L_simem_size_0:
called_computation_lowered:
.L_overlay_start_0:
0x88: {  	s2 =	sld [smem:$0x3FD9]  }
0x89: {  	s3 =	sld [smem:$0x3FFE];
	_ =	sdelay $0x1  }
0x8a: {  	s1 =	srdreg.scid  }
0x8b: {  	s0 =	sand.u32 $0x1, s1  }
0x8c: {  	s16 =	sshll.u32 s0, $0xA;
	s2 =	sadd.s32 s3, s2  }
0x8d: {  	s2 =	sadd.s32 s2, s16  }
0x8e: {  	[smem:$0x3FBC] =	sst s2  }
0x8f: {  	_ = 	snop  }
0x90: {  	(tm) =	ssettm $0x1  }
0x91: {  	s17 =	sld [smem:$0x3FFB];
	_ =	sdelay $0x3  }
0x92: {  	_ =	strace s17  }
0x93: {  	s2 =	sld [smem:$0x3FFC];
	_ =	sdelay $0x3  }
0x94: {  	_ =	strace s2  }
0x95: {  	s2 =	sld [smem:$0x3FFD];
	_ =	sdelay $0x3  }
0x96: {  	_ =	strace s2  }
0x97: {  	_ =	strace $0x8FFFFFFF  }
0x98: {  	s18 =	sld [smem:$0x3FDB];
	_ =	sdelay $0x1  }
0x99: {  	s19 =	simm.s32 $_scs_section_size  }
0x9a: {  	s4 =	simm.s32 $_size__tile_overlayer_lowered;
	s5 =	simm.s32 $_tile_overlayer_lowered  }
0x9b: {  	s22 =	simm.s32 $0x1BFF;
	s21 =	sshll.u32 s5, $0x1;
	s2 =	sadd.s32 s19, s18  }
0x9c: {  	s6 =	simm.s32 $0x0;
	s20 =	sshll.u32 s4, $0x1;
	s4 =	sadd.s32 s21, s2  }
0x9d: {  	[timem:s6], [sflag:s22] =	dma.local [hbm:s4], s20  }
0x9e: {  	_ =	swait.ge [sflag:s22], s20  }
0x9f: {  	s3 =	ssub.s32 $0x0, s20;
	[sflag:s22] =	ssyncset.done $0x0  }
0xa0: {  	[sflag:s22] =	ssyncadd.s32 s3;
	_ =	sdelay $0x1  }
0xa1: {  	s23 =	simm.s32 $0x1B8B  }
0xa2: {  	_ =	swait.ge [sflag:s23], $0x1  }
0xa3: {  	[sflag:s23] =	ssyncset.done $0x0  }
0xa4: {  	s25 =	simm.s32 $0x1B8E;
	s24 =	sld [smem:$0x3FFE];
	[sflag:s23] =	ssyncadd.s32 $0xFFFFFFFF  }
0xa5: {  	s26 =	simm.s32 $execute0_lowered;
	[smem:$0x3FD2] =	sst s25  }
0xa6: {  	s4 =	sshll.u32 s26, $0x1;
	_ =	strace $0x80000046;
	[dreg:$0x1] =	wrdreg $0xFFFFFFFF  }
0xa7: {  	s28 =	simm.s32 $_size_execute0_lowered;
	s2 =	sadd.s32 s2, s4;
	[dreg:$0x0] =	wrdreg $0x0  }
0xa8: {  	s4 =	sshll.u32 s28, $0x1;
	[dreg:$0x2] =	wrdreg s2  }
0xa9: {  	[dreg:$0x3] =	wrdreg s4  }
0xaa: {  	[dreg:$0x4] =	wrdreg $0xC0  }
0xab: {  	_ =	task [dreg:s6], $0x5FFFF  }
0xac: {  	[dreg:$0x1] =	wrdreg $0xFFFFFFFF  }
0xad: {  	[dreg:$0x0] =	wrdreg $0x60  }
0xae: {  	[dreg:$0x2] =	wrdreg s24  }
0xaf: {  	[dreg:$0x3] =	wrdreg $0x9  }
0xb0: {  	_ =	task.clear_ibuf [dreg:s6], $0x4FFFF;
	_ =	strace $0x90000046  }
0xb1: {  	s29 =	simm.s32 $0x9;
	_ =	strace $0x80000048  }
0xb2: {  	_ =	swait.ge [sflag:s29], $0x1  }
0xb3: {  	[sflag:s29] =	ssyncadd.s32 $0xFFFFFFFF  }
0xb4: {  	_ =	strace $0x90000048  }
0xb5: {  	_ =	sfence  }
0xb6: {  	s30 =	sld [smem:$0x0];
	_ =	sdelay $0x2  }
0xb7: {  	s31 =	sshll.u32 s1, $0xD;
	s1 =	sshrl.u32 s1, $0x2  }
0xb8: {  	s3 =	sand.u32 $0x4000, s31;
	s1 =	sadd.s32 s1, s30  }
0xb9: {  	s0 =	sor.u32 s3, s0;
	s1 =	sshll.u32 s1, $0x11  }
0xba: {  	s0 =	sor.u32 s1, s0  }
0xbb: {  	s0 =	sadd.s32 $0x8F2B, s0  }
0xbc: {  	[sflag:s0] =	ssyncadd.remote.s32 $0x1  }
0xbd: {  	_ =	sfence.sel $0xFFFF  }
0xbe: {  	[dreg:$0x0] =	wrdreg $0xFFFFFFFF;
	(pc) =	sbr.abs _section_cstart, $3  }
0xbf: {  	[dreg:$0x1] =	wrdreg $0xFFFFFFFF  }
0xc0: {  	_ =	task.clear_ibuf [dreg:s6], $0x2FFFF;
	_ =	strace $0x9FFFFFFF  }
0xc1: {  	(tm) =	ssettm $0x7FFFFFFF  }
tec
execute0_lowered:
.L_overlay_start_1:
0x0: {  	(tag) =	ssettag $0x1  }
0x1: {  	s0 =	rddreg [dreg:$0x0];
	s2 =	simm.s32 $0x0;
	s1 =	srdreg.scid  }
0x2: {  	s3 =	stileid.u32;
	s29 =	simm.s32 $0x4000;
	s30 =	simm.s32 $0x3  }
0x3: {  	s31 =	simm.s32 $0x2000;
	[smem:$0x7FF] =	sst s2;
	s1 =	sand.u32 $0x1, s1  }
0x4: {  	s3 =	sshll.u32 s3, $0x1;
	s4 =	sadd.s32 $0xE00, s0;
	s5 =	sadd.s32 $0x40E00, s0  }
0x5: {  	_ =	strace $0x80000047;
	s3 =	sor.u32 s1, s3;
	s1 =	ssub.s32 $0x2, s1  }
0x6: {  	s6 =	sshll.u32 s3, $0xF;
	s7 =	sshrl.u32 s1, $0x1;
	s3 =	sshll.u32 s3, $0xD  }
0x7: {  	s0 =	sadd.s32 s6, s0;
	s1 =	ssub.s32 s1, s7;
	s13 =	sadd.s32 s4, s3  }
0x8: {  	s14 =	sadd.s32 s5, s3;
	s15 =	sor.u32 $0x400, s3;
	s17 =	sor.u32 $0x800, s3  }
0x9: {  	s20 =	sor.u32 $0xC00, s3;
	s24 =	sor.u32 $0x1000, s3;
	s25 =	sor.u32 $0x1400, s3  }
0xa: {  	s26 =	sor.u32 $0x1800, s3;
	s3 =	sor.u32 $0x1C00, s3;
	[dreg:$0x2] =	wrdreg s13  }
0xb: {  	s7 =	simm.s32 $0x0;
	[dreg:$0x3] =	wrdreg s14;
	s16 =	sadd.s32 s4, s15  }
0xc: {  	s6 =	sadd.s32 s5, s15;
	s18 =	sadd.s32 $0x80E00, s0;
	[dreg:$0x4] =	wrdreg s16  }
0xd: {  	s19 =	sadd.s32 s4, s17;
	s21 =	sadd.s32 $0x81E00, s0;
	[dreg:$0x5] =	wrdreg s6  }
0xe: {  	s22 =	sadd.s32 s4, s20;
	s23 =	sadd.s32 s5, s20;
	[dreg:$0x6] =	wrdreg s18  }
0xf: {  	s13 =	sadd.s32 $0x82E00, s0;
	s14 =	sadd.s32 s4, s24;
	[dreg:$0x7] =	wrdreg s19  }
0x10: {  	s15 =	sadd.s32 s5, s24;
	s20 =	sadd.s32 s5, s26;
	[dreg:$0x9] =	wrdreg s21  }
0x11: {  	s24 =	sadd.s32 $0x85E00, s0;
	s28 =	smax.u32 s1, $0x1;
	[dreg:$0xa] =	wrdreg s22  }
0x12: {  	s1 =	simm.s32 $0x8000;
	s6 =	sadd.s32 s5, s17;
	[dreg:$0xb] =	wrdreg s23  }
0x13: {  	s16 =	sadd.s32 $0x83E00, s0;
	s17 =	sadd.s32 s4, s25;
	s18 =	sadd.s32 s5, s25  }
0x14: {  	s19 =	sadd.s32 s4, s26;
	s21 =	sadd.s32 s4, s3;
	s22 =	sadd.s32 s5, s3  }
0x15: {  	s23 =	sadd.s32 $0x84E00, s0;
	s25 =	sadd.s32 $0x86E00, s0;
	s26 =	sadd.s32 $0x87E00, s0  }
0x16: {  	s0 =	simm.s32 $0x6000;
	s3 =	simm.s32 $0x4;
	s4 =	simm.s32 $0x10000  }
0x17: {  	v0 =	vimm.f32 $0.0e+00;
	s5 =	simm.s32 $0x1;
	[dreg:$0x8] =	wrdreg s6;
	s6 =	simm.s32 $0x2  }
.LBB2_1:
0x18: {  	s8 =	rddreg [dreg:$0x2];
	s12 =	sand.u32 $0x7000, s2;
	s9 =	sand.u32 $0x380, s2  }
0x19: {  	[tilespmem:s2], [sflag:$0x3] =	stream.linear.gather [hbm4b:s8+s2], $0x2000, $0x38;
	[tilespmem:$0x18000] =	vst v63  }
0x1a: {  	s11 =	rddreg [dreg:$0x3];
	s8 =	sor.u32 s9, s12  }
0x1b: {  	[tilespmem:s29], [sflag:$0x3] =	stream.linear.gather [hbm4b:s11+s2], $0x2000, $0x38;
	[tilespmem:$0x18000] =	vst v63  }
0x1c: {  	[tilespmem:s8+$0x8C70] =	vst v0  }
0x1d: {  	[tilespmem:s8+$0x8000] =	vst v0  }
0x1e: {  	[tilespmem:s8+$0x8010] =	vst v0  }
0x1f: {  	[tilespmem:s8+$0x8020] =	vst v0  }
0x20: {  	[tilespmem:s8+$0x8030] =	vst v0  }
0x21: {  	[tilespmem:s8+$0x8040] =	vst v0  }
0x22: {  	[tilespmem:s8+$0x8050] =	vst v0  }
0x23: {  	[tilespmem:s8+$0x8060] =	vst v0  }
0x24: {  	[tilespmem:s8+$0x8070] =	vst v0  }
0x25: {  	[tilespmem:s8+$0x8400] =	vst v0  }
0x26: {  	[tilespmem:s8+$0x8410] =	vst v0  }
0x27: {  	[tilespmem:s8+$0x8420] =	vst v0  }
0x28: {  	[tilespmem:s8+$0x8430] =	vst v0  }
0x29: {  	[tilespmem:s8+$0x8440] =	vst v0  }
0x2a: {  	[tilespmem:s8+$0x8450] =	vst v0  }
0x2b: {  	[tilespmem:s8+$0x8460] =	vst v0  }
0x2c: {  	[tilespmem:s8+$0x8470] =	vst v0  }
0x2d: {  	[tilespmem:s8+$0x8800] =	vst v0  }
0x2e: {  	[tilespmem:s8+$0x8810] =	vst v0  }
0x2f: {  	[tilespmem:s8+$0x8820] =	vst v0  }
0x30: {  	[tilespmem:s8+$0x8830] =	vst v0  }
0x31: {  	[tilespmem:s8+$0x8840] =	vst v0  }
0x32: {  	[tilespmem:s8+$0x8850] =	vst v0  }
0x33: {  	[tilespmem:s8+$0x8860] =	vst v0  }
0x34: {  	[tilespmem:s8+$0x8870] =	vst v0  }
0x35: {  	[tilespmem:s8+$0x8C00] =	vst v0  }
0x36: {  	[tilespmem:s8+$0x8C10] =	vst v0  }
0x37: {  	[tilespmem:s8+$0x8C20] =	vst v0  }
0x38: {  	[tilespmem:s8+$0x8C30] =	vst v0  }
0x39: {  	s10 =	simm.s32 $0x200;
	s9 =	simm.s32 $0x80;
	[tilespmem:s8+$0x8C40] =	vst v0  }
0x3a: {  	s12 =	sand.u32 $0x380, s9;
	s11 =	sand.u32 $0x7000, s10;
	s10 =	simm.s32 $0x400;
	[tilespmem:s8+$0x8C50] =	vst v0  }
.LBB2_2:
0x3b: {  	p0 =	sne.s32 s10, $0x7E00;
	[tilespmem:s8+$0x8C60] =	vst v0;
	s8 =	sor.u32 s12, s11  }
0x3c: {  	[tilespmem:s8+$0x8C70] =	vst v0  }
0x3d: {  	[tilespmem:s8+$0x8000] =	vst v0  }
0x3e: {  	[tilespmem:s8+$0x8010] =	vst v0  }
0x3f: {  	[tilespmem:s8+$0x8020] =	vst v0  }
0x40: {  	[tilespmem:s8+$0x8030] =	vst v0  }
0x41: {  	[tilespmem:s8+$0x8040] =	vst v0  }
0x42: {  	[tilespmem:s8+$0x8050] =	vst v0  }
0x43: {  	[tilespmem:s8+$0x8060] =	vst v0  }
0x44: {  	[tilespmem:s8+$0x8070] =	vst v0  }
0x45: {  	[tilespmem:s8+$0x8400] =	vst v0  }
0x46: {  	[tilespmem:s8+$0x8410] =	vst v0  }
0x47: {  	[tilespmem:s8+$0x8420] =	vst v0  }
0x48: {  	[tilespmem:s8+$0x8430] =	vst v0  }
0x49: {  	[tilespmem:s8+$0x8440] =	vst v0  }
0x4a: {  	[tilespmem:s8+$0x8450] =	vst v0  }
0x4b: {  	[tilespmem:s8+$0x8460] =	vst v0  }
0x4c: {  	[tilespmem:s8+$0x8470] =	vst v0  }
0x4d: {  	[tilespmem:s8+$0x8800] =	vst v0  }
0x4e: {  	[tilespmem:s8+$0x8810] =	vst v0  }
0x4f: {  	[tilespmem:s8+$0x8820] =	vst v0  }
0x50: {  	[tilespmem:s8+$0x8830] =	vst v0  }
0x51: {  	[tilespmem:s8+$0x8840] =	vst v0  }
0x52: {  	[tilespmem:s8+$0x8850] =	vst v0  }
0x53: {  	[tilespmem:s8+$0x8860] =	vst v0  }
0x54: {  	[tilespmem:s8+$0x8870] =	vst v0  }
0x55: {  	[tilespmem:s8+$0x8C00] =	vst v0  }
.Ltmp0:
0x56: {  	[tilespmem:s8+$0x8C10] =	vst v0;
	(pc) =	sbr.rel @p0 .LBB2_2-.Ltmp0, $4  }
0x57: {  	[tilespmem:s8+$0x8C20] =	vst v0  }
0x58: {  	[tilespmem:s8+$0x8C30] =	vst v0  }
0x59: {  	s9 =	sadd.s32 $0x80, s9;
	[tilespmem:s8+$0x8C40] =	vst v0  }
0x5a: {  	s11 =	sand.u32 $0x7000, s10;
	s10 =	sadd.s32 $0x200, s10;
	s12 =	sand.u32 $0x380, s9;
	[tilespmem:s8+$0x8C50] =	vst v0  }
0x5b: {  	s9 =	sor.u32 s12, s11;
	[tilespmem:s8+$0x8C60] =	vst v0  }
0x5c: {  	[tilespmem:s9+$0x8C70] =	vst v0  }
0x5d: {  	[tilespmem:s9+$0x8000] =	vst v0  }
0x5e: {  	[tilespmem:s9+$0x8010] =	vst v0  }
0x5f: {  	[tilespmem:s9+$0x8020] =	vst v0  }
0x60: {  	[tilespmem:s9+$0x8030] =	vst v0  }
0x61: {  	[tilespmem:s9+$0x8040] =	vst v0  }
0x62: {  	[tilespmem:s9+$0x8050] =	vst v0  }
0x63: {  	[tilespmem:s9+$0x8060] =	vst v0  }
0x64: {  	[tilespmem:s9+$0x8070] =	vst v0  }
0x65: {  	[tilespmem:s9+$0x8400] =	vst v0  }
0x66: {  	[tilespmem:s9+$0x8410] =	vst v0  }
0x67: {  	[tilespmem:s9+$0x8420] =	vst v0  }
0x68: {  	[tilespmem:s9+$0x8430] =	vst v0  }
0x69: {  	[tilespmem:s9+$0x8440] =	vst v0  }
0x6a: {  	[tilespmem:s9+$0x8450] =	vst v0  }
0x6b: {  	[tilespmem:s9+$0x8460] =	vst v0  }
0x6c: {  	[tilespmem:s9+$0x8470] =	vst v0  }
0x6d: {  	[tilespmem:s9+$0x8800] =	vst v0  }
0x6e: {  	[tilespmem:s9+$0x8810] =	vst v0  }
0x6f: {  	[tilespmem:s9+$0x8820] =	vst v0  }
0x70: {  	[tilespmem:s9+$0x8830] =	vst v0  }
0x71: {  	[tilespmem:s9+$0x8840] =	vst v0  }
0x72: {  	[tilespmem:s9+$0x8850] =	vst v0  }
0x73: {  	[tilespmem:s9+$0x8860] =	vst v0  }
0x74: {  	[tilespmem:s9+$0x8870] =	vst v0  }
0x75: {  	[tilespmem:s9+$0x8C00] =	vst v0  }
0x76: {  	[tilespmem:s9+$0x8C10] =	vst v0  }
0x77: {  	[tilespmem:s9+$0x8C20] =	vst v0  }
0x78: {  	[tilespmem:s9+$0x8C30] =	vst v0  }
0x79: {  	[tilespmem:s9+$0x8C40] =	vst v0  }
0x7a: {  	[tilespmem:s9+$0x8C50] =	vst v0  }
0x7b: {  	[tilespmem:s9+$0x8C60] =	vst v0  }
0x7c: {  	_ =	swait.ge [sflag:s30], $0x2000  }
0x7d: {  	[sflag:s30] =	ssyncset.done $0x0  }
0x7e: {  	[sflag:s30] =	ssyncadd.s32 $0xFFFFE000  }
0x7f: {  	_ =	swait.ge [sflag:s30], $0x2000  }
0x80: {  	[sflag:s30] =	ssyncset.done $0x0  }
0x81: {  	s8 =	simm.s32 $0x0;
	s11 =	rddreg [dreg:$0x4];
	[sflag:s30] =	ssyncadd.s32 $0xFFFFE000  }
0x82: {  	[tilespmem:s31], [sflag:$0x4] =	stream.linear.gather [hbm4b:s11+s8], $0x2000, $0x38;
	[tilespmem:$0x18000] =	vst v63  }
0x83: {  	s10 =	simm.s32 $0x4010;
	s9 =	simm.s32 $0x10;
	s12 =	rddreg [dreg:$0x5]  }
0x84: {  	[tilespmem:s0], [sflag:$0x4] =	stream.linear.gather [hbm4b:s12+s8], $0x2000, $0x38;
	[tilespmem:$0x18000] =	vst v63  }
.LBB2_4:
0x85: {  	v1 =	vld [tilespmem:s9+$0xFFFFFFF0];
	_ =	sdelay $0x3  }
0x86: {  	v2 =	vmov s8  }
0x87: {  	v3 =	vshll.u32 v2, $0x9;
	v4 =	vshll.u32 v1, $0x3  }
0x88: {  	v3 =	vand.u32 $0x7000, v3;
	v4 =	vand.u32 $0xFFFFFC00, v4  }
0x89: {  	v2 =	vshll.u32 v2, $0x7;
	v1 =	vand.u32 $0x7F, v1;
	v4 =	vadd.s32 v3, v4  }
0x8a: {  	v2 =	vand.u32 $0x380, v2;
	v1 =	vor.u32 v1, v4  }
0x8b: {  	v62 =	vld [tilespmem:s10+$0xFFFFFFF0];
	v1 =	vor.u32 v2, v1;
	_ =	sdelay $0x4  }
0x8c: {  	[tilespmem:v1+s1+$0x0] =	vst.idx.add.f32.msk $0xffff, v62  }
0x8d: {  	v1 =	vld [tilespmem:s9+$0x0];
	_ =	sdelay $0x4  }
0x8e: {  	v63 =	vshll.u32 v1, $0x3  }
0x8f: {  	v4 =	vand.u32 $0xFFFFFC00, v63  }
0x90: {  	v1 =	vand.u32 $0x7F, v1;
	v3 =	vadd.s32 v3, v4  }
0x91: {  	v1 =	vor.u32 v1, v3  }
0x92: {  	p0 =	sne.s32 s8, $0x3F;
	v3 =	vld [tilespmem:s10+$0x0];
	v1 =	vor.u32 v2, v1  }
.Ltmp1:
0x93: {  	_ = 	snop;
	(pc) =	sbr.rel @p0 .LBB2_4-.Ltmp1, $2  }
0x94: {  	_ =	sdelay $0x2  }
0x95: {  	s8 =	sadd.s32 $0x1, s8;
	s9 =	sadd.s32 $0x80, s9;
	s10 =	sadd.s32 $0x80, s10;
	[tilespmem:v1+s1+$0x0] =	vst.idx.add.f32.msk $0xffff, v3  }
0x96: {  	s8 =	simm.s32 $0x0;
	s9 =	rddreg [dreg:$0x6]  }
0x97: {  	[hbm4b:s9+s8] =	stream.linear.scatter [tilespmem:s1], [sflag:$0x1], $0x8000, $0x38;
	[tilespmem:$0x18000] =	vst v63  }
0x98: {  	s12 =	sand.u32 $0x7000, s8;
	s8 =	sand.u32 $0x380, s8  }
0x99: {  	s8 =	sor.u32 s8, s12  }
0x9a: {  	[tilespmem:s8+$0x10C70] =	vst v0  }
0x9b: {  	[tilespmem:s8+$0x10000] =	vst v0  }
0x9c: {  	[tilespmem:s8+$0x10010] =	vst v0  }
0x9d: {  	[tilespmem:s8+$0x10020] =	vst v0  }
0x9e: {  	[tilespmem:s8+$0x10030] =	vst v0  }
0x9f: {  	[tilespmem:s8+$0x10040] =	vst v0  }
0xa0: {  	[tilespmem:s8+$0x10050] =	vst v0  }
0xa1: {  	[tilespmem:s8+$0x10060] =	vst v0  }
0xa2: {  	[tilespmem:s8+$0x10070] =	vst v0  }
0xa3: {  	[tilespmem:s8+$0x10400] =	vst v0  }
0xa4: {  	[tilespmem:s8+$0x10410] =	vst v0  }
0xa5: {  	[tilespmem:s8+$0x10420] =	vst v0  }
0xa6: {  	[tilespmem:s8+$0x10430] =	vst v0  }
0xa7: {  	[tilespmem:s8+$0x10440] =	vst v0  }
0xa8: {  	[tilespmem:s8+$0x10450] =	vst v0  }
0xa9: {  	[tilespmem:s8+$0x10460] =	vst v0  }
0xaa: {  	[tilespmem:s8+$0x10470] =	vst v0  }
0xab: {  	[tilespmem:s8+$0x10800] =	vst v0  }
0xac: {  	[tilespmem:s8+$0x10810] =	vst v0  }
0xad: {  	[tilespmem:s8+$0x10820] =	vst v0  }
0xae: {  	[tilespmem:s8+$0x10830] =	vst v0  }
0xaf: {  	[tilespmem:s8+$0x10840] =	vst v0  }
0xb0: {  	[tilespmem:s8+$0x10850] =	vst v0  }
0xb1: {  	[tilespmem:s8+$0x10860] =	vst v0  }
0xb2: {  	[tilespmem:s8+$0x10870] =	vst v0  }
0xb3: {  	[tilespmem:s8+$0x10C00] =	vst v0  }
0xb4: {  	[tilespmem:s8+$0x10C10] =	vst v0  }
0xb5: {  	[tilespmem:s8+$0x10C20] =	vst v0  }
0xb6: {  	[tilespmem:s8+$0x10C30] =	vst v0  }
0xb7: {  	s10 =	simm.s32 $0x200;
	s9 =	simm.s32 $0x80;
	[tilespmem:s8+$0x10C40] =	vst v0  }
0xb8: {  	s11 =	sand.u32 $0x7000, s10;
	s10 =	simm.s32 $0x400;
	s12 =	sand.u32 $0x380, s9;
	[tilespmem:s8+$0x10C50] =	vst v0  }
.LBB2_6:
0xb9: {  	p0 =	sne.s32 s10, $0x7E00;
	[tilespmem:s8+$0x10C60] =	vst v0;
	s8 =	sor.u32 s12, s11  }
0xba: {  	[tilespmem:s8+$0x10C70] =	vst v0  }
0xbb: {  	[tilespmem:s8+$0x10000] =	vst v0  }
0xbc: {  	[tilespmem:s8+$0x10010] =	vst v0  }
0xbd: {  	[tilespmem:s8+$0x10020] =	vst v0  }
0xbe: {  	[tilespmem:s8+$0x10030] =	vst v0  }
0xbf: {  	[tilespmem:s8+$0x10040] =	vst v0  }
0xc0: {  	[tilespmem:s8+$0x10050] =	vst v0  }
0xc1: {  	[tilespmem:s8+$0x10060] =	vst v0  }
0xc2: {  	[tilespmem:s8+$0x10070] =	vst v0  }
0xc3: {  	[tilespmem:s8+$0x10400] =	vst v0  }
0xc4: {  	[tilespmem:s8+$0x10410] =	vst v0  }
0xc5: {  	[tilespmem:s8+$0x10420] =	vst v0  }
0xc6: {  	[tilespmem:s8+$0x10430] =	vst v0  }
0xc7: {  	[tilespmem:s8+$0x10440] =	vst v0  }
0xc8: {  	[tilespmem:s8+$0x10450] =	vst v0  }
0xc9: {  	[tilespmem:s8+$0x10460] =	vst v0  }
0xca: {  	[tilespmem:s8+$0x10470] =	vst v0  }
0xcb: {  	[tilespmem:s8+$0x10800] =	vst v0  }
0xcc: {  	[tilespmem:s8+$0x10810] =	vst v0  }
0xcd: {  	[tilespmem:s8+$0x10820] =	vst v0  }
0xce: {  	[tilespmem:s8+$0x10830] =	vst v0  }
0xcf: {  	[tilespmem:s8+$0x10840] =	vst v0  }
0xd0: {  	[tilespmem:s8+$0x10850] =	vst v0  }
0xd1: {  	[tilespmem:s8+$0x10860] =	vst v0  }
0xd2: {  	[tilespmem:s8+$0x10870] =	vst v0  }
0xd3: {  	[tilespmem:s8+$0x10C00] =	vst v0  }
.Ltmp2:
0xd4: {  	[tilespmem:s8+$0x10C10] =	vst v0;
	(pc) =	sbr.rel @p0 .LBB2_6-.Ltmp2, $4  }
0xd5: {  	[tilespmem:s8+$0x10C20] =	vst v0  }
0xd6: {  	[tilespmem:s8+$0x10C30] =	vst v0  }
0xd7: {  	s9 =	sadd.s32 $0x80, s9;
	[tilespmem:s8+$0x10C40] =	vst v0  }
0xd8: {  	s11 =	sand.u32 $0x7000, s10;
	s10 =	sadd.s32 $0x200, s10;
	s12 =	sand.u32 $0x380, s9;
	[tilespmem:s8+$0x10C50] =	vst v0  }
0xd9: {  	s9 =	sor.u32 s12, s11;
	[tilespmem:s8+$0x10C60] =	vst v0  }
0xda: {  	[tilespmem:s9+$0x10C70] =	vst v0  }
0xdb: {  	[tilespmem:s9+$0x10000] =	vst v0  }
0xdc: {  	[tilespmem:s9+$0x10010] =	vst v0  }
0xdd: {  	[tilespmem:s9+$0x10020] =	vst v0  }
0xde: {  	[tilespmem:s9+$0x10030] =	vst v0  }
0xdf: {  	[tilespmem:s9+$0x10040] =	vst v0  }
0xe0: {  	[tilespmem:s9+$0x10050] =	vst v0  }
0xe1: {  	[tilespmem:s9+$0x10060] =	vst v0  }
0xe2: {  	[tilespmem:s9+$0x10070] =	vst v0  }
0xe3: {  	[tilespmem:s9+$0x10400] =	vst v0  }
0xe4: {  	[tilespmem:s9+$0x10410] =	vst v0  }
0xe5: {  	[tilespmem:s9+$0x10420] =	vst v0  }
0xe6: {  	[tilespmem:s9+$0x10430] =	vst v0  }
0xe7: {  	[tilespmem:s9+$0x10440] =	vst v0  }
0xe8: {  	[tilespmem:s9+$0x10450] =	vst v0  }
0xe9: {  	[tilespmem:s9+$0x10460] =	vst v0  }
0xea: {  	[tilespmem:s9+$0x10470] =	vst v0  }
0xeb: {  	[tilespmem:s9+$0x10800] =	vst v0  }
0xec: {  	[tilespmem:s9+$0x10810] =	vst v0  }
0xed: {  	[tilespmem:s9+$0x10820] =	vst v0  }
0xee: {  	[tilespmem:s9+$0x10830] =	vst v0  }
0xef: {  	[tilespmem:s9+$0x10840] =	vst v0  }
0xf0: {  	[tilespmem:s9+$0x10850] =	vst v0  }
0xf1: {  	[tilespmem:s9+$0x10860] =	vst v0  }
0xf2: {  	[tilespmem:s9+$0x10870] =	vst v0  }
0xf3: {  	[tilespmem:s9+$0x10C00] =	vst v0  }
0xf4: {  	[tilespmem:s9+$0x10C10] =	vst v0  }
0xf5: {  	[tilespmem:s9+$0x10C20] =	vst v0  }
0xf6: {  	[tilespmem:s9+$0x10C30] =	vst v0  }
0xf7: {  	[tilespmem:s9+$0x10C40] =	vst v0  }
0xf8: {  	[tilespmem:s9+$0x10C50] =	vst v0  }
0xf9: {  	[tilespmem:s9+$0x10C60] =	vst v0  }
0xfa: {  	_ =	swait.ge [sflag:s3], $0x2000  }
0xfb: {  	[sflag:s3] =	ssyncset.done $0x0  }
0xfc: {  	[sflag:s3] =	ssyncadd.s32 $0xFFFFE000  }
0xfd: {  	_ =	swait.ge [sflag:s3], $0x2000  }
0xfe: {  	[sflag:s3] =	ssyncset.done $0x0  }
0xff: {  	s8 =	simm.s32 $0x0;
	s11 =	rddreg [dreg:$0x7];
	[sflag:s3] =	ssyncadd.s32 $0xFFFFE000  }
0x100: {  	[tilespmem:s8], [sflag:$0x3] =	stream.linear.gather [hbm4b:s11+s8], $0x2000, $0x38;
	[tilespmem:$0x18000] =	vst v63  }
0x101: {  	s10 =	simm.s32 $0x6010;
	s9 =	simm.s32 $0x2010;
	s12 =	rddreg [dreg:$0x8]  }
0x102: {  	[tilespmem:s29], [sflag:$0x3] =	stream.linear.gather [hbm4b:s12+s8], $0x2000, $0x38;
	[tilespmem:$0x18000] =	vst v63  }
.LBB2_8:
0x103: {  	v1 =	vld [tilespmem:s9+$0xFFFFFFF0];
	_ =	sdelay $0x3  }
0x104: {  	v2 =	vmov s8  }
0x105: {  	v3 =	vshll.u32 v2, $0x9;
	v4 =	vshll.u32 v1, $0x3  }
0x106: {  	v3 =	vand.u32 $0x7000, v3;
	v4 =	vand.u32 $0xFFFFFC00, v4  }
0x107: {  	v2 =	vshll.u32 v2, $0x7;
	v1 =	vand.u32 $0x7F, v1;
	v4 =	vadd.s32 v3, v4  }
0x108: {  	v2 =	vand.u32 $0x380, v2;
	v1 =	vor.u32 v1, v4  }
0x109: {  	v62 =	vld [tilespmem:s10+$0xFFFFFFF0];
	v1 =	vor.u32 v2, v1;
	_ =	sdelay $0x4  }
0x10a: {  	[tilespmem:v1+s4+$0x0] =	vst.idx.add.f32.msk $0xffff, v62  }
0x10b: {  	v1 =	vld [tilespmem:s9+$0x0];
	_ =	sdelay $0x4  }
0x10c: {  	v63 =	vshll.u32 v1, $0x3  }
0x10d: {  	v4 =	vand.u32 $0xFFFFFC00, v63  }
0x10e: {  	v1 =	vand.u32 $0x7F, v1;
	v3 =	vadd.s32 v3, v4  }
0x10f: {  	v1 =	vor.u32 v1, v3  }
0x110: {  	p0 =	sne.s32 s8, $0x3F;
	v3 =	vld [tilespmem:s10+$0x0];
	v1 =	vor.u32 v2, v1  }
.Ltmp3:
0x111: {  	_ = 	snop;
	(pc) =	sbr.rel @p0 .LBB2_8-.Ltmp3, $2  }
0x112: {  	_ =	sdelay $0x2  }
0x113: {  	s8 =	sadd.s32 $0x1, s8;
	s9 =	sadd.s32 $0x80, s9;
	s10 =	sadd.s32 $0x80, s10;
	[tilespmem:v1+s4+$0x0] =	vst.idx.add.f32.msk $0xffff, v3  }
0x114: {  	s8 =	simm.s32 $0x0;
	s9 =	rddreg [dreg:$0x9]  }
0x115: {  	[hbm4b:s9+s8] =	stream.linear.scatter [tilespmem:s4], [sflag:$0x2], $0x8000, $0x38;
	[tilespmem:$0x18000] =	vst v63  }
0x116: {  	_ =	swait.ge [sflag:s5], $0x8000  }
0x117: {  	s12 =	sand.u32 $0x7000, s8;
	s8 =	sand.u32 $0x380, s8;
	[sflag:s5] =	ssyncset.done $0x0  }
0x118: {  	s8 =	sor.u32 s8, s12;
	[sflag:s5] =	ssyncadd.s32 $0xFFFF8000  }
0x119: {  	[tilespmem:s8+$0x8C70] =	vst v0  }
0x11a: {  	[tilespmem:s8+$0x8000] =	vst v0  }
0x11b: {  	[tilespmem:s8+$0x8010] =	vst v0  }
0x11c: {  	[tilespmem:s8+$0x8020] =	vst v0  }
0x11d: {  	[tilespmem:s8+$0x8030] =	vst v0  }
0x11e: {  	[tilespmem:s8+$0x8040] =	vst v0  }
0x11f: {  	[tilespmem:s8+$0x8050] =	vst v0  }
0x120: {  	[tilespmem:s8+$0x8060] =	vst v0  }
0x121: {  	[tilespmem:s8+$0x8070] =	vst v0  }
0x122: {  	[tilespmem:s8+$0x8400] =	vst v0  }
0x123: {  	[tilespmem:s8+$0x8410] =	vst v0  }
0x124: {  	[tilespmem:s8+$0x8420] =	vst v0  }
0x125: {  	[tilespmem:s8+$0x8430] =	vst v0  }
0x126: {  	[tilespmem:s8+$0x8440] =	vst v0  }
0x127: {  	[tilespmem:s8+$0x8450] =	vst v0  }
0x128: {  	[tilespmem:s8+$0x8460] =	vst v0  }
0x129: {  	[tilespmem:s8+$0x8470] =	vst v0  }
0x12a: {  	[tilespmem:s8+$0x8800] =	vst v0  }
0x12b: {  	[tilespmem:s8+$0x8810] =	vst v0  }
0x12c: {  	[tilespmem:s8+$0x8820] =	vst v0  }
0x12d: {  	[tilespmem:s8+$0x8830] =	vst v0  }
0x12e: {  	[tilespmem:s8+$0x8840] =	vst v0  }
0x12f: {  	[tilespmem:s8+$0x8850] =	vst v0  }
0x130: {  	[tilespmem:s8+$0x8860] =	vst v0  }
0x131: {  	[tilespmem:s8+$0x8870] =	vst v0  }
0x132: {  	[tilespmem:s8+$0x8C00] =	vst v0  }
0x133: {  	[tilespmem:s8+$0x8C10] =	vst v0  }
0x134: {  	[tilespmem:s8+$0x8C20] =	vst v0  }
0x135: {  	[tilespmem:s8+$0x8C30] =	vst v0  }
0x136: {  	s10 =	simm.s32 $0x200;
	s9 =	simm.s32 $0x80;
	[tilespmem:s8+$0x8C40] =	vst v0  }
0x137: {  	s11 =	sand.u32 $0x7000, s10;
	s10 =	simm.s32 $0x400;
	s12 =	sand.u32 $0x380, s9;
	[tilespmem:s8+$0x8C50] =	vst v0  }
.LBB2_10:
0x138: {  	p0 =	sne.s32 s10, $0x7E00;
	[tilespmem:s8+$0x8C60] =	vst v0;
	s8 =	sor.u32 s12, s11  }
0x139: {  	[tilespmem:s8+$0x8C70] =	vst v0  }
0x13a: {  	[tilespmem:s8+$0x8000] =	vst v0  }
0x13b: {  	[tilespmem:s8+$0x8010] =	vst v0  }
0x13c: {  	[tilespmem:s8+$0x8020] =	vst v0  }
0x13d: {  	[tilespmem:s8+$0x8030] =	vst v0  }
0x13e: {  	[tilespmem:s8+$0x8040] =	vst v0  }
0x13f: {  	[tilespmem:s8+$0x8050] =	vst v0  }
0x140: {  	[tilespmem:s8+$0x8060] =	vst v0  }
0x141: {  	[tilespmem:s8+$0x8070] =	vst v0  }
0x142: {  	[tilespmem:s8+$0x8400] =	vst v0  }
0x143: {  	[tilespmem:s8+$0x8410] =	vst v0  }
0x144: {  	[tilespmem:s8+$0x8420] =	vst v0  }
0x145: {  	[tilespmem:s8+$0x8430] =	vst v0  }
0x146: {  	[tilespmem:s8+$0x8440] =	vst v0  }
0x147: {  	[tilespmem:s8+$0x8450] =	vst v0  }
0x148: {  	[tilespmem:s8+$0x8460] =	vst v0  }
0x149: {  	[tilespmem:s8+$0x8470] =	vst v0  }
0x14a: {  	[tilespmem:s8+$0x8800] =	vst v0  }
0x14b: {  	[tilespmem:s8+$0x8810] =	vst v0  }
0x14c: {  	[tilespmem:s8+$0x8820] =	vst v0  }
0x14d: {  	[tilespmem:s8+$0x8830] =	vst v0  }
0x14e: {  	[tilespmem:s8+$0x8840] =	vst v0  }
0x14f: {  	[tilespmem:s8+$0x8850] =	vst v0  }
0x150: {  	[tilespmem:s8+$0x8860] =	vst v0  }
0x151: {  	[tilespmem:s8+$0x8870] =	vst v0  }
0x152: {  	[tilespmem:s8+$0x8C00] =	vst v0  }
.Ltmp4:
0x153: {  	[tilespmem:s8+$0x8C10] =	vst v0;
	(pc) =	sbr.rel @p0 .LBB2_10-.Ltmp4, $4  }
0x154: {  	[tilespmem:s8+$0x8C20] =	vst v0  }
0x155: {  	[tilespmem:s8+$0x8C30] =	vst v0  }
0x156: {  	s9 =	sadd.s32 $0x80, s9;
	[tilespmem:s8+$0x8C40] =	vst v0  }
0x157: {  	s11 =	sand.u32 $0x7000, s10;
	s10 =	sadd.s32 $0x200, s10;
	s12 =	sand.u32 $0x380, s9;
	[tilespmem:s8+$0x8C50] =	vst v0  }
0x158: {  	s9 =	sor.u32 s12, s11;
	[tilespmem:s8+$0x8C60] =	vst v0  }
0x159: {  	[tilespmem:s9+$0x8C70] =	vst v0  }
0x15a: {  	[tilespmem:s9+$0x8000] =	vst v0  }
0x15b: {  	[tilespmem:s9+$0x8010] =	vst v0  }
0x15c: {  	[tilespmem:s9+$0x8020] =	vst v0  }
0x15d: {  	[tilespmem:s9+$0x8030] =	vst v0  }
0x15e: {  	[tilespmem:s9+$0x8040] =	vst v0  }
0x15f: {  	[tilespmem:s9+$0x8050] =	vst v0  }
0x160: {  	[tilespmem:s9+$0x8060] =	vst v0  }
0x161: {  	[tilespmem:s9+$0x8070] =	vst v0  }
0x162: {  	[tilespmem:s9+$0x8400] =	vst v0  }
0x163: {  	[tilespmem:s9+$0x8410] =	vst v0  }
0x164: {  	[tilespmem:s9+$0x8420] =	vst v0  }
0x165: {  	[tilespmem:s9+$0x8430] =	vst v0  }
0x166: {  	[tilespmem:s9+$0x8440] =	vst v0  }
0x167: {  	[tilespmem:s9+$0x8450] =	vst v0  }
0x168: {  	[tilespmem:s9+$0x8460] =	vst v0  }
0x169: {  	[tilespmem:s9+$0x8470] =	vst v0  }
0x16a: {  	[tilespmem:s9+$0x8800] =	vst v0  }
0x16b: {  	[tilespmem:s9+$0x8810] =	vst v0  }
0x16c: {  	[tilespmem:s9+$0x8820] =	vst v0  }
0x16d: {  	[tilespmem:s9+$0x8830] =	vst v0  }
0x16e: {  	[tilespmem:s9+$0x8840] =	vst v0  }
0x16f: {  	[tilespmem:s9+$0x8850] =	vst v0  }
0x170: {  	[tilespmem:s9+$0x8860] =	vst v0  }
0x171: {  	[tilespmem:s9+$0x8870] =	vst v0  }
0x172: {  	[tilespmem:s9+$0x8C00] =	vst v0  }
0x173: {  	[tilespmem:s9+$0x8C10] =	vst v0  }
0x174: {  	[tilespmem:s9+$0x8C20] =	vst v0  }
0x175: {  	[tilespmem:s9+$0x8C30] =	vst v0  }
0x176: {  	[tilespmem:s9+$0x8C40] =	vst v0  }
0x177: {  	[tilespmem:s9+$0x8C50] =	vst v0  }
0x178: {  	[tilespmem:s9+$0x8C60] =	vst v0  }
0x179: {  	_ =	swait.ge [sflag:s30], $0x2000  }
0x17a: {  	[sflag:s30] =	ssyncset.done $0x0  }
0x17b: {  	[sflag:s30] =	ssyncadd.s32 $0xFFFFE000  }
0x17c: {  	_ =	swait.ge [sflag:s30], $0x2000  }
0x17d: {  	[sflag:s30] =	ssyncset.done $0x0  }
0x17e: {  	s8 =	simm.s32 $0x0;
	s11 =	rddreg [dreg:$0xa];
	[sflag:s30] =	ssyncadd.s32 $0xFFFFE000  }
0x17f: {  	[tilespmem:s31], [sflag:$0x4] =	stream.linear.gather [hbm4b:s11+s8], $0x2000, $0x38;
	[tilespmem:$0x18000] =	vst v63  }
0x180: {  	s10 =	simm.s32 $0x4010;
	s9 =	simm.s32 $0x10;
	s12 =	rddreg [dreg:$0xb]  }
0x181: {  	[tilespmem:s0], [sflag:$0x4] =	stream.linear.gather [hbm4b:s12+s8], $0x2000, $0x38;
	[tilespmem:$0x18000] =	vst v63  }
.LBB2_12:
0x182: {  	v1 =	vld [tilespmem:s9+$0xFFFFFFF0];
	_ =	sdelay $0x3  }
0x183: {  	v2 =	vmov s8  }
0x184: {  	v3 =	vshll.u32 v2, $0x9;
	v4 =	vshll.u32 v1, $0x3  }
0x185: {  	v3 =	vand.u32 $0x7000, v3;
	v4 =	vand.u32 $0xFFFFFC00, v4  }
0x186: {  	v2 =	vshll.u32 v2, $0x7;
	v1 =	vand.u32 $0x7F, v1;
	v4 =	vadd.s32 v3, v4  }
0x187: {  	v2 =	vand.u32 $0x380, v2;
	v1 =	vor.u32 v1, v4  }
0x188: {  	v62 =	vld [tilespmem:s10+$0xFFFFFFF0];
	v1 =	vor.u32 v2, v1;
	_ =	sdelay $0x4  }
0x189: {  	[tilespmem:v1+s1+$0x0] =	vst.idx.add.f32.msk $0xffff, v62  }
0x18a: {  	v1 =	vld [tilespmem:s9+$0x0];
	_ =	sdelay $0x4  }
0x18b: {  	v63 =	vshll.u32 v1, $0x3  }
0x18c: {  	v4 =	vand.u32 $0xFFFFFC00, v63  }
0x18d: {  	v1 =	vand.u32 $0x7F, v1;
	v3 =	vadd.s32 v3, v4  }
0x18e: {  	v1 =	vor.u32 v1, v3  }
0x18f: {  	p0 =	sne.s32 s8, $0x3F;
	v3 =	vld [tilespmem:s10+$0x0];
	v1 =	vor.u32 v2, v1  }
.Ltmp5:
0x190: {  	_ = 	snop;
	(pc) =	sbr.rel @p0 .LBB2_12-.Ltmp5, $2  }
0x191: {  	_ =	sdelay $0x2  }
0x192: {  	s8 =	sadd.s32 $0x1, s8;
	s9 =	sadd.s32 $0x80, s9;
	s10 =	sadd.s32 $0x80, s10;
	[tilespmem:v1+s1+$0x0] =	vst.idx.add.f32.msk $0xffff, v3  }
0x193: {  	s8 =	simm.s32 $0x0  }
0x194: {  	[hbm4b:s13+s8] =	stream.linear.scatter [tilespmem:s1], [sflag:$0x1], $0x8000, $0x38;
	[tilespmem:$0x18000] =	vst v63  }
0x195: {  	_ =	swait.ge [sflag:s6], $0x8000  }
0x196: {  	s9 =	sand.u32 $0x7000, s8;
	s8 =	sand.u32 $0x380, s8;
	[sflag:s6] =	ssyncset.done $0x0  }
0x197: {  	s8 =	sor.u32 s8, s9;
	[sflag:s6] =	ssyncadd.s32 $0xFFFF8000  }
0x198: {  	[tilespmem:s8+$0x10C70] =	vst v0  }
0x199: {  	[tilespmem:s8+$0x10000] =	vst v0  }
0x19a: {  	[tilespmem:s8+$0x10010] =	vst v0  }
0x19b: {  	[tilespmem:s8+$0x10020] =	vst v0  }
0x19c: {  	[tilespmem:s8+$0x10030] =	vst v0  }
0x19d: {  	[tilespmem:s8+$0x10040] =	vst v0  }
0x19e: {  	[tilespmem:s8+$0x10050] =	vst v0  }
0x19f: {  	[tilespmem:s8+$0x10060] =	vst v0  }
0x1a0: {  	[tilespmem:s8+$0x10070] =	vst v0  }
0x1a1: {  	[tilespmem:s8+$0x10400] =	vst v0  }
0x1a2: {  	[tilespmem:s8+$0x10410] =	vst v0  }
0x1a3: {  	[tilespmem:s8+$0x10420] =	vst v0  }
0x1a4: {  	[tilespmem:s8+$0x10430] =	vst v0  }
0x1a5: {  	[tilespmem:s8+$0x10440] =	vst v0  }
0x1a6: {  	[tilespmem:s8+$0x10450] =	vst v0  }
0x1a7: {  	[tilespmem:s8+$0x10460] =	vst v0  }
0x1a8: {  	[tilespmem:s8+$0x10470] =	vst v0  }
0x1a9: {  	[tilespmem:s8+$0x10800] =	vst v0  }
0x1aa: {  	[tilespmem:s8+$0x10810] =	vst v0  }
0x1ab: {  	[tilespmem:s8+$0x10820] =	vst v0  }
0x1ac: {  	[tilespmem:s8+$0x10830] =	vst v0  }
0x1ad: {  	[tilespmem:s8+$0x10840] =	vst v0  }
0x1ae: {  	[tilespmem:s8+$0x10850] =	vst v0  }
0x1af: {  	[tilespmem:s8+$0x10860] =	vst v0  }
0x1b0: {  	[tilespmem:s8+$0x10870] =	vst v0  }
0x1b1: {  	[tilespmem:s8+$0x10C00] =	vst v0  }
0x1b2: {  	[tilespmem:s8+$0x10C10] =	vst v0  }
0x1b3: {  	[tilespmem:s8+$0x10C20] =	vst v0  }
0x1b4: {  	[tilespmem:s8+$0x10C30] =	vst v0  }
0x1b5: {  	s10 =	simm.s32 $0x200;
	s9 =	simm.s32 $0x80;
	[tilespmem:s8+$0x10C40] =	vst v0  }
0x1b6: {  	s11 =	sand.u32 $0x7000, s10;
	s10 =	simm.s32 $0x400;
	s12 =	sand.u32 $0x380, s9;
	[tilespmem:s8+$0x10C50] =	vst v0  }
.LBB2_14:
0x1b7: {  	p0 =	sne.s32 s10, $0x7E00;
	[tilespmem:s8+$0x10C60] =	vst v0;
	s8 =	sor.u32 s12, s11  }
0x1b8: {  	[tilespmem:s8+$0x10C70] =	vst v0  }
0x1b9: {  	[tilespmem:s8+$0x10000] =	vst v0  }
0x1ba: {  	[tilespmem:s8+$0x10010] =	vst v0  }
0x1bb: {  	[tilespmem:s8+$0x10020] =	vst v0  }
0x1bc: {  	[tilespmem:s8+$0x10030] =	vst v0  }
0x1bd: {  	[tilespmem:s8+$0x10040] =	vst v0  }
0x1be: {  	[tilespmem:s8+$0x10050] =	vst v0  }
0x1bf: {  	[tilespmem:s8+$0x10060] =	vst v0  }
0x1c0: {  	[tilespmem:s8+$0x10070] =	vst v0  }
0x1c1: {  	[tilespmem:s8+$0x10400] =	vst v0  }
0x1c2: {  	[tilespmem:s8+$0x10410] =	vst v0  }
0x1c3: {  	[tilespmem:s8+$0x10420] =	vst v0  }
0x1c4: {  	[tilespmem:s8+$0x10430] =	vst v0  }
0x1c5: {  	[tilespmem:s8+$0x10440] =	vst v0  }
0x1c6: {  	[tilespmem:s8+$0x10450] =	vst v0  }
0x1c7: {  	[tilespmem:s8+$0x10460] =	vst v0  }
0x1c8: {  	[tilespmem:s8+$0x10470] =	vst v0  }
0x1c9: {  	[tilespmem:s8+$0x10800] =	vst v0  }
0x1ca: {  	[tilespmem:s8+$0x10810] =	vst v0  }
0x1cb: {  	[tilespmem:s8+$0x10820] =	vst v0  }
0x1cc: {  	[tilespmem:s8+$0x10830] =	vst v0  }
0x1cd: {  	[tilespmem:s8+$0x10840] =	vst v0  }
0x1ce: {  	[tilespmem:s8+$0x10850] =	vst v0  }
0x1cf: {  	[tilespmem:s8+$0x10860] =	vst v0  }
0x1d0: {  	[tilespmem:s8+$0x10870] =	vst v0  }
0x1d1: {  	[tilespmem:s8+$0x10C00] =	vst v0  }
.Ltmp6:
0x1d2: {  	[tilespmem:s8+$0x10C10] =	vst v0;
	(pc) =	sbr.rel @p0 .LBB2_14-.Ltmp6, $4  }
0x1d3: {  	[tilespmem:s8+$0x10C20] =	vst v0  }
0x1d4: {  	[tilespmem:s8+$0x10C30] =	vst v0  }
0x1d5: {  	s9 =	sadd.s32 $0x80, s9;
	[tilespmem:s8+$0x10C40] =	vst v0  }
0x1d6: {  	s11 =	sand.u32 $0x7000, s10;
	s10 =	sadd.s32 $0x200, s10;
	s12 =	sand.u32 $0x380, s9;
	[tilespmem:s8+$0x10C50] =	vst v0  }
0x1d7: {  	s9 =	sor.u32 s12, s11;
	[tilespmem:s8+$0x10C60] =	vst v0  }
0x1d8: {  	[tilespmem:s9+$0x10C70] =	vst v0  }
0x1d9: {  	[tilespmem:s9+$0x10000] =	vst v0  }
0x1da: {  	[tilespmem:s9+$0x10010] =	vst v0  }
0x1db: {  	[tilespmem:s9+$0x10020] =	vst v0  }
0x1dc: {  	[tilespmem:s9+$0x10030] =	vst v0  }
0x1dd: {  	[tilespmem:s9+$0x10040] =	vst v0  }
0x1de: {  	[tilespmem:s9+$0x10050] =	vst v0  }
0x1df: {  	[tilespmem:s9+$0x10060] =	vst v0  }
0x1e0: {  	[tilespmem:s9+$0x10070] =	vst v0  }
0x1e1: {  	[tilespmem:s9+$0x10400] =	vst v0  }
0x1e2: {  	[tilespmem:s9+$0x10410] =	vst v0  }
0x1e3: {  	[tilespmem:s9+$0x10420] =	vst v0  }
0x1e4: {  	[tilespmem:s9+$0x10430] =	vst v0  }
0x1e5: {  	[tilespmem:s9+$0x10440] =	vst v0  }
0x1e6: {  	[tilespmem:s9+$0x10450] =	vst v0  }
0x1e7: {  	[tilespmem:s9+$0x10460] =	vst v0  }
0x1e8: {  	[tilespmem:s9+$0x10470] =	vst v0  }
0x1e9: {  	[tilespmem:s9+$0x10800] =	vst v0  }
0x1ea: {  	[tilespmem:s9+$0x10810] =	vst v0  }
0x1eb: {  	[tilespmem:s9+$0x10820] =	vst v0  }
0x1ec: {  	[tilespmem:s9+$0x10830] =	vst v0  }
0x1ed: {  	[tilespmem:s9+$0x10840] =	vst v0  }
0x1ee: {  	[tilespmem:s9+$0x10850] =	vst v0  }
0x1ef: {  	[tilespmem:s9+$0x10860] =	vst v0  }
0x1f0: {  	[tilespmem:s9+$0x10870] =	vst v0  }
0x1f1: {  	[tilespmem:s9+$0x10C00] =	vst v0  }
0x1f2: {  	[tilespmem:s9+$0x10C10] =	vst v0  }
0x1f3: {  	[tilespmem:s9+$0x10C20] =	vst v0  }
0x1f4: {  	[tilespmem:s9+$0x10C30] =	vst v0  }
0x1f5: {  	[tilespmem:s9+$0x10C40] =	vst v0  }
0x1f6: {  	[tilespmem:s9+$0x10C50] =	vst v0  }
0x1f7: {  	[tilespmem:s9+$0x10C60] =	vst v0  }
0x1f8: {  	_ =	swait.ge [sflag:s3], $0x2000  }
0x1f9: {  	[sflag:s3] =	ssyncset.done $0x0  }
0x1fa: {  	[sflag:s3] =	ssyncadd.s32 $0xFFFFE000  }
0x1fb: {  	_ =	swait.ge [sflag:s3], $0x2000  }
0x1fc: {  	[sflag:s3] =	ssyncset.done $0x0  }
0x1fd: {  	s8 =	simm.s32 $0x0;
	[sflag:s3] =	ssyncadd.s32 $0xFFFFE000  }
0x1fe: {  	[tilespmem:s8], [sflag:$0x3] =	stream.linear.gather [hbm4b:s14+s8], $0x2000, $0x38;
	[tilespmem:$0x18000] =	vst v63  }
0x1ff: {  	s10 =	simm.s32 $0x6010;
	s9 =	simm.s32 $0x2010  }
0x200: {  	[tilespmem:s29], [sflag:$0x3] =	stream.linear.gather [hbm4b:s15+s8], $0x2000, $0x38;
	[tilespmem:$0x18000] =	vst v63  }
.LBB2_16:
0x201: {  	v1 =	vld [tilespmem:s9+$0xFFFFFFF0];
	_ =	sdelay $0x3  }
0x202: {  	v2 =	vmov s8  }
0x203: {  	v3 =	vshll.u32 v2, $0x9;
	v4 =	vshll.u32 v1, $0x3  }
0x204: {  	v3 =	vand.u32 $0x7000, v3;
	v4 =	vand.u32 $0xFFFFFC00, v4  }
0x205: {  	v2 =	vshll.u32 v2, $0x7;
	v1 =	vand.u32 $0x7F, v1;
	v4 =	vadd.s32 v3, v4  }
0x206: {  	v2 =	vand.u32 $0x380, v2;
	v1 =	vor.u32 v1, v4  }
0x207: {  	v62 =	vld [tilespmem:s10+$0xFFFFFFF0];
	v1 =	vor.u32 v2, v1;
	_ =	sdelay $0x4  }
0x208: {  	[tilespmem:v1+s4+$0x0] =	vst.idx.add.f32.msk $0xffff, v62  }
0x209: {  	v1 =	vld [tilespmem:s9+$0x0];
	_ =	sdelay $0x4  }
0x20a: {  	v63 =	vshll.u32 v1, $0x3  }
0x20b: {  	v4 =	vand.u32 $0xFFFFFC00, v63  }
0x20c: {  	v1 =	vand.u32 $0x7F, v1;
	v3 =	vadd.s32 v3, v4  }
0x20d: {  	v1 =	vor.u32 v1, v3  }
0x20e: {  	p0 =	sne.s32 s8, $0x3F;
	v3 =	vld [tilespmem:s10+$0x0];
	v1 =	vor.u32 v2, v1  }
.Ltmp7:
0x20f: {  	_ = 	snop;
	(pc) =	sbr.rel @p0 .LBB2_16-.Ltmp7, $2  }
0x210: {  	_ =	sdelay $0x2  }
0x211: {  	s8 =	sadd.s32 $0x1, s8;
	s9 =	sadd.s32 $0x80, s9;
	s10 =	sadd.s32 $0x80, s10;
	[tilespmem:v1+s4+$0x0] =	vst.idx.add.f32.msk $0xffff, v3  }
0x212: {  	s8 =	simm.s32 $0x0  }
0x213: {  	[hbm4b:s16+s8] =	stream.linear.scatter [tilespmem:s4], [sflag:$0x2], $0x8000, $0x38;
	[tilespmem:$0x18000] =	vst v63  }
0x214: {  	_ =	swait.ge [sflag:s5], $0x8000  }
0x215: {  	s9 =	sand.u32 $0x7000, s8;
	s8 =	sand.u32 $0x380, s8;
	[sflag:s5] =	ssyncset.done $0x0  }
0x216: {  	s8 =	sor.u32 s8, s9;
	[sflag:s5] =	ssyncadd.s32 $0xFFFF8000  }
0x217: {  	[tilespmem:s8+$0x8C70] =	vst v0  }
0x218: {  	[tilespmem:s8+$0x8000] =	vst v0  }
0x219: {  	[tilespmem:s8+$0x8010] =	vst v0  }
0x21a: {  	[tilespmem:s8+$0x8020] =	vst v0  }
0x21b: {  	[tilespmem:s8+$0x8030] =	vst v0  }
0x21c: {  	[tilespmem:s8+$0x8040] =	vst v0  }
0x21d: {  	[tilespmem:s8+$0x8050] =	vst v0  }
0x21e: {  	[tilespmem:s8+$0x8060] =	vst v0  }
0x21f: {  	[tilespmem:s8+$0x8070] =	vst v0  }
0x220: {  	[tilespmem:s8+$0x8400] =	vst v0  }
0x221: {  	[tilespmem:s8+$0x8410] =	vst v0  }
0x222: {  	[tilespmem:s8+$0x8420] =	vst v0  }
0x223: {  	[tilespmem:s8+$0x8430] =	vst v0  }
0x224: {  	[tilespmem:s8+$0x8440] =	vst v0  }
0x225: {  	[tilespmem:s8+$0x8450] =	vst v0  }
0x226: {  	[tilespmem:s8+$0x8460] =	vst v0  }
0x227: {  	[tilespmem:s8+$0x8470] =	vst v0  }
0x228: {  	[tilespmem:s8+$0x8800] =	vst v0  }
0x229: {  	[tilespmem:s8+$0x8810] =	vst v0  }
0x22a: {  	[tilespmem:s8+$0x8820] =	vst v0  }
0x22b: {  	[tilespmem:s8+$0x8830] =	vst v0  }
0x22c: {  	[tilespmem:s8+$0x8840] =	vst v0  }
0x22d: {  	[tilespmem:s8+$0x8850] =	vst v0  }
0x22e: {  	[tilespmem:s8+$0x8860] =	vst v0  }
0x22f: {  	[tilespmem:s8+$0x8870] =	vst v0  }
0x230: {  	[tilespmem:s8+$0x8C00] =	vst v0  }
0x231: {  	[tilespmem:s8+$0x8C10] =	vst v0  }
0x232: {  	[tilespmem:s8+$0x8C20] =	vst v0  }
0x233: {  	[tilespmem:s8+$0x8C30] =	vst v0  }
0x234: {  	s10 =	simm.s32 $0x200;
	s9 =	simm.s32 $0x80;
	[tilespmem:s8+$0x8C40] =	vst v0  }
0x235: {  	s11 =	sand.u32 $0x7000, s10;
	s10 =	simm.s32 $0x400;
	s12 =	sand.u32 $0x380, s9;
	[tilespmem:s8+$0x8C50] =	vst v0  }
.LBB2_18:
0x236: {  	p0 =	sne.s32 s10, $0x7E00;
	[tilespmem:s8+$0x8C60] =	vst v0;
	s8 =	sor.u32 s12, s11  }
0x237: {  	[tilespmem:s8+$0x8C70] =	vst v0  }
0x238: {  	[tilespmem:s8+$0x8000] =	vst v0  }
0x239: {  	[tilespmem:s8+$0x8010] =	vst v0  }
0x23a: {  	[tilespmem:s8+$0x8020] =	vst v0  }
0x23b: {  	[tilespmem:s8+$0x8030] =	vst v0  }
0x23c: {  	[tilespmem:s8+$0x8040] =	vst v0  }
0x23d: {  	[tilespmem:s8+$0x8050] =	vst v0  }
0x23e: {  	[tilespmem:s8+$0x8060] =	vst v0  }
0x23f: {  	[tilespmem:s8+$0x8070] =	vst v0  }
0x240: {  	[tilespmem:s8+$0x8400] =	vst v0  }
0x241: {  	[tilespmem:s8+$0x8410] =	vst v0  }
0x242: {  	[tilespmem:s8+$0x8420] =	vst v0  }
0x243: {  	[tilespmem:s8+$0x8430] =	vst v0  }
0x244: {  	[tilespmem:s8+$0x8440] =	vst v0  }
0x245: {  	[tilespmem:s8+$0x8450] =	vst v0  }
0x246: {  	[tilespmem:s8+$0x8460] =	vst v0  }
0x247: {  	[tilespmem:s8+$0x8470] =	vst v0  }
0x248: {  	[tilespmem:s8+$0x8800] =	vst v0  }
0x249: {  	[tilespmem:s8+$0x8810] =	vst v0  }
0x24a: {  	[tilespmem:s8+$0x8820] =	vst v0  }
0x24b: {  	[tilespmem:s8+$0x8830] =	vst v0  }
0x24c: {  	[tilespmem:s8+$0x8840] =	vst v0  }
0x24d: {  	[tilespmem:s8+$0x8850] =	vst v0  }
0x24e: {  	[tilespmem:s8+$0x8860] =	vst v0  }
0x24f: {  	[tilespmem:s8+$0x8870] =	vst v0  }
0x250: {  	[tilespmem:s8+$0x8C00] =	vst v0  }
.Ltmp8:
0x251: {  	[tilespmem:s8+$0x8C10] =	vst v0;
	(pc) =	sbr.rel @p0 .LBB2_18-.Ltmp8, $4  }
0x252: {  	[tilespmem:s8+$0x8C20] =	vst v0  }
0x253: {  	[tilespmem:s8+$0x8C30] =	vst v0  }
0x254: {  	s9 =	sadd.s32 $0x80, s9;
	[tilespmem:s8+$0x8C40] =	vst v0  }
0x255: {  	s11 =	sand.u32 $0x7000, s10;
	s10 =	sadd.s32 $0x200, s10;
	s12 =	sand.u32 $0x380, s9;
	[tilespmem:s8+$0x8C50] =	vst v0  }
0x256: {  	s9 =	sor.u32 s12, s11;
	[tilespmem:s8+$0x8C60] =	vst v0  }
0x257: {  	[tilespmem:s9+$0x8C70] =	vst v0  }
0x258: {  	[tilespmem:s9+$0x8000] =	vst v0  }
0x259: {  	[tilespmem:s9+$0x8010] =	vst v0  }
0x25a: {  	[tilespmem:s9+$0x8020] =	vst v0  }
0x25b: {  	[tilespmem:s9+$0x8030] =	vst v0  }
0x25c: {  	[tilespmem:s9+$0x8040] =	vst v0  }
0x25d: {  	[tilespmem:s9+$0x8050] =	vst v0  }
0x25e: {  	[tilespmem:s9+$0x8060] =	vst v0  }
0x25f: {  	[tilespmem:s9+$0x8070] =	vst v0  }
0x260: {  	[tilespmem:s9+$0x8400] =	vst v0  }
0x261: {  	[tilespmem:s9+$0x8410] =	vst v0  }
0x262: {  	[tilespmem:s9+$0x8420] =	vst v0  }
0x263: {  	[tilespmem:s9+$0x8430] =	vst v0  }
0x264: {  	[tilespmem:s9+$0x8440] =	vst v0  }
0x265: {  	[tilespmem:s9+$0x8450] =	vst v0  }
0x266: {  	[tilespmem:s9+$0x8460] =	vst v0  }
0x267: {  	[tilespmem:s9+$0x8470] =	vst v0  }
0x268: {  	[tilespmem:s9+$0x8800] =	vst v0  }
0x269: {  	[tilespmem:s9+$0x8810] =	vst v0  }
0x26a: {  	[tilespmem:s9+$0x8820] =	vst v0  }
0x26b: {  	[tilespmem:s9+$0x8830] =	vst v0  }
0x26c: {  	[tilespmem:s9+$0x8840] =	vst v0  }
0x26d: {  	[tilespmem:s9+$0x8850] =	vst v0  }
0x26e: {  	[tilespmem:s9+$0x8860] =	vst v0  }
0x26f: {  	[tilespmem:s9+$0x8870] =	vst v0  }
0x270: {  	[tilespmem:s9+$0x8C00] =	vst v0  }
0x271: {  	[tilespmem:s9+$0x8C10] =	vst v0  }
0x272: {  	[tilespmem:s9+$0x8C20] =	vst v0  }
0x273: {  	[tilespmem:s9+$0x8C30] =	vst v0  }
0x274: {  	[tilespmem:s9+$0x8C40] =	vst v0  }
0x275: {  	[tilespmem:s9+$0x8C50] =	vst v0  }
0x276: {  	[tilespmem:s9+$0x8C60] =	vst v0  }
0x277: {  	_ =	swait.ge [sflag:s30], $0x2000  }
0x278: {  	[sflag:s30] =	ssyncset.done $0x0  }
0x279: {  	[sflag:s30] =	ssyncadd.s32 $0xFFFFE000  }
0x27a: {  	_ =	swait.ge [sflag:s30], $0x2000  }
0x27b: {  	[sflag:s30] =	ssyncset.done $0x0  }
0x27c: {  	s8 =	simm.s32 $0x0;
	[sflag:s30] =	ssyncadd.s32 $0xFFFFE000  }
0x27d: {  	[tilespmem:s31], [sflag:$0x4] =	stream.linear.gather [hbm4b:s17+s8], $0x2000, $0x38;
	[tilespmem:$0x18000] =	vst v63  }
0x27e: {  	s10 =	simm.s32 $0x4010;
	s9 =	simm.s32 $0x10  }
0x27f: {  	[tilespmem:s0], [sflag:$0x4] =	stream.linear.gather [hbm4b:s18+s8], $0x2000, $0x38;
	[tilespmem:$0x18000] =	vst v63  }
.LBB2_20:
0x280: {  	v1 =	vld [tilespmem:s9+$0xFFFFFFF0];
	_ =	sdelay $0x3  }
0x281: {  	v2 =	vmov s8  }
0x282: {  	v3 =	vshll.u32 v2, $0x9;
	v4 =	vshll.u32 v1, $0x3  }
0x283: {  	v3 =	vand.u32 $0x7000, v3;
	v4 =	vand.u32 $0xFFFFFC00, v4  }
0x284: {  	v2 =	vshll.u32 v2, $0x7;
	v1 =	vand.u32 $0x7F, v1;
	v4 =	vadd.s32 v3, v4  }
0x285: {  	v2 =	vand.u32 $0x380, v2;
	v1 =	vor.u32 v1, v4  }
0x286: {  	v62 =	vld [tilespmem:s10+$0xFFFFFFF0];
	v1 =	vor.u32 v2, v1;
	_ =	sdelay $0x4  }
0x287: {  	[tilespmem:v1+s1+$0x0] =	vst.idx.add.f32.msk $0xffff, v62  }
0x288: {  	v1 =	vld [tilespmem:s9+$0x0];
	_ =	sdelay $0x4  }
0x289: {  	v63 =	vshll.u32 v1, $0x3  }
0x28a: {  	v4 =	vand.u32 $0xFFFFFC00, v63  }
0x28b: {  	v1 =	vand.u32 $0x7F, v1;
	v3 =	vadd.s32 v3, v4  }
0x28c: {  	v1 =	vor.u32 v1, v3  }
0x28d: {  	p0 =	sne.s32 s8, $0x3F;
	v3 =	vld [tilespmem:s10+$0x0];
	v1 =	vor.u32 v2, v1  }
.Ltmp9:
0x28e: {  	_ = 	snop;
	(pc) =	sbr.rel @p0 .LBB2_20-.Ltmp9, $2  }
0x28f: {  	_ =	sdelay $0x2  }
0x290: {  	s8 =	sadd.s32 $0x1, s8;
	s9 =	sadd.s32 $0x80, s9;
	s10 =	sadd.s32 $0x80, s10;
	[tilespmem:v1+s1+$0x0] =	vst.idx.add.f32.msk $0xffff, v3  }
0x291: {  	s8 =	simm.s32 $0x0  }
0x292: {  	[hbm4b:s23+s8] =	stream.linear.scatter [tilespmem:s1], [sflag:$0x1], $0x8000, $0x38;
	[tilespmem:$0x18000] =	vst v63  }
0x293: {  	_ =	swait.ge [sflag:s6], $0x8000  }
0x294: {  	s9 =	sand.u32 $0x7000, s8;
	s8 =	sand.u32 $0x380, s8;
	[sflag:s6] =	ssyncset.done $0x0  }
0x295: {  	s8 =	sor.u32 s8, s9;
	[sflag:s6] =	ssyncadd.s32 $0xFFFF8000  }
0x296: {  	[tilespmem:s8+$0x10C70] =	vst v0  }
0x297: {  	[tilespmem:s8+$0x10000] =	vst v0  }
0x298: {  	[tilespmem:s8+$0x10010] =	vst v0  }
0x299: {  	[tilespmem:s8+$0x10020] =	vst v0  }
0x29a: {  	[tilespmem:s8+$0x10030] =	vst v0  }
0x29b: {  	[tilespmem:s8+$0x10040] =	vst v0  }
0x29c: {  	[tilespmem:s8+$0x10050] =	vst v0  }
0x29d: {  	[tilespmem:s8+$0x10060] =	vst v0  }
0x29e: {  	[tilespmem:s8+$0x10070] =	vst v0  }
0x29f: {  	[tilespmem:s8+$0x10400] =	vst v0  }
0x2a0: {  	[tilespmem:s8+$0x10410] =	vst v0  }
0x2a1: {  	[tilespmem:s8+$0x10420] =	vst v0  }
0x2a2: {  	[tilespmem:s8+$0x10430] =	vst v0  }
0x2a3: {  	[tilespmem:s8+$0x10440] =	vst v0  }
0x2a4: {  	[tilespmem:s8+$0x10450] =	vst v0  }
0x2a5: {  	[tilespmem:s8+$0x10460] =	vst v0  }
0x2a6: {  	[tilespmem:s8+$0x10470] =	vst v0  }
0x2a7: {  	[tilespmem:s8+$0x10800] =	vst v0  }
0x2a8: {  	[tilespmem:s8+$0x10810] =	vst v0  }
0x2a9: {  	[tilespmem:s8+$0x10820] =	vst v0  }
0x2aa: {  	[tilespmem:s8+$0x10830] =	vst v0  }
0x2ab: {  	[tilespmem:s8+$0x10840] =	vst v0  }
0x2ac: {  	[tilespmem:s8+$0x10850] =	vst v0  }
0x2ad: {  	[tilespmem:s8+$0x10860] =	vst v0  }
0x2ae: {  	[tilespmem:s8+$0x10870] =	vst v0  }
0x2af: {  	[tilespmem:s8+$0x10C00] =	vst v0  }
0x2b0: {  	[tilespmem:s8+$0x10C10] =	vst v0  }
0x2b1: {  	[tilespmem:s8+$0x10C20] =	vst v0  }
0x2b2: {  	[tilespmem:s8+$0x10C30] =	vst v0  }
0x2b3: {  	s10 =	simm.s32 $0x200;
	s9 =	simm.s32 $0x80;
	[tilespmem:s8+$0x10C40] =	vst v0  }
0x2b4: {  	s11 =	sand.u32 $0x7000, s10;
	s10 =	simm.s32 $0x400;
	s12 =	sand.u32 $0x380, s9;
	[tilespmem:s8+$0x10C50] =	vst v0  }
.LBB2_22:
0x2b5: {  	p0 =	sne.s32 s10, $0x7E00;
	[tilespmem:s8+$0x10C60] =	vst v0;
	s8 =	sor.u32 s12, s11  }
0x2b6: {  	[tilespmem:s8+$0x10C70] =	vst v0  }
0x2b7: {  	[tilespmem:s8+$0x10000] =	vst v0  }
0x2b8: {  	[tilespmem:s8+$0x10010] =	vst v0  }
0x2b9: {  	[tilespmem:s8+$0x10020] =	vst v0  }
0x2ba: {  	[tilespmem:s8+$0x10030] =	vst v0  }
0x2bb: {  	[tilespmem:s8+$0x10040] =	vst v0  }
0x2bc: {  	[tilespmem:s8+$0x10050] =	vst v0  }
0x2bd: {  	[tilespmem:s8+$0x10060] =	vst v0  }
0x2be: {  	[tilespmem:s8+$0x10070] =	vst v0  }
0x2bf: {  	[tilespmem:s8+$0x10400] =	vst v0  }
0x2c0: {  	[tilespmem:s8+$0x10410] =	vst v0  }
0x2c1: {  	[tilespmem:s8+$0x10420] =	vst v0  }
0x2c2: {  	[tilespmem:s8+$0x10430] =	vst v0  }
0x2c3: {  	[tilespmem:s8+$0x10440] =	vst v0  }
0x2c4: {  	[tilespmem:s8+$0x10450] =	vst v0  }
0x2c5: {  	[tilespmem:s8+$0x10460] =	vst v0  }
0x2c6: {  	[tilespmem:s8+$0x10470] =	vst v0  }
0x2c7: {  	[tilespmem:s8+$0x10800] =	vst v0  }
0x2c8: {  	[tilespmem:s8+$0x10810] =	vst v0  }
0x2c9: {  	[tilespmem:s8+$0x10820] =	vst v0  }
0x2ca: {  	[tilespmem:s8+$0x10830] =	vst v0  }
0x2cb: {  	[tilespmem:s8+$0x10840] =	vst v0  }
0x2cc: {  	[tilespmem:s8+$0x10850] =	vst v0  }
0x2cd: {  	[tilespmem:s8+$0x10860] =	vst v0  }
0x2ce: {  	[tilespmem:s8+$0x10870] =	vst v0  }
0x2cf: {  	[tilespmem:s8+$0x10C00] =	vst v0  }
.Ltmp10:
0x2d0: {  	[tilespmem:s8+$0x10C10] =	vst v0;
	(pc) =	sbr.rel @p0 .LBB2_22-.Ltmp10, $4  }
0x2d1: {  	[tilespmem:s8+$0x10C20] =	vst v0  }
0x2d2: {  	[tilespmem:s8+$0x10C30] =	vst v0  }
0x2d3: {  	s9 =	sadd.s32 $0x80, s9;
	[tilespmem:s8+$0x10C40] =	vst v0  }
0x2d4: {  	s11 =	sand.u32 $0x7000, s10;
	s10 =	sadd.s32 $0x200, s10;
	s12 =	sand.u32 $0x380, s9;
	[tilespmem:s8+$0x10C50] =	vst v0  }
0x2d5: {  	s9 =	sor.u32 s12, s11;
	[tilespmem:s8+$0x10C60] =	vst v0  }
0x2d6: {  	[tilespmem:s9+$0x10C70] =	vst v0  }
0x2d7: {  	[tilespmem:s9+$0x10000] =	vst v0  }
0x2d8: {  	[tilespmem:s9+$0x10010] =	vst v0  }
0x2d9: {  	[tilespmem:s9+$0x10020] =	vst v0  }
0x2da: {  	[tilespmem:s9+$0x10030] =	vst v0  }
0x2db: {  	[tilespmem:s9+$0x10040] =	vst v0  }
0x2dc: {  	[tilespmem:s9+$0x10050] =	vst v0  }
0x2dd: {  	[tilespmem:s9+$0x10060] =	vst v0  }
0x2de: {  	[tilespmem:s9+$0x10070] =	vst v0  }
0x2df: {  	[tilespmem:s9+$0x10400] =	vst v0  }
0x2e0: {  	[tilespmem:s9+$0x10410] =	vst v0  }
0x2e1: {  	[tilespmem:s9+$0x10420] =	vst v0  }
0x2e2: {  	[tilespmem:s9+$0x10430] =	vst v0  }
0x2e3: {  	[tilespmem:s9+$0x10440] =	vst v0  }
0x2e4: {  	[tilespmem:s9+$0x10450] =	vst v0  }
0x2e5: {  	[tilespmem:s9+$0x10460] =	vst v0  }
0x2e6: {  	[tilespmem:s9+$0x10470] =	vst v0  }
0x2e7: {  	[tilespmem:s9+$0x10800] =	vst v0  }
0x2e8: {  	[tilespmem:s9+$0x10810] =	vst v0  }
0x2e9: {  	[tilespmem:s9+$0x10820] =	vst v0  }
0x2ea: {  	[tilespmem:s9+$0x10830] =	vst v0  }
0x2eb: {  	[tilespmem:s9+$0x10840] =	vst v0  }
0x2ec: {  	[tilespmem:s9+$0x10850] =	vst v0  }
0x2ed: {  	[tilespmem:s9+$0x10860] =	vst v0  }
0x2ee: {  	[tilespmem:s9+$0x10870] =	vst v0  }
0x2ef: {  	[tilespmem:s9+$0x10C00] =	vst v0  }
0x2f0: {  	[tilespmem:s9+$0x10C10] =	vst v0  }
0x2f1: {  	[tilespmem:s9+$0x10C20] =	vst v0  }
0x2f2: {  	[tilespmem:s9+$0x10C30] =	vst v0  }
0x2f3: {  	[tilespmem:s9+$0x10C40] =	vst v0  }
0x2f4: {  	[tilespmem:s9+$0x10C50] =	vst v0  }
0x2f5: {  	[tilespmem:s9+$0x10C60] =	vst v0  }
0x2f6: {  	_ =	swait.ge [sflag:s3], $0x2000  }
0x2f7: {  	[sflag:s3] =	ssyncset.done $0x0  }
0x2f8: {  	[sflag:s3] =	ssyncadd.s32 $0xFFFFE000  }
0x2f9: {  	_ =	swait.ge [sflag:s3], $0x2000  }
0x2fa: {  	[sflag:s3] =	ssyncset.done $0x0  }
0x2fb: {  	s8 =	simm.s32 $0x0;
	[sflag:s3] =	ssyncadd.s32 $0xFFFFE000  }
0x2fc: {  	[tilespmem:s8], [sflag:$0x3] =	stream.linear.gather [hbm4b:s19+s8], $0x2000, $0x38;
	[tilespmem:$0x18000] =	vst v63  }
0x2fd: {  	s10 =	simm.s32 $0x6010;
	s9 =	simm.s32 $0x2010  }
0x2fe: {  	[tilespmem:s29], [sflag:$0x3] =	stream.linear.gather [hbm4b:s20+s8], $0x2000, $0x38;
	[tilespmem:$0x18000] =	vst v63  }
.LBB2_24:
0x2ff: {  	v1 =	vld [tilespmem:s9+$0xFFFFFFF0];
	_ =	sdelay $0x3  }
0x300: {  	v2 =	vmov s8  }
0x301: {  	v3 =	vshll.u32 v2, $0x9;
	v4 =	vshll.u32 v1, $0x3  }
0x302: {  	v3 =	vand.u32 $0x7000, v3;
	v4 =	vand.u32 $0xFFFFFC00, v4  }
0x303: {  	v2 =	vshll.u32 v2, $0x7;
	v1 =	vand.u32 $0x7F, v1;
	v4 =	vadd.s32 v3, v4  }
0x304: {  	v2 =	vand.u32 $0x380, v2;
	v1 =	vor.u32 v1, v4  }
0x305: {  	v62 =	vld [tilespmem:s10+$0xFFFFFFF0];
	v1 =	vor.u32 v2, v1;
	_ =	sdelay $0x4  }
0x306: {  	[tilespmem:v1+s4+$0x0] =	vst.idx.add.f32.msk $0xffff, v62  }
0x307: {  	v1 =	vld [tilespmem:s9+$0x0];
	_ =	sdelay $0x4  }
0x308: {  	v63 =	vshll.u32 v1, $0x3  }
0x309: {  	v4 =	vand.u32 $0xFFFFFC00, v63  }
0x30a: {  	v1 =	vand.u32 $0x7F, v1;
	v3 =	vadd.s32 v3, v4  }
0x30b: {  	v1 =	vor.u32 v1, v3  }
0x30c: {  	p0 =	sne.s32 s8, $0x3F;
	v3 =	vld [tilespmem:s10+$0x0];
	v1 =	vor.u32 v2, v1  }
.Ltmp11:
0x30d: {  	_ = 	snop;
	(pc) =	sbr.rel @p0 .LBB2_24-.Ltmp11, $2  }
0x30e: {  	_ =	sdelay $0x2  }
0x30f: {  	s8 =	sadd.s32 $0x1, s8;
	s9 =	sadd.s32 $0x80, s9;
	s10 =	sadd.s32 $0x80, s10;
	[tilespmem:v1+s4+$0x0] =	vst.idx.add.f32.msk $0xffff, v3  }
0x310: {  	s8 =	simm.s32 $0x0  }
0x311: {  	[hbm4b:s24+s8] =	stream.linear.scatter [tilespmem:s4], [sflag:$0x2], $0x8000, $0x38;
	[tilespmem:$0x18000] =	vst v63  }
0x312: {  	_ =	swait.ge [sflag:s5], $0x8000  }
0x313: {  	s9 =	sand.u32 $0x7000, s8;
	s8 =	sand.u32 $0x380, s8;
	[sflag:s5] =	ssyncset.done $0x0  }
0x314: {  	s8 =	sor.u32 s8, s9;
	[sflag:s5] =	ssyncadd.s32 $0xFFFF8000  }
0x315: {  	[tilespmem:s8+$0x8C70] =	vst v0  }
0x316: {  	[tilespmem:s8+$0x8000] =	vst v0  }
0x317: {  	[tilespmem:s8+$0x8010] =	vst v0  }
0x318: {  	[tilespmem:s8+$0x8020] =	vst v0  }
0x319: {  	[tilespmem:s8+$0x8030] =	vst v0  }
0x31a: {  	[tilespmem:s8+$0x8040] =	vst v0  }
0x31b: {  	[tilespmem:s8+$0x8050] =	vst v0  }
0x31c: {  	[tilespmem:s8+$0x8060] =	vst v0  }
0x31d: {  	[tilespmem:s8+$0x8070] =	vst v0  }
0x31e: {  	[tilespmem:s8+$0x8400] =	vst v0  }
0x31f: {  	[tilespmem:s8+$0x8410] =	vst v0  }
0x320: {  	[tilespmem:s8+$0x8420] =	vst v0  }
0x321: {  	[tilespmem:s8+$0x8430] =	vst v0  }
0x322: {  	[tilespmem:s8+$0x8440] =	vst v0  }
0x323: {  	[tilespmem:s8+$0x8450] =	vst v0  }
0x324: {  	[tilespmem:s8+$0x8460] =	vst v0  }
0x325: {  	[tilespmem:s8+$0x8470] =	vst v0  }
0x326: {  	[tilespmem:s8+$0x8800] =	vst v0  }
0x327: {  	[tilespmem:s8+$0x8810] =	vst v0  }
0x328: {  	[tilespmem:s8+$0x8820] =	vst v0  }
0x329: {  	[tilespmem:s8+$0x8830] =	vst v0  }
0x32a: {  	[tilespmem:s8+$0x8840] =	vst v0  }
0x32b: {  	[tilespmem:s8+$0x8850] =	vst v0  }
0x32c: {  	[tilespmem:s8+$0x8860] =	vst v0  }
0x32d: {  	[tilespmem:s8+$0x8870] =	vst v0  }
0x32e: {  	[tilespmem:s8+$0x8C00] =	vst v0  }
0x32f: {  	[tilespmem:s8+$0x8C10] =	vst v0  }
0x330: {  	[tilespmem:s8+$0x8C20] =	vst v0  }
0x331: {  	[tilespmem:s8+$0x8C30] =	vst v0  }
0x332: {  	s10 =	simm.s32 $0x200;
	s9 =	simm.s32 $0x80;
	[tilespmem:s8+$0x8C40] =	vst v0  }
0x333: {  	s11 =	sand.u32 $0x7000, s10;
	s10 =	simm.s32 $0x400;
	s12 =	sand.u32 $0x380, s9;
	[tilespmem:s8+$0x8C50] =	vst v0  }
.LBB2_26:
0x334: {  	p0 =	sne.s32 s10, $0x7E00;
	[tilespmem:s8+$0x8C60] =	vst v0;
	s8 =	sor.u32 s12, s11  }
0x335: {  	[tilespmem:s8+$0x8C70] =	vst v0  }
0x336: {  	[tilespmem:s8+$0x8000] =	vst v0  }
0x337: {  	[tilespmem:s8+$0x8010] =	vst v0  }
0x338: {  	[tilespmem:s8+$0x8020] =	vst v0  }
0x339: {  	[tilespmem:s8+$0x8030] =	vst v0  }
0x33a: {  	[tilespmem:s8+$0x8040] =	vst v0  }
0x33b: {  	[tilespmem:s8+$0x8050] =	vst v0  }
0x33c: {  	[tilespmem:s8+$0x8060] =	vst v0  }
0x33d: {  	[tilespmem:s8+$0x8070] =	vst v0  }
0x33e: {  	[tilespmem:s8+$0x8400] =	vst v0  }
0x33f: {  	[tilespmem:s8+$0x8410] =	vst v0  }
0x340: {  	[tilespmem:s8+$0x8420] =	vst v0  }
0x341: {  	[tilespmem:s8+$0x8430] =	vst v0  }
0x342: {  	[tilespmem:s8+$0x8440] =	vst v0  }
0x343: {  	[tilespmem:s8+$0x8450] =	vst v0  }
0x344: {  	[tilespmem:s8+$0x8460] =	vst v0  }
0x345: {  	[tilespmem:s8+$0x8470] =	vst v0  }
0x346: {  	[tilespmem:s8+$0x8800] =	vst v0  }
0x347: {  	[tilespmem:s8+$0x8810] =	vst v0  }
0x348: {  	[tilespmem:s8+$0x8820] =	vst v0  }
0x349: {  	[tilespmem:s8+$0x8830] =	vst v0  }
0x34a: {  	[tilespmem:s8+$0x8840] =	vst v0  }
0x34b: {  	[tilespmem:s8+$0x8850] =	vst v0  }
0x34c: {  	[tilespmem:s8+$0x8860] =	vst v0  }
0x34d: {  	[tilespmem:s8+$0x8870] =	vst v0  }
0x34e: {  	[tilespmem:s8+$0x8C00] =	vst v0  }
.Ltmp12:
0x34f: {  	[tilespmem:s8+$0x8C10] =	vst v0;
	(pc) =	sbr.rel @p0 .LBB2_26-.Ltmp12, $4  }
0x350: {  	[tilespmem:s8+$0x8C20] =	vst v0  }
0x351: {  	[tilespmem:s8+$0x8C30] =	vst v0  }
0x352: {  	s9 =	sadd.s32 $0x80, s9;
	[tilespmem:s8+$0x8C40] =	vst v0  }
0x353: {  	s11 =	sand.u32 $0x7000, s10;
	s10 =	sadd.s32 $0x200, s10;
	s12 =	sand.u32 $0x380, s9;
	[tilespmem:s8+$0x8C50] =	vst v0  }
0x354: {  	s9 =	sor.u32 s12, s11;
	[tilespmem:s8+$0x8C60] =	vst v0  }
0x355: {  	[tilespmem:s9+$0x8C70] =	vst v0  }
0x356: {  	[tilespmem:s9+$0x8000] =	vst v0  }
0x357: {  	[tilespmem:s9+$0x8010] =	vst v0  }
0x358: {  	[tilespmem:s9+$0x8020] =	vst v0  }
0x359: {  	[tilespmem:s9+$0x8030] =	vst v0  }
0x35a: {  	[tilespmem:s9+$0x8040] =	vst v0  }
0x35b: {  	[tilespmem:s9+$0x8050] =	vst v0  }
0x35c: {  	[tilespmem:s9+$0x8060] =	vst v0  }
0x35d: {  	[tilespmem:s9+$0x8070] =	vst v0  }
0x35e: {  	[tilespmem:s9+$0x8400] =	vst v0  }
0x35f: {  	[tilespmem:s9+$0x8410] =	vst v0  }
0x360: {  	[tilespmem:s9+$0x8420] =	vst v0  }
0x361: {  	[tilespmem:s9+$0x8430] =	vst v0  }
0x362: {  	[tilespmem:s9+$0x8440] =	vst v0  }
0x363: {  	[tilespmem:s9+$0x8450] =	vst v0  }
0x364: {  	[tilespmem:s9+$0x8460] =	vst v0  }
0x365: {  	[tilespmem:s9+$0x8470] =	vst v0  }
0x366: {  	[tilespmem:s9+$0x8800] =	vst v0  }
0x367: {  	[tilespmem:s9+$0x8810] =	vst v0  }
0x368: {  	[tilespmem:s9+$0x8820] =	vst v0  }
0x369: {  	[tilespmem:s9+$0x8830] =	vst v0  }
0x36a: {  	[tilespmem:s9+$0x8840] =	vst v0  }
0x36b: {  	[tilespmem:s9+$0x8850] =	vst v0  }
0x36c: {  	[tilespmem:s9+$0x8860] =	vst v0  }
0x36d: {  	[tilespmem:s9+$0x8870] =	vst v0  }
0x36e: {  	[tilespmem:s9+$0x8C00] =	vst v0  }
0x36f: {  	[tilespmem:s9+$0x8C10] =	vst v0  }
0x370: {  	[tilespmem:s9+$0x8C20] =	vst v0  }
0x371: {  	[tilespmem:s9+$0x8C30] =	vst v0  }
0x372: {  	[tilespmem:s9+$0x8C40] =	vst v0  }
0x373: {  	[tilespmem:s9+$0x8C50] =	vst v0  }
0x374: {  	[tilespmem:s9+$0x8C60] =	vst v0  }
0x375: {  	_ =	swait.ge [sflag:s30], $0x2000  }
0x376: {  	[sflag:s30] =	ssyncset.done $0x0  }
0x377: {  	[sflag:s30] =	ssyncadd.s32 $0xFFFFE000  }
0x378: {  	_ =	swait.ge [sflag:s30], $0x2000  }
0x379: {  	[sflag:s30] =	ssyncset.done $0x0  }
0x37a: {  	s8 =	simm.s32 $0x0;
	[sflag:s30] =	ssyncadd.s32 $0xFFFFE000  }
0x37b: {  	[tilespmem:s31], [sflag:$0x4] =	stream.linear.gather [hbm4b:s21+s8], $0x2000, $0x38;
	[tilespmem:$0x18000] =	vst v63  }
0x37c: {  	s10 =	simm.s32 $0x4010;
	s9 =	simm.s32 $0x10  }
0x37d: {  	[tilespmem:s0], [sflag:$0x4] =	stream.linear.gather [hbm4b:s22+s8], $0x2000, $0x38;
	[tilespmem:$0x18000] =	vst v63  }
.LBB2_28:
0x37e: {  	v1 =	vld [tilespmem:s9+$0xFFFFFFF0];
	_ =	sdelay $0x3  }
0x37f: {  	v2 =	vmov s8  }
0x380: {  	v3 =	vshll.u32 v2, $0x9;
	v4 =	vshll.u32 v1, $0x3  }
0x381: {  	v3 =	vand.u32 $0x7000, v3;
	v4 =	vand.u32 $0xFFFFFC00, v4  }
0x382: {  	v2 =	vshll.u32 v2, $0x7;
	v1 =	vand.u32 $0x7F, v1;
	v4 =	vadd.s32 v3, v4  }
0x383: {  	v2 =	vand.u32 $0x380, v2;
	v1 =	vor.u32 v1, v4  }
0x384: {  	v62 =	vld [tilespmem:s10+$0xFFFFFFF0];
	v1 =	vor.u32 v2, v1;
	_ =	sdelay $0x4  }
0x385: {  	[tilespmem:v1+s1+$0x0] =	vst.idx.add.f32.msk $0xffff, v62  }
0x386: {  	v1 =	vld [tilespmem:s9+$0x0];
	_ =	sdelay $0x4  }
0x387: {  	v63 =	vshll.u32 v1, $0x3  }
0x388: {  	v4 =	vand.u32 $0xFFFFFC00, v63  }
0x389: {  	v1 =	vand.u32 $0x7F, v1;
	v3 =	vadd.s32 v3, v4  }
0x38a: {  	v1 =	vor.u32 v1, v3  }
0x38b: {  	p0 =	sne.s32 s8, $0x3F;
	v3 =	vld [tilespmem:s10+$0x0];
	v1 =	vor.u32 v2, v1  }
.Ltmp13:
0x38c: {  	_ = 	snop;
	(pc) =	sbr.rel @p0 .LBB2_28-.Ltmp13, $2  }
0x38d: {  	_ =	sdelay $0x2  }
0x38e: {  	s8 =	sadd.s32 $0x1, s8;
	s9 =	sadd.s32 $0x80, s9;
	s10 =	sadd.s32 $0x80, s10;
	[tilespmem:v1+s1+$0x0] =	vst.idx.add.f32.msk $0xffff, v3  }
0x38f: {  	s8 =	simm.s32 $0x0  }
0x390: {  	[hbm4b:s25+s8] =	stream.linear.scatter [tilespmem:s1], [sflag:$0x1], $0x8000, $0x38;
	[tilespmem:$0x18000] =	vst v63  }
0x391: {  	_ =	swait.ge [sflag:s6], $0x8000  }
0x392: {  	s9 =	sand.u32 $0x7000, s8;
	s8 =	sand.u32 $0x380, s8;
	[sflag:s6] =	ssyncset.done $0x0  }
0x393: {  	s8 =	sor.u32 s8, s9;
	[sflag:s6] =	ssyncadd.s32 $0xFFFF8000  }
0x394: {  	[tilespmem:s8+$0x10C70] =	vst v0  }
0x395: {  	[tilespmem:s8+$0x10000] =	vst v0  }
0x396: {  	[tilespmem:s8+$0x10010] =	vst v0  }
0x397: {  	[tilespmem:s8+$0x10020] =	vst v0  }
0x398: {  	[tilespmem:s8+$0x10030] =	vst v0  }
0x399: {  	[tilespmem:s8+$0x10040] =	vst v0  }
0x39a: {  	[tilespmem:s8+$0x10050] =	vst v0  }
0x39b: {  	[tilespmem:s8+$0x10060] =	vst v0  }
0x39c: {  	[tilespmem:s8+$0x10070] =	vst v0  }
0x39d: {  	[tilespmem:s8+$0x10400] =	vst v0  }
0x39e: {  	[tilespmem:s8+$0x10410] =	vst v0  }
0x39f: {  	[tilespmem:s8+$0x10420] =	vst v0  }
0x3a0: {  	[tilespmem:s8+$0x10430] =	vst v0  }
0x3a1: {  	[tilespmem:s8+$0x10440] =	vst v0  }
0x3a2: {  	[tilespmem:s8+$0x10450] =	vst v0  }
0x3a3: {  	[tilespmem:s8+$0x10460] =	vst v0  }
0x3a4: {  	[tilespmem:s8+$0x10470] =	vst v0  }
0x3a5: {  	[tilespmem:s8+$0x10800] =	vst v0  }
0x3a6: {  	[tilespmem:s8+$0x10810] =	vst v0  }
0x3a7: {  	[tilespmem:s8+$0x10820] =	vst v0  }
0x3a8: {  	[tilespmem:s8+$0x10830] =	vst v0  }
0x3a9: {  	[tilespmem:s8+$0x10840] =	vst v0  }
0x3aa: {  	[tilespmem:s8+$0x10850] =	vst v0  }
0x3ab: {  	[tilespmem:s8+$0x10860] =	vst v0  }
0x3ac: {  	[tilespmem:s8+$0x10870] =	vst v0  }
0x3ad: {  	[tilespmem:s8+$0x10C00] =	vst v0  }
0x3ae: {  	[tilespmem:s8+$0x10C10] =	vst v0  }
0x3af: {  	[tilespmem:s8+$0x10C20] =	vst v0  }
0x3b0: {  	[tilespmem:s8+$0x10C30] =	vst v0  }
0x3b1: {  	s10 =	simm.s32 $0x200;
	s9 =	simm.s32 $0x80;
	[tilespmem:s8+$0x10C40] =	vst v0  }
0x3b2: {  	s11 =	sand.u32 $0x7000, s10;
	s10 =	simm.s32 $0x400;
	s12 =	sand.u32 $0x380, s9;
	[tilespmem:s8+$0x10C50] =	vst v0  }
.LBB2_30:
0x3b3: {  	p0 =	sne.s32 s10, $0x7E00;
	[tilespmem:s8+$0x10C60] =	vst v0;
	s8 =	sor.u32 s12, s11  }
0x3b4: {  	[tilespmem:s8+$0x10C70] =	vst v0  }
0x3b5: {  	[tilespmem:s8+$0x10000] =	vst v0  }
0x3b6: {  	[tilespmem:s8+$0x10010] =	vst v0  }
0x3b7: {  	[tilespmem:s8+$0x10020] =	vst v0  }
0x3b8: {  	[tilespmem:s8+$0x10030] =	vst v0  }
0x3b9: {  	[tilespmem:s8+$0x10040] =	vst v0  }
0x3ba: {  	[tilespmem:s8+$0x10050] =	vst v0  }
0x3bb: {  	[tilespmem:s8+$0x10060] =	vst v0  }
0x3bc: {  	[tilespmem:s8+$0x10070] =	vst v0  }
0x3bd: {  	[tilespmem:s8+$0x10400] =	vst v0  }
0x3be: {  	[tilespmem:s8+$0x10410] =	vst v0  }
0x3bf: {  	[tilespmem:s8+$0x10420] =	vst v0  }
0x3c0: {  	[tilespmem:s8+$0x10430] =	vst v0  }
0x3c1: {  	[tilespmem:s8+$0x10440] =	vst v0  }
0x3c2: {  	[tilespmem:s8+$0x10450] =	vst v0  }
0x3c3: {  	[tilespmem:s8+$0x10460] =	vst v0  }
0x3c4: {  	[tilespmem:s8+$0x10470] =	vst v0  }
0x3c5: {  	[tilespmem:s8+$0x10800] =	vst v0  }
0x3c6: {  	[tilespmem:s8+$0x10810] =	vst v0  }
0x3c7: {  	[tilespmem:s8+$0x10820] =	vst v0  }
0x3c8: {  	[tilespmem:s8+$0x10830] =	vst v0  }
0x3c9: {  	[tilespmem:s8+$0x10840] =	vst v0  }
0x3ca: {  	[tilespmem:s8+$0x10850] =	vst v0  }
0x3cb: {  	[tilespmem:s8+$0x10860] =	vst v0  }
0x3cc: {  	[tilespmem:s8+$0x10870] =	vst v0  }
0x3cd: {  	[tilespmem:s8+$0x10C00] =	vst v0  }
.Ltmp14:
0x3ce: {  	[tilespmem:s8+$0x10C10] =	vst v0;
	(pc) =	sbr.rel @p0 .LBB2_30-.Ltmp14, $4  }
0x3cf: {  	[tilespmem:s8+$0x10C20] =	vst v0  }
0x3d0: {  	[tilespmem:s8+$0x10C30] =	vst v0  }
0x3d1: {  	s9 =	sadd.s32 $0x80, s9;
	[tilespmem:s8+$0x10C40] =	vst v0  }
0x3d2: {  	s11 =	sand.u32 $0x7000, s10;
	s10 =	sadd.s32 $0x200, s10;
	s12 =	sand.u32 $0x380, s9;
	[tilespmem:s8+$0x10C50] =	vst v0  }
0x3d3: {  	s9 =	sor.u32 s12, s11;
	[tilespmem:s8+$0x10C60] =	vst v0  }
0x3d4: {  	[tilespmem:s9+$0x10C70] =	vst v0  }
0x3d5: {  	[tilespmem:s9+$0x10000] =	vst v0  }
0x3d6: {  	[tilespmem:s9+$0x10010] =	vst v0  }
0x3d7: {  	[tilespmem:s9+$0x10020] =	vst v0  }
0x3d8: {  	[tilespmem:s9+$0x10030] =	vst v0  }
0x3d9: {  	[tilespmem:s9+$0x10040] =	vst v0  }
0x3da: {  	[tilespmem:s9+$0x10050] =	vst v0  }
0x3db: {  	[tilespmem:s9+$0x10060] =	vst v0  }
0x3dc: {  	[tilespmem:s9+$0x10070] =	vst v0  }
0x3dd: {  	[tilespmem:s9+$0x10400] =	vst v0  }
0x3de: {  	[tilespmem:s9+$0x10410] =	vst v0  }
0x3df: {  	[tilespmem:s9+$0x10420] =	vst v0  }
0x3e0: {  	[tilespmem:s9+$0x10430] =	vst v0  }
0x3e1: {  	[tilespmem:s9+$0x10440] =	vst v0  }
0x3e2: {  	[tilespmem:s9+$0x10450] =	vst v0  }
0x3e3: {  	[tilespmem:s9+$0x10460] =	vst v0  }
0x3e4: {  	[tilespmem:s9+$0x10470] =	vst v0  }
0x3e5: {  	[tilespmem:s9+$0x10800] =	vst v0  }
0x3e6: {  	[tilespmem:s9+$0x10810] =	vst v0  }
0x3e7: {  	[tilespmem:s9+$0x10820] =	vst v0  }
0x3e8: {  	[tilespmem:s9+$0x10830] =	vst v0  }
0x3e9: {  	[tilespmem:s9+$0x10840] =	vst v0  }
0x3ea: {  	[tilespmem:s9+$0x10850] =	vst v0  }
0x3eb: {  	[tilespmem:s9+$0x10860] =	vst v0  }
0x3ec: {  	[tilespmem:s9+$0x10870] =	vst v0  }
0x3ed: {  	[tilespmem:s9+$0x10C00] =	vst v0  }
0x3ee: {  	[tilespmem:s9+$0x10C10] =	vst v0  }
0x3ef: {  	[tilespmem:s9+$0x10C20] =	vst v0  }
0x3f0: {  	[tilespmem:s9+$0x10C30] =	vst v0  }
0x3f1: {  	[tilespmem:s9+$0x10C40] =	vst v0  }
0x3f2: {  	[tilespmem:s9+$0x10C50] =	vst v0  }
0x3f3: {  	[tilespmem:s9+$0x10C60] =	vst v0  }
0x3f4: {  	_ =	swait.ge [sflag:s3], $0x2000  }
0x3f5: {  	[sflag:s3] =	ssyncset.done $0x0  }
0x3f6: {  	[sflag:s3] =	ssyncadd.s32 $0xFFFFE000  }
0x3f7: {  	_ =	swait.ge [sflag:s3], $0x2000  }
0x3f8: {  	s8 =	simm.s32 $0x0;
	[sflag:s3] =	ssyncset.done $0x0  }
0x3f9: {  	s10 =	simm.s32 $0x6010;
	s9 =	simm.s32 $0x2010;
	[sflag:s3] =	ssyncadd.s32 $0xFFFFE000  }
.LBB2_32:
0x3fa: {  	v1 =	vld [tilespmem:s9+$0xFFFFFFF0];
	_ =	sdelay $0x3  }
0x3fb: {  	v2 =	vmov s8  }
0x3fc: {  	v3 =	vshll.u32 v2, $0x9;
	v4 =	vshll.u32 v1, $0x3  }
0x3fd: {  	v3 =	vand.u32 $0x7000, v3;
	v4 =	vand.u32 $0xFFFFFC00, v4  }
0x3fe: {  	v2 =	vshll.u32 v2, $0x7;
	v1 =	vand.u32 $0x7F, v1;
	v4 =	vadd.s32 v3, v4  }
0x3ff: {  	v2 =	vand.u32 $0x380, v2;
	v1 =	vor.u32 v1, v4  }
0x400: {  	v62 =	vld [tilespmem:s10+$0xFFFFFFF0];
	v1 =	vor.u32 v2, v1;
	_ =	sdelay $0x4  }
0x401: {  	[tilespmem:v1+s4+$0x0] =	vst.idx.add.f32.msk $0xffff, v62  }
0x402: {  	v1 =	vld [tilespmem:s9+$0x0];
	_ =	sdelay $0x4  }
0x403: {  	v63 =	vshll.u32 v1, $0x3  }
0x404: {  	v4 =	vand.u32 $0xFFFFFC00, v63  }
0x405: {  	v1 =	vand.u32 $0x7F, v1;
	v3 =	vadd.s32 v3, v4  }
0x406: {  	v1 =	vor.u32 v1, v3  }
0x407: {  	p0 =	sne.s32 s8, $0x3F;
	v3 =	vld [tilespmem:s10+$0x0];
	v1 =	vor.u32 v2, v1  }
.Ltmp15:
0x408: {  	_ = 	snop;
	(pc) =	sbr.rel @p0 .LBB2_32-.Ltmp15, $2  }
0x409: {  	_ =	sdelay $0x2  }
0x40a: {  	s8 =	sadd.s32 $0x1, s8;
	s9 =	sadd.s32 $0x80, s9;
	s10 =	sadd.s32 $0x80, s10;
	[tilespmem:v1+s4+$0x0] =	vst.idx.add.f32.msk $0xffff, v3  }
0x40b: {  	[hbm4b:s26+s2] =	stream.linear.scatter [tilespmem:s4], [sflag:$0x2], $0x8000, $0x38;
	[tilespmem:$0x18000] =	vst v63  }
0x40c: {  	s7 =	sadd.s32 $0x1, s7  }
0x40d: {  	_ =	swait.ge [sflag:s5], $0x8000;
	p0 =	sne.s32 s7, s28  }
.Ltmp16:
0x40e: {  	[sflag:s5] =	ssyncset.done $0x0;
	(pc) =	sbr.rel @p0 .LBB2_1-.Ltmp16, $4  }
0x40f: {  	[sflag:s5] =	ssyncadd.s32 $0xFFFF8000  }
0x410: {  	_ =	swait.ge [sflag:s6], $0x8000  }
0x411: {  	[sflag:s6] =	ssyncset.done $0x0  }
0x412: {  	[sflag:s6] =	ssyncadd.s32 $0xFFFF8000  }
0x413: {  	_ =	sfence.sel $0x180000  }
0x414: {  	[bflag:$0x0] =	sbarrier.arrive $0xFFFF  }
0x415: {  	_ =	strace $0x90000047  }
0x416: {  	s0 =	stileid.u32;
	[bflag:$0x2] =	sbarrier.arrive $0xFFFF  }
0x417: {  	p0 =	sne.s32 s0, $0x0;
	s0 =	rddreg [dreg:$0x1]  }
0x418: {  	s0 =	sadd.s32 @!p0 $0x100000, s0  }
0x419: {  	[sflag:s0] =	ssyncadd.tile.s32 @!p0 $0x1;
	_ =	shalt  }
.Lfunc_end2:
_tile_overlayer_lowered:
.L_overlay_start_2:
0x41a: {  	(tag) =	ssettag $0x2  }
0x41b: {  	s0 =	rddreg [dreg:$0x0];
	s2 =	stileid.u32  }
0x41c: {  	s1 =	rddreg [dreg:$0x1];
	p0 =	sne.s32 s2, $0x0  }
0x41d: {  	s3 =	rddreg [dreg:$0x2];
	[bflag:$0x3] =	sbarrier.arrive $0xFFFF;
	s2 =	simm.s32 @!p0 $0x1C05  }
0x41e: {  	[timem:s3], [sflag:s2] =	dma.local @!p0 [hbm:s0], s1  }
0x41f: {  	s0 =	simm.s32 @!p0 $0x5  }
0x420: {  	_ =	swait.ge @!p0 [sflag:s0], s1  }
0x421: {  	s1 =	ssub.s32 @!p0 $0x0, s1;
	[sflag:s0] =	ssyncset.done @!p0 $0x0  }
0x422: {  	[sflag:s0] =	ssyncadd.s32 @!p0 s1  }
0x423: {  	[bflag:$0x3] =	sbarrier.arrive $0xFFFF  }
0x424: {  	_ =	shalt  }

</sc_bundles>
